<compile_context>
chip_gen: v7x
topology: tpu7x:2x2x1
jax: 0.10.2.dev20260603
libtpu: 0.0.44.dev20260713+nightly
codegen_flags: <defaults>
</compile_context>

<pallas_src>
import functools

import jax
import jax.numpy as jnp
from jax import lax
from jax.experimental import pallas as pl
from jax.experimental.pallas import tpu as pltpu
from jax.experimental.pallas import tpu_sc as plsc

E = 320000
N = 10000
F = 128
NC = 2
NS = 16
L = 16
NW = NC * NS
CH = 80
EPW = E // NW
NCH = EPW // CH
SECS = 5
SCH = NCH // SECS
PAIRS = (SCH - 1) // 2

NTO = 10
RPT = N // NTO
ZR = 40
WR = 200

EB = 1280
N_BLOCKS = E // EB


def _scA_body(y_hbm, x_hbm, src3_hbm, qry3_hbm, out_hbm, pcnt_hbm,
              y_v, x_v, srcs, qrys, o_v0, o_v1, cnt_v, so):
    o_bufs = (o_v0, o_v1)
    wid = lax.axis_index("s") * NC + lax.axis_index("c")
    base = wid * EPW
    pltpu.sync_copy(y_hbm, y_v)
    pltpu.sync_copy(x_hbm, x_v)
    pltpu.sync_copy(src3_hbm.at[wid], srcs)
    pltpu.sync_copy(qry3_hbm.at[wid], qrys)

    def zero(j, c):
        for b in range(2):
            o_bufs[b][pl.ds(j * L, L)] = jnp.zeros((L,), jnp.float32)
        return c

    lax.fori_loop(0, CH * 8 // L, zero, 0)

    def zc(j, c):
        cnt_v[pl.ds(j * L, L)] = jnp.zeros((L,), jnp.float32)
        return c

    lax.fori_loop(0, N // L, zc, 0)

    rows0 = lax.iota(jnp.int32, L)
    ones = jnp.ones((L,), jnp.float32)

    def fill(b, c):
        for v in range(CH // L):
            s3 = srcs[c, pl.ds(v * L, L)] * 3
            q = qrys[c, pl.ds(v * L, L)]
            o8 = (rows0 + v * L) * 8
            for k in range(3):
                plsc.store_scatter(o_bufs[b], [o8 + k], plsc.load_gather(y_v, [s3 + k]))
                plsc.store_scatter(o_bufs[b], [o8 + 3 + k], plsc.load_gather(x_v, [q * 3 + k]))
            plsc.addupdate_scatter(cnt_v, [q], ones)

    def st_desc(b, c):
        return pltpu.make_async_copy(
            o_bufs[b], out_hbm.at[pl.ds((base + c * CH) * 8, CH * 8)], so.at[b])

    def pair(j, carry):
        c0 = 2 * j
        c1 = c0 + 1

        @pl.when(j > 0)
        def _():
            st_desc(0, c0).wait()

        fill(0, c0)
        st_desc(0, c0).start()

        @pl.when(j > 0)
        def _():
            st_desc(1, c1).wait()

        fill(1, c1)
        st_desc(1, c1).start()
        return carry

    lax.fori_loop(0, NCH // 2, pair, 0)
    st_desc(0, NCH - 1).wait()
    fill(0, NCH - 1)
    st_desc(0, NCH - 1).start()
    st_desc(0, NCH - 1).wait()
    st_desc(1, NCH - 2).wait()
    pltpu.sync_copy(cnt_v, pcnt_hbm.at[pl.ds(wid * N, N)])


@functools.cache
def _make_scA():
    mesh = plsc.VectorSubcoreMesh(core_axis_name="c", subcore_axis_name="s")
    return pl.kernel(
        _scA_body,
        out_type=[
            jax.ShapeDtypeStruct((E * 8,), jnp.float32),
            jax.ShapeDtypeStruct((NW * N,), jnp.float32),
        ],
        mesh=mesh,
        compiler_params=pltpu.CompilerParams(needs_layout_passes=False),
        scratch_types=[
            pltpu.VMEM((N * 3,), jnp.float32),
            pltpu.VMEM((N * 3,), jnp.float32),
            pltpu.VMEM((NCH, CH), jnp.int32),
            pltpu.VMEM((NCH, CH), jnp.int32),
            pltpu.VMEM((CH * 8,), jnp.float32),
            pltpu.VMEM((CH * 8,), jnp.float32),
            pltpu.VMEM((N,), jnp.float32),
            pltpu.SemaphoreType.DMA((2,)),
        ],
    )


def _gelu2(x):
    return x * (1.0 + lax.erf(x * 0.7071067811865476))


def _mlp_body(agg_ref, w1_ref, b1_ref, w2_ref, b2_ref, w3_ref, b3_ref, out_ref):
    a = agg_ref[...]
    h = jnp.dot(a, w1_ref[...], preferred_element_type=jnp.float32) + b1_ref[...]
    h = _gelu2(h)
    h = jnp.dot(h.astype(jnp.bfloat16), w2_ref[...],
                preferred_element_type=jnp.float32) + b2_ref[...]
    h = _gelu2(h)
    out_ref[...] = jnp.dot(h.astype(jnp.bfloat16), w3_ref[...],
                           preferred_element_type=jnp.float32) + b3_ref[...]


def _mlp(agg8, W1p, b1, W2, b2, W3, b3):
    return pl.pallas_call(
        _mlp_body,
        grid=(N_BLOCKS,),
        in_specs=[
            pl.BlockSpec((EB, 8), lambda i: (i, 0)),
            pl.BlockSpec((8, 256), lambda i: (0, 0)),
            pl.BlockSpec((1, 256), lambda i: (0, 0)),
            pl.BlockSpec((256, 256), lambda i: (0, 0)),
            pl.BlockSpec((1, 256), lambda i: (0, 0)),
            pl.BlockSpec((256, 128), lambda i: (0, 0)),
            pl.BlockSpec((1, 128), lambda i: (0, 0)),
        ],
        out_specs=pl.BlockSpec((EB, F), lambda i: (i, 0)),
        out_shape=jax.ShapeDtypeStruct((E, F), jnp.float32),
    )(agg8, W1p, b1, W2, b2, W3, b3)


def _scC_body(kern_hbm, fy_hbm, src4_hbm, qry4_hbm, psums_hbm,
              srcs, qrys, sidx0, sidx1, qidx0, qidx1,
              fy_v0, fy_v1, k_v0, k_v1, sums_sh, sfy, sk, ss):
    sidx = (sidx0, sidx1)
    qidx = (qidx0, qidx1)
    fy_b = (fy_v0, fy_v1)
    k_b = (k_v0, k_v1)
    cid = lax.axis_index("c")
    sid = lax.axis_index("s")
    wid = sid * NC + cid
    base = wid * EPW

    def zz(r, c):
        for k in range(F // L):
            k_v0[r, pl.ds(k * L, L)] = jnp.zeros((L,), jnp.float32)
        return c

    lax.fori_loop(0, ZR, zz, 0)

    @pl.when(sid < NTO)
    def _():
        for j in range(RPT // ZR):
            pltpu.sync_copy(k_v0.at[pl.ds(0, ZR)],
                            sums_sh.at[pl.ds(sid * RPT + j * ZR, ZR)])

    plsc.subcore_barrier()

    def fy_desc(b):
        return pltpu.make_async_copy(fy_hbm.at[sidx[b]], fy_b[b], sfy.at[b])

    def k_desc(b, g):
        return pltpu.make_async_copy(
            kern_hbm.at[pl.ds(base + g * CH, CH)], k_b[b], sk.at[b])

    def s_desc(b):
        return pltpu.make_async_copy(k_b[b], sums_sh.at[qidx[b]], ss.at[b])

    def issue(b, c, g):
        for v in range(CH // L):
            sidx[b][pl.ds(v * L, L)] = srcs[c, pl.ds(v * L, L)]
            qidx[b][pl.ds(v * L, L)] = qrys[c, pl.ds(v * L, L)]
        fy_desc(b).start()
        k_desc(b, g).start()

    def process(b):
        fy_desc(b).wait()
        k_desc(b, 0).wait()

        def mulrow(r, c2):
            for k in range(F // L):
                k_b[b][r, pl.ds(k * L, L)] = (
                    k_b[b][r, pl.ds(k * L, L)] * fy_b[b][r, pl.ds(k * L, L)])
            return c2

        lax.fori_loop(0, CH, mulrow, 0)
        pltpu.async_copy(k_b[b], sums_sh.at[qidx[b]], ss.at[b], add=True)

    def section(sec, carry):
        g0 = sec * SCH
        pltpu.sync_copy(src4_hbm.at[wid, sec], srcs)
        pltpu.sync_copy(qry4_hbm.at[wid, sec], qrys)

        issue(0, 0, g0)

        def pair(j, carry2):
            l0 = 2 * j
            l1 = l0 + 1

            @pl.when(j > 0)
            def _():
                s_desc(1).wait()

            issue(1, l1, g0 + l1)
            process(0)
            s_desc(0).wait()
            issue(0, l0 + 2, g0 + l0 + 2)
            process(1)
            return carry2

        lax.fori_loop(0, PAIRS, pair, 0)
        process(0)
        s_desc(0).wait()
        s_desc(1).wait()
        return carry

    lax.fori_loop(0, SECS, section, 0)
    plsc.subcore_barrier()

    @pl.when(sid < NTO)
    def _():
        for j in range(RPT // WR):
            r0 = sid * RPT + j * WR
            pltpu.sync_copy(sums_sh.at[pl.ds(r0, WR)], psums_hbm.at[cid, pl.ds(r0, WR)])


@functools.cache
def _make_scC():
    mesh = plsc.VectorSubcoreMesh(core_axis_name="c", subcore_axis_name="s")
    return pl.kernel(
        _scC_body,
        out_type=jax.ShapeDtypeStruct((NC, N, F), jnp.float32),
        mesh=mesh,
        compiler_params=pltpu.CompilerParams(needs_layout_passes=False),
        scratch_types=[
            pltpu.VMEM((SCH, CH), jnp.int32),
            pltpu.VMEM((SCH, CH), jnp.int32),
            pltpu.VMEM((CH,), jnp.int32),
            pltpu.VMEM((CH,), jnp.int32),
            pltpu.VMEM((CH,), jnp.int32),
            pltpu.VMEM((CH,), jnp.int32),
            pltpu.VMEM((CH, F), jnp.float32),
            pltpu.VMEM((CH, F), jnp.float32),
            pltpu.VMEM((CH, F), jnp.float32),
            pltpu.VMEM((CH, F), jnp.float32),
            pltpu.VMEM_SHARED((N, F), jnp.float32),
            pltpu.SemaphoreType.DMA((2,)),
            pltpu.SemaphoreType.DMA((2,)),
            pltpu.SemaphoreType.DMA((2,)),
        ],
    )


def _comb_body(ps_ref, pc_ref, out_ref):
    c = jnp.clip(jnp.sum(pc_ref[...], axis=0), 1.0, None)[:, None]
    out_ref[...] = (ps_ref[0, :, :] + ps_ref[1, :, :]) / c


def _combine(psums, pcnt):
    return pl.pallas_call(
        _comb_body,
        out_shape=jax.ShapeDtypeStruct((N, F), jnp.float32),
    )(psums, pcnt)


def kernel(y_pos, x_pos, edge_index, f_y, W1, b1, W2, b2, W3, b3):
    qry = edge_index[0]
    src = edge_index[1]
    src3 = src.reshape(NW, NCH, CH)
    qry3 = qry.reshape(NW, NCH, CH)
    agg_flat, pcnt = _make_scA()(y_pos.reshape(-1), x_pos.reshape(-1), src3, qry3)
    agg8 = agg_flat.reshape(E, 8)
    W1p = jnp.pad(W1, ((0, 2), (0, 0)))
    kern = _mlp(agg8, W1p, b1[None, :], (0.5 * W2).astype(jnp.bfloat16),
                b2[None, :], (0.5 * W3).astype(jnp.bfloat16), b3[None, :])
    src4 = src.reshape(NW, SECS, SCH, CH)
    qry4 = qry.reshape(NW, SECS, SCH, CH)
    psums = _make_scC()(kern, f_y, src4, qry4)
    return _combine(psums, pcnt.reshape(NW, N))

# --- scband reference (transcript-rebuilt; emitter-appended) ---
"""Pipeline reference for scband-integral-transform-36112085024909 (READ-ONLY COPY).

The authoritative reference and input builder live on the scoring server;
editing this copy changes nothing except your own understanding.
"""

import jax, jax.numpy as jnp
import numpy as np

N_NODES = 10000
N_EDGES = 320000
COORD_D = 3
C_FEAT = 128
HID = 256

def _init_linear(key, fan_in, fan_out):
    k1, k2 = jax.random.split(key)
    bound = 1.0 / np.sqrt(fan_in)
    W = jax.random.uniform(k1, (fan_in, fan_out), minval=-bound, maxval=bound, dtype=jnp.float32)
    b = jax.random.uniform(k2, (fan_out,), minval=-bound, maxval=bound, dtype=jnp.float32)
    return W, b

def setup_inputs(seed: int = 0) -> dict:
    key = jax.random.key(seed)
    ks = jax.random.split(key, 8)
    y_pos = jax.random.normal(ks[0], (N_NODES, COORD_D), dtype=jnp.float32)
    x_pos = jax.random.normal(ks[1], (N_NODES, COORD_D), dtype=jnp.float32)
    edge_index = jax.random.randint(ks[2], (2, N_EDGES), 0, N_NODES, dtype=jnp.int32)
    f_y = jax.random.normal(ks[3], (N_NODES, C_FEAT), dtype=jnp.float32)
    W1, b1 = _init_linear(ks[4], 2 * COORD_D, HID)
    W2, b2 = _init_linear(ks[5], HID, HID)
    W3, b3 = _init_linear(ks[6], HID, C_FEAT)
    return {"y_pos": y_pos, "x_pos": x_pos, "edge_index": edge_index, "f_y": f_y,
            "W1": W1, "b1": b1, "W2": W2, "b2": b2, "W3": W3, "b3": b3}

def reference(y_pos, x_pos, edge_index, f_y, W1, b1, W2, b2, W3, b3):
    # IntegralTransform forward, transform_type='linear', no attention, no sampling, no weights
    query_idx = edge_index[0]
    source_idx = edge_index[1]
    rep_features_pos = jnp.take(y_pos, source_idx, axis=0)
    self_features_pos = jnp.take(x_pos, query_idx, axis=0)
    in_features = jnp.take(f_y, source_idx, axis=0)
    agg_features = jnp.concatenate([rep_features_pos, self_features_pos], axis=-1)
    # LinearChannelMLP with gelu between layers (torch F.gelu is erf-based)
    h = jax.nn.gelu(agg_features @ W1 + b1, approximate=False)
    h = jax.nn.gelu(h @ W2 + b2, approximate=False)
    kernel = h @ W3 + b3
    # linear transform: k(x,y) * f(y)
    rep_features = kernel * in_features
    num_query_nodes = x_pos.shape[0]
    # scatter mean over query nodes (torch_scatter reduce='mean': sum / clamp(count, 1))
    sums = jax.ops.segment_sum(rep_features, query_idx, num_segments=num_query_nodes)
    counts = jax.ops.segment_sum(jnp.ones((rep_features.shape[0],), dtype=rep_features.dtype), query_idx, num_segments=num_query_nodes)
    out_features = sums / jnp.clip(counts, 1.0, None)[:, None]
    return out_features

if __name__ == "__main__":
    import jax
    _d = setup_inputs()
    print(jax.jit(kernel)(*tuple(_d.values())))

</pallas_src>

<mosaic_0001>
#map = affine_map<(d0, d1) -> (0)>
#map1 = affine_map<(d0, d1) -> (0, 0, 0)>
module attributes {stable_mosaic.version = 14 : i64} {
  func.func @_scA_body(%arg0: i32, %arg1: i32, %arg2: memref<30000xf32, #tpu.memory_space<hbm>>, %arg3: memref<30000xf32, #tpu.memory_space<hbm>>, %arg4: memref<32x125x80xi32, #tpu.memory_space<hbm>>, %arg5: memref<32x125x80xi32, #tpu.memory_space<hbm>>, %arg6: memref<2560000xf32, #tpu.memory_space<hbm>>, %arg7: memref<320000xf32, #tpu.memory_space<hbm>>, %arg8: memref<30000xf32, #tpu.memory_space<vmem>>, %arg9: memref<30000xf32, #tpu.memory_space<vmem>>, %arg10: memref<125x80xi32, #tpu.memory_space<vmem>>, %arg11: memref<125x80xi32, #tpu.memory_space<vmem>>, %arg12: memref<640xf32, #tpu.memory_space<vmem>>, %arg13: memref<640xf32, #tpu.memory_space<vmem>>, %arg14: memref<10000xf32, #tpu.memory_space<vmem>>, %arg15: memref<2x!tpu.dma_semaphore, #tpu.memory_space<semaphore_mem>>) attributes {dimension_semantics = [#tpu.dimension_semantics<core_parallel>, #tpu.dimension_semantics<subcore_parallel>], iteration_bounds = array<i64: 2, 16>, scalar_prefetch = 0 : i64, scratch_operands = 8 : i64, tpu.core_type = #tpu.core_type<sc_vector_subcore>, window_params = [{transform_indices = #map}, {transform_indices = #map}, {transform_indices = #map1}, {transform_indices = #map1}, {transform_indices = #map}, {transform_indices = #map}]} {
    %mul3A = arith.constant 2 : i32
    %mul3A_0 = arith.muli %arg1, %mul3A : i32
    %add3A = arith.addi %mul3A_0, %arg0 : i32
    %mul3A_1 = arith.constant 10000 : i32
    %mul3A_2 = arith.muli %add3A, %mul3A_1 : i32
    "tpu.region"() ({
      %run_scoped3A = tpu.sem_alloc : memref<!tpu.dma_semaphore, #tpu.memory_space<semaphore_mem>>
      tpu.enqueue_dma source(%arg2 : memref<30000xf32, #tpu.memory_space<hbm>>) target(%arg8 : memref<30000xf32, #tpu.memory_space<vmem>>) target_semaphore(%run_scoped3A : memref<!tpu.dma_semaphore, #tpu.memory_space<semaphore_mem>>)
      tpu.wait_dma2 semaphore(%run_scoped3A : memref<!tpu.dma_semaphore, #tpu.memory_space<semaphore_mem>>) src(%arg2 : memref<30000xf32, #tpu.memory_space<hbm>>) dst(%arg8 : memref<30000xf32, #tpu.memory_space<vmem>>)
      tpu.yield
    }) : () -> ()
    "tpu.region"() ({
      %run_scoped3A = tpu.sem_alloc : memref<!tpu.dma_semaphore, #tpu.memory_space<semaphore_mem>>
      tpu.enqueue_dma source(%arg3 : memref<30000xf32, #tpu.memory_space<hbm>>) target(%arg9 : memref<30000xf32, #tpu.memory_space<vmem>>) target_semaphore(%run_scoped3A : memref<!tpu.dma_semaphore, #tpu.memory_space<semaphore_mem>>)
      tpu.wait_dma2 semaphore(%run_scoped3A : memref<!tpu.dma_semaphore, #tpu.memory_space<semaphore_mem>>) src(%arg3 : memref<30000xf32, #tpu.memory_space<hbm>>) dst(%arg9 : memref<30000xf32, #tpu.memory_space<vmem>>)
      tpu.yield
    }) : () -> ()
    "tpu.region"() ({
      %run_scoped3A = tpu.sem_alloc : memref<!tpu.dma_semaphore, #tpu.memory_space<semaphore_mem>>
      %dma_start3A_440 = arith.constant 0 : i32
      %dma_start3A_441 = arith.constant 0 : i32
      %dma_start3A_442 = tpu.memref_slice %arg4[%add3A, %dma_start3A_440, %dma_start3A_441] : memref<32x125x80xi32, #tpu.memory_space<hbm>> -> memref<1x125x80xi32, #tpu.memory_space<hbm>>
      %dma_start3A_443 = tpu.memref_squeeze %dma_start3A_442 : memref<1x125x80xi32, #tpu.memory_space<hbm>> -> memref<125x80xi32, #tpu.memory_space<hbm>>
      %dma_start3A_444 = arith.constant 0 : i32
      %dma_start3A_445 = arith.constant 0 : i32
      %dma_start3A_446 = tpu.memref_slice %arg4[%add3A, %dma_start3A_444, %dma_start3A_445] : memref<32x125x80xi32, #tpu.memory_space<hbm>> -> memref<1x125x80xi32, #tpu.memory_space<hbm>>
      %dma_start3A_447 = tpu.memref_squeeze %dma_start3A_446 : memref<1x125x80xi32, #tpu.memory_space<hbm>> -> memref<125x80xi32, #tpu.memory_space<hbm>>
      tpu.enqueue_dma source(%dma_start3A_447 : memref<125x80xi32, #tpu.memory_space<hbm>>) target(%arg10 : memref<125x80xi32, #tpu.memory_space<vmem>>) target_semaphore(%run_scoped3A : memref<!tpu.dma_semaphore, #tpu.memory_space<semaphore_mem>>)
      %dma_wait3A_448 = arith.constant 0 : i32
      %dma_wait3A_449 = arith.constant 0 : i32
      %dma_wait3A_450 = tpu.memref_slice %arg4[%add3A, %dma_wait3A_448, %dma_wait3A_449] : memref<32x125x80xi32, #tpu.memory_space<hbm>> -> memref<1x125x80xi32, #tpu.memory_space<hbm>>
      %dma_wait3A_451 = tpu.memref_squeeze %dma_wait3A_450 : memref<1x125x80xi32, #tpu.memory_space<hbm>> -> memref<125x80xi32, #tpu.memory_space<hbm>>
      %dma_wait3A_452 = arith.constant 0 : i32
      %dma_wait3A_453 = arith.constant 0 : i32
      %dma_wait3A_454 = tpu.memref_slice %arg4[%add3A, %dma_wait3A_452, %dma_wait3A_453] : memref<32x125x80xi32, #tpu.memory_space<hbm>> -> memref<1x125x80xi32, #tpu.memory_space<hbm>>
      %dma_wait3A_455 = tpu.memref_squeeze %dma_wait3A_454 : memref<1x125x80xi32, #tpu.memory_space<hbm>> -> memref<125x80xi32, #tpu.memory_space<hbm>>
      tpu.wait_dma2 semaphore(%run_scoped3A : memref<!tpu.dma_semaphore, #tpu.memory_space<semaphore_mem>>) src(%dma_wait3A_455 : memref<125x80xi32, #tpu.memory_space<hbm>>) dst(%arg10 : memref<125x80xi32, #tpu.memory_space<vmem>>)
      tpu.yield
    }) : () -> ()
    "tpu.region"() ({
      %run_scoped3A = tpu.sem_alloc : memref<!tpu.dma_semaphore, #tpu.memory_space<semaphore_mem>>
      %dma_start3A_440 = arith.constant 0 : i32
      %dma_start3A_441 = arith.constant 0 : i32
      %dma_start3A_442 = tpu.memref_slice %arg5[%add3A, %dma_start3A_440, %dma_start3A_441] : memref<32x125x80xi32, #tpu.memory_space<hbm>> -> memref<1x125x80xi32, #tpu.memory_space<hbm>>
      %dma_start3A_443 = tpu.memref_squeeze %dma_start3A_442 : memref<1x125x80xi32, #tpu.memory_space<hbm>> -> memref<125x80xi32, #tpu.memory_space<hbm>>
      %dma_start3A_444 = arith.constant 0 : i32
      %dma_start3A_445 = arith.constant 0 : i32
      %dma_start3A_446 = tpu.memref_slice %arg5[%add3A, %dma_start3A_444, %dma_start3A_445] : memref<32x125x80xi32, #tpu.memory_space<hbm>> -> memref<1x125x80xi32, #tpu.memory_space<hbm>>
      %dma_start3A_447 = tpu.memref_squeeze %dma_start3A_446 : memref<1x125x80xi32, #tpu.memory_space<hbm>> -> memref<125x80xi32, #tpu.memory_space<hbm>>
      tpu.enqueue_dma source(%dma_start3A_447 : memref<125x80xi32, #tpu.memory_space<hbm>>) target(%arg11 : memref<125x80xi32, #tpu.memory_space<vmem>>) target_semaphore(%run_scoped3A : memref<!tpu.dma_semaphore, #tpu.memory_space<semaphore_mem>>)
      %dma_wait3A_448 = arith.constant 0 : i32
      %dma_wait3A_449 = arith.constant 0 : i32
      %dma_wait3A_450 = tpu.memref_slice %arg5[%add3A, %dma_wait3A_448, %dma_wait3A_449] : memref<32x125x80xi32, #tpu.memory_space<hbm>> -> memref<1x125x80xi32, #tpu.memory_space<hbm>>
      %dma_wait3A_451 = tpu.memref_squeeze %dma_wait3A_450 : memref<1x125x80xi32, #tpu.memory_space<hbm>> -> memref<125x80xi32, #tpu.memory_space<hbm>>
      %dma_wait3A_452 = arith.constant 0 : i32
      %dma_wait3A_453 = arith.constant 0 : i32
      %dma_wait3A_454 = tpu.memref_slice %arg5[%add3A, %dma_wait3A_452, %dma_wait3A_453] : memref<32x125x80xi32, #tpu.memory_space<hbm>> -> memref<1x125x80xi32, #tpu.memory_space<hbm>>
      %dma_wait3A_455 = tpu.memref_squeeze %dma_wait3A_454 : memref<1x125x80xi32, #tpu.memory_space<hbm>> -> memref<125x80xi32, #tpu.memory_space<hbm>>
      tpu.wait_dma2 semaphore(%run_scoped3A : memref<!tpu.dma_semaphore, #tpu.memory_space<semaphore_mem>>) src(%dma_wait3A_455 : memref<125x80xi32, #tpu.memory_space<hbm>>) dst(%arg11 : memref<125x80xi32, #tpu.memory_space<vmem>>)
      tpu.yield
    }) : () -> ()
    %scan3A = arith.constant 0 : i32
    %scan3A_3 = arith.constant 0 : i32
    %scan3A_4 = arith.constant 40 : i32
    %scan3A_5 = arith.addi %scan3A_3, %scan3A_4 : i32
    %scan3A_6 = arith.constant 1 : i32
    scf.for %scan3A_440 = %scan3A_3 to %scan3A_5 step %scan3A_6  : i32 {
      %broadcast_in_dim3A_441 = arith.constant 0.000000e+00 : f32
      %broadcast_in_dim3A_442 = vector.broadcast %broadcast_in_dim3A_441 : f32 to vector<16xf32>
      %mul3A_443 = arith.constant 16 : i32
      %mul3A_444 = arith.muli %scan3A_440, %mul3A_443 : i32
      %swap3A = arith.index_cast %mul3A_444 : i32 to index
      %swap3A_445 = tpu.vector_load %arg12[%swap3A] {strides = array<i32>} : memref<640xf32, #tpu.memory_space<vmem>>, vector<16xf32>,
      tpu.vector_store %arg12[%swap3A], %broadcast_in_dim3A_442 {strides = array<i32>} : memref<640xf32, #tpu.memory_space<vmem>>, vector<16xf32>,
      %broadcast_in_dim3A_446 = arith.constant 0.000000e+00 : f32
      %broadcast_in_dim3A_447 = vector.broadcast %broadcast_in_dim3A_446 : f32 to vector<16xf32>
      %mul3A_448 = arith.constant 16 : i32
      %mul3A_449 = arith.muli %scan3A_440, %mul3A_448 : i32
      %swap3A_450 = arith.index_cast %mul3A_449 : i32 to index
      %swap3A_451 = tpu.vector_load %arg13[%swap3A_450] {strides = array<i32>} : memref<640xf32, #tpu.memory_space<vmem>>, vector<16xf32>,
      tpu.vector_store %arg13[%swap3A_450], %broadcast_in_dim3A_447 {strides = array<i32>} : memref<640xf32, #tpu.memory_space<vmem>>, vector<16xf32>,
    }
    %scan3A_7 = arith.constant 40 : i32
    %scan3A_8 = arith.constant 0 : i32
    %scan3A_9 = arith.constant 0 : i32
    %scan3A_10 = arith.constant 625 : i32
    %scan3A_11 = arith.addi %scan3A_9, %scan3A_10 : i32
    %scan3A_12 = arith.constant 1 : i32
    scf.for %scan3A_440 = %scan3A_9 to %scan3A_11 step %scan3A_12  : i32 {
      %broadcast_in_dim3A_441 = arith.constant 0.000000e+00 : f32
      %broadcast_in_dim3A_442 = vector.broadcast %broadcast_in_dim3A_441 : f32 to vector<16xf32>
      %mul3A_443 = arith.constant 16 : i32
      %mul3A_444 = arith.muli %scan3A_440, %mul3A_443 : i32
      %swap3A = arith.index_cast %mul3A_444 : i32 to index
      %swap3A_445 = tpu.vector_load %arg14[%swap3A] {strides = array<i32>} : memref<10000xf32, #tpu.memory_space<vmem>>, vector<16xf32>,
      tpu.vector_store %arg14[%swap3A], %broadcast_in_dim3A_442 {strides = array<i32>} : memref<10000xf32, #tpu.memory_space<vmem>>, vector<16xf32>,
    }
    %scan3A_13 = arith.constant 625 : i32
    %iota3A = tpu.iota {dimensions = array<i32: 0>} : vector<16xi32>
    %broadcast_in_dim3A = arith.constant 1.000000e+00 : f32
    %broadcast_in_dim3A_14 = vector.broadcast %broadcast_in_dim3A : f32 to vector<16xf32>
    %scan3A_15 = arith.constant 0 : i32
    %scan3A_16 = arith.constant 0 : i32
    %scan3A_17 = arith.constant 62 : i32
    %scan3A_18 = arith.addi %scan3A_16, %scan3A_17 : i32
    %scan3A_19 = arith.constant 1 : i32
    scf.for %scan3A_440 = %scan3A_16 to %scan3A_18 step %scan3A_19  : i32 {
      %mul3A_441 = arith.constant 2 : i32
      %mul3A_442 = arith.muli %mul3A_441, %scan3A_440 : i32
      %add3A_443 = arith.constant 1 : i32
      %add3A_444 = arith.addi %mul3A_442, %add3A_443 : i32
      %gt3A = arith.constant 0 : i32
      %gt3A_445 = arith.cmpi sgt, %scan3A_440, %gt3A : i32
      %convert_element_type3A = arith.extui %gt3A_445 : i1 to i32
      %cond3A = arith.constant 0 : i32
      %cond3A_446 = arith.cmpi ne, %convert_element_type3A, %cond3A : i32
      scf.if %cond3A_446 {
        %mul3A_1222 = arith.constant 80 : i32
        %mul3A_1223 = arith.muli %mul3A_442, %mul3A_1222 : i32
        %add3A_1224 = arith.addi %mul3A_2, %mul3A_1223 : i32
        %mul3A_1225 = arith.constant 8 : i32
        %mul3A_1226 = arith.muli %add3A_1224, %mul3A_1225 : i32
        %dma_wait3A_1227 = arith.constant 0 : i32
        %dma_wait3A_1228 = tpu.memref_slice %arg6[%mul3A_1226] : memref<2560000xf32, #tpu.memory_space<hbm>> -> memref<640xf32, #tpu.memory_space<hbm>>
        %dma_wait3A_1229 = tpu.memref_slice %arg15[%dma_wait3A_1227] : memref<2x!tpu.dma_semaphore, #tpu.memory_space<semaphore_mem>> -> memref<1x!tpu.dma_semaphore, #tpu.memory_space<semaphore_mem>>
        %dma_wait3A_1230 = tpu.memref_squeeze %dma_wait3A_1229 : memref<1x!tpu.dma_semaphore, #tpu.memory_space<semaphore_mem>> -> memref<!tpu.dma_semaphore, #tpu.memory_space<semaphore_mem>>
        %dma_wait3A_1231 = tpu.memref_slice %arg6[%mul3A_1226] : memref<2560000xf32, #tpu.memory_space<hbm>> -> memref<640xf32, #tpu.memory_space<hbm>>
        tpu.wait_dma2 semaphore(%dma_wait3A_1230 : memref<!tpu.dma_semaphore, #tpu.memory_space<semaphore_mem>>) src(%arg12 : memref<640xf32, #tpu.memory_space<vmem>>) dst(%dma_wait3A_1231 : memref<640xf32, #tpu.memory_space<hbm>>)
      } else {
      }
      %get3A_447 = arith.index_cast %mul3A_442 : i32 to index
      %get3A_448 = arith.constant 0 : index
      %get3A_449 = tpu.vector_load %arg10[%get3A_447, %get3A_448] {strides = array<i32>} : memref<125x80xi32, #tpu.memory_space<vmem>>, vector<16xi32>,
      %mul3A_450 = arith.constant 3 : i32
      %mul3A_451 = vector.broadcast %mul3A_450 : i32 to vector<16xi32>
      %mul3A_452 = arith.muli %get3A_449, %mul3A_451 : vector<16xi32>
      %get3A_453 = arith.index_cast %mul3A_442 : i32 to index
      %get3A_454 = arith.constant 0 : index
      %get3A_455 = tpu.vector_load %arg11[%get3A_453, %get3A_454] {strides = array<i32>} : memref<125x80xi32, #tpu.memory_space<vmem>>, vector<16xi32>,
      %add3A_456 = arith.constant 0 : i32
      %add3A_457 = vector.broadcast %add3A_456 : i32 to vector<16xi32>
      %add3A_458 = arith.addi %iota3A, %add3A_457 : vector<16xi32>
      %mul3A_459 = arith.constant 8 : i32
      %mul3A_460 = vector.broadcast %mul3A_459 : i32 to vector<16xi32>
      %mul3A_461 = arith.muli %add3A_458, %mul3A_460 : vector<16xi32>
      %add3A_462 = arith.constant 0 : i32
      %add3A_463 = vector.broadcast %add3A_462 : i32 to vector<16xi32>
      %add3A_464 = arith.addi %mul3A_461, %add3A_463 : vector<16xi32>
      %add3A_465 = arith.constant 0 : i32
      %add3A_466 = vector.broadcast %add3A_465 : i32 to vector<16xi32>
      %add3A_467 = arith.addi %mul3A_452, %add3A_466 : vector<16xi32>
      %gather3A_468 = tpu.vector_load_idx %arg8[%add3A_467] : memref<30000xf32, #tpu.memory_space<vmem>>[vector<16xi32>], vector<16xf32>,
      tpu.vector_store_idx %arg12[%add3A_464], %gather3A_468 : memref<640xf32, #tpu.memory_space<vmem>>[vector<16xi32>], vector<16xf32>,
      %add3A_469 = arith.constant 3 : i32
      %add3A_470 = vector.broadcast %add3A_469 : i32 to vector<16xi32>
      %add3A_471 = arith.addi %mul3A_461, %add3A_470 : vector<16xi32>
      %add3A_472 = arith.constant 0 : i32
      %add3A_473 = vector.broadcast %add3A_472 : i32 to vector<16xi32>
      %add3A_474 = arith.addi %add3A_471, %add3A_473 : vector<16xi32>
      %mul3A_475 = arith.constant 3 : i32
      %mul3A_476 = vector.broadcast %mul3A_475 : i32 to vector<16xi32>
      %mul3A_477 = arith.muli %get3A_455, %mul3A_476 : vector<16xi32>
      %add3A_478 = arith.constant 0 : i32
      %add3A_479 = vector.broadcast %add3A_478 : i32 to vector<16xi32>
      %add3A_480 = arith.addi %mul3A_477, %add3A_479 : vector<16xi32>
      %gather3A_481 = tpu.vector_load_idx %arg9[%add3A_480] : memref<30000xf32, #tpu.memory_space<vmem>>[vector<16xi32>], vector<16xf32>,
      tpu.vector_store_idx %arg12[%add3A_474], %gather3A_481 : memref<640xf32, #tpu.memory_space<vmem>>[vector<16xi32>], vector<16xf32>,
      %add3A_482 = arith.constant 1 : i32
      %add3A_483 = vector.broadcast %add3A_482 : i32 to vector<16xi32>
      %add3A_484 = arith.addi %mul3A_461, %add3A_483 : vector<16xi32>
      %add3A_485 = arith.constant 1 : i32
      %add3A_486 = vector.broadcast %add3A_485 : i32 to vector<16xi32>
      %add3A_487 = arith.addi %mul3A_452, %add3A_486 : vector<16xi32>
      %gather3A_488 = tpu.vector_load_idx %arg8[%add3A_487] : memref<30000xf32, #tpu.memory_space<vmem>>[vector<16xi32>], vector<16xf32>,
      tpu.vector_store_idx %arg12[%add3A_484], %gather3A_488 : memref<640xf32, #tpu.memory_space<vmem>>[vector<16xi32>], vector<16xf32>,
      %add3A_489 = arith.constant 3 : i32
      %add3A_490 = vector.broadcast %add3A_489 : i32 to vector<16xi32>
      %add3A_491 = arith.addi %mul3A_461, %add3A_490 : vector<16xi32>
      %add3A_492 = arith.constant 1 : i32
      %add3A_493 = vector.broadcast %add3A_492 : i32 to vector<16xi32>
      %add3A_494 = arith.addi %add3A_491, %add3A_493 : vector<16xi32>
      %mul3A_495 = arith.constant 3 : i32
      %mul3A_496 = vector.broadcast %mul3A_495 : i32 to vector<16xi32>
      %mul3A_497 = arith.muli %get3A_455, %mul3A_496 : vector<16xi32>
      %add3A_498 = arith.constant 1 : i32
      %add3A_499 = vector.broadcast %add3A_498 : i32 to vector<16xi32>
      %add3A_500 = arith.addi %mul3A_497, %add3A_499 : vector<16xi32>
      %gather3A_501 = tpu.vector_load_idx %arg9[%add3A_500] : memref<30000xf32, #tpu.memory_space<vmem>>[vector<16xi32>], vector<16xf32>,
      tpu.vector_store_idx %arg12[%add3A_494], %gather3A_501 : memref<640xf32, #tpu.memory_space<vmem>>[vector<16xi32>], vector<16xf32>,
      %add3A_502 = arith.constant 2 : i32
      %add3A_503 = vector.broadcast %add3A_502 : i32 to vector<16xi32>
      %add3A_504 = arith.addi %mul3A_461, %add3A_503 : vector<16xi32>
      %add3A_505 = arith.constant 2 : i32
      %add3A_506 = vector.broadcast %add3A_505 : i32 to vector<16xi32>
      %add3A_507 = arith.addi %mul3A_452, %add3A_506 : vector<16xi32>
      %gather3A_508 = tpu.vector_load_idx %arg8[%add3A_507] : memref<30000xf32, #tpu.memory_space<vmem>>[vector<16xi32>], vector<16xf32>,
      tpu.vector_store_idx %arg12[%add3A_504], %gather3A_508 : memref<640xf32, #tpu.memory_space<vmem>>[vector<16xi32>], vector<16xf32>,
      %add3A_509 = arith.constant 3 : i32
      %add3A_510 = vector.broadcast %add3A_509 : i32 to vector<16xi32>
      %add3A_511 = arith.addi %mul3A_461, %add3A_510 : vector<16xi32>
      %add3A_512 = arith.constant 2 : i32
      %add3A_513 = vector.broadcast %add3A_512 : i32 to vector<16xi32>
      %add3A_514 = arith.addi %add3A_511, %add3A_513 : vector<16xi32>
      %mul3A_515 = arith.constant 3 : i32
      %mul3A_516 = vector.broadcast %mul3A_515 : i32 to vector<16xi32>
      %mul3A_517 = arith.muli %get3A_455, %mul3A_516 : vector<16xi32>
      %add3A_518 = arith.constant 2 : i32
      %add3A_519 = vector.broadcast %add3A_518 : i32 to vector<16xi32>
      %add3A_520 = arith.addi %mul3A_517, %add3A_519 : vector<16xi32>
      %gather3A_521 = tpu.vector_load_idx %arg9[%add3A_520] : memref<30000xf32, #tpu.memory_space<vmem>>[vector<16xi32>], vector<16xf32>,
      tpu.vector_store_idx %arg12[%add3A_514], %gather3A_521 : memref<640xf32, #tpu.memory_space<vmem>>[vector<16xi32>], vector<16xf32>,
      tpu.vector_store_idx %arg14[%get3A_455], %broadcast_in_dim3A_14 {add = true} : memref<10000xf32, #tpu.memory_space<vmem>>[vector<16xi32>], vector<16xf32>,
      %get3A_522 = arith.index_cast %mul3A_442 : i32 to index
      %get3A_523 = arith.constant 16 : index
      %get3A_524 = tpu.vector_load %arg10[%get3A_522, %get3A_523] {strides = array<i32>} : memref<125x80xi32, #tpu.memory_space<vmem>>, vector<16xi32>,
      %mul3A_525 = arith.constant 3 : i32
      %mul3A_526 = vector.broadcast %mul3A_525 : i32 to vector<16xi32>
      %mul3A_527 = arith.muli %get3A_524, %mul3A_526 : vector<16xi32>
      %get3A_528 = arith.index_cast %mul3A_442 : i32 to index
      %get3A_529 = arith.constant 16 : index
      %get3A_530 = tpu.vector_load %arg11[%get3A_528, %get3A_529] {strides = array<i32>} : memref<125x80xi32, #tpu.memory_space<vmem>>, vector<16xi32>,
      %add3A_531 = arith.constant 16 : i32
      %add3A_532 = vector.broadcast %add3A_531 : i32 to vector<16xi32>
      %add3A_533 = arith.addi %iota3A, %add3A_532 : vector<16xi32>
      %mul3A_534 = arith.constant 8 : i32
      %mul3A_535 = vector.broadcast %mul3A_534 : i32 to vector<16xi32>
      %mul3A_536 = arith.muli %add3A_533, %mul3A_535 : vector<16xi32>
      %add3A_537 = arith.constant 0 : i32
      %add3A_538 = vector.broadcast %add3A_537 : i32 to vector<16xi32>
      %add3A_539 = arith.addi %mul3A_536, %add3A_538 : vector<16xi32>
      %add3A_540 = arith.constant 0 : i32
      %add3A_541 = vector.broadcast %add3A_540 : i32 to vector<16xi32>
      %add3A_542 = arith.addi %mul3A_527, %add3A_541 : vector<16xi32>
      %gather3A_543 = tpu.vector_load_idx %arg8[%add3A_542] : memref<30000xf32, #tpu.memory_space<vmem>>[vector<16xi32>], vector<16xf32>,
      tpu.vector_store_idx %arg12[%add3A_539], %gather3A_543 : memref<640xf32, #tpu.memory_space<vmem>>[vector<16xi32>], vector<16xf32>,
      %add3A_544 = arith.constant 3 : i32
      %add3A_545 = vector.broadcast %add3A_544 : i32 to vector<16xi32>
      %add3A_546 = arith.addi %mul3A_536, %add3A_545 : vector<16xi32>
      %add3A_547 = arith.constant 0 : i32
      %add3A_548 = vector.broadcast %add3A_547 : i32 to vector<16xi32>
      %add3A_549 = arith.addi %add3A_546, %add3A_548 : vector<16xi32>
      %mul3A_550 = arith.constant 3 : i32
      %mul3A_551 = vector.broadcast %mul3A_550 : i32 to vector<16xi32>
      %mul3A_552 = arith.muli %get3A_530, %mul3A_551 : vector<16xi32>
      %add3A_553 = arith.constant 0 : i32
      %add3A_554 = vector.broadcast %add3A_553 : i32 to vector<16xi32>
      %add3A_555 = arith.addi %mul3A_552, %add3A_554 : vector<16xi32>
      %gather3A_556 = tpu.vector_load_idx %arg9[%add3A_555] : memref<30000xf32, #tpu.memory_space<vmem>>[vector<16xi32>], vector<16xf32>,
      tpu.vector_store_idx %arg12[%add3A_549], %gather3A_556 : memref<640xf32, #tpu.memory_space<vmem>>[vector<16xi32>], vector<16xf32>,
      %add3A_557 = arith.constant 1 : i32
      %add3A_558 = vector.broadcast %add3A_557 : i32 to vector<16xi32>
      %add3A_559 = arith.addi %mul3A_536, %add3A_558 : vector<16xi32>
      %add3A_560 = arith.constant 1 : i32
      %add3A_561 = vector.broadcast %add3A_560 : i32 to vector<16xi32>
      %add3A_562 = arith.addi %mul3A_527, %add3A_561 : vector<16xi32>
      %gather3A_563 = tpu.vector_load_idx %arg8[%add3A_562] : memref<30000xf32, #tpu.memory_space<vmem>>[vector<16xi32>], vector<16xf32>,
      tpu.vector_store_idx %arg12[%add3A_559], %gather3A_563 : memref<640xf32, #tpu.memory_space<vmem>>[vector<16xi32>], vector<16xf32>,
      %add3A_564 = arith.constant 3 : i32
      %add3A_565 = vector.broadcast %add3A_564 : i32 to vector<16xi32>
      %add3A_566 = arith.addi %mul3A_536, %add3A_565 : vector<16xi32>
      %add3A_567 = arith.constant 1 : i32
      %add3A_568 = vector.broadcast %add3A_567 : i32 to vector<16xi32>
      %add3A_569 = arith.addi %add3A_566, %add3A_568 : vector<16xi32>
      %mul3A_570 = arith.constant 3 : i32
      %mul3A_571 = vector.broadcast %mul3A_570 : i32 to vector<16xi32>
      %mul3A_572 = arith.muli %get3A_530, %mul3A_571 : vector<16xi32>
      %add3A_573 = arith.constant 1 : i32
      %add3A_574 = vector.broadcast %add3A_573 : i32 to vector<16xi32>
      %add3A_575 = arith.addi %mul3A_572, %add3A_574 : vector<16xi32>
      %gather3A_576 = tpu.vector_load_idx %arg9[%add3A_575] : memref<30000xf32, #tpu.memory_space<vmem>>[vector<16xi32>], vector<16xf32>,
      tpu.vector_store_idx %arg12[%add3A_569], %gather3A_576 : memref<640xf32, #tpu.memory_space<vmem>>[vector<16xi32>], vector<16xf32>,
      %add3A_577 = arith.constant 2 : i32
      %add3A_578 = vector.broadcast %add3A_577 : i32 to vector<16xi32>
      %add3A_579 = arith.addi %mul3A_536, %add3A_578 : vector<16xi32>
      %add3A_580 = arith.constant 2 : i32
      %add3A_581 = vector.broadcast %add3A_580 : i32 to vector<16xi32>
      %add3A_582 = arith.addi %mul3A_527, %add3A_581 : vector<16xi32>
      %gather3A_583 = tpu.vector_load_idx %arg8[%add3A_582] : memref<30000xf32, #tpu.memory_space<vmem>>[vector<16xi32>], vector<16xf32>,
      tpu.vector_store_idx %arg12[%add3A_579], %gather3A_583 : memref<640xf32, #tpu.memory_space<vmem>>[vector<16xi32>], vector<16xf32>,
      %add3A_584 = arith.constant 3 : i32
      %add3A_585 = vector.broadcast %add3A_584 : i32 to vector<16xi32>
      %add3A_586 = arith.addi %mul3A_536, %add3A_585 : vector<16xi32>
      %add3A_587 = arith.constant 2 : i32
      %add3A_588 = vector.broadcast %add3A_587 : i32 to vector<16xi32>
      %add3A_589 = arith.addi %add3A_586, %add3A_588 : vector<16xi32>
      %mul3A_590 = arith.constant 3 : i32
      %mul3A_591 = vector.broadcast %mul3A_590 : i32 to vector<16xi32>
      %mul3A_592 = arith.muli %get3A_530, %mul3A_591 : vector<16xi32>
      %add3A_593 = arith.constant 2 : i32
      %add3A_594 = vector.broadcast %add3A_593 : i32 to vector<16xi32>
      %add3A_595 = arith.addi %mul3A_592, %add3A_594 : vector<16xi32>
      %gather3A_596 = tpu.vector_load_idx %arg9[%add3A_595] : memref<30000xf32, #tpu.memory_space<vmem>>[vector<16xi32>], vector<16xf32>,
      tpu.vector_store_idx %arg12[%add3A_589], %gather3A_596 : memref<640xf32, #tpu.memory_space<vmem>>[vector<16xi32>], vector<16xf32>,
      tpu.vector_store_idx %arg14[%get3A_530], %broadcast_in_dim3A_14 {add = true} : memref<10000xf32, #tpu.memory_space<vmem>>[vector<16xi32>], vector<16xf32>,
      %get3A_597 = arith.index_cast %mul3A_442 : i32 to index
      %get3A_598 = arith.constant 32 : index
      %get3A_599 = tpu.vector_load %arg10[%get3A_597, %get3A_598] {strides = array<i32>} : memref<125x80xi32, #tpu.memory_space<vmem>>, vector<16xi32>,
      %mul3A_600 = arith.constant 3 : i32
      %mul3A_601 = vector.broadcast %mul3A_600 : i32 to vector<16xi32>
      %mul3A_602 = arith.muli %get3A_599, %mul3A_601 : vector<16xi32>
      %get3A_603 = arith.index_cast %mul3A_442 : i32 to index
      %get3A_604 = arith.constant 32 : index
      %get3A_605 = tpu.vector_load %arg11[%get3A_603, %get3A_604] {strides = array<i32>} : memref<125x80xi32, #tpu.memory_space<vmem>>, vector<16xi32>,
      %add3A_606 = arith.constant 32 : i32
      %add3A_607 = vector.broadcast %add3A_606 : i32 to vector<16xi32>
      %add3A_608 = arith.addi %iota3A, %add3A_607 : vector<16xi32>
      %mul3A_609 = arith.constant 8 : i32
      %mul3A_610 = vector.broadcast %mul3A_609 : i32 to vector<16xi32>
      %mul3A_611 = arith.muli %add3A_608, %mul3A_610 : vector<16xi32>
      %add3A_612 = arith.constant 0 : i32
      %add3A_613 = vector.broadcast %add3A_612 : i32 to vector<16xi32>
      %add3A_614 = arith.addi %mul3A_611, %add3A_613 : vector<16xi32>
      %add3A_615 = arith.constant 0 : i32
      %add3A_616 = vector.broadcast %add3A_615 : i32 to vector<16xi32>
      %add3A_617 = arith.addi %mul3A_602, %add3A_616 : vector<16xi32>
      %gather3A_618 = tpu.vector_load_idx %arg8[%add3A_617] : memref<30000xf32, #tpu.memory_space<vmem>>[vector<16xi32>], vector<16xf32>,
      tpu.vector_store_idx %arg12[%add3A_614], %gather3A_618 : memref<640xf32, #tpu.memory_space<vmem>>[vector<16xi32>], vector<16xf32>,
      %add3A_619 = arith.constant 3 : i32
      %add3A_620 = vector.broadcast %add3A_619 : i32 to vector<16xi32>
      %add3A_621 = arith.addi %mul3A_611, %add3A_620 : vector<16xi32>
      %add3A_622 = arith.constant 0 : i32
      %add3A_623 = vector.broadcast %add3A_622 : i32 to vector<16xi32>
      %add3A_624 = arith.addi %add3A_621, %add3A_623 : vector<16xi32>
      %mul3A_625 = arith.constant 3 : i32
      %mul3A_626 = vector.broadcast %mul3A_625 : i32 to vector<16xi32>
      %mul3A_627 = arith.muli %get3A_605, %mul3A_626 : vector<16xi32>
      %add3A_628 = arith.constant 0 : i32
      %add3A_629 = vector.broadcast %add3A_628 : i32 to vector<16xi32>
      %add3A_630 = arith.addi %mul3A_627, %add3A_629 : vector<16xi32>
      %gather3A_631 = tpu.vector_load_idx %arg9[%add3A_630] : memref<30000xf32, #tpu.memory_space<vmem>>[vector<16xi32>], vector<16xf32>,
      tpu.vector_store_idx %arg12[%add3A_624], %gather3A_631 : memref<640xf32, #tpu.memory_space<vmem>>[vector<16xi32>], vector<16xf32>,
      %add3A_632 = arith.constant 1 : i32
      %add3A_633 = vector.broadcast %add3A_632 : i32 to vector<16xi32>
      %add3A_634 = arith.addi %mul3A_611, %add3A_633 : vector<16xi32>
      %add3A_635 = arith.constant 1 : i32
      %add3A_636 = vector.broadcast %add3A_635 : i32 to vector<16xi32>
      %add3A_637 = arith.addi %mul3A_602, %add3A_636 : vector<16xi32>
      %gather3A_638 = tpu.vector_load_idx %arg8[%add3A_637] : memref<30000xf32, #tpu.memory_space<vmem>>[vector<16xi32>], vector<16xf32>,
      tpu.vector_store_idx %arg12[%add3A_634], %gather3A_638 : memref<640xf32, #tpu.memory_space<vmem>>[vector<16xi32>], vector<16xf32>,
      %add3A_639 = arith.constant 3 : i32
      %add3A_640 = vector.broadcast %add3A_639 : i32 to vector<16xi32>
      %add3A_641 = arith.addi %mul3A_611, %add3A_640 : vector<16xi32>
      %add3A_642 = arith.constant 1 : i32
      %add3A_643 = vector.broadcast %add3A_642 : i32 to vector<16xi32>
      %add3A_644 = arith.addi %add3A_641, %add3A_643 : vector<16xi32>
      %mul3A_645 = arith.constant 3 : i32
      %mul3A_646 = vector.broadcast %mul3A_645 : i32 to vector<16xi32>
      %mul3A_647 = arith.muli %get3A_605, %mul3A_646 : vector<16xi32>
      %add3A_648 = arith.constant 1 : i32
      %add3A_649 = vector.broadcast %add3A_648 : i32 to vector<16xi32>
      %add3A_650 = arith.addi %mul3A_647, %add3A_649 : vector<16xi32>
      %gather3A_651 = tpu.vector_load_idx %arg9[%add3A_650] : memref<30000xf32, #tpu.memory_space<vmem>>[vector<16xi32>], vector<16xf32>,
      tpu.vector_store_idx %arg12[%add3A_644], %gather3A_651 : memref<640xf32, #tpu.memory_space<vmem>>[vector<16xi32>], vector<16xf32>,
      %add3A_652 = arith.constant 2 : i32
      %add3A_653 = vector.broadcast %add3A_652 : i32 to vector<16xi32>
      %add3A_654 = arith.addi %mul3A_611, %add3A_653 : vector<16xi32>
      %add3A_655 = arith.constant 2 : i32
      %add3A_656 = vector.broadcast %add3A_655 : i32 to vector<16xi32>
      %add3A_657 = arith.addi %mul3A_602, %add3A_656 : vector<16xi32>
      %gather3A_658 = tpu.vector_load_idx %arg8[%add3A_657] : memref<30000xf32, #tpu.memory_space<vmem>>[vector<16xi32>], vector<16xf32>,
      tpu.vector_store_idx %arg12[%add3A_654], %gather3A_658 : memref<640xf32, #tpu.memory_space<vmem>>[vector<16xi32>], vector<16xf32>,
      %add3A_659 = arith.constant 3 : i32
      %add3A_660 = vector.broadcast %add3A_659 : i32 to vector<16xi32>
      %add3A_661 = arith.addi %mul3A_611, %add3A_660 : vector<16xi32>
      %add3A_662 = arith.constant 2 : i32
      %add3A_663 = vector.broadcast %add3A_662 : i32 to vector<16xi32>
      %add3A_664 = arith.addi %add3A_661, %add3A_663 : vector<16xi32>
      %mul3A_665 = arith.constant 3 : i32
      %mul3A_666 = vector.broadcast %mul3A_665 : i32 to vector<16xi32>
      %mul3A_667 = arith.muli %get3A_605, %mul3A_666 : vector<16xi32>
      %add3A_668 = arith.constant 2 : i32
      %add3A_669 = vector.broadcast %add3A_668 : i32 to vector<16xi32>
      %add3A_670 = arith.addi %mul3A_667, %add3A_669 : vector<16xi32>
      %gather3A_671 = tpu.vector_load_idx %arg9[%add3A_670] : memref<30000xf32, #tpu.memory_space<vmem>>[vector<16xi32>], vector<16xf32>,
      tpu.vector_store_idx %arg12[%add3A_664], %gather3A_671 : memref<640xf32, #tpu.memory_space<vmem>>[vector<16xi32>], vector<16xf32>,
      tpu.vector_store_idx %arg14[%get3A_605], %broadcast_in_dim3A_14 {add = true} : memref<10000xf32, #tpu.memory_space<vmem>>[vector<16xi32>], vector<16xf32>,
      %get3A_672 = arith.index_cast %mul3A_442 : i32 to index
      %get3A_673 = arith.constant 48 : index
      %get3A_674 = tpu.vector_load %arg10[%get3A_672, %get3A_673] {strides = array<i32>} : memref<125x80xi32, #tpu.memory_space<vmem>>, vector<16xi32>,
      %mul3A_675 = arith.constant 3 : i32
      %mul3A_676 = vector.broadcast %mul3A_675 : i32 to vector<16xi32>
      %mul3A_677 = arith.muli %get3A_674, %mul3A_676 : vector<16xi32>
      %get3A_678 = arith.index_cast %mul3A_442 : i32 to index
      %get3A_679 = arith.constant 48 : index
      %get3A_680 = tpu.vector_load %arg11[%get3A_678, %get3A_679] {strides = array<i32>} : memref<125x80xi32, #tpu.memory_space<vmem>>, vector<16xi32>,
      %add3A_681 = arith.constant 48 : i32
      %add3A_682 = vector.broadcast %add3A_681 : i32 to vector<16xi32>
      %add3A_683 = arith.addi %iota3A, %add3A_682 : vector<16xi32>
      %mul3A_684 = arith.constant 8 : i32
      %mul3A_685 = vector.broadcast %mul3A_684 : i32 to vector<16xi32>
      %mul3A_686 = arith.muli %add3A_683, %mul3A_685 : vector<16xi32>
      %add3A_687 = arith.constant 0 : i32
      %add3A_688 = vector.broadcast %add3A_687 : i32 to vector<16xi32>
      %add3A_689 = arith.addi %mul3A_686, %add3A_688 : vector<16xi32>
      %add3A_690 = arith.constant 0 : i32
      %add3A_691 = vector.broadcast %add3A_690 : i32 to vector<16xi32>
      %add3A_692 = arith.addi %mul3A_677, %add3A_691 : vector<16xi32>
      %gather3A_693 = tpu.vector_load_idx %arg8[%add3A_692] : memref<30000xf32, #tpu.memory_space<vmem>>[vector<16xi32>], vector<16xf32>,
      tpu.vector_store_idx %arg12[%add3A_689], %gather3A_693 : memref<640xf32, #tpu.memory_space<vmem>>[vector<16xi32>], vector<16xf32>,
      %add3A_694 = arith.constant 3 : i32
      %add3A_695 = vector.broadcast %add3A_694 : i32 to vector<16xi32>
      %add3A_696 = arith.addi %mul3A_686, %add3A_695 : vector<16xi32>
      %add3A_697 = arith.constant 0 : i32
      %add3A_698 = vector.broadcast %add3A_697 : i32 to vector<16xi32>
      %add3A_699 = arith.addi %add3A_696, %add3A_698 : vector<16xi32>
      %mul3A_700 = arith.constant 3 : i32
      %mul3A_701 = vector.broadcast %mul3A_700 : i32 to vector<16xi32>
      %mul3A_702 = arith.muli %get3A_680, %mul3A_701 : vector<16xi32>
      %add3A_703 = arith.constant 0 : i32
      %add3A_704 = vector.broadcast %add3A_703 : i32 to vector<16xi32>
      %add3A_705 = arith.addi %mul3A_702, %add3A_704 : vector<16xi32>
      %gather3A_706 = tpu.vector_load_idx %arg9[%add3A_705] : memref<30000xf32, #tpu.memory_space<vmem>>[vector<16xi32>], vector<16xf32>,
      tpu.vector_store_idx %arg12[%add3A_699], %gather3A_706 : memref<640xf32, #tpu.memory_space<vmem>>[vector<16xi32>], vector<16xf32>,
      %add3A_707 = arith.constant 1 : i32
      %add3A_708 = vector.broadcast %add3A_707 : i32 to vector<16xi32>
      %add3A_709 = arith.addi %mul3A_686, %add3A_708 : vector<16xi32>
      %add3A_710 = arith.constant 1 : i32
      %add3A_711 = vector.broadcast %add3A_710 : i32 to vector<16xi32>
      %add3A_712 = arith.addi %mul3A_677, %add3A_711 : vector<16xi32>
      %gather3A_713 = tpu.vector_load_idx %arg8[%add3A_712] : memref<30000xf32, #tpu.memory_space<vmem>>[vector<16xi32>], vector<16xf32>,
      tpu.vector_store_idx %arg12[%add3A_709], %gather3A_713 : memref<640xf32, #tpu.memory_space<vmem>>[vector<16xi32>], vector<16xf32>,
      %add3A_714 = arith.constant 3 : i32
      %add3A_715 = vector.broadcast %add3A_714 : i32 to vector<16xi32>
      %add3A_716 = arith.addi %mul3A_686, %add3A_715 : vector<16xi32>
      %add3A_717 = arith.constant 1 : i32
      %add3A_718 = vector.broadcast %add3A_717 : i32 to vector<16xi32>
      %add3A_719 = arith.addi %add3A_716, %add3A_718 : vector<16xi32>
      %mul3A_720 = arith.constant 3 : i32
      %mul3A_721 = vector.broadcast %mul3A_720 : i32 to vector<16xi32>
      %mul3A_722 = arith.muli %get3A_680, %mul3A_721 : vector<16xi32>
      %add3A_723 = arith.constant 1 : i32
      %add3A_724 = vector.broadcast %add3A_723 : i32 to vector<16xi32>
      %add3A_725 = arith.addi %mul3A_722, %add3A_724 : vector<16xi32>
      %gather3A_726 = tpu.vector_load_idx %arg9[%add3A_725] : memref<30000xf32, #tpu.memory_space<vmem>>[vector<16xi32>], vector<16xf32>,
      tpu.vector_store_idx %arg12[%add3A_719], %gather3A_726 : memref<640xf32, #tpu.memory_space<vmem>>[vector<16xi32>], vector<16xf32>,
      %add3A_727 = arith.constant 2 : i32
      %add3A_728 = vector.broadcast %add3A_727 : i32 to vector<16xi32>
      %add3A_729 = arith.addi %mul3A_686, %add3A_728 : vector<16xi32>
      %add3A_730 = arith.constant 2 : i32
      %add3A_731 = vector.broadcast %add3A_730 : i32 to vector<16xi32>
      %add3A_732 = arith.addi %mul3A_677, %add3A_731 : vector<16xi32>
      %gather3A_733 = tpu.vector_load_idx %arg8[%add3A_732] : memref<30000xf32, #tpu.memory_space<vmem>>[vector<16xi32>], vector<16xf32>,
      tpu.vector_store_idx %arg12[%add3A_729], %gather3A_733 : memref<640xf32, #tpu.memory_space<vmem>>[vector<16xi32>], vector<16xf32>,
      %add3A_734 = arith.constant 3 : i32
      %add3A_735 = vector.broadcast %add3A_734 : i32 to vector<16xi32>
      %add3A_736 = arith.addi %mul3A_686, %add3A_735 : vector<16xi32>
      %add3A_737 = arith.constant 2 : i32
      %add3A_738 = vector.broadcast %add3A_737 : i32 to vector<16xi32>
      %add3A_739 = arith.addi %add3A_736, %add3A_738 : vector<16xi32>
      %mul3A_740 = arith.constant 3 : i32
      %mul3A_741 = vector.broadcast %mul3A_740 : i32 to vector<16xi32>
      %mul3A_742 = arith.muli %get3A_680, %mul3A_741 : vector<16xi32>
      %add3A_743 = arith.constant 2 : i32
      %add3A_744 = vector.broadcast %add3A_743 : i32 to vector<16xi32>
      %add3A_745 = arith.addi %mul3A_742, %add3A_744 : vector<16xi32>
      %gather3A_746 = tpu.vector_load_idx %arg9[%add3A_745] : memref<30000xf32, #tpu.memory_space<vmem>>[vector<16xi32>], vector<16xf32>,
      tpu.vector_store_idx %arg12[%add3A_739], %gather3A_746 : memref<640xf32, #tpu.memory_space<vmem>>[vector<16xi32>], vector<16xf32>,
      tpu.vector_store_idx %arg14[%get3A_680], %broadcast_in_dim3A_14 {add = true} : memref<10000xf32, #tpu.memory_space<vmem>>[vector<16xi32>], vector<16xf32>,
      %get3A_747 = arith.index_cast %mul3A_442 : i32 to index
      %get3A_748 = arith.constant 64 : index
      %get3A_749 = tpu.vector_load %arg10[%get3A_747, %get3A_748] {strides = array<i32>} : memref<125x80xi32, #tpu.memory_space<vmem>>, vector<16xi32>,
      %mul3A_750 = arith.constant 3 : i32
      %mul3A_751 = vector.broadcast %mul3A_750 : i32 to vector<16xi32>
      %mul3A_752 = arith.muli %get3A_749, %mul3A_751 : vector<16xi32>
      %get3A_753 = arith.index_cast %mul3A_442 : i32 to index
      %get3A_754 = arith.constant 64 : index
      %get3A_755 = tpu.vector_load %arg11[%get3A_753, %get3A_754] {strides = array<i32>} : memref<125x80xi32, #tpu.memory_space<vmem>>, vector<16xi32>,
      %add3A_756 = arith.constant 64 : i32
      %add3A_757 = vector.broadcast %add3A_756 : i32 to vector<16xi32>
      %add3A_758 = arith.addi %iota3A, %add3A_757 : vector<16xi32>
      %mul3A_759 = arith.constant 8 : i32
      %mul3A_760 = vector.broadcast %mul3A_759 : i32 to vector<16xi32>
      %mul3A_761 = arith.muli %add3A_758, %mul3A_760 : vector<16xi32>
      %add3A_762 = arith.constant 0 : i32
      %add3A_763 = vector.broadcast %add3A_762 : i32 to vector<16xi32>
      %add3A_764 = arith.addi %mul3A_761, %add3A_763 : vector<16xi32>
      %add3A_765 = arith.constant 0 : i32
      %add3A_766 = vector.broadcast %add3A_765 : i32 to vector<16xi32>
      %add3A_767 = arith.addi %mul3A_752, %add3A_766 : vector<16xi32>
      %gather3A_768 = tpu.vector_load_idx %arg8[%add3A_767] : memref<30000xf32, #tpu.memory_space<vmem>>[vector<16xi32>], vector<16xf32>,
      tpu.vector_store_idx %arg12[%add3A_764], %gather3A_768 : memref<640xf32, #tpu.memory_space<vmem>>[vector<16xi32>], vector<16xf32>,
      %add3A_769 = arith.constant 3 : i32
      %add3A_770 = vector.broadcast %add3A_769 : i32 to vector<16xi32>
      %add3A_771 = arith.addi %mul3A_761, %add3A_770 : vector<16xi32>
      %add3A_772 = arith.constant 0 : i32
      %add3A_773 = vector.broadcast %add3A_772 : i32 to vector<16xi32>
      %add3A_774 = arith.addi %add3A_771, %add3A_773 : vector<16xi32>
      %mul3A_775 = arith.constant 3 : i32
      %mul3A_776 = vector.broadcast %mul3A_775 : i32 to vector<16xi32>
      %mul3A_777 = arith.muli %get3A_755, %mul3A_776 : vector<16xi32>
      %add3A_778 = arith.constant 0 : i32
      %add3A_779 = vector.broadcast %add3A_778 : i32 to vector<16xi32>
      %add3A_780 = arith.addi %mul3A_777, %add3A_779 : vector<16xi32>
      %gather3A_781 = tpu.vector_load_idx %arg9[%add3A_780] : memref<30000xf32, #tpu.memory_space<vmem>>[vector<16xi32>], vector<16xf32>,
      tpu.vector_store_idx %arg12[%add3A_774], %gather3A_781 : memref<640xf32, #tpu.memory_space<vmem>>[vector<16xi32>], vector<16xf32>,
      %add3A_782 = arith.constant 1 : i32
      %add3A_783 = vector.broadcast %add3A_782 : i32 to vector<16xi32>
      %add3A_784 = arith.addi %mul3A_761, %add3A_783 : vector<16xi32>
      %add3A_785 = arith.constant 1 : i32
      %add3A_786 = vector.broadcast %add3A_785 : i32 to vector<16xi32>
      %add3A_787 = arith.addi %mul3A_752, %add3A_786 : vector<16xi32>
      %gather3A_788 = tpu.vector_load_idx %arg8[%add3A_787] : memref<30000xf32, #tpu.memory_space<vmem>>[vector<16xi32>], vector<16xf32>,
      tpu.vector_store_idx %arg12[%add3A_784], %gather3A_788 : memref<640xf32, #tpu.memory_space<vmem>>[vector<16xi32>], vector<16xf32>,
      %add3A_789 = arith.constant 3 : i32
      %add3A_790 = vector.broadcast %add3A_789 : i32 to vector<16xi32>
      %add3A_791 = arith.addi %mul3A_761, %add3A_790 : vector<16xi32>
      %add3A_792 = arith.constant 1 : i32
      %add3A_793 = vector.broadcast %add3A_792 : i32 to vector<16xi32>
      %add3A_794 = arith.addi %add3A_791, %add3A_793 : vector<16xi32>
      %mul3A_795 = arith.constant 3 : i32
      %mul3A_796 = vector.broadcast %mul3A_795 : i32 to vector<16xi32>
      %mul3A_797 = arith.muli %get3A_755, %mul3A_796 : vector<16xi32>
      %add3A_798 = arith.constant 1 : i32
      %add3A_799 = vector.broadcast %add3A_798 : i32 to vector<16xi32>
      %add3A_800 = arith.addi %mul3A_797, %add3A_799 : vector<16xi32>
      %gather3A_801 = tpu.vector_load_idx %arg9[%add3A_800] : memref<30000xf32, #tpu.memory_space<vmem>>[vector<16xi32>], vector<16xf32>,
      tpu.vector_store_idx %arg12[%add3A_794], %gather3A_801 : memref<640xf32, #tpu.memory_space<vmem>>[vector<16xi32>], vector<16xf32>,
      %add3A_802 = arith.constant 2 : i32
      %add3A_803 = vector.broadcast %add3A_802 : i32 to vector<16xi32>
      %add3A_804 = arith.addi %mul3A_761, %add3A_803 : vector<16xi32>
      %add3A_805 = arith.constant 2 : i32
      %add3A_806 = vector.broadcast %add3A_805 : i32 to vector<16xi32>
      %add3A_807 = arith.addi %mul3A_752, %add3A_806 : vector<16xi32>
      %gather3A_808 = tpu.vector_load_idx %arg8[%add3A_807] : memref<30000xf32, #tpu.memory_space<vmem>>[vector<16xi32>], vector<16xf32>,
      tpu.vector_store_idx %arg12[%add3A_804], %gather3A_808 : memref<640xf32, #tpu.memory_space<vmem>>[vector<16xi32>], vector<16xf32>,
      %add3A_809 = arith.constant 3 : i32
      %add3A_810 = vector.broadcast %add3A_809 : i32 to vector<16xi32>
      %add3A_811 = arith.addi %mul3A_761, %add3A_810 : vector<16xi32>
      %add3A_812 = arith.constant 2 : i32
      %add3A_813 = vector.broadcast %add3A_812 : i32 to vector<16xi32>
      %add3A_814 = arith.addi %add3A_811, %add3A_813 : vector<16xi32>
      %mul3A_815 = arith.constant 3 : i32
      %mul3A_816 = vector.broadcast %mul3A_815 : i32 to vector<16xi32>
      %mul3A_817 = arith.muli %get3A_755, %mul3A_816 : vector<16xi32>
      %add3A_818 = arith.constant 2 : i32
      %add3A_819 = vector.broadcast %add3A_818 : i32 to vector<16xi32>
      %add3A_820 = arith.addi %mul3A_817, %add3A_819 : vector<16xi32>
      %gather3A_821 = tpu.vector_load_idx %arg9[%add3A_820] : memref<30000xf32, #tpu.memory_space<vmem>>[vector<16xi32>], vector<16xf32>,
      tpu.vector_store_idx %arg12[%add3A_814], %gather3A_821 : memref<640xf32, #tpu.memory_space<vmem>>[vector<16xi32>], vector<16xf32>,
      tpu.vector_store_idx %arg14[%get3A_755], %broadcast_in_dim3A_14 {add = true} : memref<10000xf32, #tpu.memory_space<vmem>>[vector<16xi32>], vector<16xf32>,
      %mul3A_822 = arith.constant 80 : i32
      %mul3A_823 = arith.muli %mul3A_442, %mul3A_822 : i32
      %add3A_824 = arith.addi %mul3A_2, %mul3A_823 : i32
      %mul3A_825 = arith.constant 8 : i32
      %mul3A_826 = arith.muli %add3A_824, %mul3A_825 : i32
      %dma_start3A_827 = arith.constant 0 : i32
      %dma_start3A_828 = tpu.memref_slice %arg6[%mul3A_826] : memref<2560000xf32, #tpu.memory_space<hbm>> -> memref<640xf32, #tpu.memory_space<hbm>>
      %dma_start3A_829 = tpu.memref_slice %arg15[%dma_start3A_827] : memref<2x!tpu.dma_semaphore, #tpu.memory_space<semaphore_mem>> -> memref<1x!tpu.dma_semaphore, #tpu.memory_space<semaphore_mem>>
      %dma_start3A_830 = tpu.memref_squeeze %dma_start3A_829 : memref<1x!tpu.dma_semaphore, #tpu.memory_space<semaphore_mem>> -> memref<!tpu.dma_semaphore, #tpu.memory_space<semaphore_mem>>
      %dma_start3A_831 = tpu.memref_slice %arg6[%mul3A_826] : memref<2560000xf32, #tpu.memory_space<hbm>> -> memref<640xf32, #tpu.memory_space<hbm>>
      tpu.enqueue_dma source(%arg12 : memref<640xf32, #tpu.memory_space<vmem>>) target(%dma_start3A_831 : memref<640xf32, #tpu.memory_space<hbm>>) target_semaphore(%dma_start3A_830 : memref<!tpu.dma_semaphore, #tpu.memory_space<semaphore_mem>>)
      %gt3A_832 = arith.constant 0 : i32
      %gt3A_833 = arith.cmpi sgt, %scan3A_440, %gt3A_832 : i32
      %convert_element_type3A_834 = arith.extui %gt3A_833 : i1 to i32
      %cond3A_835 = arith.constant 0 : i32
      %cond3A_836 = arith.cmpi ne, %convert_element_type3A_834, %cond3A_835 : i32
      scf.if %cond3A_836 {
        %mul3A_1222 = arith.constant 80 : i32
        %mul3A_1223 = arith.muli %add3A_444, %mul3A_1222 : i32
        %add3A_1224 = arith.addi %mul3A_2, %mul3A_1223 : i32
        %mul3A_1225 = arith.constant 8 : i32
        %mul3A_1226 = arith.muli %add3A_1224, %mul3A_1225 : i32
        %dma_wait3A_1227 = arith.constant 1 : i32
        %dma_wait3A_1228 = tpu.memref_slice %arg6[%mul3A_1226] : memref<2560000xf32, #tpu.memory_space<hbm>> -> memref<640xf32, #tpu.memory_space<hbm>>
        %dma_wait3A_1229 = tpu.memref_slice %arg15[%dma_wait3A_1227] : memref<2x!tpu.dma_semaphore, #tpu.memory_space<semaphore_mem>> -> memref<1x!tpu.dma_semaphore, #tpu.memory_space<semaphore_mem>>
        %dma_wait3A_1230 = tpu.memref_squeeze %dma_wait3A_1229 : memref<1x!tpu.dma_semaphore, #tpu.memory_space<semaphore_mem>> -> memref<!tpu.dma_semaphore, #tpu.memory_space<semaphore_mem>>
        %dma_wait3A_1231 = tpu.memref_slice %arg6[%mul3A_1226] : memref<2560000xf32, #tpu.memory_space<hbm>> -> memref<640xf32, #tpu.memory_space<hbm>>
        tpu.wait_dma2 semaphore(%dma_wait3A_1230 : memref<!tpu.dma_semaphore, #tpu.memory_space<semaphore_mem>>) src(%arg13 : memref<640xf32, #tpu.memory_space<vmem>>) dst(%dma_wait3A_1231 : memref<640xf32, #tpu.memory_space<hbm>>)
      } else {
      }
      %get3A_837 = arith.index_cast %add3A_444 : i32 to index
      %get3A_838 = arith.constant 0 : index
      %get3A_839 = tpu.vector_load %arg10[%get3A_837, %get3A_838] {strides = array<i32>} : memref<125x80xi32, #tpu.memory_space<vmem>>, vector<16xi32>,
      %mul3A_840 = arith.constant 3 : i32
      %mul3A_841 = vector.broadcast %mul3A_840 : i32 to vector<16xi32>
      %mul3A_842 = arith.muli %get3A_839, %mul3A_841 : vector<16xi32>
      %get3A_843 = arith.index_cast %add3A_444 : i32 to index
      %get3A_844 = arith.constant 0 : index
      %get3A_845 = tpu.vector_load %arg11[%get3A_843, %get3A_844] {strides = array<i32>} : memref<125x80xi32, #tpu.memory_space<vmem>>, vector<16xi32>,
      %add3A_846 = arith.constant 0 : i32
      %add3A_847 = vector.broadcast %add3A_846 : i32 to vector<16xi32>
      %add3A_848 = arith.addi %iota3A, %add3A_847 : vector<16xi32>
      %mul3A_849 = arith.constant 8 : i32
      %mul3A_850 = vector.broadcast %mul3A_849 : i32 to vector<16xi32>
      %mul3A_851 = arith.muli %add3A_848, %mul3A_850 : vector<16xi32>
      %add3A_852 = arith.constant 0 : i32
      %add3A_853 = vector.broadcast %add3A_852 : i32 to vector<16xi32>
      %add3A_854 = arith.addi %mul3A_851, %add3A_853 : vector<16xi32>
      %add3A_855 = arith.constant 0 : i32
      %add3A_856 = vector.broadcast %add3A_855 : i32 to vector<16xi32>
      %add3A_857 = arith.addi %mul3A_842, %add3A_856 : vector<16xi32>
      %gather3A_858 = tpu.vector_load_idx %arg8[%add3A_857] : memref<30000xf32, #tpu.memory_space<vmem>>[vector<16xi32>], vector<16xf32>,
      tpu.vector_store_idx %arg13[%add3A_854], %gather3A_858 : memref<640xf32, #tpu.memory_space<vmem>>[vector<16xi32>], vector<16xf32>,
      %add3A_859 = arith.constant 3 : i32
      %add3A_860 = vector.broadcast %add3A_859 : i32 to vector<16xi32>
      %add3A_861 = arith.addi %mul3A_851, %add3A_860 : vector<16xi32>
      %add3A_862 = arith.constant 0 : i32
      %add3A_863 = vector.broadcast %add3A_862 : i32 to vector<16xi32>
      %add3A_864 = arith.addi %add3A_861, %add3A_863 : vector<16xi32>
      %mul3A_865 = arith.constant 3 : i32
      %mul3A_866 = vector.broadcast %mul3A_865 : i32 to vector<16xi32>
      %mul3A_867 = arith.muli %get3A_845, %mul3A_866 : vector<16xi32>
      %add3A_868 = arith.constant 0 : i32
      %add3A_869 = vector.broadcast %add3A_868 : i32 to vector<16xi32>
      %add3A_870 = arith.addi %mul3A_867, %add3A_869 : vector<16xi32>
      %gather3A_871 = tpu.vector_load_idx %arg9[%add3A_870] : memref<30000xf32, #tpu.memory_space<vmem>>[vector<16xi32>], vector<16xf32>,
      tpu.vector_store_idx %arg13[%add3A_864], %gather3A_871 : memref<640xf32, #tpu.memory_space<vmem>>[vector<16xi32>], vector<16xf32>,
      %add3A_872 = arith.constant 1 : i32
      %add3A_873 = vector.broadcast %add3A_872 : i32 to vector<16xi32>
      %add3A_874 = arith.addi %mul3A_851, %add3A_873 : vector<16xi32>
      %add3A_875 = arith.constant 1 : i32
      %add3A_876 = vector.broadcast %add3A_875 : i32 to vector<16xi32>
      %add3A_877 = arith.addi %mul3A_842, %add3A_876 : vector<16xi32>
      %gather3A_878 = tpu.vector_load_idx %arg8[%add3A_877] : memref<30000xf32, #tpu.memory_space<vmem>>[vector<16xi32>], vector<16xf32>,
      tpu.vector_store_idx %arg13[%add3A_874], %gather3A_878 : memref<640xf32, #tpu.memory_space<vmem>>[vector<16xi32>], vector<16xf32>,
      %add3A_879 = arith.constant 3 : i32
      %add3A_880 = vector.broadcast %add3A_879 : i32 to vector<16xi32>
      %add3A_881 = arith.addi %mul3A_851, %add3A_880 : vector<16xi32>
      %add3A_882 = arith.constant 1 : i32
      %add3A_883 = vector.broadcast %add3A_882 : i32 to vector<16xi32>
      %add3A_884 = arith.addi %add3A_881, %add3A_883 : vector<16xi32>
      %mul3A_885 = arith.constant 3 : i32
      %mul3A_886 = vector.broadcast %mul3A_885 : i32 to vector<16xi32>
      %mul3A_887 = arith.muli %get3A_845, %mul3A_886 : vector<16xi32>
      %add3A_888 = arith.constant 1 : i32
      %add3A_889 = vector.broadcast %add3A_888 : i32 to vector<16xi32>
      %add3A_890 = arith.addi %mul3A_887, %add3A_889 : vector<16xi32>
      %gather3A_891 = tpu.vector_load_idx %arg9[%add3A_890] : memref<30000xf32, #tpu.memory_space<vmem>>[vector<16xi32>], vector<16xf32>,
      tpu.vector_store_idx %arg13[%add3A_884], %gather3A_891 : memref<640xf32, #tpu.memory_space<vmem>>[vector<16xi32>], vector<16xf32>,
      %add3A_892 = arith.constant 2 : i32
      %add3A_893 = vector.broadcast %add3A_892 : i32 to vector<16xi32>
      %add3A_894 = arith.addi %mul3A_851, %add3A_893 : vector<16xi32>
      %add3A_895 = arith.constant 2 : i32
      %add3A_896 = vector.broadcast %add3A_895 : i32 to vector<16xi32>
      %add3A_897 = arith.addi %mul3A_842, %add3A_896 : vector<16xi32>
      %gather3A_898 = tpu.vector_load_idx %arg8[%add3A_897] : memref<30000xf32, #tpu.memory_space<vmem>>[vector<16xi32>], vector<16xf32>,
      tpu.vector_store_idx %arg13[%add3A_894], %gather3A_898 : memref<640xf32, #tpu.memory_space<vmem>>[vector<16xi32>], vector<16xf32>,
      %add3A_899 = arith.constant 3 : i32
      %add3A_900 = vector.broadcast %add3A_899 : i32 to vector<16xi32>
      %add3A_901 = arith.addi %mul3A_851, %add3A_900 : vector<16xi32>
      %add3A_902 = arith.constant 2 : i32
      %add3A_903 = vector.broadcast %add3A_902 : i32 to vector<16xi32>
      %add3A_904 = arith.addi %add3A_901, %add3A_903 : vector<16xi32>
      %mul3A_905 = arith.constant 3 : i32
      %mul3A_906 = vector.broadcast %mul3A_905 : i32 to vector<16xi32>
      %mul3A_907 = arith.muli %get3A_845, %mul3A_906 : vector<16xi32>
      %add3A_908 = arith.constant 2 : i32
      %add3A_909 = vector.broadcast %add3A_908 : i32 to vector<16xi32>
      %add3A_910 = arith.addi %mul3A_907, %add3A_909 : vector<16xi32>
      %gather3A_911 = tpu.vector_load_idx %arg9[%add3A_910] : memref<30000xf32, #tpu.memory_space<vmem>>[vector<16xi32>], vector<16xf32>,
      tpu.vector_store_idx %arg13[%add3A_904], %gather3A_911 : memref<640xf32, #tpu.memory_space<vmem>>[vector<16xi32>], vector<16xf32>,
      tpu.vector_store_idx %arg14[%get3A_845], %broadcast_in_dim3A_14 {add = true} : memref<10000xf32, #tpu.memory_space<vmem>>[vector<16xi32>], vector<16xf32>,
      %get3A_912 = arith.index_cast %add3A_444 : i32 to index
      %get3A_913 = arith.constant 16 : index
      %get3A_914 = tpu.vector_load %arg10[%get3A_912, %get3A_913] {strides = array<i32>} : memref<125x80xi32, #tpu.memory_space<vmem>>, vector<16xi32>,
      %mul3A_915 = arith.constant 3 : i32
      %mul3A_916 = vector.broadcast %mul3A_915 : i32 to vector<16xi32>
      %mul3A_917 = arith.muli %get3A_914, %mul3A_916 : vector<16xi32>
      %get3A_918 = arith.index_cast %add3A_444 : i32 to index
      %get3A_919 = arith.constant 16 : index
      %get3A_920 = tpu.vector_load %arg11[%get3A_918, %get3A_919] {strides = array<i32>} : memref<125x80xi32, #tpu.memory_space<vmem>>, vector<16xi32>,
      %add3A_921 = arith.constant 16 : i32
      %add3A_922 = vector.broadcast %add3A_921 : i32 to vector<16xi32>
      %add3A_923 = arith.addi %iota3A, %add3A_922 : vector<16xi32>
      %mul3A_924 = arith.constant 8 : i32
      %mul3A_925 = vector.broadcast %mul3A_924 : i32 to vector<16xi32>
      %mul3A_926 = arith.muli %add3A_923, %mul3A_925 : vector<16xi32>
      %add3A_927 = arith.constant 0 : i32
      %add3A_928 = vector.broadcast %add3A_927 : i32 to vector<16xi32>
      %add3A_929 = arith.addi %mul3A_926, %add3A_928 : vector<16xi32>
      %add3A_930 = arith.constant 0 : i32
      %add3A_931 = vector.broadcast %add3A_930 : i32 to vector<16xi32>
      %add3A_932 = arith.addi %mul3A_917, %add3A_931 : vector<16xi32>
      %gather3A_933 = tpu.vector_load_idx %arg8[%add3A_932] : memref<30000xf32, #tpu.memory_space<vmem>>[vector<16xi32>], vector<16xf32>,
      tpu.vector_store_idx %arg13[%add3A_929], %gather3A_933 : memref<640xf32, #tpu.memory_space<vmem>>[vector<16xi32>], vector<16xf32>,
      %add3A_934 = arith.constant 3 : i32
      %add3A_935 = vector.broadcast %add3A_934 : i32 to vector<16xi32>
      %add3A_936 = arith.addi %mul3A_926, %add3A_935 : vector<16xi32>
      %add3A_937 = arith.constant 0 : i32
      %add3A_938 = vector.broadcast %add3A_937 : i32 to vector<16xi32>
      %add3A_939 = arith.addi %add3A_936, %add3A_938 : vector<16xi32>
      %mul3A_940 = arith.constant 3 : i32
      %mul3A_941 = vector.broadcast %mul3A_940 : i32 to vector<16xi32>
      %mul3A_942 = arith.muli %get3A_920, %mul3A_941 : vector<16xi32>
      %add3A_943 = arith.constant 0 : i32
      %add3A_944 = vector.broadcast %add3A_943 : i32 to vector<16xi32>
      %add3A_945 = arith.addi %mul3A_942, %add3A_944 : vector<16xi32>
      %gather3A_946 = tpu.vector_load_idx %arg9[%add3A_945] : memref<30000xf32, #tpu.memory_space<vmem>>[vector<16xi32>], vector<16xf32>,
      tpu.vector_store_idx %arg13[%add3A_939], %gather3A_946 : memref<640xf32, #tpu.memory_space<vmem>>[vector<16xi32>], vector<16xf32>,
      %add3A_947 = arith.constant 1 : i32
      %add3A_948 = vector.broadcast %add3A_947 : i32 to vector<16xi32>
      %add3A_949 = arith.addi %mul3A_926, %add3A_948 : vector<16xi32>
      %add3A_950 = arith.constant 1 : i32
      %add3A_951 = vector.broadcast %add3A_950 : i32 to vector<16xi32>
      %add3A_952 = arith.addi %mul3A_917, %add3A_951 : vector<16xi32>
      %gather3A_953 = tpu.vector_load_idx %arg8[%add3A_952] : memref<30000xf32, #tpu.memory_space<vmem>>[vector<16xi32>], vector<16xf32>,
      tpu.vector_store_idx %arg13[%add3A_949], %gather3A_953 : memref<640xf32, #tpu.memory_space<vmem>>[vector<16xi32>], vector<16xf32>,
      %add3A_954 = arith.constant 3 : i32
      %add3A_955 = vector.broadcast %add3A_954 : i32 to vector<16xi32>
      %add3A_956 = arith.addi %mul3A_926, %add3A_955 : vector<16xi32>
      %add3A_957 = arith.constant 1 : i32
      %add3A_958 = vector.broadcast %add3A_957 : i32 to vector<16xi32>
      %add3A_959 = arith.addi %add3A_956, %add3A_958 : vector<16xi32>
      %mul3A_960 = arith.constant 3 : i32
      %mul3A_961 = vector.broadcast %mul3A_960 : i32 to vector<16xi32>
      %mul3A_962 = arith.muli %get3A_920, %mul3A_961 : vector<16xi32>
      %add3A_963 = arith.constant 1 : i32
      %add3A_964 = vector.broadcast %add3A_963 : i32 to vector<16xi32>
      %add3A_965 = arith.addi %mul3A_962, %add3A_964 : vector<16xi32>
      %gather3A_966 = tpu.vector_load_idx %arg9[%add3A_965] : memref<30000xf32, #tpu.memory_space<vmem>>[vector<16xi32>], vector<16xf32>,
      tpu.vector_store_idx %arg13[%add3A_959], %gather3A_966 : memref<640xf32, #tpu.memory_space<vmem>>[vector<16xi32>], vector<16xf32>,
      %add3A_967 = arith.constant 2 : i32
      %add3A_968 = vector.broadcast %add3A_967 : i32 to vector<16xi32>
      %add3A_969 = arith.addi %mul3A_926, %add3A_968 : vector<16xi32>
      %add3A_970 = arith.constant 2 : i32
      %add3A_971 = vector.broadcast %add3A_970 : i32 to vector<16xi32>
      %add3A_972 = arith.addi %mul3A_917, %add3A_971 : vector<16xi32>
      %gather3A_973 = tpu.vector_load_idx %arg8[%add3A_972] : memref<30000xf32, #tpu.memory_space<vmem>>[vector<16xi32>], vector<16xf32>,
      tpu.vector_store_idx %arg13[%add3A_969], %gather3A_973 : memref<640xf32, #tpu.memory_space<vmem>>[vector<16xi32>], vector<16xf32>,
      %add3A_974 = arith.constant 3 : i32
      %add3A_975 = vector.broadcast %add3A_974 : i32 to vector<16xi32>
      %add3A_976 = arith.addi %mul3A_926, %add3A_975 : vector<16xi32>
      %add3A_977 = arith.constant 2 : i32
      %add3A_978 = vector.broadcast %add3A_977 : i32 to vector<16xi32>
      %add3A_979 = arith.addi %add3A_976, %add3A_978 : vector<16xi32>
      %mul3A_980 = arith.constant 3 : i32
      %mul3A_981 = vector.broadcast %mul3A_980 : i32 to vector<16xi32>
      %mul3A_982 = arith.muli %get3A_920, %mul3A_981 : vector<16xi32>
      %add3A_983 = arith.constant 2 : i32
      %add3A_984 = vector.broadcast %add3A_983 : i32 to vector<16xi32>
      %add3A_985 = arith.addi %mul3A_982, %add3A_984 : vector<16xi32>
      %gather3A_986 = tpu.vector_load_idx %arg9[%add3A_985] : memref<30000xf32, #tpu.memory_space<vmem>>[vector<16xi32>], vector<16xf32>,
      tpu.vector_store_idx %arg13[%add3A_979], %gather3A_986 : memref<640xf32, #tpu.memory_space<vmem>>[vector<16xi32>], vector<16xf32>,
      tpu.vector_store_idx %arg14[%get3A_920], %broadcast_in_dim3A_14 {add = true} : memref<10000xf32, #tpu.memory_space<vmem>>[vector<16xi32>], vector<16xf32>,
      %get3A_987 = arith.index_cast %add3A_444 : i32 to index
      %get3A_988 = arith.constant 32 : index
      %get3A_989 = tpu.vector_load %arg10[%get3A_987, %get3A_988] {strides = array<i32>} : memref<125x80xi32, #tpu.memory_space<vmem>>, vector<16xi32>,
      %mul3A_990 = arith.constant 3 : i32
      %mul3A_991 = vector.broadcast %mul3A_990 : i32 to vector<16xi32>
      %mul3A_992 = arith.muli %get3A_989, %mul3A_991 : vector<16xi32>
      %get3A_993 = arith.index_cast %add3A_444 : i32 to index
      %get3A_994 = arith.constant 32 : index
      %get3A_995 = tpu.vector_load %arg11[%get3A_993, %get3A_994] {strides = array<i32>} : memref<125x80xi32, #tpu.memory_space<vmem>>, vector<16xi32>,
      %add3A_996 = arith.constant 32 : i32
      %add3A_997 = vector.broadcast %add3A_996 : i32 to vector<16xi32>
      %add3A_998 = arith.addi %iota3A, %add3A_997 : vector<16xi32>
      %mul3A_999 = arith.constant 8 : i32
      %mul3A_1000 = vector.broadcast %mul3A_999 : i32 to vector<16xi32>
      %mul3A_1001 = arith.muli %add3A_998, %mul3A_1000 : vector<16xi32>
      %add3A_1002 = arith.constant 0 : i32
      %add3A_1003 = vector.broadcast %add3A_1002 : i32 to vector<16xi32>
      %add3A_1004 = arith.addi %mul3A_1001, %add3A_1003 : vector<16xi32>
      %add3A_1005 = arith.constant 0 : i32
      %add3A_1006 = vector.broadcast %add3A_1005 : i32 to vector<16xi32>
      %add3A_1007 = arith.addi %mul3A_992, %add3A_1006 : vector<16xi32>
      %gather3A_1008 = tpu.vector_load_idx %arg8[%add3A_1007] : memref<30000xf32, #tpu.memory_space<vmem>>[vector<16xi32>], vector<16xf32>,
      tpu.vector_store_idx %arg13[%add3A_1004], %gather3A_1008 : memref<640xf32, #tpu.memory_space<vmem>>[vector<16xi32>], vector<16xf32>,
      %add3A_1009 = arith.constant 3 : i32
      %add3A_1010 = vector.broadcast %add3A_1009 : i32 to vector<16xi32>
      %add3A_1011 = arith.addi %mul3A_1001, %add3A_1010 : vector<16xi32>
      %add3A_1012 = arith.constant 0 : i32
      %add3A_1013 = vector.broadcast %add3A_1012 : i32 to vector<16xi32>
      %add3A_1014 = arith.addi %add3A_1011, %add3A_1013 : vector<16xi32>
      %mul3A_1015 = arith.constant 3 : i32
      %mul3A_1016 = vector.broadcast %mul3A_1015 : i32 to vector<16xi32>
      %mul3A_1017 = arith.muli %get3A_995, %mul3A_1016 : vector<16xi32>
      %add3A_1018 = arith.constant 0 : i32
      %add3A_1019 = vector.broadcast %add3A_1018 : i32 to vector<16xi32>
      %add3A_1020 = arith.addi %mul3A_1017, %add3A_1019 : vector<16xi32>
      %gather3A_1021 = tpu.vector_load_idx %arg9[%add3A_1020] : memref<30000xf32, #tpu.memory_space<vmem>>[vector<16xi32>], vector<16xf32>,
      tpu.vector_store_idx %arg13[%add3A_1014], %gather3A_1021 : memref<640xf32, #tpu.memory_space<vmem>>[vector<16xi32>], vector<16xf32>,
      %add3A_1022 = arith.constant 1 : i32
      %add3A_1023 = vector.broadcast %add3A_1022 : i32 to vector<16xi32>
      %add3A_1024 = arith.addi %mul3A_1001, %add3A_1023 : vector<16xi32>
      %add3A_1025 = arith.constant 1 : i32
      %add3A_1026 = vector.broadcast %add3A_1025 : i32 to vector<16xi32>
      %add3A_1027 = arith.addi %mul3A_992, %add3A_1026 : vector<16xi32>
      %gather3A_1028 = tpu.vector_load_idx %arg8[%add3A_1027] : memref<30000xf32, #tpu.memory_space<vmem>>[vector<16xi32>], vector<16xf32>,
      tpu.vector_store_idx %arg13[%add3A_1024], %gather3A_1028 : memref<640xf32, #tpu.memory_space<vmem>>[vector<16xi32>], vector<16xf32>,
      %add3A_1029 = arith.constant 3 : i32
      %add3A_1030 = vector.broadcast %add3A_1029 : i32 to vector<16xi32>
      %add3A_1031 = arith.addi %mul3A_1001, %add3A_1030 : vector<16xi32>
      %add3A_1032 = arith.constant 1 : i32
      %add3A_1033 = vector.broadcast %add3A_1032 : i32 to vector<16xi32>
      %add3A_1034 = arith.addi %add3A_1031, %add3A_1033 : vector<16xi32>
      %mul3A_1035 = arith.constant 3 : i32
      %mul3A_1036 = vector.broadcast %mul3A_1035 : i32 to vector<16xi32>
      %mul3A_1037 = arith.muli %get3A_995, %mul3A_1036 : vector<16xi32>
      %add3A_1038 = arith.constant 1 : i32
      %add3A_1039 = vector.broadcast %add3A_1038 : i32 to vector<16xi32>
      %add3A_1040 = arith.addi %mul3A_1037, %add3A_1039 : vector<16xi32>
      %gather3A_1041 = tpu.vector_load_idx %arg9[%add3A_1040] : memref<30000xf32, #tpu.memory_space<vmem>>[vector<16xi32>], vector<16xf32>,
      tpu.vector_store_idx %arg13[%add3A_1034], %gather3A_1041 : memref<640xf32, #tpu.memory_space<vmem>>[vector<16xi32>], vector<16xf32>,
      %add3A_1042 = arith.constant 2 : i32
      %add3A_1043 = vector.broadcast %add3A_1042 : i32 to vector<16xi32>
      %add3A_1044 = arith.addi %mul3A_1001, %add3A_1043 : vector<16xi32>
      %add3A_1045 = arith.constant 2 : i32
      %add3A_1046 = vector.broadcast %add3A_1045 : i32 to vector<16xi32>
      %add3A_1047 = arith.addi %mul3A_992, %add3A_1046 : vector<16xi32>
      %gather3A_1048 = tpu.vector_load_idx %arg8[%add3A_1047] : memref<30000xf32, #tpu.memory_space<vmem>>[vector<16xi32>], vector<16xf32>,
      tpu.vector_store_idx %arg13[%add3A_1044], %gather3A_1048 : memref<640xf32, #tpu.memory_space<vmem>>[vector<16xi32>], vector<16xf32>,
      %add3A_1049 = arith.constant 3 : i32
      %add3A_1050 = vector.broadcast %add3A_1049 : i32 to vector<16xi32>
      %add3A_1051 = arith.addi %mul3A_1001, %add3A_1050 : vector<16xi32>
      %add3A_1052 = arith.constant 2 : i32
      %add3A_1053 = vector.broadcast %add3A_1052 : i32 to vector<16xi32>
      %add3A_1054 = arith.addi %add3A_1051, %add3A_1053 : vector<16xi32>
      %mul3A_1055 = arith.constant 3 : i32
      %mul3A_1056 = vector.broadcast %mul3A_1055 : i32 to vector<16xi32>
      %mul3A_1057 = arith.muli %get3A_995, %mul3A_1056 : vector<16xi32>
      %add3A_1058 = arith.constant 2 : i32
      %add3A_1059 = vector.broadcast %add3A_1058 : i32 to vector<16xi32>
      %add3A_1060 = arith.addi %mul3A_1057, %add3A_1059 : vector<16xi32>
      %gather3A_1061 = tpu.vector_load_idx %arg9[%add3A_1060] : memref<30000xf32, #tpu.memory_space<vmem>>[vector<16xi32>], vector<16xf32>,
      tpu.vector_store_idx %arg13[%add3A_1054], %gather3A_1061 : memref<640xf32, #tpu.memory_space<vmem>>[vector<16xi32>], vector<16xf32>,
      tpu.vector_store_idx %arg14[%get3A_995], %broadcast_in_dim3A_14 {add = true} : memref<10000xf32, #tpu.memory_space<vmem>>[vector<16xi32>], vector<16xf32>,
      %get3A_1062 = arith.index_cast %add3A_444 : i32 to index
      %get3A_1063 = arith.constant 48 : index
      %get3A_1064 = tpu.vector_load %arg10[%get3A_1062, %get3A_1063] {strides = array<i32>} : memref<125x80xi32, #tpu.memory_space<vmem>>, vector<16xi32>,
      %mul3A_1065 = arith.constant 3 : i32
      %mul3A_1066 = vector.broadcast %mul3A_1065 : i32 to vector<16xi32>
      %mul3A_1067 = arith.muli %get3A_1064, %mul3A_1066 : vector<16xi32>
      %get3A_1068 = arith.index_cast %add3A_444 : i32 to index
      %get3A_1069 = arith.constant 48 : index
      %get3A_1070 = tpu.vector_load %arg11[%get3A_1068, %get3A_1069] {strides = array<i32>} : memref<125x80xi32, #tpu.memory_space<vmem>>, vector<16xi32>,
      %add3A_1071 = arith.constant 48 : i32
      %add3A_1072 = vector.broadcast %add3A_1071 : i32 to vector<16xi32>
      %add3A_1073 = arith.addi %iota3A, %add3A_1072 : vector<16xi32>
      %mul3A_1074 = arith.constant 8 : i32
      %mul3A_1075 = vector.broadcast %mul3A_1074 : i32 to vector<16xi32>
      %mul3A_1076 = arith.muli %add3A_1073, %mul3A_1075 : vector<16xi32>
      %add3A_1077 = arith.constant 0 : i32
      %add3A_1078 = vector.broadcast %add3A_1077 : i32 to vector<16xi32>
      %add3A_1079 = arith.addi %mul3A_1076, %add3A_1078 : vector<16xi32>
      %add3A_1080 = arith.constant 0 : i32
      %add3A_1081 = vector.broadcast %add3A_1080 : i32 to vector<16xi32>
      %add3A_1082 = arith.addi %mul3A_1067, %add3A_1081 : vector<16xi32>
      %gather3A_1083 = tpu.vector_load_idx %arg8[%add3A_1082] : memref<30000xf32, #tpu.memory_space<vmem>>[vector<16xi32>], vector<16xf32>,
      tpu.vector_store_idx %arg13[%add3A_1079], %gather3A_1083 : memref<640xf32, #tpu.memory_space<vmem>>[vector<16xi32>], vector<16xf32>,
      %add3A_1084 = arith.constant 3 : i32
      %add3A_1085 = vector.broadcast %add3A_1084 : i32 to vector<16xi32>
      %add3A_1086 = arith.addi %mul3A_1076, %add3A_1085 : vector<16xi32>
      %add3A_1087 = arith.constant 0 : i32
      %add3A_1088 = vector.broadcast %add3A_1087 : i32 to vector<16xi32>
      %add3A_1089 = arith.addi %add3A_1086, %add3A_1088 : vector<16xi32>
      %mul3A_1090 = arith.constant 3 : i32
      %mul3A_1091 = vector.broadcast %mul3A_1090 : i32 to vector<16xi32>
      %mul3A_1092 = arith.muli %get3A_1070, %mul3A_1091 : vector<16xi32>
      %add3A_1093 = arith.constant 0 : i32
      %add3A_1094 = vector.broadcast %add3A_1093 : i32 to vector<16xi32>
      %add3A_1095 = arith.addi %mul3A_1092, %add3A_1094 : vector<16xi32>
      %gather3A_1096 = tpu.vector_load_idx %arg9[%add3A_1095] : memref<30000xf32, #tpu.memory_space<vmem>>[vector<16xi32>], vector<16xf32>,
      tpu.vector_store_idx %arg13[%add3A_1089], %gather3A_1096 : memref<640xf32, #tpu.memory_space<vmem>>[vector<16xi32>], vector<16xf32>,
      %add3A_1097 = arith.constant 1 : i32
      %add3A_1098 = vector.broadcast %add3A_1097 : i32 to vector<16xi32>
      %add3A_1099 = arith.addi %mul3A_1076, %add3A_1098 : vector<16xi32>
      %add3A_1100 = arith.constant 1 : i32
      %add3A_1101 = vector.broadcast %add3A_1100 : i32 to vector<16xi32>
      %add3A_1102 = arith.addi %mul3A_1067, %add3A_1101 : vector<16xi32>
      %gather3A_1103 = tpu.vector_load_idx %arg8[%add3A_1102] : memref<30000xf32, #tpu.memory_space<vmem>>[vector<16xi32>], vector<16xf32>,
      tpu.vector_store_idx %arg13[%add3A_1099], %gather3A_1103 : memref<640xf32, #tpu.memory_space<vmem>>[vector<16xi32>], vector<16xf32>,
      %add3A_1104 = arith.constant 3 : i32
      %add3A_1105 = vector.broadcast %add3A_1104 : i32 to vector<16xi32>
      %add3A_1106 = arith.addi %mul3A_1076, %add3A_1105 : vector<16xi32>
      %add3A_1107 = arith.constant 1 : i32
      %add3A_1108 = vector.broadcast %add3A_1107 : i32 to vector<16xi32>
      %add3A_1109 = arith.addi %add3A_1106, %add3A_1108 : vector<16xi32>
      %mul3A_1110 = arith.constant 3 : i32
      %mul3A_1111 = vector.broadcast %mul3A_1110 : i32 to vector<16xi32>
      %mul3A_1112 = arith.muli %get3A_1070, %mul3A_1111 : vector<16xi32>
      %add3A_1113 = arith.constant 1 : i32
      %add3A_1114 = vector.broadcast %add3A_1113 : i32 to vector<16xi32>
      %add3A_1115 = arith.addi %mul3A_1112, %add3A_1114 : vector<16xi32>
      %gather3A_1116 = tpu.vector_load_idx %arg9[%add3A_1115] : memref<30000xf32, #tpu.memory_space<vmem>>[vector<16xi32>], vector<16xf32>,
      tpu.vector_store_idx %arg13[%add3A_1109], %gather3A_1116 : memref<640xf32, #tpu.memory_space<vmem>>[vector<16xi32>], vector<16xf32>,
      %add3A_1117 = arith.constant 2 : i32
      %add3A_1118 = vector.broadcast %add3A_1117 : i32 to vector<16xi32>
      %add3A_1119 = arith.addi %mul3A_1076, %add3A_1118 : vector<16xi32>
      %add3A_1120 = arith.constant 2 : i32
      %add3A_1121 = vector.broadcast %add3A_1120 : i32 to vector<16xi32>
      %add3A_1122 = arith.addi %mul3A_1067, %add3A_1121 : vector<16xi32>
      %gather3A_1123 = tpu.vector_load_idx %arg8[%add3A_1122] : memref<30000xf32, #tpu.memory_space<vmem>>[vector<16xi32>], vector<16xf32>,
      tpu.vector_store_idx %arg13[%add3A_1119], %gather3A_1123 : memref<640xf32, #tpu.memory_space<vmem>>[vector<16xi32>], vector<16xf32>,
      %add3A_1124 = arith.constant 3 : i32
      %add3A_1125 = vector.broadcast %add3A_1124 : i32 to vector<16xi32>
      %add3A_1126 = arith.addi %mul3A_1076, %add3A_1125 : vector<16xi32>
      %add3A_1127 = arith.constant 2 : i32
      %add3A_1128 = vector.broadcast %add3A_1127 : i32 to vector<16xi32>
      %add3A_1129 = arith.addi %add3A_1126, %add3A_1128 : vector<16xi32>
      %mul3A_1130 = arith.constant 3 : i32
      %mul3A_1131 = vector.broadcast %mul3A_1130 : i32 to vector<16xi32>
      %mul3A_1132 = arith.muli %get3A_1070, %mul3A_1131 : vector<16xi32>
      %add3A_1133 = arith.constant 2 : i32
      %add3A_1134 = vector.broadcast %add3A_1133 : i32 to vector<16xi32>
      %add3A_1135 = arith.addi %mul3A_1132, %add3A_1134 : vector<16xi32>
      %gather3A_1136 = tpu.vector_load_idx %arg9[%add3A_1135] : memref<30000xf32, #tpu.memory_space<vmem>>[vector<16xi32>], vector<16xf32>,
      tpu.vector_store_idx %arg13[%add3A_1129], %gather3A_1136 : memref<640xf32, #tpu.memory_space<vmem>>[vector<16xi32>], vector<16xf32>,
      tpu.vector_store_idx %arg14[%get3A_1070], %broadcast_in_dim3A_14 {add = true} : memref<10000xf32, #tpu.memory_space<vmem>>[vector<16xi32>], vector<16xf32>,
      %get3A_1137 = arith.index_cast %add3A_444 : i32 to index
      %get3A_1138 = arith.constant 64 : index
      %get3A_1139 = tpu.vector_load %arg10[%get3A_1137, %get3A_1138] {strides = array<i32>} : memref<125x80xi32, #tpu.memory_space<vmem>>, vector<16xi32>,
      %mul3A_1140 = arith.constant 3 : i32
      %mul3A_1141 = vector.broadcast %mul3A_1140 : i32 to vector<16xi32>
      %mul3A_1142 = arith.muli %get3A_1139, %mul3A_1141 : vector<16xi32>
      %get3A_1143 = arith.index_cast %add3A_444 : i32 to index
      %get3A_1144 = arith.constant 64 : index
      %get3A_1145 = tpu.vector_load %arg11[%get3A_1143, %get3A_1144] {strides = array<i32>} : memref<125x80xi32, #tpu.memory_space<vmem>>, vector<16xi32>,
      %add3A_1146 = arith.constant 64 : i32
      %add3A_1147 = vector.broadcast %add3A_1146 : i32 to vector<16xi32>
      %add3A_1148 = arith.addi %iota3A, %add3A_1147 : vector<16xi32>
      %mul3A_1149 = arith.constant 8 : i32
      %mul3A_1150 = vector.broadcast %mul3A_1149 : i32 to vector<16xi32>
      %mul3A_1151 = arith.muli %add3A_1148, %mul3A_1150 : vector<16xi32>
      %add3A_1152 = arith.constant 0 : i32
      %add3A_1153 = vector.broadcast %add3A_1152 : i32 to vector<16xi32>
      %add3A_1154 = arith.addi %mul3A_1151, %add3A_1153 : vector<16xi32>
      %add3A_1155 = arith.constant 0 : i32
      %add3A_1156 = vector.broadcast %add3A_1155 : i32 to vector<16xi32>
      %add3A_1157 = arith.addi %mul3A_1142, %add3A_1156 : vector<16xi32>
      %gather3A_1158 = tpu.vector_load_idx %arg8[%add3A_1157] : memref<30000xf32, #tpu.memory_space<vmem>>[vector<16xi32>], vector<16xf32>,
      tpu.vector_store_idx %arg13[%add3A_1154], %gather3A_1158 : memref<640xf32, #tpu.memory_space<vmem>>[vector<16xi32>], vector<16xf32>,
      %add3A_1159 = arith.constant 3 : i32
      %add3A_1160 = vector.broadcast %add3A_1159 : i32 to vector<16xi32>
      %add3A_1161 = arith.addi %mul3A_1151, %add3A_1160 : vector<16xi32>
      %add3A_1162 = arith.constant 0 : i32
      %add3A_1163 = vector.broadcast %add3A_1162 : i32 to vector<16xi32>
      %add3A_1164 = arith.addi %add3A_1161, %add3A_1163 : vector<16xi32>
      %mul3A_1165 = arith.constant 3 : i32
      %mul3A_1166 = vector.broadcast %mul3A_1165 : i32 to vector<16xi32>
      %mul3A_1167 = arith.muli %get3A_1145, %mul3A_1166 : vector<16xi32>
      %add3A_1168 = arith.constant 0 : i32
      %add3A_1169 = vector.broadcast %add3A_1168 : i32 to vector<16xi32>
      %add3A_1170 = arith.addi %mul3A_1167, %add3A_1169 : vector<16xi32>
      %gather3A_1171 = tpu.vector_load_idx %arg9[%add3A_1170] : memref<30000xf32, #tpu.memory_space<vmem>>[vector<16xi32>], vector<16xf32>,
      tpu.vector_store_idx %arg13[%add3A_1164], %gather3A_1171 : memref<640xf32, #tpu.memory_space<vmem>>[vector<16xi32>], vector<16xf32>,
      %add3A_1172 = arith.constant 1 : i32
      %add3A_1173 = vector.broadcast %add3A_1172 : i32 to vector<16xi32>
      %add3A_1174 = arith.addi %mul3A_1151, %add3A_1173 : vector<16xi32>
      %add3A_1175 = arith.constant 1 : i32
      %add3A_1176 = vector.broadcast %add3A_1175 : i32 to vector<16xi32>
      %add3A_1177 = arith.addi %mul3A_1142, %add3A_1176 : vector<16xi32>
      %gather3A_1178 = tpu.vector_load_idx %arg8[%add3A_1177] : memref<30000xf32, #tpu.memory_space<vmem>>[vector<16xi32>], vector<16xf32>,
      tpu.vector_store_idx %arg13[%add3A_1174], %gather3A_1178 : memref<640xf32, #tpu.memory_space<vmem>>[vector<16xi32>], vector<16xf32>,
      %add3A_1179 = arith.constant 3 : i32
      %add3A_1180 = vector.broadcast %add3A_1179 : i32 to vector<16xi32>
      %add3A_1181 = arith.addi %mul3A_1151, %add3A_1180 : vector<16xi32>
      %add3A_1182 = arith.constant 1 : i32
      %add3A_1183 = vector.broadcast %add3A_1182 : i32 to vector<16xi32>
      %add3A_1184 = arith.addi %add3A_1181, %add3A_1183 : vector<16xi32>
      %mul3A_1185 = arith.constant 3 : i32
      %mul3A_1186 = vector.broadcast %mul3A_1185 : i32 to vector<16xi32>
      %mul3A_1187 = arith.muli %get3A_1145, %mul3A_1186 : vector<16xi32>
      %add3A_1188 = arith.constant 1 : i32
      %add3A_1189 = vector.broadcast %add3A_1188 : i32 to vector<16xi32>
      %add3A_1190 = arith.addi %mul3A_1187, %add3A_1189 : vector<16xi32>
      %gather3A_1191 = tpu.vector_load_idx %arg9[%add3A_1190] : memref<30000xf32, #tpu.memory_space<vmem>>[vector<16xi32>], vector<16xf32>,
      tpu.vector_store_idx %arg13[%add3A_1184], %gather3A_1191 : memref<640xf32, #tpu.memory_space<vmem>>[vector<16xi32>], vector<16xf32>,
      %add3A_1192 = arith.constant 2 : i32
      %add3A_1193 = vector.broadcast %add3A_1192 : i32 to vector<16xi32>
      %add3A_1194 = arith.addi %mul3A_1151, %add3A_1193 : vector<16xi32>
      %add3A_1195 = arith.constant 2 : i32
      %add3A_1196 = vector.broadcast %add3A_1195 : i32 to vector<16xi32>
      %add3A_1197 = arith.addi %mul3A_1142, %add3A_1196 : vector<16xi32>
      %gather3A_1198 = tpu.vector_load_idx %arg8[%add3A_1197] : memref<30000xf32, #tpu.memory_space<vmem>>[vector<16xi32>], vector<16xf32>,
      tpu.vector_store_idx %arg13[%add3A_1194], %gather3A_1198 : memref<640xf32, #tpu.memory_space<vmem>>[vector<16xi32>], vector<16xf32>,
      %add3A_1199 = arith.constant 3 : i32
      %add3A_1200 = vector.broadcast %add3A_1199 : i32 to vector<16xi32>
      %add3A_1201 = arith.addi %mul3A_1151, %add3A_1200 : vector<16xi32>
      %add3A_1202 = arith.constant 2 : i32
      %add3A_1203 = vector.broadcast %add3A_1202 : i32 to vector<16xi32>
      %add3A_1204 = arith.addi %add3A_1201, %add3A_1203 : vector<16xi32>
      %mul3A_1205 = arith.constant 3 : i32
      %mul3A_1206 = vector.broadcast %mul3A_1205 : i32 to vector<16xi32>
      %mul3A_1207 = arith.muli %get3A_1145, %mul3A_1206 : vector<16xi32>
      %add3A_1208 = arith.constant 2 : i32
      %add3A_1209 = vector.broadcast %add3A_1208 : i32 to vector<16xi32>
      %add3A_1210 = arith.addi %mul3A_1207, %add3A_1209 : vector<16xi32>
      %gather3A_1211 = tpu.vector_load_idx %arg9[%add3A_1210] : memref<30000xf32, #tpu.memory_space<vmem>>[vector<16xi32>], vector<16xf32>,
      tpu.vector_store_idx %arg13[%add3A_1204], %gather3A_1211 : memref<640xf32, #tpu.memory_space<vmem>>[vector<16xi32>], vector<16xf32>,
      tpu.vector_store_idx %arg14[%get3A_1145], %broadcast_in_dim3A_14 {add = true} : memref<10000xf32, #tpu.memory_space<vmem>>[vector<16xi32>], vector<16xf32>,
      %mul3A_1212 = arith.constant 80 : i32
      %mul3A_1213 = arith.muli %add3A_444, %mul3A_1212 : i32
      %add3A_1214 = arith.addi %mul3A_2, %mul3A_1213 : i32
      %mul3A_1215 = arith.constant 8 : i32
      %mul3A_1216 = arith.muli %add3A_1214, %mul3A_1215 : i32
      %dma_start3A_1217 = arith.constant 1 : i32
      %dma_start3A_1218 = tpu.memref_slice %arg6[%mul3A_1216] : memref<2560000xf32, #tpu.memory_space<hbm>> -> memref<640xf32, #tpu.memory_space<hbm>>
      %dma_start3A_1219 = tpu.memref_slice %arg15[%dma_start3A_1217] : memref<2x!tpu.dma_semaphore, #tpu.memory_space<semaphore_mem>> -> memref<1x!tpu.dma_semaphore, #tpu.memory_space<semaphore_mem>>
      %dma_start3A_1220 = tpu.memref_squeeze %dma_start3A_1219 : memref<1x!tpu.dma_semaphore, #tpu.memory_space<semaphore_mem>> -> memref<!tpu.dma_semaphore, #tpu.memory_space<semaphore_mem>>
      %dma_start3A_1221 = tpu.memref_slice %arg6[%mul3A_1216] : memref<2560000xf32, #tpu.memory_space<hbm>> -> memref<640xf32, #tpu.memory_space<hbm>>
      tpu.enqueue_dma source(%arg13 : memref<640xf32, #tpu.memory_space<vmem>>) target(%dma_start3A_1221 : memref<640xf32, #tpu.memory_space<hbm>>) target_semaphore(%dma_start3A_1220 : memref<!tpu.dma_semaphore, #tpu.memory_space<semaphore_mem>>)
    }
    %scan3A_20 = arith.constant 62 : i32
    %add3A_21 = arith.constant 9920 : i32
    %add3A_22 = arith.addi %mul3A_2, %add3A_21 : i32
    %mul3A_23 = arith.constant 8 : i32
    %mul3A_24 = arith.muli %add3A_22, %mul3A_23 : i32
    %dma_wait3A = arith.constant 0 : i32
    %dma_wait3A_25 = tpu.memref_slice %arg6[%mul3A_24] : memref<2560000xf32, #tpu.memory_space<hbm>> -> memref<640xf32, #tpu.memory_space<hbm>>
    %dma_wait3A_26 = tpu.memref_slice %arg15[%dma_wait3A] : memref<2x!tpu.dma_semaphore, #tpu.memory_space<semaphore_mem>> -> memref<1x!tpu.dma_semaphore, #tpu.memory_space<semaphore_mem>>
    %dma_wait3A_27 = tpu.memref_squeeze %dma_wait3A_26 : memref<1x!tpu.dma_semaphore, #tpu.memory_space<semaphore_mem>> -> memref<!tpu.dma_semaphore, #tpu.memory_space<semaphore_mem>>
    %dma_wait3A_28 = tpu.memref_slice %arg6[%mul3A_24] : memref<2560000xf32, #tpu.memory_space<hbm>> -> memref<640xf32, #tpu.memory_space<hbm>>
    tpu.wait_dma2 semaphore(%dma_wait3A_27 : memref<!tpu.dma_semaphore, #tpu.memory_space<semaphore_mem>>) src(%arg12 : memref<640xf32, #tpu.memory_space<vmem>>) dst(%dma_wait3A_28 : memref<640xf32, #tpu.memory_space<hbm>>)
    %get3A = arith.constant 124 : i32
    %get3A_29 = arith.index_cast %get3A : i32 to index
    %get3A_30 = arith.constant 0 : index
    %get3A_31 = tpu.vector_load %arg10[%get3A_29, %get3A_30] {strides = array<i32>} : memref<125x80xi32, #tpu.memory_space<vmem>>, vector<16xi32>,
    %mul3A_32 = arith.constant 3 : i32
    %mul3A_33 = vector.broadcast %mul3A_32 : i32 to vector<16xi32>
    %mul3A_34 = arith.muli %get3A_31, %mul3A_33 : vector<16xi32>
    %get3A_35 = arith.constant 124 : i32
    %get3A_36 = arith.index_cast %get3A_35 : i32 to index
    %get3A_37 = arith.constant 0 : index
    %get3A_38 = tpu.vector_load %arg11[%get3A_36, %get3A_37] {strides = array<i32>} : memref<125x80xi32, #tpu.memory_space<vmem>>, vector<16xi32>,
    %add3A_39 = arith.constant 0 : i32
    %add3A_40 = vector.broadcast %add3A_39 : i32 to vector<16xi32>
    %add3A_41 = arith.addi %iota3A, %add3A_40 : vector<16xi32>
    %mul3A_42 = arith.constant 8 : i32
    %mul3A_43 = vector.broadcast %mul3A_42 : i32 to vector<16xi32>
    %mul3A_44 = arith.muli %add3A_41, %mul3A_43 : vector<16xi32>
    %add3A_45 = arith.constant 0 : i32
    %add3A_46 = vector.broadcast %add3A_45 : i32 to vector<16xi32>
    %add3A_47 = arith.addi %mul3A_44, %add3A_46 : vector<16xi32>
    %add3A_48 = arith.constant 0 : i32
    %add3A_49 = vector.broadcast %add3A_48 : i32 to vector<16xi32>
    %add3A_50 = arith.addi %mul3A_34, %add3A_49 : vector<16xi32>
    %gather3A = tpu.vector_load_idx %arg8[%add3A_50] : memref<30000xf32, #tpu.memory_space<vmem>>[vector<16xi32>], vector<16xf32>,
    tpu.vector_store_idx %arg12[%add3A_47], %gather3A : memref<640xf32, #tpu.memory_space<vmem>>[vector<16xi32>], vector<16xf32>,
    %add3A_51 = arith.constant 3 : i32
    %add3A_52 = vector.broadcast %add3A_51 : i32 to vector<16xi32>
    %add3A_53 = arith.addi %mul3A_44, %add3A_52 : vector<16xi32>
    %add3A_54 = arith.constant 0 : i32
    %add3A_55 = vector.broadcast %add3A_54 : i32 to vector<16xi32>
    %add3A_56 = arith.addi %add3A_53, %add3A_55 : vector<16xi32>
    %mul3A_57 = arith.constant 3 : i32
    %mul3A_58 = vector.broadcast %mul3A_57 : i32 to vector<16xi32>
    %mul3A_59 = arith.muli %get3A_38, %mul3A_58 : vector<16xi32>
    %add3A_60 = arith.constant 0 : i32
    %add3A_61 = vector.broadcast %add3A_60 : i32 to vector<16xi32>
    %add3A_62 = arith.addi %mul3A_59, %add3A_61 : vector<16xi32>
    %gather3A_63 = tpu.vector_load_idx %arg9[%add3A_62] : memref<30000xf32, #tpu.memory_space<vmem>>[vector<16xi32>], vector<16xf32>,
    tpu.vector_store_idx %arg12[%add3A_56], %gather3A_63 : memref<640xf32, #tpu.memory_space<vmem>>[vector<16xi32>], vector<16xf32>,
    %add3A_64 = arith.constant 1 : i32
    %add3A_65 = vector.broadcast %add3A_64 : i32 to vector<16xi32>
    %add3A_66 = arith.addi %mul3A_44, %add3A_65 : vector<16xi32>
    %add3A_67 = arith.constant 1 : i32
    %add3A_68 = vector.broadcast %add3A_67 : i32 to vector<16xi32>
    %add3A_69 = arith.addi %mul3A_34, %add3A_68 : vector<16xi32>
    %gather3A_70 = tpu.vector_load_idx %arg8[%add3A_69] : memref<30000xf32, #tpu.memory_space<vmem>>[vector<16xi32>], vector<16xf32>,
    tpu.vector_store_idx %arg12[%add3A_66], %gather3A_70 : memref<640xf32, #tpu.memory_space<vmem>>[vector<16xi32>], vector<16xf32>,
    %add3A_71 = arith.constant 3 : i32
    %add3A_72 = vector.broadcast %add3A_71 : i32 to vector<16xi32>
    %add3A_73 = arith.addi %mul3A_44, %add3A_72 : vector<16xi32>
    %add3A_74 = arith.constant 1 : i32
    %add3A_75 = vector.broadcast %add3A_74 : i32 to vector<16xi32>
    %add3A_76 = arith.addi %add3A_73, %add3A_75 : vector<16xi32>
    %mul3A_77 = arith.constant 3 : i32
    %mul3A_78 = vector.broadcast %mul3A_77 : i32 to vector<16xi32>
    %mul3A_79 = arith.muli %get3A_38, %mul3A_78 : vector<16xi32>
    %add3A_80 = arith.constant 1 : i32
    %add3A_81 = vector.broadcast %add3A_80 : i32 to vector<16xi32>
    %add3A_82 = arith.addi %mul3A_79, %add3A_81 : vector<16xi32>
    %gather3A_83 = tpu.vector_load_idx %arg9[%add3A_82] : memref<30000xf32, #tpu.memory_space<vmem>>[vector<16xi32>], vector<16xf32>,
    tpu.vector_store_idx %arg12[%add3A_76], %gather3A_83 : memref<640xf32, #tpu.memory_space<vmem>>[vector<16xi32>], vector<16xf32>,
    %add3A_84 = arith.constant 2 : i32
    %add3A_85 = vector.broadcast %add3A_84 : i32 to vector<16xi32>
    %add3A_86 = arith.addi %mul3A_44, %add3A_85 : vector<16xi32>
    %add3A_87 = arith.constant 2 : i32
    %add3A_88 = vector.broadcast %add3A_87 : i32 to vector<16xi32>
    %add3A_89 = arith.addi %mul3A_34, %add3A_88 : vector<16xi32>
    %gather3A_90 = tpu.vector_load_idx %arg8[%add3A_89] : memref<30000xf32, #tpu.memory_space<vmem>>[vector<16xi32>], vector<16xf32>,
    tpu.vector_store_idx %arg12[%add3A_86], %gather3A_90 : memref<640xf32, #tpu.memory_space<vmem>>[vector<16xi32>], vector<16xf32>,
    %add3A_91 = arith.constant 3 : i32
    %add3A_92 = vector.broadcast %add3A_91 : i32 to vector<16xi32>
    %add3A_93 = arith.addi %mul3A_44, %add3A_92 : vector<16xi32>
    %add3A_94 = arith.constant 2 : i32
    %add3A_95 = vector.broadcast %add3A_94 : i32 to vector<16xi32>
    %add3A_96 = arith.addi %add3A_93, %add3A_95 : vector<16xi32>
    %mul3A_97 = arith.constant 3 : i32
    %mul3A_98 = vector.broadcast %mul3A_97 : i32 to vector<16xi32>
    %mul3A_99 = arith.muli %get3A_38, %mul3A_98 : vector<16xi32>
    %add3A_100 = arith.constant 2 : i32
    %add3A_101 = vector.broadcast %add3A_100 : i32 to vector<16xi32>
    %add3A_102 = arith.addi %mul3A_99, %add3A_101 : vector<16xi32>
    %gather3A_103 = tpu.vector_load_idx %arg9[%add3A_102] : memref<30000xf32, #tpu.memory_space<vmem>>[vector<16xi32>], vector<16xf32>,
    tpu.vector_store_idx %arg12[%add3A_96], %gather3A_103 : memref<640xf32, #tpu.memory_space<vmem>>[vector<16xi32>], vector<16xf32>,
    tpu.vector_store_idx %arg14[%get3A_38], %broadcast_in_dim3A_14 {add = true} : memref<10000xf32, #tpu.memory_space<vmem>>[vector<16xi32>], vector<16xf32>,
    %get3A_104 = arith.constant 124 : i32
    %get3A_105 = arith.index_cast %get3A_104 : i32 to index
    %get3A_106 = arith.constant 16 : index
    %get3A_107 = tpu.vector_load %arg10[%get3A_105, %get3A_106] {strides = array<i32>} : memref<125x80xi32, #tpu.memory_space<vmem>>, vector<16xi32>,
    %mul3A_108 = arith.constant 3 : i32
    %mul3A_109 = vector.broadcast %mul3A_108 : i32 to vector<16xi32>
    %mul3A_110 = arith.muli %get3A_107, %mul3A_109 : vector<16xi32>
    %get3A_111 = arith.constant 124 : i32
    %get3A_112 = arith.index_cast %get3A_111 : i32 to index
    %get3A_113 = arith.constant 16 : index
    %get3A_114 = tpu.vector_load %arg11[%get3A_112, %get3A_113] {strides = array<i32>} : memref<125x80xi32, #tpu.memory_space<vmem>>, vector<16xi32>,
    %add3A_115 = arith.constant 16 : i32
    %add3A_116 = vector.broadcast %add3A_115 : i32 to vector<16xi32>
    %add3A_117 = arith.addi %iota3A, %add3A_116 : vector<16xi32>
    %mul3A_118 = arith.constant 8 : i32
    %mul3A_119 = vector.broadcast %mul3A_118 : i32 to vector<16xi32>
    %mul3A_120 = arith.muli %add3A_117, %mul3A_119 : vector<16xi32>
    %add3A_121 = arith.constant 0 : i32
    %add3A_122 = vector.broadcast %add3A_121 : i32 to vector<16xi32>
    %add3A_123 = arith.addi %mul3A_120, %add3A_122 : vector<16xi32>
    %add3A_124 = arith.constant 0 : i32
    %add3A_125 = vector.broadcast %add3A_124 : i32 to vector<16xi32>
    %add3A_126 = arith.addi %mul3A_110, %add3A_125 : vector<16xi32>
    %gather3A_127 = tpu.vector_load_idx %arg8[%add3A_126] : memref<30000xf32, #tpu.memory_space<vmem>>[vector<16xi32>], vector<16xf32>,
    tpu.vector_store_idx %arg12[%add3A_123], %gather3A_127 : memref<640xf32, #tpu.memory_space<vmem>>[vector<16xi32>], vector<16xf32>,
    %add3A_128 = arith.constant 3 : i32
    %add3A_129 = vector.broadcast %add3A_128 : i32 to vector<16xi32>
    %add3A_130 = arith.addi %mul3A_120, %add3A_129 : vector<16xi32>
    %add3A_131 = arith.constant 0 : i32
    %add3A_132 = vector.broadcast %add3A_131 : i32 to vector<16xi32>
    %add3A_133 = arith.addi %add3A_130, %add3A_132 : vector<16xi32>
    %mul3A_134 = arith.constant 3 : i32
    %mul3A_135 = vector.broadcast %mul3A_134 : i32 to vector<16xi32>
    %mul3A_136 = arith.muli %get3A_114, %mul3A_135 : vector<16xi32>
    %add3A_137 = arith.constant 0 : i32
    %add3A_138 = vector.broadcast %add3A_137 : i32 to vector<16xi32>
    %add3A_139 = arith.addi %mul3A_136, %add3A_138 : vector<16xi32>
    %gather3A_140 = tpu.vector_load_idx %arg9[%add3A_139] : memref<30000xf32, #tpu.memory_space<vmem>>[vector<16xi32>], vector<16xf32>,
    tpu.vector_store_idx %arg12[%add3A_133], %gather3A_140 : memref<640xf32, #tpu.memory_space<vmem>>[vector<16xi32>], vector<16xf32>,
    %add3A_141 = arith.constant 1 : i32
    %add3A_142 = vector.broadcast %add3A_141 : i32 to vector<16xi32>
    %add3A_143 = arith.addi %mul3A_120, %add3A_142 : vector<16xi32>
    %add3A_144 = arith.constant 1 : i32
    %add3A_145 = vector.broadcast %add3A_144 : i32 to vector<16xi32>
    %add3A_146 = arith.addi %mul3A_110, %add3A_145 : vector<16xi32>
    %gather3A_147 = tpu.vector_load_idx %arg8[%add3A_146] : memref<30000xf32, #tpu.memory_space<vmem>>[vector<16xi32>], vector<16xf32>,
    tpu.vector_store_idx %arg12[%add3A_143], %gather3A_147 : memref<640xf32, #tpu.memory_space<vmem>>[vector<16xi32>], vector<16xf32>,
    %add3A_148 = arith.constant 3 : i32
    %add3A_149 = vector.broadcast %add3A_148 : i32 to vector<16xi32>
    %add3A_150 = arith.addi %mul3A_120, %add3A_149 : vector<16xi32>
    %add3A_151 = arith.constant 1 : i32
    %add3A_152 = vector.broadcast %add3A_151 : i32 to vector<16xi32>
    %add3A_153 = arith.addi %add3A_150, %add3A_152 : vector<16xi32>
    %mul3A_154 = arith.constant 3 : i32
    %mul3A_155 = vector.broadcast %mul3A_154 : i32 to vector<16xi32>
    %mul3A_156 = arith.muli %get3A_114, %mul3A_155 : vector<16xi32>
    %add3A_157 = arith.constant 1 : i32
    %add3A_158 = vector.broadcast %add3A_157 : i32 to vector<16xi32>
    %add3A_159 = arith.addi %mul3A_156, %add3A_158 : vector<16xi32>
    %gather3A_160 = tpu.vector_load_idx %arg9[%add3A_159] : memref<30000xf32, #tpu.memory_space<vmem>>[vector<16xi32>], vector<16xf32>,
    tpu.vector_store_idx %arg12[%add3A_153], %gather3A_160 : memref<640xf32, #tpu.memory_space<vmem>>[vector<16xi32>], vector<16xf32>,
    %add3A_161 = arith.constant 2 : i32
    %add3A_162 = vector.broadcast %add3A_161 : i32 to vector<16xi32>
    %add3A_163 = arith.addi %mul3A_120, %add3A_162 : vector<16xi32>
    %add3A_164 = arith.constant 2 : i32
    %add3A_165 = vector.broadcast %add3A_164 : i32 to vector<16xi32>
    %add3A_166 = arith.addi %mul3A_110, %add3A_165 : vector<16xi32>
    %gather3A_167 = tpu.vector_load_idx %arg8[%add3A_166] : memref<30000xf32, #tpu.memory_space<vmem>>[vector<16xi32>], vector<16xf32>,
    tpu.vector_store_idx %arg12[%add3A_163], %gather3A_167 : memref<640xf32, #tpu.memory_space<vmem>>[vector<16xi32>], vector<16xf32>,
    %add3A_168 = arith.constant 3 : i32
    %add3A_169 = vector.broadcast %add3A_168 : i32 to vector<16xi32>
    %add3A_170 = arith.addi %mul3A_120, %add3A_169 : vector<16xi32>
    %add3A_171 = arith.constant 2 : i32
    %add3A_172 = vector.broadcast %add3A_171 : i32 to vector<16xi32>
    %add3A_173 = arith.addi %add3A_170, %add3A_172 : vector<16xi32>
    %mul3A_174 = arith.constant 3 : i32
    %mul3A_175 = vector.broadcast %mul3A_174 : i32 to vector<16xi32>
    %mul3A_176 = arith.muli %get3A_114, %mul3A_175 : vector<16xi32>
    %add3A_177 = arith.constant 2 : i32
    %add3A_178 = vector.broadcast %add3A_177 : i32 to vector<16xi32>
    %add3A_179 = arith.addi %mul3A_176, %add3A_178 : vector<16xi32>
    %gather3A_180 = tpu.vector_load_idx %arg9[%add3A_179] : memref<30000xf32, #tpu.memory_space<vmem>>[vector<16xi32>], vector<16xf32>,
    tpu.vector_store_idx %arg12[%add3A_173], %gather3A_180 : memref<640xf32, #tpu.memory_space<vmem>>[vector<16xi32>], vector<16xf32>,
    tpu.vector_store_idx %arg14[%get3A_114], %broadcast_in_dim3A_14 {add = true} : memref<10000xf32, #tpu.memory_space<vmem>>[vector<16xi32>], vector<16xf32>,
    %get3A_181 = arith.constant 124 : i32
    %get3A_182 = arith.index_cast %get3A_181 : i32 to index
    %get3A_183 = arith.constant 32 : index
    %get3A_184 = tpu.vector_load %arg10[%get3A_182, %get3A_183] {strides = array<i32>} : memref<125x80xi32, #tpu.memory_space<vmem>>, vector<16xi32>,
    %mul3A_185 = arith.constant 3 : i32
    %mul3A_186 = vector.broadcast %mul3A_185 : i32 to vector<16xi32>
    %mul3A_187 = arith.muli %get3A_184, %mul3A_186 : vector<16xi32>
    %get3A_188 = arith.constant 124 : i32
    %get3A_189 = arith.index_cast %get3A_188 : i32 to index
    %get3A_190 = arith.constant 32 : index
    %get3A_191 = tpu.vector_load %arg11[%get3A_189, %get3A_190] {strides = array<i32>} : memref<125x80xi32, #tpu.memory_space<vmem>>, vector<16xi32>,
    %add3A_192 = arith.constant 32 : i32
    %add3A_193 = vector.broadcast %add3A_192 : i32 to vector<16xi32>
    %add3A_194 = arith.addi %iota3A, %add3A_193 : vector<16xi32>
    %mul3A_195 = arith.constant 8 : i32
    %mul3A_196 = vector.broadcast %mul3A_195 : i32 to vector<16xi32>
    %mul3A_197 = arith.muli %add3A_194, %mul3A_196 : vector<16xi32>
    %add3A_198 = arith.constant 0 : i32
    %add3A_199 = vector.broadcast %add3A_198 : i32 to vector<16xi32>
    %add3A_200 = arith.addi %mul3A_197, %add3A_199 : vector<16xi32>
    %add3A_201 = arith.constant 0 : i32
    %add3A_202 = vector.broadcast %add3A_201 : i32 to vector<16xi32>
    %add3A_203 = arith.addi %mul3A_187, %add3A_202 : vector<16xi32>
    %gather3A_204 = tpu.vector_load_idx %arg8[%add3A_203] : memref<30000xf32, #tpu.memory_space<vmem>>[vector<16xi32>], vector<16xf32>,
    tpu.vector_store_idx %arg12[%add3A_200], %gather3A_204 : memref<640xf32, #tpu.memory_space<vmem>>[vector<16xi32>], vector<16xf32>,
    %add3A_205 = arith.constant 3 : i32
    %add3A_206 = vector.broadcast %add3A_205 : i32 to vector<16xi32>
    %add3A_207 = arith.addi %mul3A_197, %add3A_206 : vector<16xi32>
    %add3A_208 = arith.constant 0 : i32
    %add3A_209 = vector.broadcast %add3A_208 : i32 to vector<16xi32>
    %add3A_210 = arith.addi %add3A_207, %add3A_209 : vector<16xi32>
    %mul3A_211 = arith.constant 3 : i32
    %mul3A_212 = vector.broadcast %mul3A_211 : i32 to vector<16xi32>
    %mul3A_213 = arith.muli %get3A_191, %mul3A_212 : vector<16xi32>
    %add3A_214 = arith.constant 0 : i32
    %add3A_215 = vector.broadcast %add3A_214 : i32 to vector<16xi32>
    %add3A_216 = arith.addi %mul3A_213, %add3A_215 : vector<16xi32>
    %gather3A_217 = tpu.vector_load_idx %arg9[%add3A_216] : memref<30000xf32, #tpu.memory_space<vmem>>[vector<16xi32>], vector<16xf32>,
    tpu.vector_store_idx %arg12[%add3A_210], %gather3A_217 : memref<640xf32, #tpu.memory_space<vmem>>[vector<16xi32>], vector<16xf32>,
    %add3A_218 = arith.constant 1 : i32
    %add3A_219 = vector.broadcast %add3A_218 : i32 to vector<16xi32>
    %add3A_220 = arith.addi %mul3A_197, %add3A_219 : vector<16xi32>
    %add3A_221 = arith.constant 1 : i32
    %add3A_222 = vector.broadcast %add3A_221 : i32 to vector<16xi32>
    %add3A_223 = arith.addi %mul3A_187, %add3A_222 : vector<16xi32>
    %gather3A_224 = tpu.vector_load_idx %arg8[%add3A_223] : memref<30000xf32, #tpu.memory_space<vmem>>[vector<16xi32>], vector<16xf32>,
    tpu.vector_store_idx %arg12[%add3A_220], %gather3A_224 : memref<640xf32, #tpu.memory_space<vmem>>[vector<16xi32>], vector<16xf32>,
    %add3A_225 = arith.constant 3 : i32
    %add3A_226 = vector.broadcast %add3A_225 : i32 to vector<16xi32>
    %add3A_227 = arith.addi %mul3A_197, %add3A_226 : vector<16xi32>
    %add3A_228 = arith.constant 1 : i32
    %add3A_229 = vector.broadcast %add3A_228 : i32 to vector<16xi32>
    %add3A_230 = arith.addi %add3A_227, %add3A_229 : vector<16xi32>
    %mul3A_231 = arith.constant 3 : i32
    %mul3A_232 = vector.broadcast %mul3A_231 : i32 to vector<16xi32>
    %mul3A_233 = arith.muli %get3A_191, %mul3A_232 : vector<16xi32>
    %add3A_234 = arith.constant 1 : i32
    %add3A_235 = vector.broadcast %add3A_234 : i32 to vector<16xi32>
    %add3A_236 = arith.addi %mul3A_233, %add3A_235 : vector<16xi32>
    %gather3A_237 = tpu.vector_load_idx %arg9[%add3A_236] : memref<30000xf32, #tpu.memory_space<vmem>>[vector<16xi32>], vector<16xf32>,
    tpu.vector_store_idx %arg12[%add3A_230], %gather3A_237 : memref<640xf32, #tpu.memory_space<vmem>>[vector<16xi32>], vector<16xf32>,
    %add3A_238 = arith.constant 2 : i32
    %add3A_239 = vector.broadcast %add3A_238 : i32 to vector<16xi32>
    %add3A_240 = arith.addi %mul3A_197, %add3A_239 : vector<16xi32>
    %add3A_241 = arith.constant 2 : i32
    %add3A_242 = vector.broadcast %add3A_241 : i32 to vector<16xi32>
    %add3A_243 = arith.addi %mul3A_187, %add3A_242 : vector<16xi32>
    %gather3A_244 = tpu.vector_load_idx %arg8[%add3A_243] : memref<30000xf32, #tpu.memory_space<vmem>>[vector<16xi32>], vector<16xf32>,
    tpu.vector_store_idx %arg12[%add3A_240], %gather3A_244 : memref<640xf32, #tpu.memory_space<vmem>>[vector<16xi32>], vector<16xf32>,
    %add3A_245 = arith.constant 3 : i32
    %add3A_246 = vector.broadcast %add3A_245 : i32 to vector<16xi32>
    %add3A_247 = arith.addi %mul3A_197, %add3A_246 : vector<16xi32>
    %add3A_248 = arith.constant 2 : i32
    %add3A_249 = vector.broadcast %add3A_248 : i32 to vector<16xi32>
    %add3A_250 = arith.addi %add3A_247, %add3A_249 : vector<16xi32>
    %mul3A_251 = arith.constant 3 : i32
    %mul3A_252 = vector.broadcast %mul3A_251 : i32 to vector<16xi32>
    %mul3A_253 = arith.muli %get3A_191, %mul3A_252 : vector<16xi32>
    %add3A_254 = arith.constant 2 : i32
    %add3A_255 = vector.broadcast %add3A_254 : i32 to vector<16xi32>
    %add3A_256 = arith.addi %mul3A_253, %add3A_255 : vector<16xi32>
    %gather3A_257 = tpu.vector_load_idx %arg9[%add3A_256] : memref<30000xf32, #tpu.memory_space<vmem>>[vector<16xi32>], vector<16xf32>,
    tpu.vector_store_idx %arg12[%add3A_250], %gather3A_257 : memref<640xf32, #tpu.memory_space<vmem>>[vector<16xi32>], vector<16xf32>,
    tpu.vector_store_idx %arg14[%get3A_191], %broadcast_in_dim3A_14 {add = true} : memref<10000xf32, #tpu.memory_space<vmem>>[vector<16xi32>], vector<16xf32>,
    %get3A_258 = arith.constant 124 : i32
    %get3A_259 = arith.index_cast %get3A_258 : i32 to index
    %get3A_260 = arith.constant 48 : index
    %get3A_261 = tpu.vector_load %arg10[%get3A_259, %get3A_260] {strides = array<i32>} : memref<125x80xi32, #tpu.memory_space<vmem>>, vector<16xi32>,
    %mul3A_262 = arith.constant 3 : i32
    %mul3A_263 = vector.broadcast %mul3A_262 : i32 to vector<16xi32>
    %mul3A_264 = arith.muli %get3A_261, %mul3A_263 : vector<16xi32>
    %get3A_265 = arith.constant 124 : i32
    %get3A_266 = arith.index_cast %get3A_265 : i32 to index
    %get3A_267 = arith.constant 48 : index
    %get3A_268 = tpu.vector_load %arg11[%get3A_266, %get3A_267] {strides = array<i32>} : memref<125x80xi32, #tpu.memory_space<vmem>>, vector<16xi32>,
    %add3A_269 = arith.constant 48 : i32
    %add3A_270 = vector.broadcast %add3A_269 : i32 to vector<16xi32>
    %add3A_271 = arith.addi %iota3A, %add3A_270 : vector<16xi32>
    %mul3A_272 = arith.constant 8 : i32
    %mul3A_273 = vector.broadcast %mul3A_272 : i32 to vector<16xi32>
    %mul3A_274 = arith.muli %add3A_271, %mul3A_273 : vector<16xi32>
    %add3A_275 = arith.constant 0 : i32
    %add3A_276 = vector.broadcast %add3A_275 : i32 to vector<16xi32>
    %add3A_277 = arith.addi %mul3A_274, %add3A_276 : vector<16xi32>
    %add3A_278 = arith.constant 0 : i32
    %add3A_279 = vector.broadcast %add3A_278 : i32 to vector<16xi32>
    %add3A_280 = arith.addi %mul3A_264, %add3A_279 : vector<16xi32>
    %gather3A_281 = tpu.vector_load_idx %arg8[%add3A_280] : memref<30000xf32, #tpu.memory_space<vmem>>[vector<16xi32>], vector<16xf32>,
    tpu.vector_store_idx %arg12[%add3A_277], %gather3A_281 : memref<640xf32, #tpu.memory_space<vmem>>[vector<16xi32>], vector<16xf32>,
    %add3A_282 = arith.constant 3 : i32
    %add3A_283 = vector.broadcast %add3A_282 : i32 to vector<16xi32>
    %add3A_284 = arith.addi %mul3A_274, %add3A_283 : vector<16xi32>
    %add3A_285 = arith.constant 0 : i32
    %add3A_286 = vector.broadcast %add3A_285 : i32 to vector<16xi32>
    %add3A_287 = arith.addi %add3A_284, %add3A_286 : vector<16xi32>
    %mul3A_288 = arith.constant 3 : i32
    %mul3A_289 = vector.broadcast %mul3A_288 : i32 to vector<16xi32>
    %mul3A_290 = arith.muli %get3A_268, %mul3A_289 : vector<16xi32>
    %add3A_291 = arith.constant 0 : i32
    %add3A_292 = vector.broadcast %add3A_291 : i32 to vector<16xi32>
    %add3A_293 = arith.addi %mul3A_290, %add3A_292 : vector<16xi32>
    %gather3A_294 = tpu.vector_load_idx %arg9[%add3A_293] : memref<30000xf32, #tpu.memory_space<vmem>>[vector<16xi32>], vector<16xf32>,
    tpu.vector_store_idx %arg12[%add3A_287], %gather3A_294 : memref<640xf32, #tpu.memory_space<vmem>>[vector<16xi32>], vector<16xf32>,
    %add3A_295 = arith.constant 1 : i32
    %add3A_296 = vector.broadcast %add3A_295 : i32 to vector<16xi32>
    %add3A_297 = arith.addi %mul3A_274, %add3A_296 : vector<16xi32>
    %add3A_298 = arith.constant 1 : i32
    %add3A_299 = vector.broadcast %add3A_298 : i32 to vector<16xi32>
    %add3A_300 = arith.addi %mul3A_264, %add3A_299 : vector<16xi32>
    %gather3A_301 = tpu.vector_load_idx %arg8[%add3A_300] : memref<30000xf32, #tpu.memory_space<vmem>>[vector<16xi32>], vector<16xf32>,
    tpu.vector_store_idx %arg12[%add3A_297], %gather3A_301 : memref<640xf32, #tpu.memory_space<vmem>>[vector<16xi32>], vector<16xf32>,
    %add3A_302 = arith.constant 3 : i32
    %add3A_303 = vector.broadcast %add3A_302 : i32 to vector<16xi32>
    %add3A_304 = arith.addi %mul3A_274, %add3A_303 : vector<16xi32>
    %add3A_305 = arith.constant 1 : i32
    %add3A_306 = vector.broadcast %add3A_305 : i32 to vector<16xi32>
    %add3A_307 = arith.addi %add3A_304, %add3A_306 : vector<16xi32>
    %mul3A_308 = arith.constant 3 : i32
    %mul3A_309 = vector.broadcast %mul3A_308 : i32 to vector<16xi32>
    %mul3A_310 = arith.muli %get3A_268, %mul3A_309 : vector<16xi32>
    %add3A_311 = arith.constant 1 : i32
    %add3A_312 = vector.broadcast %add3A_311 : i32 to vector<16xi32>
    %add3A_313 = arith.addi %mul3A_310, %add3A_312 : vector<16xi32>
    %gather3A_314 = tpu.vector_load_idx %arg9[%add3A_313] : memref<30000xf32, #tpu.memory_space<vmem>>[vector<16xi32>], vector<16xf32>,
    tpu.vector_store_idx %arg12[%add3A_307], %gather3A_314 : memref<640xf32, #tpu.memory_space<vmem>>[vector<16xi32>], vector<16xf32>,
    %add3A_315 = arith.constant 2 : i32
    %add3A_316 = vector.broadcast %add3A_315 : i32 to vector<16xi32>
    %add3A_317 = arith.addi %mul3A_274, %add3A_316 : vector<16xi32>
    %add3A_318 = arith.constant 2 : i32
    %add3A_319 = vector.broadcast %add3A_318 : i32 to vector<16xi32>
    %add3A_320 = arith.addi %mul3A_264, %add3A_319 : vector<16xi32>
    %gather3A_321 = tpu.vector_load_idx %arg8[%add3A_320] : memref<30000xf32, #tpu.memory_space<vmem>>[vector<16xi32>], vector<16xf32>,
    tpu.vector_store_idx %arg12[%add3A_317], %gather3A_321 : memref<640xf32, #tpu.memory_space<vmem>>[vector<16xi32>], vector<16xf32>,
    %add3A_322 = arith.constant 3 : i32
    %add3A_323 = vector.broadcast %add3A_322 : i32 to vector<16xi32>
    %add3A_324 = arith.addi %mul3A_274, %add3A_323 : vector<16xi32>
    %add3A_325 = arith.constant 2 : i32
    %add3A_326 = vector.broadcast %add3A_325 : i32 to vector<16xi32>
    %add3A_327 = arith.addi %add3A_324, %add3A_326 : vector<16xi32>
    %mul3A_328 = arith.constant 3 : i32
    %mul3A_329 = vector.broadcast %mul3A_328 : i32 to vector<16xi32>
    %mul3A_330 = arith.muli %get3A_268, %mul3A_329 : vector<16xi32>
    %add3A_331 = arith.constant 2 : i32
    %add3A_332 = vector.broadcast %add3A_331 : i32 to vector<16xi32>
    %add3A_333 = arith.addi %mul3A_330, %add3A_332 : vector<16xi32>
    %gather3A_334 = tpu.vector_load_idx %arg9[%add3A_333] : memref<30000xf32, #tpu.memory_space<vmem>>[vector<16xi32>], vector<16xf32>,
    tpu.vector_store_idx %arg12[%add3A_327], %gather3A_334 : memref<640xf32, #tpu.memory_space<vmem>>[vector<16xi32>], vector<16xf32>,
    tpu.vector_store_idx %arg14[%get3A_268], %broadcast_in_dim3A_14 {add = true} : memref<10000xf32, #tpu.memory_space<vmem>>[vector<16xi32>], vector<16xf32>,
    %get3A_335 = arith.constant 124 : i32
    %get3A_336 = arith.index_cast %get3A_335 : i32 to index
    %get3A_337 = arith.constant 64 : index
    %get3A_338 = tpu.vector_load %arg10[%get3A_336, %get3A_337] {strides = array<i32>} : memref<125x80xi32, #tpu.memory_space<vmem>>, vector<16xi32>,
    %mul3A_339 = arith.constant 3 : i32
    %mul3A_340 = vector.broadcast %mul3A_339 : i32 to vector<16xi32>
    %mul3A_341 = arith.muli %get3A_338, %mul3A_340 : vector<16xi32>
    %get3A_342 = arith.constant 124 : i32
    %get3A_343 = arith.index_cast %get3A_342 : i32 to index
    %get3A_344 = arith.constant 64 : index
    %get3A_345 = tpu.vector_load %arg11[%get3A_343, %get3A_344] {strides = array<i32>} : memref<125x80xi32, #tpu.memory_space<vmem>>, vector<16xi32>,
    %add3A_346 = arith.constant 64 : i32
    %add3A_347 = vector.broadcast %add3A_346 : i32 to vector<16xi32>
    %add3A_348 = arith.addi %iota3A, %add3A_347 : vector<16xi32>
    %mul3A_349 = arith.constant 8 : i32
    %mul3A_350 = vector.broadcast %mul3A_349 : i32 to vector<16xi32>
    %mul3A_351 = arith.muli %add3A_348, %mul3A_350 : vector<16xi32>
    %add3A_352 = arith.constant 0 : i32
    %add3A_353 = vector.broadcast %add3A_352 : i32 to vector<16xi32>
    %add3A_354 = arith.addi %mul3A_351, %add3A_353 : vector<16xi32>
    %add3A_355 = arith.constant 0 : i32
    %add3A_356 = vector.broadcast %add3A_355 : i32 to vector<16xi32>
    %add3A_357 = arith.addi %mul3A_341, %add3A_356 : vector<16xi32>
    %gather3A_358 = tpu.vector_load_idx %arg8[%add3A_357] : memref<30000xf32, #tpu.memory_space<vmem>>[vector<16xi32>], vector<16xf32>,
    tpu.vector_store_idx %arg12[%add3A_354], %gather3A_358 : memref<640xf32, #tpu.memory_space<vmem>>[vector<16xi32>], vector<16xf32>,
    %add3A_359 = arith.constant 3 : i32
    %add3A_360 = vector.broadcast %add3A_359 : i32 to vector<16xi32>
    %add3A_361 = arith.addi %mul3A_351, %add3A_360 : vector<16xi32>
    %add3A_362 = arith.constant 0 : i32
    %add3A_363 = vector.broadcast %add3A_362 : i32 to vector<16xi32>
    %add3A_364 = arith.addi %add3A_361, %add3A_363 : vector<16xi32>
    %mul3A_365 = arith.constant 3 : i32
    %mul3A_366 = vector.broadcast %mul3A_365 : i32 to vector<16xi32>
    %mul3A_367 = arith.muli %get3A_345, %mul3A_366 : vector<16xi32>
    %add3A_368 = arith.constant 0 : i32
    %add3A_369 = vector.broadcast %add3A_368 : i32 to vector<16xi32>
    %add3A_370 = arith.addi %mul3A_367, %add3A_369 : vector<16xi32>
    %gather3A_371 = tpu.vector_load_idx %arg9[%add3A_370] : memref<30000xf32, #tpu.memory_space<vmem>>[vector<16xi32>], vector<16xf32>,
    tpu.vector_store_idx %arg12[%add3A_364], %gather3A_371 : memref<640xf32, #tpu.memory_space<vmem>>[vector<16xi32>], vector<16xf32>,
    %add3A_372 = arith.constant 1 : i32
    %add3A_373 = vector.broadcast %add3A_372 : i32 to vector<16xi32>
    %add3A_374 = arith.addi %mul3A_351, %add3A_373 : vector<16xi32>
    %add3A_375 = arith.constant 1 : i32
    %add3A_376 = vector.broadcast %add3A_375 : i32 to vector<16xi32>
    %add3A_377 = arith.addi %mul3A_341, %add3A_376 : vector<16xi32>
    %gather3A_378 = tpu.vector_load_idx %arg8[%add3A_377] : memref<30000xf32, #tpu.memory_space<vmem>>[vector<16xi32>], vector<16xf32>,
    tpu.vector_store_idx %arg12[%add3A_374], %gather3A_378 : memref<640xf32, #tpu.memory_space<vmem>>[vector<16xi32>], vector<16xf32>,
    %add3A_379 = arith.constant 3 : i32
    %add3A_380 = vector.broadcast %add3A_379 : i32 to vector<16xi32>
    %add3A_381 = arith.addi %mul3A_351, %add3A_380 : vector<16xi32>
    %add3A_382 = arith.constant 1 : i32
    %add3A_383 = vector.broadcast %add3A_382 : i32 to vector<16xi32>
    %add3A_384 = arith.addi %add3A_381, %add3A_383 : vector<16xi32>
    %mul3A_385 = arith.constant 3 : i32
    %mul3A_386 = vector.broadcast %mul3A_385 : i32 to vector<16xi32>
    %mul3A_387 = arith.muli %get3A_345, %mul3A_386 : vector<16xi32>
    %add3A_388 = arith.constant 1 : i32
    %add3A_389 = vector.broadcast %add3A_388 : i32 to vector<16xi32>
    %add3A_390 = arith.addi %mul3A_387, %add3A_389 : vector<16xi32>
    %gather3A_391 = tpu.vector_load_idx %arg9[%add3A_390] : memref<30000xf32, #tpu.memory_space<vmem>>[vector<16xi32>], vector<16xf32>,
    tpu.vector_store_idx %arg12[%add3A_384], %gather3A_391 : memref<640xf32, #tpu.memory_space<vmem>>[vector<16xi32>], vector<16xf32>,
    %add3A_392 = arith.constant 2 : i32
    %add3A_393 = vector.broadcast %add3A_392 : i32 to vector<16xi32>
    %add3A_394 = arith.addi %mul3A_351, %add3A_393 : vector<16xi32>
    %add3A_395 = arith.constant 2 : i32
    %add3A_396 = vector.broadcast %add3A_395 : i32 to vector<16xi32>
    %add3A_397 = arith.addi %mul3A_341, %add3A_396 : vector<16xi32>
    %gather3A_398 = tpu.vector_load_idx %arg8[%add3A_397] : memref<30000xf32, #tpu.memory_space<vmem>>[vector<16xi32>], vector<16xf32>,
    tpu.vector_store_idx %arg12[%add3A_394], %gather3A_398 : memref<640xf32, #tpu.memory_space<vmem>>[vector<16xi32>], vector<16xf32>,
    %add3A_399 = arith.constant 3 : i32
    %add3A_400 = vector.broadcast %add3A_399 : i32 to vector<16xi32>
    %add3A_401 = arith.addi %mul3A_351, %add3A_400 : vector<16xi32>
    %add3A_402 = arith.constant 2 : i32
    %add3A_403 = vector.broadcast %add3A_402 : i32 to vector<16xi32>
    %add3A_404 = arith.addi %add3A_401, %add3A_403 : vector<16xi32>
    %mul3A_405 = arith.constant 3 : i32
    %mul3A_406 = vector.broadcast %mul3A_405 : i32 to vector<16xi32>
    %mul3A_407 = arith.muli %get3A_345, %mul3A_406 : vector<16xi32>
    %add3A_408 = arith.constant 2 : i32
    %add3A_409 = vector.broadcast %add3A_408 : i32 to vector<16xi32>
    %add3A_410 = arith.addi %mul3A_407, %add3A_409 : vector<16xi32>
    %gather3A_411 = tpu.vector_load_idx %arg9[%add3A_410] : memref<30000xf32, #tpu.memory_space<vmem>>[vector<16xi32>], vector<16xf32>,
    tpu.vector_store_idx %arg12[%add3A_404], %gather3A_411 : memref<640xf32, #tpu.memory_space<vmem>>[vector<16xi32>], vector<16xf32>,
    tpu.vector_store_idx %arg14[%get3A_345], %broadcast_in_dim3A_14 {add = true} : memref<10000xf32, #tpu.memory_space<vmem>>[vector<16xi32>], vector<16xf32>,
    %add3A_412 = arith.constant 9920 : i32
    %add3A_413 = arith.addi %mul3A_2, %add3A_412 : i32
    %mul3A_414 = arith.constant 8 : i32
    %mul3A_415 = arith.muli %add3A_413, %mul3A_414 : i32
    %dma_start3A = arith.constant 0 : i32
    %dma_start3A_416 = tpu.memref_slice %arg6[%mul3A_415] : memref<2560000xf32, #tpu.memory_space<hbm>> -> memref<640xf32, #tpu.memory_space<hbm>>
    %dma_start3A_417 = tpu.memref_slice %arg15[%dma_start3A] : memref<2x!tpu.dma_semaphore, #tpu.memory_space<semaphore_mem>> -> memref<1x!tpu.dma_semaphore, #tpu.memory_space<semaphore_mem>>
    %dma_start3A_418 = tpu.memref_squeeze %dma_start3A_417 : memref<1x!tpu.dma_semaphore, #tpu.memory_space<semaphore_mem>> -> memref<!tpu.dma_semaphore, #tpu.memory_space<semaphore_mem>>
    %dma_start3A_419 = tpu.memref_slice %arg6[%mul3A_415] : memref<2560000xf32, #tpu.memory_space<hbm>> -> memref<640xf32, #tpu.memory_space<hbm>>
    tpu.enqueue_dma source(%arg12 : memref<640xf32, #tpu.memory_space<vmem>>) target(%dma_start3A_419 : memref<640xf32, #tpu.memory_space<hbm>>) target_semaphore(%dma_start3A_418 : memref<!tpu.dma_semaphore, #tpu.memory_space<semaphore_mem>>)
    %add3A_420 = arith.constant 9920 : i32
    %add3A_421 = arith.addi %mul3A_2, %add3A_420 : i32
    %mul3A_422 = arith.constant 8 : i32
    %mul3A_423 = arith.muli %add3A_421, %mul3A_422 : i32
    %dma_wait3A_424 = arith.constant 0 : i32
    %dma_wait3A_425 = tpu.memref_slice %arg6[%mul3A_423] : memref<2560000xf32, #tpu.memory_space<hbm>> -> memref<640xf32, #tpu.memory_space<hbm>>
    %dma_wait3A_426 = tpu.memref_slice %arg15[%dma_wait3A_424] : memref<2x!tpu.dma_semaphore, #tpu.memory_space<semaphore_mem>> -> memref<1x!tpu.dma_semaphore, #tpu.memory_space<semaphore_mem>>
    %dma_wait3A_427 = tpu.memref_squeeze %dma_wait3A_426 : memref<1x!tpu.dma_semaphore, #tpu.memory_space<semaphore_mem>> -> memref<!tpu.dma_semaphore, #tpu.memory_space<semaphore_mem>>
    %dma_wait3A_428 = tpu.memref_slice %arg6[%mul3A_423] : memref<2560000xf32, #tpu.memory_space<hbm>> -> memref<640xf32, #tpu.memory_space<hbm>>
    tpu.wait_dma2 semaphore(%dma_wait3A_427 : memref<!tpu.dma_semaphore, #tpu.memory_space<semaphore_mem>>) src(%arg12 : memref<640xf32, #tpu.memory_space<vmem>>) dst(%dma_wait3A_428 : memref<640xf32, #tpu.memory_space<hbm>>)
    %add3A_429 = arith.constant 9840 : i32
    %add3A_430 = arith.addi %mul3A_2, %add3A_429 : i32
    %mul3A_431 = arith.constant 8 : i32
    %mul3A_432 = arith.muli %add3A_430, %mul3A_431 : i32
    %dma_wait3A_433 = arith.constant 1 : i32
    %dma_wait3A_434 = tpu.memref_slice %arg6[%mul3A_432] : memref<2560000xf32, #tpu.memory_space<hbm>> -> memref<640xf32, #tpu.memory_space<hbm>>
    %dma_wait3A_435 = tpu.memref_slice %arg15[%dma_wait3A_433] : memref<2x!tpu.dma_semaphore, #tpu.memory_space<semaphore_mem>> -> memref<1x!tpu.dma_semaphore, #tpu.memory_space<semaphore_mem>>
    %dma_wait3A_436 = tpu.memref_squeeze %dma_wait3A_435 : memref<1x!tpu.dma_semaphore, #tpu.memory_space<semaphore_mem>> -> memref<!tpu.dma_semaphore, #tpu.memory_space<semaphore_mem>>
    %dma_wait3A_437 = tpu.memref_slice %arg6[%mul3A_432] : memref<2560000xf32, #tpu.memory_space<hbm>> -> memref<640xf32, #tpu.memory_space<hbm>>
    tpu.wait_dma2 semaphore(%dma_wait3A_436 : memref<!tpu.dma_semaphore, #tpu.memory_space<semaphore_mem>>) src(%arg13 : memref<640xf32, #tpu.memory_space<vmem>>) dst(%dma_wait3A_437 : memref<640xf32, #tpu.memory_space<hbm>>)
    %mul3A_438 = arith.constant 10000 : i32
    %mul3A_439 = arith.muli %add3A, %mul3A_438 : i32
    "tpu.region"() ({
      %run_scoped3A = tpu.sem_alloc : memref<!tpu.dma_semaphore, #tpu.memory_space<semaphore_mem>>
      %dma_start3A_440 = tpu.memref_slice %arg7[%mul3A_439] : memref<320000xf32, #tpu.memory_space<hbm>> -> memref<10000xf32, #tpu.memory_space<hbm>>
      %dma_start3A_441 = tpu.memref_slice %arg7[%mul3A_439] : memref<320000xf32, #tpu.memory_space<hbm>> -> memref<10000xf32, #tpu.memory_space<hbm>>
      tpu.enqueue_dma source(%arg14 : memref<10000xf32, #tpu.memory_space<vmem>>) target(%dma_start3A_441 : memref<10000xf32, #tpu.memory_space<hbm>>) target_semaphore(%run_scoped3A : memref<!tpu.dma_semaphore, #tpu.memory_space<semaphore_mem>>)
      %dma_wait3A_442 = tpu.memref_slice %arg7[%mul3A_439] : memref<320000xf32, #tpu.memory_space<hbm>> -> memref<10000xf32, #tpu.memory_space<hbm>>
      %dma_wait3A_443 = tpu.memref_slice %arg7[%mul3A_439] : memref<320000xf32, #tpu.memory_space<hbm>> -> memref<10000xf32, #tpu.memory_space<hbm>>
      tpu.wait_dma2 semaphore(%run_scoped3A : memref<!tpu.dma_semaphore, #tpu.memory_space<semaphore_mem>>) src(%arg14 : memref<10000xf32, #tpu.memory_space<vmem>>) dst(%dma_wait3A_443 : memref<10000xf32, #tpu.memory_space<hbm>>)
      tpu.yield
    }) : () -> ()
    return
  }
}

#map = affine_map<(d0, d1) -> (0, 0)>
#map1 = affine_map<(d0, d1) -> (0, 0, 0, 0)>
#map2 = affine_map<(d0, d1) -> (0, 0, 0)>
module attributes {stable_mosaic.version = 14 : i64} {
  func.func @_scC_body(%arg0: i32, %arg1: i32, %arg2: memref<320000x128xf32, #tpu.memory_space<hbm>>, %arg3: memref<10000x128xf32, #tpu.memory_space<hbm>>, %arg4: memref<32x5x25x80xi32, #tpu.memory_space<hbm>>, %arg5: memref<32x5x25x80xi32, #tpu.memory_space<hbm>>, %arg6: memref<2x10000x128xf32, #tpu.memory_space<hbm>>, %arg7: memref<25x80xi32, #tpu.memory_space<vmem>>, %arg8: memref<25x80xi32, #tpu.memory_space<vmem>>, %arg9: memref<80xi32, #tpu.memory_space<vmem>>, %arg10: memref<80xi32, #tpu.memory_space<vmem>>, %arg11: memref<80xi32, #tpu.memory_space<vmem>>, %arg12: memref<80xi32, #tpu.memory_space<vmem>>, %arg13: memref<80x128xf32, #tpu.memory_space<vmem>>, %arg14: memref<80x128xf32, #tpu.memory_space<vmem>>, %arg15: memref<80x128xf32, #tpu.memory_space<vmem>>, %arg16: memref<80x128xf32, #tpu.memory_space<vmem>>, %arg17: memref<10000x128xf32, #tpu.memory_space<vmem_shared>>, %arg18: memref<2x!tpu.dma_semaphore, #tpu.memory_space<semaphore_mem>>, %arg19: memref<2x!tpu.dma_semaphore, #tpu.memory_space<semaphore_mem>>, %arg20: memref<2x!tpu.dma_semaphore, #tpu.memory_space<semaphore_mem>>) attributes {dimension_semantics = [#tpu.dimension_semantics<core_parallel>, #tpu.dimension_semantics<subcore_parallel>], iteration_bounds = array<i64: 2, 16>, scalar_prefetch = 0 : i64, scratch_operands = 14 : i64, tpu.core_type = #tpu.core_type<sc_vector_subcore>, window_params = [{transform_indices = #map}, {transform_indices = #map}, {transform_indices = #map1}, {transform_indices = #map1}, {transform_indices = #map2}]} {
    %mul3A = arith.constant 2 : i32
    %mul3A_0 = arith.muli %arg1, %mul3A : i32
    %add3A = arith.addi %mul3A_0, %arg0 : i32
    %mul3A_1 = arith.constant 10000 : i32
    %mul3A_2 = arith.muli %add3A, %mul3A_1 : i32
    %scan3A = arith.constant 0 : i32
    %scan3A_3 = arith.constant 0 : i32
    %scan3A_4 = arith.constant 40 : i32
    %scan3A_5 = arith.addi %scan3A_3, %scan3A_4 : i32
    %scan3A_6 = arith.constant 1 : i32
    scf.for %scan3A_22 = %scan3A_3 to %scan3A_5 step %scan3A_6  : i32 {
      %broadcast_in_dim3A = arith.constant 0.000000e+00 : f32
      %broadcast_in_dim3A_23 = vector.broadcast %broadcast_in_dim3A : f32 to vector<16xf32>
      %swap3A = arith.index_cast %scan3A_22 : i32 to index
      %swap3A_24 = arith.constant 0 : index
      %swap3A_25 = tpu.vector_load %arg15[%swap3A, %swap3A_24] {strides = array<i32>} : memref<80x128xf32, #tpu.memory_space<vmem>>, vector<16xf32>,
      tpu.vector_store %arg15[%swap3A, %swap3A_24], %broadcast_in_dim3A_23 {strides = array<i32>} : memref<80x128xf32, #tpu.memory_space<vmem>>, vector<16xf32>,
      %broadcast_in_dim3A_26 = arith.constant 0.000000e+00 : f32
      %broadcast_in_dim3A_27 = vector.broadcast %broadcast_in_dim3A_26 : f32 to vector<16xf32>
      %swap3A_28 = arith.index_cast %scan3A_22 : i32 to index
      %swap3A_29 = arith.constant 16 : index
      %swap3A_30 = tpu.vector_load %arg15[%swap3A_28, %swap3A_29] {strides = array<i32>} : memref<80x128xf32, #tpu.memory_space<vmem>>, vector<16xf32>,
      tpu.vector_store %arg15[%swap3A_28, %swap3A_29], %broadcast_in_dim3A_27 {strides = array<i32>} : memref<80x128xf32, #tpu.memory_space<vmem>>, vector<16xf32>,
      %broadcast_in_dim3A_31 = arith.constant 0.000000e+00 : f32
      %broadcast_in_dim3A_32 = vector.broadcast %broadcast_in_dim3A_31 : f32 to vector<16xf32>
      %swap3A_33 = arith.index_cast %scan3A_22 : i32 to index
      %swap3A_34 = arith.constant 32 : index
      %swap3A_35 = tpu.vector_load %arg15[%swap3A_33, %swap3A_34] {strides = array<i32>} : memref<80x128xf32, #tpu.memory_space<vmem>>, vector<16xf32>,
      tpu.vector_store %arg15[%swap3A_33, %swap3A_34], %broadcast_in_dim3A_32 {strides = array<i32>} : memref<80x128xf32, #tpu.memory_space<vmem>>, vector<16xf32>,
      %broadcast_in_dim3A_36 = arith.constant 0.000000e+00 : f32
      %broadcast_in_dim3A_37 = vector.broadcast %broadcast_in_dim3A_36 : f32 to vector<16xf32>
      %swap3A_38 = arith.index_cast %scan3A_22 : i32 to index
      %swap3A_39 = arith.constant 48 : index
      %swap3A_40 = tpu.vector_load %arg15[%swap3A_38, %swap3A_39] {strides = array<i32>} : memref<80x128xf32, #tpu.memory_space<vmem>>, vector<16xf32>,
      tpu.vector_store %arg15[%swap3A_38, %swap3A_39], %broadcast_in_dim3A_37 {strides = array<i32>} : memref<80x128xf32, #tpu.memory_space<vmem>>, vector<16xf32>,
      %broadcast_in_dim3A_41 = arith.constant 0.000000e+00 : f32
      %broadcast_in_dim3A_42 = vector.broadcast %broadcast_in_dim3A_41 : f32 to vector<16xf32>
      %swap3A_43 = arith.index_cast %scan3A_22 : i32 to index
      %swap3A_44 = arith.constant 64 : index
      %swap3A_45 = tpu.vector_load %arg15[%swap3A_43, %swap3A_44] {strides = array<i32>} : memref<80x128xf32, #tpu.memory_space<vmem>>, vector<16xf32>,
      tpu.vector_store %arg15[%swap3A_43, %swap3A_44], %broadcast_in_dim3A_42 {strides = array<i32>} : memref<80x128xf32, #tpu.memory_space<vmem>>, vector<16xf32>,
      %broadcast_in_dim3A_46 = arith.constant 0.000000e+00 : f32
      %broadcast_in_dim3A_47 = vector.broadcast %broadcast_in_dim3A_46 : f32 to vector<16xf32>
      %swap3A_48 = arith.index_cast %scan3A_22 : i32 to index
      %swap3A_49 = arith.constant 80 : index
      %swap3A_50 = tpu.vector_load %arg15[%swap3A_48, %swap3A_49] {strides = array<i32>} : memref<80x128xf32, #tpu.memory_space<vmem>>, vector<16xf32>,
      tpu.vector_store %arg15[%swap3A_48, %swap3A_49], %broadcast_in_dim3A_47 {strides = array<i32>} : memref<80x128xf32, #tpu.memory_space<vmem>>, vector<16xf32>,
      %broadcast_in_dim3A_51 = arith.constant 0.000000e+00 : f32
      %broadcast_in_dim3A_52 = vector.broadcast %broadcast_in_dim3A_51 : f32 to vector<16xf32>
      %swap3A_53 = arith.index_cast %scan3A_22 : i32 to index
      %swap3A_54 = arith.constant 96 : index
      %swap3A_55 = tpu.vector_load %arg15[%swap3A_53, %swap3A_54] {strides = array<i32>} : memref<80x128xf32, #tpu.memory_space<vmem>>, vector<16xf32>,
      tpu.vector_store %arg15[%swap3A_53, %swap3A_54], %broadcast_in_dim3A_52 {strides = array<i32>} : memref<80x128xf32, #tpu.memory_space<vmem>>, vector<16xf32>,
      %broadcast_in_dim3A_56 = arith.constant 0.000000e+00 : f32
      %broadcast_in_dim3A_57 = vector.broadcast %broadcast_in_dim3A_56 : f32 to vector<16xf32>
      %swap3A_58 = arith.index_cast %scan3A_22 : i32 to index
      %swap3A_59 = arith.constant 112 : index
      %swap3A_60 = tpu.vector_load %arg15[%swap3A_58, %swap3A_59] {strides = array<i32>} : memref<80x128xf32, #tpu.memory_space<vmem>>, vector<16xf32>,
      tpu.vector_store %arg15[%swap3A_58, %swap3A_59], %broadcast_in_dim3A_57 {strides = array<i32>} : memref<80x128xf32, #tpu.memory_space<vmem>>, vector<16xf32>,
    }
    %scan3A_7 = arith.constant 40 : i32
    %lt3A = arith.constant 10 : i32
    %lt3A_8 = arith.cmpi slt, %arg1, %lt3A : i32
    %convert_element_type3A = arith.extui %lt3A_8 : i1 to i32
    %cond3A = arith.constant 0 : i32
    %cond3A_9 = arith.cmpi ne, %convert_element_type3A, %cond3A : i32
    scf.if %cond3A_9 {
      %mul3A_22 = arith.constant 1000 : i32
      %mul3A_23 = arith.muli %arg1, %mul3A_22 : i32
      %add3A_24 = arith.constant 0 : i32
      %add3A_25 = arith.addi %mul3A_23, %add3A_24 : i32
      "tpu.region"() ({
        %run_scoped3A = tpu.sem_alloc : memref<!tpu.dma_semaphore, #tpu.memory_space<semaphore_mem>>
        %dma_start3A = arith.constant 0 : i32
        %dma_start3A_122 = arith.constant 0 : i32
        %dma_start3A_123 = tpu.memref_slice %arg15[%dma_start3A, %dma_start3A_122] : memref<80x128xf32, #tpu.memory_space<vmem>> -> memref<40x128xf32, #tpu.memory_space<vmem>>
        %dma_start3A_124 = arith.constant 0 : i32
        %dma_start3A_125 = tpu.memref_slice %arg17[%add3A_25, %dma_start3A_124] : memref<10000x128xf32, #tpu.memory_space<vmem_shared>> -> memref<40x128xf32, #tpu.memory_space<vmem_shared>>
        %dma_start3A_126 = arith.constant 0 : i32
        %dma_start3A_127 = tpu.memref_slice %arg17[%add3A_25, %dma_start3A_126] : memref<10000x128xf32, #tpu.memory_space<vmem_shared>> -> memref<40x128xf32, #tpu.memory_space<vmem_shared>>
        %dma_start3A_128 = arith.constant 0 : i32
        %dma_start3A_129 = arith.constant 0 : i32
        %dma_start3A_130 = tpu.memref_slice %arg15[%dma_start3A_128, %dma_start3A_129] : memref<80x128xf32, #tpu.memory_space<vmem>> -> memref<40x128xf32, #tpu.memory_space<vmem>>
        tpu.enqueue_dma source(%dma_start3A_130 : memref<40x128xf32, #tpu.memory_space<vmem>>) target(%dma_start3A_127 : memref<40x128xf32, #tpu.memory_space<vmem_shared>>) target_semaphore(%run_scoped3A : memref<!tpu.dma_semaphore, #tpu.memory_space<semaphore_mem>>)
        %dma_wait3A = arith.constant 0 : i32
        %dma_wait3A_131 = arith.constant 0 : i32
        %dma_wait3A_132 = tpu.memref_slice %arg15[%dma_wait3A, %dma_wait3A_131] : memref<80x128xf32, #tpu.memory_space<vmem>> -> memref<40x128xf32, #tpu.memory_space<vmem>>
        %dma_wait3A_133 = arith.constant 0 : i32
        %dma_wait3A_134 = tpu.memref_slice %arg17[%add3A_25, %dma_wait3A_133] : memref<10000x128xf32, #tpu.memory_space<vmem_shared>> -> memref<40x128xf32, #tpu.memory_space<vmem_shared>>
        %dma_wait3A_135 = arith.constant 0 : i32
        %dma_wait3A_136 = tpu.memref_slice %arg17[%add3A_25, %dma_wait3A_135] : memref<10000x128xf32, #tpu.memory_space<vmem_shared>> -> memref<40x128xf32, #tpu.memory_space<vmem_shared>>
        %dma_wait3A_137 = arith.constant 0 : i32
        %dma_wait3A_138 = arith.constant 0 : i32
        %dma_wait3A_139 = tpu.memref_slice %arg15[%dma_wait3A_137, %dma_wait3A_138] : memref<80x128xf32, #tpu.memory_space<vmem>> -> memref<40x128xf32, #tpu.memory_space<vmem>>
        tpu.wait_dma2 semaphore(%run_scoped3A : memref<!tpu.dma_semaphore, #tpu.memory_space<semaphore_mem>>) src(%dma_wait3A_139 : memref<40x128xf32, #tpu.memory_space<vmem>>) dst(%dma_wait3A_136 : memref<40x128xf32, #tpu.memory_space<vmem_shared>>)
        tpu.yield
      }) : () -> ()
      %mul3A_26 = arith.constant 1000 : i32
      %mul3A_27 = arith.muli %arg1, %mul3A_26 : i32
      %add3A_28 = arith.constant 40 : i32
      %add3A_29 = arith.addi %mul3A_27, %add3A_28 : i32
      "tpu.region"() ({
        %run_scoped3A = tpu.sem_alloc : memref<!tpu.dma_semaphore, #tpu.memory_space<semaphore_mem>>
        %dma_start3A = arith.constant 0 : i32
        %dma_start3A_122 = arith.constant 0 : i32
        %dma_start3A_123 = tpu.memref_slice %arg15[%dma_start3A, %dma_start3A_122] : memref<80x128xf32, #tpu.memory_space<vmem>> -> memref<40x128xf32, #tpu.memory_space<vmem>>
        %dma_start3A_124 = arith.constant 0 : i32
        %dma_start3A_125 = tpu.memref_slice %arg17[%add3A_29, %dma_start3A_124] : memref<10000x128xf32, #tpu.memory_space<vmem_shared>> -> memref<40x128xf32, #tpu.memory_space<vmem_shared>>
        %dma_start3A_126 = arith.constant 0 : i32
        %dma_start3A_127 = tpu.memref_slice %arg17[%add3A_29, %dma_start3A_126] : memref<10000x128xf32, #tpu.memory_space<vmem_shared>> -> memref<40x128xf32, #tpu.memory_space<vmem_shared>>
        %dma_start3A_128 = arith.constant 0 : i32
        %dma_start3A_129 = arith.constant 0 : i32
        %dma_start3A_130 = tpu.memref_slice %arg15[%dma_start3A_128, %dma_start3A_129] : memref<80x128xf32, #tpu.memory_space<vmem>> -> memref<40x128xf32, #tpu.memory_space<vmem>>
        tpu.enqueue_dma source(%dma_start3A_130 : memref<40x128xf32, #tpu.memory_space<vmem>>) target(%dma_start3A_127 : memref<40x128xf32, #tpu.memory_space<vmem_shared>>) target_semaphore(%run_scoped3A : memref<!tpu.dma_semaphore, #tpu.memory_space<semaphore_mem>>)
        %dma_wait3A = arith.constant 0 : i32
        %dma_wait3A_131 = arith.constant 0 : i32
        %dma_wait3A_132 = tpu.memref_slice %arg15[%dma_wait3A, %dma_wait3A_131] : memref<80x128xf32, #tpu.memory_space<vmem>> -> memref<40x128xf32, #tpu.memory_space<vmem>>
        %dma_wait3A_133 = arith.constant 0 : i32
        %dma_wait3A_134 = tpu.memref_slice %arg17[%add3A_29, %dma_wait3A_133] : memref<10000x128xf32, #tpu.memory_space<vmem_shared>> -> memref<40x128xf32, #tpu.memory_space<vmem_shared>>
        %dma_wait3A_135 = arith.constant 0 : i32
        %dma_wait3A_136 = tpu.memref_slice %arg17[%add3A_29, %dma_wait3A_135] : memref<10000x128xf32, #tpu.memory_space<vmem_shared>> -> memref<40x128xf32, #tpu.memory_space<vmem_shared>>
        %dma_wait3A_137 = arith.constant 0 : i32
        %dma_wait3A_138 = arith.constant 0 : i32
        %dma_wait3A_139 = tpu.memref_slice %arg15[%dma_wait3A_137, %dma_wait3A_138] : memref<80x128xf32, #tpu.memory_space<vmem>> -> memref<40x128xf32, #tpu.memory_space<vmem>>
        tpu.wait_dma2 semaphore(%run_scoped3A : memref<!tpu.dma_semaphore, #tpu.memory_space<semaphore_mem>>) src(%dma_wait3A_139 : memref<40x128xf32, #tpu.memory_space<vmem>>) dst(%dma_wait3A_136 : memref<40x128xf32, #tpu.memory_space<vmem_shared>>)
        tpu.yield
      }) : () -> ()
      %mul3A_30 = arith.constant 1000 : i32
      %mul3A_31 = arith.muli %arg1, %mul3A_30 : i32
      %add3A_32 = arith.constant 80 : i32
      %add3A_33 = arith.addi %mul3A_31, %add3A_32 : i32
      "tpu.region"() ({
        %run_scoped3A = tpu.sem_alloc : memref<!tpu.dma_semaphore, #tpu.memory_space<semaphore_mem>>
        %dma_start3A = arith.constant 0 : i32
        %dma_start3A_122 = arith.constant 0 : i32
        %dma_start3A_123 = tpu.memref_slice %arg15[%dma_start3A, %dma_start3A_122] : memref<80x128xf32, #tpu.memory_space<vmem>> -> memref<40x128xf32, #tpu.memory_space<vmem>>
        %dma_start3A_124 = arith.constant 0 : i32
        %dma_start3A_125 = tpu.memref_slice %arg17[%add3A_33, %dma_start3A_124] : memref<10000x128xf32, #tpu.memory_space<vmem_shared>> -> memref<40x128xf32, #tpu.memory_space<vmem_shared>>
        %dma_start3A_126 = arith.constant 0 : i32
        %dma_start3A_127 = tpu.memref_slice %arg17[%add3A_33, %dma_start3A_126] : memref<10000x128xf32, #tpu.memory_space<vmem_shared>> -> memref<40x128xf32, #tpu.memory_space<vmem_shared>>
        %dma_start3A_128 = arith.constant 0 : i32
        %dma_start3A_129 = arith.constant 0 : i32
        %dma_start3A_130 = tpu.memref_slice %arg15[%dma_start3A_128, %dma_start3A_129] : memref<80x128xf32, #tpu.memory_space<vmem>> -> memref<40x128xf32, #tpu.memory_space<vmem>>
        tpu.enqueue_dma source(%dma_start3A_130 : memref<40x128xf32, #tpu.memory_space<vmem>>) target(%dma_start3A_127 : memref<40x128xf32, #tpu.memory_space<vmem_shared>>) target_semaphore(%run_scoped3A : memref<!tpu.dma_semaphore, #tpu.memory_space<semaphore_mem>>)
        %dma_wait3A = arith.constant 0 : i32
        %dma_wait3A_131 = arith.constant 0 : i32
        %dma_wait3A_132 = tpu.memref_slice %arg15[%dma_wait3A, %dma_wait3A_131] : memref<80x128xf32, #tpu.memory_space<vmem>> -> memref<40x128xf32, #tpu.memory_space<vmem>>
        %dma_wait3A_133 = arith.constant 0 : i32
        %dma_wait3A_134 = tpu.memref_slice %arg17[%add3A_33, %dma_wait3A_133] : memref<10000x128xf32, #tpu.memory_space<vmem_shared>> -> memref<40x128xf32, #tpu.memory_space<vmem_shared>>
        %dma_wait3A_135 = arith.constant 0 : i32
        %dma_wait3A_136 = tpu.memref_slice %arg17[%add3A_33, %dma_wait3A_135] : memref<10000x128xf32, #tpu.memory_space<vmem_shared>> -> memref<40x128xf32, #tpu.memory_space<vmem_shared>>
        %dma_wait3A_137 = arith.constant 0 : i32
        %dma_wait3A_138 = arith.constant 0 : i32
        %dma_wait3A_139 = tpu.memref_slice %arg15[%dma_wait3A_137, %dma_wait3A_138] : memref<80x128xf32, #tpu.memory_space<vmem>> -> memref<40x128xf32, #tpu.memory_space<vmem>>
        tpu.wait_dma2 semaphore(%run_scoped3A : memref<!tpu.dma_semaphore, #tpu.memory_space<semaphore_mem>>) src(%dma_wait3A_139 : memref<40x128xf32, #tpu.memory_space<vmem>>) dst(%dma_wait3A_136 : memref<40x128xf32, #tpu.memory_space<vmem_shared>>)
        tpu.yield
      }) : () -> ()
      %mul3A_34 = arith.constant 1000 : i32
      %mul3A_35 = arith.muli %arg1, %mul3A_34 : i32
      %add3A_36 = arith.constant 120 : i32
      %add3A_37 = arith.addi %mul3A_35, %add3A_36 : i32
      "tpu.region"() ({
        %run_scoped3A = tpu.sem_alloc : memref<!tpu.dma_semaphore, #tpu.memory_space<semaphore_mem>>
        %dma_start3A = arith.constant 0 : i32
        %dma_start3A_122 = arith.constant 0 : i32
        %dma_start3A_123 = tpu.memref_slice %arg15[%dma_start3A, %dma_start3A_122] : memref<80x128xf32, #tpu.memory_space<vmem>> -> memref<40x128xf32, #tpu.memory_space<vmem>>
        %dma_start3A_124 = arith.constant 0 : i32
        %dma_start3A_125 = tpu.memref_slice %arg17[%add3A_37, %dma_start3A_124] : memref<10000x128xf32, #tpu.memory_space<vmem_shared>> -> memref<40x128xf32, #tpu.memory_space<vmem_shared>>
        %dma_start3A_126 = arith.constant 0 : i32
        %dma_start3A_127 = tpu.memref_slice %arg17[%add3A_37, %dma_start3A_126] : memref<10000x128xf32, #tpu.memory_space<vmem_shared>> -> memref<40x128xf32, #tpu.memory_space<vmem_shared>>
        %dma_start3A_128 = arith.constant 0 : i32
        %dma_start3A_129 = arith.constant 0 : i32
        %dma_start3A_130 = tpu.memref_slice %arg15[%dma_start3A_128, %dma_start3A_129] : memref<80x128xf32, #tpu.memory_space<vmem>> -> memref<40x128xf32, #tpu.memory_space<vmem>>
        tpu.enqueue_dma source(%dma_start3A_130 : memref<40x128xf32, #tpu.memory_space<vmem>>) target(%dma_start3A_127 : memref<40x128xf32, #tpu.memory_space<vmem_shared>>) target_semaphore(%run_scoped3A : memref<!tpu.dma_semaphore, #tpu.memory_space<semaphore_mem>>)
        %dma_wait3A = arith.constant 0 : i32
        %dma_wait3A_131 = arith.constant 0 : i32
        %dma_wait3A_132 = tpu.memref_slice %arg15[%dma_wait3A, %dma_wait3A_131] : memref<80x128xf32, #tpu.memory_space<vmem>> -> memref<40x128xf32, #tpu.memory_space<vmem>>
        %dma_wait3A_133 = arith.constant 0 : i32
        %dma_wait3A_134 = tpu.memref_slice %arg17[%add3A_37, %dma_wait3A_133] : memref<10000x128xf32, #tpu.memory_space<vmem_shared>> -> memref<40x128xf32, #tpu.memory_space<vmem_shared>>
        %dma_wait3A_135 = arith.constant 0 : i32
        %dma_wait3A_136 = tpu.memref_slice %arg17[%add3A_37, %dma_wait3A_135] : memref<10000x128xf32, #tpu.memory_space<vmem_shared>> -> memref<40x128xf32, #tpu.memory_space<vmem_shared>>
        %dma_wait3A_137 = arith.constant 0 : i32
        %dma_wait3A_138 = arith.constant 0 : i32
        %dma_wait3A_139 = tpu.memref_slice %arg15[%dma_wait3A_137, %dma_wait3A_138] : memref<80x128xf32, #tpu.memory_space<vmem>> -> memref<40x128xf32, #tpu.memory_space<vmem>>
        tpu.wait_dma2 semaphore(%run_scoped3A : memref<!tpu.dma_semaphore, #tpu.memory_space<semaphore_mem>>) src(%dma_wait3A_139 : memref<40x128xf32, #tpu.memory_space<vmem>>) dst(%dma_wait3A_136 : memref<40x128xf32, #tpu.memory_space<vmem_shared>>)
        tpu.yield
      }) : () -> ()
      %mul3A_38 = arith.constant 1000 : i32
      %mul3A_39 = arith.muli %arg1, %mul3A_38 : i32
      %add3A_40 = arith.constant 160 : i32
      %add3A_41 = arith.addi %mul3A_39, %add3A_40 : i32
      "tpu.region"() ({
        %run_scoped3A = tpu.sem_alloc : memref<!tpu.dma_semaphore, #tpu.memory_space<semaphore_mem>>
        %dma_start3A = arith.constant 0 : i32
        %dma_start3A_122 = arith.constant 0 : i32
        %dma_start3A_123 = tpu.memref_slice %arg15[%dma_start3A, %dma_start3A_122] : memref<80x128xf32, #tpu.memory_space<vmem>> -> memref<40x128xf32, #tpu.memory_space<vmem>>
        %dma_start3A_124 = arith.constant 0 : i32
        %dma_start3A_125 = tpu.memref_slice %arg17[%add3A_41, %dma_start3A_124] : memref<10000x128xf32, #tpu.memory_space<vmem_shared>> -> memref<40x128xf32, #tpu.memory_space<vmem_shared>>
        %dma_start3A_126 = arith.constant 0 : i32
        %dma_start3A_127 = tpu.memref_slice %arg17[%add3A_41, %dma_start3A_126] : memref<10000x128xf32, #tpu.memory_space<vmem_shared>> -> memref<40x128xf32, #tpu.memory_space<vmem_shared>>
        %dma_start3A_128 = arith.constant 0 : i32
        %dma_start3A_129 = arith.constant 0 : i32
        %dma_start3A_130 = tpu.memref_slice %arg15[%dma_start3A_128, %dma_start3A_129] : memref<80x128xf32, #tpu.memory_space<vmem>> -> memref<40x128xf32, #tpu.memory_space<vmem>>
        tpu.enqueue_dma source(%dma_start3A_130 : memref<40x128xf32, #tpu.memory_space<vmem>>) target(%dma_start3A_127 : memref<40x128xf32, #tpu.memory_space<vmem_shared>>) target_semaphore(%run_scoped3A : memref<!tpu.dma_semaphore, #tpu.memory_space<semaphore_mem>>)
        %dma_wait3A = arith.constant 0 : i32
        %dma_wait3A_131 = arith.constant 0 : i32
        %dma_wait3A_132 = tpu.memref_slice %arg15[%dma_wait3A, %dma_wait3A_131] : memref<80x128xf32, #tpu.memory_space<vmem>> -> memref<40x128xf32, #tpu.memory_space<vmem>>
        %dma_wait3A_133 = arith.constant 0 : i32
        %dma_wait3A_134 = tpu.memref_slice %arg17[%add3A_41, %dma_wait3A_133] : memref<10000x128xf32, #tpu.memory_space<vmem_shared>> -> memref<40x128xf32, #tpu.memory_space<vmem_shared>>
        %dma_wait3A_135 = arith.constant 0 : i32
        %dma_wait3A_136 = tpu.memref_slice %arg17[%add3A_41, %dma_wait3A_135] : memref<10000x128xf32, #tpu.memory_space<vmem_shared>> -> memref<40x128xf32, #tpu.memory_space<vmem_shared>>
        %dma_wait3A_137 = arith.constant 0 : i32
        %dma_wait3A_138 = arith.constant 0 : i32
        %dma_wait3A_139 = tpu.memref_slice %arg15[%dma_wait3A_137, %dma_wait3A_138] : memref<80x128xf32, #tpu.memory_space<vmem>> -> memref<40x128xf32, #tpu.memory_space<vmem>>
        tpu.wait_dma2 semaphore(%run_scoped3A : memref<!tpu.dma_semaphore, #tpu.memory_space<semaphore_mem>>) src(%dma_wait3A_139 : memref<40x128xf32, #tpu.memory_space<vmem>>) dst(%dma_wait3A_136 : memref<40x128xf32, #tpu.memory_space<vmem_shared>>)
        tpu.yield
      }) : () -> ()
      %mul3A_42 = arith.constant 1000 : i32
      %mul3A_43 = arith.muli %arg1, %mul3A_42 : i32
      %add3A_44 = arith.constant 200 : i32
      %add3A_45 = arith.addi %mul3A_43, %add3A_44 : i32
      "tpu.region"() ({
        %run_scoped3A = tpu.sem_alloc : memref<!tpu.dma_semaphore, #tpu.memory_space<semaphore_mem>>
        %dma_start3A = arith.constant 0 : i32
        %dma_start3A_122 = arith.constant 0 : i32
        %dma_start3A_123 = tpu.memref_slice %arg15[%dma_start3A, %dma_start3A_122] : memref<80x128xf32, #tpu.memory_space<vmem>> -> memref<40x128xf32, #tpu.memory_space<vmem>>
        %dma_start3A_124 = arith.constant 0 : i32
        %dma_start3A_125 = tpu.memref_slice %arg17[%add3A_45, %dma_start3A_124] : memref<10000x128xf32, #tpu.memory_space<vmem_shared>> -> memref<40x128xf32, #tpu.memory_space<vmem_shared>>
        %dma_start3A_126 = arith.constant 0 : i32
        %dma_start3A_127 = tpu.memref_slice %arg17[%add3A_45, %dma_start3A_126] : memref<10000x128xf32, #tpu.memory_space<vmem_shared>> -> memref<40x128xf32, #tpu.memory_space<vmem_shared>>
        %dma_start3A_128 = arith.constant 0 : i32
        %dma_start3A_129 = arith.constant 0 : i32
        %dma_start3A_130 = tpu.memref_slice %arg15[%dma_start3A_128, %dma_start3A_129] : memref<80x128xf32, #tpu.memory_space<vmem>> -> memref<40x128xf32, #tpu.memory_space<vmem>>
        tpu.enqueue_dma source(%dma_start3A_130 : memref<40x128xf32, #tpu.memory_space<vmem>>) target(%dma_start3A_127 : memref<40x128xf32, #tpu.memory_space<vmem_shared>>) target_semaphore(%run_scoped3A : memref<!tpu.dma_semaphore, #tpu.memory_space<semaphore_mem>>)
        %dma_wait3A = arith.constant 0 : i32
        %dma_wait3A_131 = arith.constant 0 : i32
        %dma_wait3A_132 = tpu.memref_slice %arg15[%dma_wait3A, %dma_wait3A_131] : memref<80x128xf32, #tpu.memory_space<vmem>> -> memref<40x128xf32, #tpu.memory_space<vmem>>
        %dma_wait3A_133 = arith.constant 0 : i32
        %dma_wait3A_134 = tpu.memref_slice %arg17[%add3A_45, %dma_wait3A_133] : memref<10000x128xf32, #tpu.memory_space<vmem_shared>> -> memref<40x128xf32, #tpu.memory_space<vmem_shared>>
        %dma_wait3A_135 = arith.constant 0 : i32
        %dma_wait3A_136 = tpu.memref_slice %arg17[%add3A_45, %dma_wait3A_135] : memref<10000x128xf32, #tpu.memory_space<vmem_shared>> -> memref<40x128xf32, #tpu.memory_space<vmem_shared>>
        %dma_wait3A_137 = arith.constant 0 : i32
        %dma_wait3A_138 = arith.constant 0 : i32
        %dma_wait3A_139 = tpu.memref_slice %arg15[%dma_wait3A_137, %dma_wait3A_138] : memref<80x128xf32, #tpu.memory_space<vmem>> -> memref<40x128xf32, #tpu.memory_space<vmem>>
        tpu.wait_dma2 semaphore(%run_scoped3A : memref<!tpu.dma_semaphore, #tpu.memory_space<semaphore_mem>>) src(%dma_wait3A_139 : memref<40x128xf32, #tpu.memory_space<vmem>>) dst(%dma_wait3A_136 : memref<40x128xf32, #tpu.memory_space<vmem_shared>>)
        tpu.yield
      }) : () -> ()
      %mul3A_46 = arith.constant 1000 : i32
      %mul3A_47 = arith.muli %arg1, %mul3A_46 : i32
      %add3A_48 = arith.constant 240 : i32
      %add3A_49 = arith.addi %mul3A_47, %add3A_48 : i32
      "tpu.region"() ({
        %run_scoped3A = tpu.sem_alloc : memref<!tpu.dma_semaphore, #tpu.memory_space<semaphore_mem>>
        %dma_start3A = arith.constant 0 : i32
        %dma_start3A_122 = arith.constant 0 : i32
        %dma_start3A_123 = tpu.memref_slice %arg15[%dma_start3A, %dma_start3A_122] : memref<80x128xf32, #tpu.memory_space<vmem>> -> memref<40x128xf32, #tpu.memory_space<vmem>>
        %dma_start3A_124 = arith.constant 0 : i32
        %dma_start3A_125 = tpu.memref_slice %arg17[%add3A_49, %dma_start3A_124] : memref<10000x128xf32, #tpu.memory_space<vmem_shared>> -> memref<40x128xf32, #tpu.memory_space<vmem_shared>>
        %dma_start3A_126 = arith.constant 0 : i32
        %dma_start3A_127 = tpu.memref_slice %arg17[%add3A_49, %dma_start3A_126] : memref<10000x128xf32, #tpu.memory_space<vmem_shared>> -> memref<40x128xf32, #tpu.memory_space<vmem_shared>>
        %dma_start3A_128 = arith.constant 0 : i32
        %dma_start3A_129 = arith.constant 0 : i32
        %dma_start3A_130 = tpu.memref_slice %arg15[%dma_start3A_128, %dma_start3A_129] : memref<80x128xf32, #tpu.memory_space<vmem>> -> memref<40x128xf32, #tpu.memory_space<vmem>>
        tpu.enqueue_dma source(%dma_start3A_130 : memref<40x128xf32, #tpu.memory_space<vmem>>) target(%dma_start3A_127 : memref<40x128xf32, #tpu.memory_space<vmem_shared>>) target_semaphore(%run_scoped3A : memref<!tpu.dma_semaphore, #tpu.memory_space<semaphore_mem>>)
        %dma_wait3A = arith.constant 0 : i32
        %dma_wait3A_131 = arith.constant 0 : i32
        %dma_wait3A_132 = tpu.memref_slice %arg15[%dma_wait3A, %dma_wait3A_131] : memref<80x128xf32, #tpu.memory_space<vmem>> -> memref<40x128xf32, #tpu.memory_space<vmem>>
        %dma_wait3A_133 = arith.constant 0 : i32
        %dma_wait3A_134 = tpu.memref_slice %arg17[%add3A_49, %dma_wait3A_133] : memref<10000x128xf32, #tpu.memory_space<vmem_shared>> -> memref<40x128xf32, #tpu.memory_space<vmem_shared>>
        %dma_wait3A_135 = arith.constant 0 : i32
        %dma_wait3A_136 = tpu.memref_slice %arg17[%add3A_49, %dma_wait3A_135] : memref<10000x128xf32, #tpu.memory_space<vmem_shared>> -> memref<40x128xf32, #tpu.memory_space<vmem_shared>>
        %dma_wait3A_137 = arith.constant 0 : i32
        %dma_wait3A_138 = arith.constant 0 : i32
        %dma_wait3A_139 = tpu.memref_slice %arg15[%dma_wait3A_137, %dma_wait3A_138] : memref<80x128xf32, #tpu.memory_space<vmem>> -> memref<40x128xf32, #tpu.memory_space<vmem>>
        tpu.wait_dma2 semaphore(%run_scoped3A : memref<!tpu.dma_semaphore, #tpu.memory_space<semaphore_mem>>) src(%dma_wait3A_139 : memref<40x128xf32, #tpu.memory_space<vmem>>) dst(%dma_wait3A_136 : memref<40x128xf32, #tpu.memory_space<vmem_shared>>)
        tpu.yield
      }) : () -> ()
      %mul3A_50 = arith.constant 1000 : i32
      %mul3A_51 = arith.muli %arg1, %mul3A_50 : i32
      %add3A_52 = arith.constant 280 : i32
      %add3A_53 = arith.addi %mul3A_51, %add3A_52 : i32
      "tpu.region"() ({
        %run_scoped3A = tpu.sem_alloc : memref<!tpu.dma_semaphore, #tpu.memory_space<semaphore_mem>>
        %dma_start3A = arith.constant 0 : i32
        %dma_start3A_122 = arith.constant 0 : i32
        %dma_start3A_123 = tpu.memref_slice %arg15[%dma_start3A, %dma_start3A_122] : memref<80x128xf32, #tpu.memory_space<vmem>> -> memref<40x128xf32, #tpu.memory_space<vmem>>
        %dma_start3A_124 = arith.constant 0 : i32
        %dma_start3A_125 = tpu.memref_slice %arg17[%add3A_53, %dma_start3A_124] : memref<10000x128xf32, #tpu.memory_space<vmem_shared>> -> memref<40x128xf32, #tpu.memory_space<vmem_shared>>
        %dma_start3A_126 = arith.constant 0 : i32
        %dma_start3A_127 = tpu.memref_slice %arg17[%add3A_53, %dma_start3A_126] : memref<10000x128xf32, #tpu.memory_space<vmem_shared>> -> memref<40x128xf32, #tpu.memory_space<vmem_shared>>
        %dma_start3A_128 = arith.constant 0 : i32
        %dma_start3A_129 = arith.constant 0 : i32
        %dma_start3A_130 = tpu.memref_slice %arg15[%dma_start3A_128, %dma_start3A_129] : memref<80x128xf32, #tpu.memory_space<vmem>> -> memref<40x128xf32, #tpu.memory_space<vmem>>
        tpu.enqueue_dma source(%dma_start3A_130 : memref<40x128xf32, #tpu.memory_space<vmem>>) target(%dma_start3A_127 : memref<40x128xf32, #tpu.memory_space<vmem_shared>>) target_semaphore(%run_scoped3A : memref<!tpu.dma_semaphore, #tpu.memory_space<semaphore_mem>>)
        %dma_wait3A = arith.constant 0 : i32
        %dma_wait3A_131 = arith.constant 0 : i32
        %dma_wait3A_132 = tpu.memref_slice %arg15[%dma_wait3A, %dma_wait3A_131] : memref<80x128xf32, #tpu.memory_space<vmem>> -> memref<40x128xf32, #tpu.memory_space<vmem>>
        %dma_wait3A_133 = arith.constant 0 : i32
        %dma_wait3A_134 = tpu.memref_slice %arg17[%add3A_53, %dma_wait3A_133] : memref<10000x128xf32, #tpu.memory_space<vmem_shared>> -> memref<40x128xf32, #tpu.memory_space<vmem_shared>>
        %dma_wait3A_135 = arith.constant 0 : i32
        %dma_wait3A_136 = tpu.memref_slice %arg17[%add3A_53, %dma_wait3A_135] : memref<10000x128xf32, #tpu.memory_space<vmem_shared>> -> memref<40x128xf32, #tpu.memory_space<vmem_shared>>
        %dma_wait3A_137 = arith.constant 0 : i32
        %dma_wait3A_138 = arith.constant 0 : i32
        %dma_wait3A_139 = tpu.memref_slice %arg15[%dma_wait3A_137, %dma_wait3A_138] : memref<80x128xf32, #tpu.memory_space<vmem>> -> memref<40x128xf32, #tpu.memory_space<vmem>>
        tpu.wait_dma2 semaphore(%run_scoped3A : memref<!tpu.dma_semaphore, #tpu.memory_space<semaphore_mem>>) src(%dma_wait3A_139 : memref<40x128xf32, #tpu.memory_space<vmem>>) dst(%dma_wait3A_136 : memref<40x128xf32, #tpu.memory_space<vmem_shared>>)
        tpu.yield
      }) : () -> ()
      %mul3A_54 = arith.constant 1000 : i32
      %mul3A_55 = arith.muli %arg1, %mul3A_54 : i32
      %add3A_56 = arith.constant 320 : i32
      %add3A_57 = arith.addi %mul3A_55, %add3A_56 : i32
      "tpu.region"() ({
        %run_scoped3A = tpu.sem_alloc : memref<!tpu.dma_semaphore, #tpu.memory_space<semaphore_mem>>
        %dma_start3A = arith.constant 0 : i32
        %dma_start3A_122 = arith.constant 0 : i32
        %dma_start3A_123 = tpu.memref_slice %arg15[%dma_start3A, %dma_start3A_122] : memref<80x128xf32, #tpu.memory_space<vmem>> -> memref<40x128xf32, #tpu.memory_space<vmem>>
        %dma_start3A_124 = arith.constant 0 : i32
        %dma_start3A_125 = tpu.memref_slice %arg17[%add3A_57, %dma_start3A_124] : memref<10000x128xf32, #tpu.memory_space<vmem_shared>> -> memref<40x128xf32, #tpu.memory_space<vmem_shared>>
        %dma_start3A_126 = arith.constant 0 : i32
        %dma_start3A_127 = tpu.memref_slice %arg17[%add3A_57, %dma_start3A_126] : memref<10000x128xf32, #tpu.memory_space<vmem_shared>> -> memref<40x128xf32, #tpu.memory_space<vmem_shared>>
        %dma_start3A_128 = arith.constant 0 : i32
        %dma_start3A_129 = arith.constant 0 : i32
        %dma_start3A_130 = tpu.memref_slice %arg15[%dma_start3A_128, %dma_start3A_129] : memref<80x128xf32, #tpu.memory_space<vmem>> -> memref<40x128xf32, #tpu.memory_space<vmem>>
        tpu.enqueue_dma source(%dma_start3A_130 : memref<40x128xf32, #tpu.memory_space<vmem>>) target(%dma_start3A_127 : memref<40x128xf32, #tpu.memory_space<vmem_shared>>) target_semaphore(%run_scoped3A : memref<!tpu.dma_semaphore, #tpu.memory_space<semaphore_mem>>)
        %dma_wait3A = arith.constant 0 : i32
        %dma_wait3A_131 = arith.constant 0 : i32
        %dma_wait3A_132 = tpu.memref_slice %arg15[%dma_wait3A, %dma_wait3A_131] : memref<80x128xf32, #tpu.memory_space<vmem>> -> memref<40x128xf32, #tpu.memory_space<vmem>>
        %dma_wait3A_133 = arith.constant 0 : i32
        %dma_wait3A_134 = tpu.memref_slice %arg17[%add3A_57, %dma_wait3A_133] : memref<10000x128xf32, #tpu.memory_space<vmem_shared>> -> memref<40x128xf32, #tpu.memory_space<vmem_shared>>
        %dma_wait3A_135 = arith.constant 0 : i32
        %dma_wait3A_136 = tpu.memref_slice %arg17[%add3A_57, %dma_wait3A_135] : memref<10000x128xf32, #tpu.memory_space<vmem_shared>> -> memref<40x128xf32, #tpu.memory_space<vmem_shared>>
        %dma_wait3A_137 = arith.constant 0 : i32
        %dma_wait3A_138 = arith.constant 0 : i32
        %dma_wait3A_139 = tpu.memref_slice %arg15[%dma_wait3A_137, %dma_wait3A_138] : memref<80x128xf32, #tpu.memory_space<vmem>> -> memref<40x128xf32, #tpu.memory_space<vmem>>
        tpu.wait_dma2 semaphore(%run_scoped3A : memref<!tpu.dma_semaphore, #tpu.memory_space<semaphore_mem>>) src(%dma_wait3A_139 : memref<40x128xf32, #tpu.memory_space<vmem>>) dst(%dma_wait3A_136 : memref<40x128xf32, #tpu.memory_space<vmem_shared>>)
        tpu.yield
      }) : () -> ()
      %mul3A_58 = arith.constant 1000 : i32
      %mul3A_59 = arith.muli %arg1, %mul3A_58 : i32
      %add3A_60 = arith.constant 360 : i32
      %add3A_61 = arith.addi %mul3A_59, %add3A_60 : i32
      "tpu.region"() ({
        %run_scoped3A = tpu.sem_alloc : memref<!tpu.dma_semaphore, #tpu.memory_space<semaphore_mem>>
        %dma_start3A = arith.constant 0 : i32
        %dma_start3A_122 = arith.constant 0 : i32
        %dma_start3A_123 = tpu.memref_slice %arg15[%dma_start3A, %dma_start3A_122] : memref<80x128xf32, #tpu.memory_space<vmem>> -> memref<40x128xf32, #tpu.memory_space<vmem>>
        %dma_start3A_124 = arith.constant 0 : i32
        %dma_start3A_125 = tpu.memref_slice %arg17[%add3A_61, %dma_start3A_124] : memref<10000x128xf32, #tpu.memory_space<vmem_shared>> -> memref<40x128xf32, #tpu.memory_space<vmem_shared>>
        %dma_start3A_126 = arith.constant 0 : i32
        %dma_start3A_127 = tpu.memref_slice %arg17[%add3A_61, %dma_start3A_126] : memref<10000x128xf32, #tpu.memory_space<vmem_shared>> -> memref<40x128xf32, #tpu.memory_space<vmem_shared>>
        %dma_start3A_128 = arith.constant 0 : i32
        %dma_start3A_129 = arith.constant 0 : i32
        %dma_start3A_130 = tpu.memref_slice %arg15[%dma_start3A_128, %dma_start3A_129] : memref<80x128xf32, #tpu.memory_space<vmem>> -> memref<40x128xf32, #tpu.memory_space<vmem>>
        tpu.enqueue_dma source(%dma_start3A_130 : memref<40x128xf32, #tpu.memory_space<vmem>>) target(%dma_start3A_127 : memref<40x128xf32, #tpu.memory_space<vmem_shared>>) target_semaphore(%run_scoped3A : memref<!tpu.dma_semaphore, #tpu.memory_space<semaphore_mem>>)
        %dma_wait3A = arith.constant 0 : i32
        %dma_wait3A_131 = arith.constant 0 : i32
        %dma_wait3A_132 = tpu.memref_slice %arg15[%dma_wait3A, %dma_wait3A_131] : memref<80x128xf32, #tpu.memory_space<vmem>> -> memref<40x128xf32, #tpu.memory_space<vmem>>
        %dma_wait3A_133 = arith.constant 0 : i32
        %dma_wait3A_134 = tpu.memref_slice %arg17[%add3A_61, %dma_wait3A_133] : memref<10000x128xf32, #tpu.memory_space<vmem_shared>> -> memref<40x128xf32, #tpu.memory_space<vmem_shared>>
        %dma_wait3A_135 = arith.constant 0 : i32
        %dma_wait3A_136 = tpu.memref_slice %arg17[%add3A_61, %dma_wait3A_135] : memref<10000x128xf32, #tpu.memory_space<vmem_shared>> -> memref<40x128xf32, #tpu.memory_space<vmem_shared>>
        %dma_wait3A_137 = arith.constant 0 : i32
        %dma_wait3A_138 = arith.constant 0 : i32
        %dma_wait3A_139 = tpu.memref_slice %arg15[%dma_wait3A_137, %dma_wait3A_138] : memref<80x128xf32, #tpu.memory_space<vmem>> -> memref<40x128xf32, #tpu.memory_space<vmem>>
        tpu.wait_dma2 semaphore(%run_scoped3A : memref<!tpu.dma_semaphore, #tpu.memory_space<semaphore_mem>>) src(%dma_wait3A_139 : memref<40x128xf32, #tpu.memory_space<vmem>>) dst(%dma_wait3A_136 : memref<40x128xf32, #tpu.memory_space<vmem_shared>>)
        tpu.yield
      }) : () -> ()
      %mul3A_62 = arith.constant 1000 : i32
      %mul3A_63 = arith.muli %arg1, %mul3A_62 : i32
      %add3A_64 = arith.constant 400 : i32
      %add3A_65 = arith.addi %mul3A_63, %add3A_64 : i32
      "tpu.region"() ({
        %run_scoped3A = tpu.sem_alloc : memref<!tpu.dma_semaphore, #tpu.memory_space<semaphore_mem>>
        %dma_start3A = arith.constant 0 : i32
        %dma_start3A_122 = arith.constant 0 : i32
        %dma_start3A_123 = tpu.memref_slice %arg15[%dma_start3A, %dma_start3A_122] : memref<80x128xf32, #tpu.memory_space<vmem>> -> memref<40x128xf32, #tpu.memory_space<vmem>>
        %dma_start3A_124 = arith.constant 0 : i32
        %dma_start3A_125 = tpu.memref_slice %arg17[%add3A_65, %dma_start3A_124] : memref<10000x128xf32, #tpu.memory_space<vmem_shared>> -> memref<40x128xf32, #tpu.memory_space<vmem_shared>>
        %dma_start3A_126 = arith.constant 0 : i32
        %dma_start3A_127 = tpu.memref_slice %arg17[%add3A_65, %dma_start3A_126] : memref<10000x128xf32, #tpu.memory_space<vmem_shared>> -> memref<40x128xf32, #tpu.memory_space<vmem_shared>>
        %dma_start3A_128 = arith.constant 0 : i32
        %dma_start3A_129 = arith.constant 0 : i32
        %dma_start3A_130 = tpu.memref_slice %arg15[%dma_start3A_128, %dma_start3A_129] : memref<80x128xf32, #tpu.memory_space<vmem>> -> memref<40x128xf32, #tpu.memory_space<vmem>>
        tpu.enqueue_dma source(%dma_start3A_130 : memref<40x128xf32, #tpu.memory_space<vmem>>) target(%dma_start3A_127 : memref<40x128xf32, #tpu.memory_space<vmem_shared>>) target_semaphore(%run_scoped3A : memref<!tpu.dma_semaphore, #tpu.memory_space<semaphore_mem>>)
        %dma_wait3A = arith.constant 0 : i32
        %dma_wait3A_131 = arith.constant 0 : i32
        %dma_wait3A_132 = tpu.memref_slice %arg15[%dma_wait3A, %dma_wait3A_131] : memref<80x128xf32, #tpu.memory_space<vmem>> -> memref<40x128xf32, #tpu.memory_space<vmem>>
        %dma_wait3A_133 = arith.constant 0 : i32
        %dma_wait3A_134 = tpu.memref_slice %arg17[%add3A_65, %dma_wait3A_133] : memref<10000x128xf32, #tpu.memory_space<vmem_shared>> -> memref<40x128xf32, #tpu.memory_space<vmem_shared>>
        %dma_wait3A_135 = arith.constant 0 : i32
        %dma_wait3A_136 = tpu.memref_slice %arg17[%add3A_65, %dma_wait3A_135] : memref<10000x128xf32, #tpu.memory_space<vmem_shared>> -> memref<40x128xf32, #tpu.memory_space<vmem_shared>>
        %dma_wait3A_137 = arith.constant 0 : i32
        %dma_wait3A_138 = arith.constant 0 : i32
        %dma_wait3A_139 = tpu.memref_slice %arg15[%dma_wait3A_137, %dma_wait3A_138] : memref<80x128xf32, #tpu.memory_space<vmem>> -> memref<40x128xf32, #tpu.memory_space<vmem>>
        tpu.wait_dma2 semaphore(%run_scoped3A : memref<!tpu.dma_semaphore, #tpu.memory_space<semaphore_mem>>) src(%dma_wait3A_139 : memref<40x128xf32, #tpu.memory_space<vmem>>) dst(%dma_wait3A_136 : memref<40x128xf32, #tpu.memory_space<vmem_shared>>)
        tpu.yield
      }) : () -> ()
      %mul3A_66 = arith.constant 1000 : i32
      %mul3A_67 = arith.muli %arg1, %mul3A_66 : i32
      %add3A_68 = arith.constant 440 : i32
      %add3A_69 = arith.addi %mul3A_67, %add3A_68 : i32
      "tpu.region"() ({
        %run_scoped3A = tpu.sem_alloc : memref<!tpu.dma_semaphore, #tpu.memory_space<semaphore_mem>>
        %dma_start3A = arith.constant 0 : i32
        %dma_start3A_122 = arith.constant 0 : i32
        %dma_start3A_123 = tpu.memref_slice %arg15[%dma_start3A, %dma_start3A_122] : memref<80x128xf32, #tpu.memory_space<vmem>> -> memref<40x128xf32, #tpu.memory_space<vmem>>
        %dma_start3A_124 = arith.constant 0 : i32
        %dma_start3A_125 = tpu.memref_slice %arg17[%add3A_69, %dma_start3A_124] : memref<10000x128xf32, #tpu.memory_space<vmem_shared>> -> memref<40x128xf32, #tpu.memory_space<vmem_shared>>
        %dma_start3A_126 = arith.constant 0 : i32
        %dma_start3A_127 = tpu.memref_slice %arg17[%add3A_69, %dma_start3A_126] : memref<10000x128xf32, #tpu.memory_space<vmem_shared>> -> memref<40x128xf32, #tpu.memory_space<vmem_shared>>
        %dma_start3A_128 = arith.constant 0 : i32
        %dma_start3A_129 = arith.constant 0 : i32
        %dma_start3A_130 = tpu.memref_slice %arg15[%dma_start3A_128, %dma_start3A_129] : memref<80x128xf32, #tpu.memory_space<vmem>> -> memref<40x128xf32, #tpu.memory_space<vmem>>
        tpu.enqueue_dma source(%dma_start3A_130 : memref<40x128xf32, #tpu.memory_space<vmem>>) target(%dma_start3A_127 : memref<40x128xf32, #tpu.memory_space<vmem_shared>>) target_semaphore(%run_scoped3A : memref<!tpu.dma_semaphore, #tpu.memory_space<semaphore_mem>>)
        %dma_wait3A = arith.constant 0 : i32
        %dma_wait3A_131 = arith.constant 0 : i32
        %dma_wait3A_132 = tpu.memref_slice %arg15[%dma_wait3A, %dma_wait3A_131] : memref<80x128xf32, #tpu.memory_space<vmem>> -> memref<40x128xf32, #tpu.memory_space<vmem>>
        %dma_wait3A_133 = arith.constant 0 : i32
        %dma_wait3A_134 = tpu.memref_slice %arg17[%add3A_69, %dma_wait3A_133] : memref<10000x128xf32, #tpu.memory_space<vmem_shared>> -> memref<40x128xf32, #tpu.memory_space<vmem_shared>>
        %dma_wait3A_135 = arith.constant 0 : i32
        %dma_wait3A_136 = tpu.memref_slice %arg17[%add3A_69, %dma_wait3A_135] : memref<10000x128xf32, #tpu.memory_space<vmem_shared>> -> memref<40x128xf32, #tpu.memory_space<vmem_shared>>
        %dma_wait3A_137 = arith.constant 0 : i32
        %dma_wait3A_138 = arith.constant 0 : i32
        %dma_wait3A_139 = tpu.memref_slice %arg15[%dma_wait3A_137, %dma_wait3A_138] : memref<80x128xf32, #tpu.memory_space<vmem>> -> memref<40x128xf32, #tpu.memory_space<vmem>>
        tpu.wait_dma2 semaphore(%run_scoped3A : memref<!tpu.dma_semaphore, #tpu.memory_space<semaphore_mem>>) src(%dma_wait3A_139 : memref<40x128xf32, #tpu.memory_space<vmem>>) dst(%dma_wait3A_136 : memref<40x128xf32, #tpu.memory_space<vmem_shared>>)
        tpu.yield
      }) : () -> ()
      %mul3A_70 = arith.constant 1000 : i32
      %mul3A_71 = arith.muli %arg1, %mul3A_70 : i32
      %add3A_72 = arith.constant 480 : i32
      %add3A_73 = arith.addi %mul3A_71, %add3A_72 : i32
      "tpu.region"() ({
        %run_scoped3A = tpu.sem_alloc : memref<!tpu.dma_semaphore, #tpu.memory_space<semaphore_mem>>
        %dma_start3A = arith.constant 0 : i32
        %dma_start3A_122 = arith.constant 0 : i32
        %dma_start3A_123 = tpu.memref_slice %arg15[%dma_start3A, %dma_start3A_122] : memref<80x128xf32, #tpu.memory_space<vmem>> -> memref<40x128xf32, #tpu.memory_space<vmem>>
        %dma_start3A_124 = arith.constant 0 : i32
        %dma_start3A_125 = tpu.memref_slice %arg17[%add3A_73, %dma_start3A_124] : memref<10000x128xf32, #tpu.memory_space<vmem_shared>> -> memref<40x128xf32, #tpu.memory_space<vmem_shared>>
        %dma_start3A_126 = arith.constant 0 : i32
        %dma_start3A_127 = tpu.memref_slice %arg17[%add3A_73, %dma_start3A_126] : memref<10000x128xf32, #tpu.memory_space<vmem_shared>> -> memref<40x128xf32, #tpu.memory_space<vmem_shared>>
        %dma_start3A_128 = arith.constant 0 : i32
        %dma_start3A_129 = arith.constant 0 : i32
        %dma_start3A_130 = tpu.memref_slice %arg15[%dma_start3A_128, %dma_start3A_129] : memref<80x128xf32, #tpu.memory_space<vmem>> -> memref<40x128xf32, #tpu.memory_space<vmem>>
        tpu.enqueue_dma source(%dma_start3A_130 : memref<40x128xf32, #tpu.memory_space<vmem>>) target(%dma_start3A_127 : memref<40x128xf32, #tpu.memory_space<vmem_shared>>) target_semaphore(%run_scoped3A : memref<!tpu.dma_semaphore, #tpu.memory_space<semaphore_mem>>)
        %dma_wait3A = arith.constant 0 : i32
        %dma_wait3A_131 = arith.constant 0 : i32
        %dma_wait3A_132 = tpu.memref_slice %arg15[%dma_wait3A, %dma_wait3A_131] : memref<80x128xf32, #tpu.memory_space<vmem>> -> memref<40x128xf32, #tpu.memory_space<vmem>>
        %dma_wait3A_133 = arith.constant 0 : i32
        %dma_wait3A_134 = tpu.memref_slice %arg17[%add3A_73, %dma_wait3A_133] : memref<10000x128xf32, #tpu.memory_space<vmem_shared>> -> memref<40x128xf32, #tpu.memory_space<vmem_shared>>
        %dma_wait3A_135 = arith.constant 0 : i32
        %dma_wait3A_136 = tpu.memref_slice %arg17[%add3A_73, %dma_wait3A_135] : memref<10000x128xf32, #tpu.memory_space<vmem_shared>> -> memref<40x128xf32, #tpu.memory_space<vmem_shared>>
        %dma_wait3A_137 = arith.constant 0 : i32
        %dma_wait3A_138 = arith.constant 0 : i32
        %dma_wait3A_139 = tpu.memref_slice %arg15[%dma_wait3A_137, %dma_wait3A_138] : memref<80x128xf32, #tpu.memory_space<vmem>> -> memref<40x128xf32, #tpu.memory_space<vmem>>
        tpu.wait_dma2 semaphore(%run_scoped3A : memref<!tpu.dma_semaphore, #tpu.memory_space<semaphore_mem>>) src(%dma_wait3A_139 : memref<40x128xf32, #tpu.memory_space<vmem>>) dst(%dma_wait3A_136 : memref<40x128xf32, #tpu.memory_space<vmem_shared>>)
        tpu.yield
      }) : () -> ()
      %mul3A_74 = arith.constant 1000 : i32
      %mul3A_75 = arith.muli %arg1, %mul3A_74 : i32
      %add3A_76 = arith.constant 520 : i32
      %add3A_77 = arith.addi %mul3A_75, %add3A_76 : i32
      "tpu.region"() ({
        %run_scoped3A = tpu.sem_alloc : memref<!tpu.dma_semaphore, #tpu.memory_space<semaphore_mem>>
        %dma_start3A = arith.constant 0 : i32
        %dma_start3A_122 = arith.constant 0 : i32
        %dma_start3A_123 = tpu.memref_slice %arg15[%dma_start3A, %dma_start3A_122] : memref<80x128xf32, #tpu.memory_space<vmem>> -> memref<40x128xf32, #tpu.memory_space<vmem>>
        %dma_start3A_124 = arith.constant 0 : i32
        %dma_start3A_125 = tpu.memref_slice %arg17[%add3A_77, %dma_start3A_124] : memref<10000x128xf32, #tpu.memory_space<vmem_shared>> -> memref<40x128xf32, #tpu.memory_space<vmem_shared>>
        %dma_start3A_126 = arith.constant 0 : i32
        %dma_start3A_127 = tpu.memref_slice %arg17[%add3A_77, %dma_start3A_126] : memref<10000x128xf32, #tpu.memory_space<vmem_shared>> -> memref<40x128xf32, #tpu.memory_space<vmem_shared>>
        %dma_start3A_128 = arith.constant 0 : i32
        %dma_start3A_129 = arith.constant 0 : i32
        %dma_start3A_130 = tpu.memref_slice %arg15[%dma_start3A_128, %dma_start3A_129] : memref<80x128xf32, #tpu.memory_space<vmem>> -> memref<40x128xf32, #tpu.memory_space<vmem>>
        tpu.enqueue_dma source(%dma_start3A_130 : memref<40x128xf32, #tpu.memory_space<vmem>>) target(%dma_start3A_127 : memref<40x128xf32, #tpu.memory_space<vmem_shared>>) target_semaphore(%run_scoped3A : memref<!tpu.dma_semaphore, #tpu.memory_space<semaphore_mem>>)
        %dma_wait3A = arith.constant 0 : i32
        %dma_wait3A_131 = arith.constant 0 : i32
        %dma_wait3A_132 = tpu.memref_slice %arg15[%dma_wait3A, %dma_wait3A_131] : memref<80x128xf32, #tpu.memory_space<vmem>> -> memref<40x128xf32, #tpu.memory_space<vmem>>
        %dma_wait3A_133 = arith.constant 0 : i32
        %dma_wait3A_134 = tpu.memref_slice %arg17[%add3A_77, %dma_wait3A_133] : memref<10000x128xf32, #tpu.memory_space<vmem_shared>> -> memref<40x128xf32, #tpu.memory_space<vmem_shared>>
        %dma_wait3A_135 = arith.constant 0 : i32
        %dma_wait3A_136 = tpu.memref_slice %arg17[%add3A_77, %dma_wait3A_135] : memref<10000x128xf32, #tpu.memory_space<vmem_shared>> -> memref<40x128xf32, #tpu.memory_space<vmem_shared>>
        %dma_wait3A_137 = arith.constant 0 : i32
        %dma_wait3A_138 = arith.constant 0 : i32
        %dma_wait3A_139 = tpu.memref_slice %arg15[%dma_wait3A_137, %dma_wait3A_138] : memref<80x128xf32, #tpu.memory_space<vmem>> -> memref<40x128xf32, #tpu.memory_space<vmem>>
        tpu.wait_dma2 semaphore(%run_scoped3A : memref<!tpu.dma_semaphore, #tpu.memory_space<semaphore_mem>>) src(%dma_wait3A_139 : memref<40x128xf32, #tpu.memory_space<vmem>>) dst(%dma_wait3A_136 : memref<40x128xf32, #tpu.memory_space<vmem_shared>>)
        tpu.yield
      }) : () -> ()
      %mul3A_78 = arith.constant 1000 : i32
      %mul3A_79 = arith.muli %arg1, %mul3A_78 : i32
      %add3A_80 = arith.constant 560 : i32
      %add3A_81 = arith.addi %mul3A_79, %add3A_80 : i32
      "tpu.region"() ({
        %run_scoped3A = tpu.sem_alloc : memref<!tpu.dma_semaphore, #tpu.memory_space<semaphore_mem>>
        %dma_start3A = arith.constant 0 : i32
        %dma_start3A_122 = arith.constant 0 : i32
        %dma_start3A_123 = tpu.memref_slice %arg15[%dma_start3A, %dma_start3A_122] : memref<80x128xf32, #tpu.memory_space<vmem>> -> memref<40x128xf32, #tpu.memory_space<vmem>>
        %dma_start3A_124 = arith.constant 0 : i32
        %dma_start3A_125 = tpu.memref_slice %arg17[%add3A_81, %dma_start3A_124] : memref<10000x128xf32, #tpu.memory_space<vmem_shared>> -> memref<40x128xf32, #tpu.memory_space<vmem_shared>>
        %dma_start3A_126 = arith.constant 0 : i32
        %dma_start3A_127 = tpu.memref_slice %arg17[%add3A_81, %dma_start3A_126] : memref<10000x128xf32, #tpu.memory_space<vmem_shared>> -> memref<40x128xf32, #tpu.memory_space<vmem_shared>>
        %dma_start3A_128 = arith.constant 0 : i32
        %dma_start3A_129 = arith.constant 0 : i32
        %dma_start3A_130 = tpu.memref_slice %arg15[%dma_start3A_128, %dma_start3A_129] : memref<80x128xf32, #tpu.memory_space<vmem>> -> memref<40x128xf32, #tpu.memory_space<vmem>>
        tpu.enqueue_dma source(%dma_start3A_130 : memref<40x128xf32, #tpu.memory_space<vmem>>) target(%dma_start3A_127 : memref<40x128xf32, #tpu.memory_space<vmem_shared>>) target_semaphore(%run_scoped3A : memref<!tpu.dma_semaphore, #tpu.memory_space<semaphore_mem>>)
        %dma_wait3A = arith.constant 0 : i32
        %dma_wait3A_131 = arith.constant 0 : i32
        %dma_wait3A_132 = tpu.memref_slice %arg15[%dma_wait3A, %dma_wait3A_131] : memref<80x128xf32, #tpu.memory_space<vmem>> -> memref<40x128xf32, #tpu.memory_space<vmem>>
        %dma_wait3A_133 = arith.constant 0 : i32
        %dma_wait3A_134 = tpu.memref_slice %arg17[%add3A_81, %dma_wait3A_133] : memref<10000x128xf32, #tpu.memory_space<vmem_shared>> -> memref<40x128xf32, #tpu.memory_space<vmem_shared>>
        %dma_wait3A_135 = arith.constant 0 : i32
        %dma_wait3A_136 = tpu.memref_slice %arg17[%add3A_81, %dma_wait3A_135] : memref<10000x128xf32, #tpu.memory_space<vmem_shared>> -> memref<40x128xf32, #tpu.memory_space<vmem_shared>>
        %dma_wait3A_137 = arith.constant 0 : i32
        %dma_wait3A_138 = arith.constant 0 : i32
        %dma_wait3A_139 = tpu.memref_slice %arg15[%dma_wait3A_137, %dma_wait3A_138] : memref<80x128xf32, #tpu.memory_space<vmem>> -> memref<40x128xf32, #tpu.memory_space<vmem>>
        tpu.wait_dma2 semaphore(%run_scoped3A : memref<!tpu.dma_semaphore, #tpu.memory_space<semaphore_mem>>) src(%dma_wait3A_139 : memref<40x128xf32, #tpu.memory_space<vmem>>) dst(%dma_wait3A_136 : memref<40x128xf32, #tpu.memory_space<vmem_shared>>)
        tpu.yield
      }) : () -> ()
      %mul3A_82 = arith.constant 1000 : i32
      %mul3A_83 = arith.muli %arg1, %mul3A_82 : i32
      %add3A_84 = arith.constant 600 : i32
      %add3A_85 = arith.addi %mul3A_83, %add3A_84 : i32
      "tpu.region"() ({
        %run_scoped3A = tpu.sem_alloc : memref<!tpu.dma_semaphore, #tpu.memory_space<semaphore_mem>>
        %dma_start3A = arith.constant 0 : i32
        %dma_start3A_122 = arith.constant 0 : i32
        %dma_start3A_123 = tpu.memref_slice %arg15[%dma_start3A, %dma_start3A_122] : memref<80x128xf32, #tpu.memory_space<vmem>> -> memref<40x128xf32, #tpu.memory_space<vmem>>
        %dma_start3A_124 = arith.constant 0 : i32
        %dma_start3A_125 = tpu.memref_slice %arg17[%add3A_85, %dma_start3A_124] : memref<10000x128xf32, #tpu.memory_space<vmem_shared>> -> memref<40x128xf32, #tpu.memory_space<vmem_shared>>
        %dma_start3A_126 = arith.constant 0 : i32
        %dma_start3A_127 = tpu.memref_slice %arg17[%add3A_85, %dma_start3A_126] : memref<10000x128xf32, #tpu.memory_space<vmem_shared>> -> memref<40x128xf32, #tpu.memory_space<vmem_shared>>
        %dma_start3A_128 = arith.constant 0 : i32
        %dma_start3A_129 = arith.constant 0 : i32
        %dma_start3A_130 = tpu.memref_slice %arg15[%dma_start3A_128, %dma_start3A_129] : memref<80x128xf32, #tpu.memory_space<vmem>> -> memref<40x128xf32, #tpu.memory_space<vmem>>
        tpu.enqueue_dma source(%dma_start3A_130 : memref<40x128xf32, #tpu.memory_space<vmem>>) target(%dma_start3A_127 : memref<40x128xf32, #tpu.memory_space<vmem_shared>>) target_semaphore(%run_scoped3A : memref<!tpu.dma_semaphore, #tpu.memory_space<semaphore_mem>>)
        %dma_wait3A = arith.constant 0 : i32
        %dma_wait3A_131 = arith.constant 0 : i32
        %dma_wait3A_132 = tpu.memref_slice %arg15[%dma_wait3A, %dma_wait3A_131] : memref<80x128xf32, #tpu.memory_space<vmem>> -> memref<40x128xf32, #tpu.memory_space<vmem>>
        %dma_wait3A_133 = arith.constant 0 : i32
        %dma_wait3A_134 = tpu.memref_slice %arg17[%add3A_85, %dma_wait3A_133] : memref<10000x128xf32, #tpu.memory_space<vmem_shared>> -> memref<40x128xf32, #tpu.memory_space<vmem_shared>>
        %dma_wait3A_135 = arith.constant 0 : i32
        %dma_wait3A_136 = tpu.memref_slice %arg17[%add3A_85, %dma_wait3A_135] : memref<10000x128xf32, #tpu.memory_space<vmem_shared>> -> memref<40x128xf32, #tpu.memory_space<vmem_shared>>
        %dma_wait3A_137 = arith.constant 0 : i32
        %dma_wait3A_138 = arith.constant 0 : i32
        %dma_wait3A_139 = tpu.memref_slice %arg15[%dma_wait3A_137, %dma_wait3A_138] : memref<80x128xf32, #tpu.memory_space<vmem>> -> memref<40x128xf32, #tpu.memory_space<vmem>>
        tpu.wait_dma2 semaphore(%run_scoped3A : memref<!tpu.dma_semaphore, #tpu.memory_space<semaphore_mem>>) src(%dma_wait3A_139 : memref<40x128xf32, #tpu.memory_space<vmem>>) dst(%dma_wait3A_136 : memref<40x128xf32, #tpu.memory_space<vmem_shared>>)
        tpu.yield
      }) : () -> ()
      %mul3A_86 = arith.constant 1000 : i32
      %mul3A_87 = arith.muli %arg1, %mul3A_86 : i32
      %add3A_88 = arith.constant 640 : i32
      %add3A_89 = arith.addi %mul3A_87, %add3A_88 : i32
      "tpu.region"() ({
        %run_scoped3A = tpu.sem_alloc : memref<!tpu.dma_semaphore, #tpu.memory_space<semaphore_mem>>
        %dma_start3A = arith.constant 0 : i32
        %dma_start3A_122 = arith.constant 0 : i32
        %dma_start3A_123 = tpu.memref_slice %arg15[%dma_start3A, %dma_start3A_122] : memref<80x128xf32, #tpu.memory_space<vmem>> -> memref<40x128xf32, #tpu.memory_space<vmem>>
        %dma_start3A_124 = arith.constant 0 : i32
        %dma_start3A_125 = tpu.memref_slice %arg17[%add3A_89, %dma_start3A_124] : memref<10000x128xf32, #tpu.memory_space<vmem_shared>> -> memref<40x128xf32, #tpu.memory_space<vmem_shared>>
        %dma_start3A_126 = arith.constant 0 : i32
        %dma_start3A_127 = tpu.memref_slice %arg17[%add3A_89, %dma_start3A_126] : memref<10000x128xf32, #tpu.memory_space<vmem_shared>> -> memref<40x128xf32, #tpu.memory_space<vmem_shared>>
        %dma_start3A_128 = arith.constant 0 : i32
        %dma_start3A_129 = arith.constant 0 : i32
        %dma_start3A_130 = tpu.memref_slice %arg15[%dma_start3A_128, %dma_start3A_129] : memref<80x128xf32, #tpu.memory_space<vmem>> -> memref<40x128xf32, #tpu.memory_space<vmem>>
        tpu.enqueue_dma source(%dma_start3A_130 : memref<40x128xf32, #tpu.memory_space<vmem>>) target(%dma_start3A_127 : memref<40x128xf32, #tpu.memory_space<vmem_shared>>) target_semaphore(%run_scoped3A : memref<!tpu.dma_semaphore, #tpu.memory_space<semaphore_mem>>)
        %dma_wait3A = arith.constant 0 : i32
        %dma_wait3A_131 = arith.constant 0 : i32
        %dma_wait3A_132 = tpu.memref_slice %arg15[%dma_wait3A, %dma_wait3A_131] : memref<80x128xf32, #tpu.memory_space<vmem>> -> memref<40x128xf32, #tpu.memory_space<vmem>>
        %dma_wait3A_133 = arith.constant 0 : i32
        %dma_wait3A_134 = tpu.memref_slice %arg17[%add3A_89, %dma_wait3A_133] : memref<10000x128xf32, #tpu.memory_space<vmem_shared>> -> memref<40x128xf32, #tpu.memory_space<vmem_shared>>
        %dma_wait3A_135 = arith.constant 0 : i32
        %dma_wait3A_136 = tpu.memref_slice %arg17[%add3A_89, %dma_wait3A_135] : memref<10000x128xf32, #tpu.memory_space<vmem_shared>> -> memref<40x128xf32, #tpu.memory_space<vmem_shared>>
        %dma_wait3A_137 = arith.constant 0 : i32
        %dma_wait3A_138 = arith.constant 0 : i32
        %dma_wait3A_139 = tpu.memref_slice %arg15[%dma_wait3A_137, %dma_wait3A_138] : memref<80x128xf32, #tpu.memory_space<vmem>> -> memref<40x128xf32, #tpu.memory_space<vmem>>
        tpu.wait_dma2 semaphore(%run_scoped3A : memref<!tpu.dma_semaphore, #tpu.memory_space<semaphore_mem>>) src(%dma_wait3A_139 : memref<40x128xf32, #tpu.memory_space<vmem>>) dst(%dma_wait3A_136 : memref<40x128xf32, #tpu.memory_space<vmem_shared>>)
        tpu.yield
      }) : () -> ()
      %mul3A_90 = arith.constant 1000 : i32
      %mul3A_91 = arith.muli %arg1, %mul3A_90 : i32
      %add3A_92 = arith.constant 680 : i32
      %add3A_93 = arith.addi %mul3A_91, %add3A_92 : i32
      "tpu.region"() ({
        %run_scoped3A = tpu.sem_alloc : memref<!tpu.dma_semaphore, #tpu.memory_space<semaphore_mem>>
        %dma_start3A = arith.constant 0 : i32
        %dma_start3A_122 = arith.constant 0 : i32
        %dma_start3A_123 = tpu.memref_slice %arg15[%dma_start3A, %dma_start3A_122] : memref<80x128xf32, #tpu.memory_space<vmem>> -> memref<40x128xf32, #tpu.memory_space<vmem>>
        %dma_start3A_124 = arith.constant 0 : i32
        %dma_start3A_125 = tpu.memref_slice %arg17[%add3A_93, %dma_start3A_124] : memref<10000x128xf32, #tpu.memory_space<vmem_shared>> -> memref<40x128xf32, #tpu.memory_space<vmem_shared>>
        %dma_start3A_126 = arith.constant 0 : i32
        %dma_start3A_127 = tpu.memref_slice %arg17[%add3A_93, %dma_start3A_126] : memref<10000x128xf32, #tpu.memory_space<vmem_shared>> -> memref<40x128xf32, #tpu.memory_space<vmem_shared>>
        %dma_start3A_128 = arith.constant 0 : i32
        %dma_start3A_129 = arith.constant 0 : i32
        %dma_start3A_130 = tpu.memref_slice %arg15[%dma_start3A_128, %dma_start3A_129] : memref<80x128xf32, #tpu.memory_space<vmem>> -> memref<40x128xf32, #tpu.memory_space<vmem>>
        tpu.enqueue_dma source(%dma_start3A_130 : memref<40x128xf32, #tpu.memory_space<vmem>>) target(%dma_start3A_127 : memref<40x128xf32, #tpu.memory_space<vmem_shared>>) target_semaphore(%run_scoped3A : memref<!tpu.dma_semaphore, #tpu.memory_space<semaphore_mem>>)
        %dma_wait3A = arith.constant 0 : i32
        %dma_wait3A_131 = arith.constant 0 : i32
        %dma_wait3A_132 = tpu.memref_slice %arg15[%dma_wait3A, %dma_wait3A_131] : memref<80x128xf32, #tpu.memory_space<vmem>> -> memref<40x128xf32, #tpu.memory_space<vmem>>
        %dma_wait3A_133 = arith.constant 0 : i32
        %dma_wait3A_134 = tpu.memref_slice %arg17[%add3A_93, %dma_wait3A_133] : memref<10000x128xf32, #tpu.memory_space<vmem_shared>> -> memref<40x128xf32, #tpu.memory_space<vmem_shared>>
        %dma_wait3A_135 = arith.constant 0 : i32
        %dma_wait3A_136 = tpu.memref_slice %arg17[%add3A_93, %dma_wait3A_135] : memref<10000x128xf32, #tpu.memory_space<vmem_shared>> -> memref<40x128xf32, #tpu.memory_space<vmem_shared>>
        %dma_wait3A_137 = arith.constant 0 : i32
        %dma_wait3A_138 = arith.constant 0 : i32
        %dma_wait3A_139 = tpu.memref_slice %arg15[%dma_wait3A_137, %dma_wait3A_138] : memref<80x128xf32, #tpu.memory_space<vmem>> -> memref<40x128xf32, #tpu.memory_space<vmem>>
        tpu.wait_dma2 semaphore(%run_scoped3A : memref<!tpu.dma_semaphore, #tpu.memory_space<semaphore_mem>>) src(%dma_wait3A_139 : memref<40x128xf32, #tpu.memory_space<vmem>>) dst(%dma_wait3A_136 : memref<40x128xf32, #tpu.memory_space<vmem_shared>>)
        tpu.yield
      }) : () -> ()
      %mul3A_94 = arith.constant 1000 : i32
      %mul3A_95 = arith.muli %arg1, %mul3A_94 : i32
      %add3A_96 = arith.constant 720 : i32
      %add3A_97 = arith.addi %mul3A_95, %add3A_96 : i32
      "tpu.region"() ({
        %run_scoped3A = tpu.sem_alloc : memref<!tpu.dma_semaphore, #tpu.memory_space<semaphore_mem>>
        %dma_start3A = arith.constant 0 : i32
        %dma_start3A_122 = arith.constant 0 : i32
        %dma_start3A_123 = tpu.memref_slice %arg15[%dma_start3A, %dma_start3A_122] : memref<80x128xf32, #tpu.memory_space<vmem>> -> memref<40x128xf32, #tpu.memory_space<vmem>>
        %dma_start3A_124 = arith.constant 0 : i32
        %dma_start3A_125 = tpu.memref_slice %arg17[%add3A_97, %dma_start3A_124] : memref<10000x128xf32, #tpu.memory_space<vmem_shared>> -> memref<40x128xf32, #tpu.memory_space<vmem_shared>>
        %dma_start3A_126 = arith.constant 0 : i32
        %dma_start3A_127 = tpu.memref_slice %arg17[%add3A_97, %dma_start3A_126] : memref<10000x128xf32, #tpu.memory_space<vmem_shared>> -> memref<40x128xf32, #tpu.memory_space<vmem_shared>>
        %dma_start3A_128 = arith.constant 0 : i32
        %dma_start3A_129 = arith.constant 0 : i32
        %dma_start3A_130 = tpu.memref_slice %arg15[%dma_start3A_128, %dma_start3A_129] : memref<80x128xf32, #tpu.memory_space<vmem>> -> memref<40x128xf32, #tpu.memory_space<vmem>>
        tpu.enqueue_dma source(%dma_start3A_130 : memref<40x128xf32, #tpu.memory_space<vmem>>) target(%dma_start3A_127 : memref<40x128xf32, #tpu.memory_space<vmem_shared>>) target_semaphore(%run_scoped3A : memref<!tpu.dma_semaphore, #tpu.memory_space<semaphore_mem>>)
        %dma_wait3A = arith.constant 0 : i32
        %dma_wait3A_131 = arith.constant 0 : i32
        %dma_wait3A_132 = tpu.memref_slice %arg15[%dma_wait3A, %dma_wait3A_131] : memref<80x128xf32, #tpu.memory_space<vmem>> -> memref<40x128xf32, #tpu.memory_space<vmem>>
        %dma_wait3A_133 = arith.constant 0 : i32
        %dma_wait3A_134 = tpu.memref_slice %arg17[%add3A_97, %dma_wait3A_133] : memref<10000x128xf32, #tpu.memory_space<vmem_shared>> -> memref<40x128xf32, #tpu.memory_space<vmem_shared>>
        %dma_wait3A_135 = arith.constant 0 : i32
        %dma_wait3A_136 = tpu.memref_slice %arg17[%add3A_97, %dma_wait3A_135] : memref<10000x128xf32, #tpu.memory_space<vmem_shared>> -> memref<40x128xf32, #tpu.memory_space<vmem_shared>>
        %dma_wait3A_137 = arith.constant 0 : i32
        %dma_wait3A_138 = arith.constant 0 : i32
        %dma_wait3A_139 = tpu.memref_slice %arg15[%dma_wait3A_137, %dma_wait3A_138] : memref<80x128xf32, #tpu.memory_space<vmem>> -> memref<40x128xf32, #tpu.memory_space<vmem>>
        tpu.wait_dma2 semaphore(%run_scoped3A : memref<!tpu.dma_semaphore, #tpu.memory_space<semaphore_mem>>) src(%dma_wait3A_139 : memref<40x128xf32, #tpu.memory_space<vmem>>) dst(%dma_wait3A_136 : memref<40x128xf32, #tpu.memory_space<vmem_shared>>)
        tpu.yield
      }) : () -> ()
      %mul3A_98 = arith.constant 1000 : i32
      %mul3A_99 = arith.muli %arg1, %mul3A_98 : i32
      %add3A_100 = arith.constant 760 : i32
      %add3A_101 = arith.addi %mul3A_99, %add3A_100 : i32
      "tpu.region"() ({
        %run_scoped3A = tpu.sem_alloc : memref<!tpu.dma_semaphore, #tpu.memory_space<semaphore_mem>>
        %dma_start3A = arith.constant 0 : i32
        %dma_start3A_122 = arith.constant 0 : i32
        %dma_start3A_123 = tpu.memref_slice %arg15[%dma_start3A, %dma_start3A_122] : memref<80x128xf32, #tpu.memory_space<vmem>> -> memref<40x128xf32, #tpu.memory_space<vmem>>
        %dma_start3A_124 = arith.constant 0 : i32
        %dma_start3A_125 = tpu.memref_slice %arg17[%add3A_101, %dma_start3A_124] : memref<10000x128xf32, #tpu.memory_space<vmem_shared>> -> memref<40x128xf32, #tpu.memory_space<vmem_shared>>
        %dma_start3A_126 = arith.constant 0 : i32
        %dma_start3A_127 = tpu.memref_slice %arg17[%add3A_101, %dma_start3A_126] : memref<10000x128xf32, #tpu.memory_space<vmem_shared>> -> memref<40x128xf32, #tpu.memory_space<vmem_shared>>
        %dma_start3A_128 = arith.constant 0 : i32
        %dma_start3A_129 = arith.constant 0 : i32
        %dma_start3A_130 = tpu.memref_slice %arg15[%dma_start3A_128, %dma_start3A_129] : memref<80x128xf32, #tpu.memory_space<vmem>> -> memref<40x128xf32, #tpu.memory_space<vmem>>
        tpu.enqueue_dma source(%dma_start3A_130 : memref<40x128xf32, #tpu.memory_space<vmem>>) target(%dma_start3A_127 : memref<40x128xf32, #tpu.memory_space<vmem_shared>>) target_semaphore(%run_scoped3A : memref<!tpu.dma_semaphore, #tpu.memory_space<semaphore_mem>>)
        %dma_wait3A = arith.constant 0 : i32
        %dma_wait3A_131 = arith.constant 0 : i32
        %dma_wait3A_132 = tpu.memref_slice %arg15[%dma_wait3A, %dma_wait3A_131] : memref<80x128xf32, #tpu.memory_space<vmem>> -> memref<40x128xf32, #tpu.memory_space<vmem>>
        %dma_wait3A_133 = arith.constant 0 : i32
        %dma_wait3A_134 = tpu.memref_slice %arg17[%add3A_101, %dma_wait3A_133] : memref<10000x128xf32, #tpu.memory_space<vmem_shared>> -> memref<40x128xf32, #tpu.memory_space<vmem_shared>>
        %dma_wait3A_135 = arith.constant 0 : i32
        %dma_wait3A_136 = tpu.memref_slice %arg17[%add3A_101, %dma_wait3A_135] : memref<10000x128xf32, #tpu.memory_space<vmem_shared>> -> memref<40x128xf32, #tpu.memory_space<vmem_shared>>
        %dma_wait3A_137 = arith.constant 0 : i32
        %dma_wait3A_138 = arith.constant 0 : i32
        %dma_wait3A_139 = tpu.memref_slice %arg15[%dma_wait3A_137, %dma_wait3A_138] : memref<80x128xf32, #tpu.memory_space<vmem>> -> memref<40x128xf32, #tpu.memory_space<vmem>>
        tpu.wait_dma2 semaphore(%run_scoped3A : memref<!tpu.dma_semaphore, #tpu.memory_space<semaphore_mem>>) src(%dma_wait3A_139 : memref<40x128xf32, #tpu.memory_space<vmem>>) dst(%dma_wait3A_136 : memref<40x128xf32, #tpu.memory_space<vmem_shared>>)
        tpu.yield
      }) : () -> ()
      %mul3A_102 = arith.constant 1000 : i32
      %mul3A_103 = arith.muli %arg1, %mul3A_102 : i32
      %add3A_104 = arith.constant 800 : i32
      %add3A_105 = arith.addi %mul3A_103, %add3A_104 : i32
      "tpu.region"() ({
        %run_scoped3A = tpu.sem_alloc : memref<!tpu.dma_semaphore, #tpu.memory_space<semaphore_mem>>
        %dma_start3A = arith.constant 0 : i32
        %dma_start3A_122 = arith.constant 0 : i32
        %dma_start3A_123 = tpu.memref_slice %arg15[%dma_start3A, %dma_start3A_122] : memref<80x128xf32, #tpu.memory_space<vmem>> -> memref<40x128xf32, #tpu.memory_space<vmem>>
        %dma_start3A_124 = arith.constant 0 : i32
        %dma_start3A_125 = tpu.memref_slice %arg17[%add3A_105, %dma_start3A_124] : memref<10000x128xf32, #tpu.memory_space<vmem_shared>> -> memref<40x128xf32, #tpu.memory_space<vmem_shared>>
        %dma_start3A_126 = arith.constant 0 : i32
        %dma_start3A_127 = tpu.memref_slice %arg17[%add3A_105, %dma_start3A_126] : memref<10000x128xf32, #tpu.memory_space<vmem_shared>> -> memref<40x128xf32, #tpu.memory_space<vmem_shared>>
        %dma_start3A_128 = arith.constant 0 : i32
        %dma_start3A_129 = arith.constant 0 : i32
        %dma_start3A_130 = tpu.memref_slice %arg15[%dma_start3A_128, %dma_start3A_129] : memref<80x128xf32, #tpu.memory_space<vmem>> -> memref<40x128xf32, #tpu.memory_space<vmem>>
        tpu.enqueue_dma source(%dma_start3A_130 : memref<40x128xf32, #tpu.memory_space<vmem>>) target(%dma_start3A_127 : memref<40x128xf32, #tpu.memory_space<vmem_shared>>) target_semaphore(%run_scoped3A : memref<!tpu.dma_semaphore, #tpu.memory_space<semaphore_mem>>)
        %dma_wait3A = arith.constant 0 : i32
        %dma_wait3A_131 = arith.constant 0 : i32
        %dma_wait3A_132 = tpu.memref_slice %arg15[%dma_wait3A, %dma_wait3A_131] : memref<80x128xf32, #tpu.memory_space<vmem>> -> memref<40x128xf32, #tpu.memory_space<vmem>>
        %dma_wait3A_133 = arith.constant 0 : i32
        %dma_wait3A_134 = tpu.memref_slice %arg17[%add3A_105, %dma_wait3A_133] : memref<10000x128xf32, #tpu.memory_space<vmem_shared>> -> memref<40x128xf32, #tpu.memory_space<vmem_shared>>
        %dma_wait3A_135 = arith.constant 0 : i32
        %dma_wait3A_136 = tpu.memref_slice %arg17[%add3A_105, %dma_wait3A_135] : memref<10000x128xf32, #tpu.memory_space<vmem_shared>> -> memref<40x128xf32, #tpu.memory_space<vmem_shared>>
        %dma_wait3A_137 = arith.constant 0 : i32
        %dma_wait3A_138 = arith.constant 0 : i32
        %dma_wait3A_139 = tpu.memref_slice %arg15[%dma_wait3A_137, %dma_wait3A_138] : memref<80x128xf32, #tpu.memory_space<vmem>> -> memref<40x128xf32, #tpu.memory_space<vmem>>
        tpu.wait_dma2 semaphore(%run_scoped3A : memref<!tpu.dma_semaphore, #tpu.memory_space<semaphore_mem>>) src(%dma_wait3A_139 : memref<40x128xf32, #tpu.memory_space<vmem>>) dst(%dma_wait3A_136 : memref<40x128xf32, #tpu.memory_space<vmem_shared>>)
        tpu.yield
      }) : () -> ()
      %mul3A_106 = arith.constant 1000 : i32
      %mul3A_107 = arith.muli %arg1, %mul3A_106 : i32
      %add3A_108 = arith.constant 840 : i32
      %add3A_109 = arith.addi %mul3A_107, %add3A_108 : i32
      "tpu.region"() ({
        %run_scoped3A = tpu.sem_alloc : memref<!tpu.dma_semaphore, #tpu.memory_space<semaphore_mem>>
        %dma_start3A = arith.constant 0 : i32
        %dma_start3A_122 = arith.constant 0 : i32
        %dma_start3A_123 = tpu.memref_slice %arg15[%dma_start3A, %dma_start3A_122] : memref<80x128xf32, #tpu.memory_space<vmem>> -> memref<40x128xf32, #tpu.memory_space<vmem>>
        %dma_start3A_124 = arith.constant 0 : i32
        %dma_start3A_125 = tpu.memref_slice %arg17[%add3A_109, %dma_start3A_124] : memref<10000x128xf32, #tpu.memory_space<vmem_shared>> -> memref<40x128xf32, #tpu.memory_space<vmem_shared>>
        %dma_start3A_126 = arith.constant 0 : i32
        %dma_start3A_127 = tpu.memref_slice %arg17[%add3A_109, %dma_start3A_126] : memref<10000x128xf32, #tpu.memory_space<vmem_shared>> -> memref<40x128xf32, #tpu.memory_space<vmem_shared>>
        %dma_start3A_128 = arith.constant 0 : i32
        %dma_start3A_129 = arith.constant 0 : i32
        %dma_start3A_130 = tpu.memref_slice %arg15[%dma_start3A_128, %dma_start3A_129] : memref<80x128xf32, #tpu.memory_space<vmem>> -> memref<40x128xf32, #tpu.memory_space<vmem>>
        tpu.enqueue_dma source(%dma_start3A_130 : memref<40x128xf32, #tpu.memory_space<vmem>>) target(%dma_start3A_127 : memref<40x128xf32, #tpu.memory_space<vmem_shared>>) target_semaphore(%run_scoped3A : memref<!tpu.dma_semaphore, #tpu.memory_space<semaphore_mem>>)
        %dma_wait3A = arith.constant 0 : i32
        %dma_wait3A_131 = arith.constant 0 : i32
        %dma_wait3A_132 = tpu.memref_slice %arg15[%dma_wait3A, %dma_wait3A_131] : memref<80x128xf32, #tpu.memory_space<vmem>> -> memref<40x128xf32, #tpu.memory_space<vmem>>
        %dma_wait3A_133 = arith.constant 0 : i32
        %dma_wait3A_134 = tpu.memref_slice %arg17[%add3A_109, %dma_wait3A_133] : memref<10000x128xf32, #tpu.memory_space<vmem_shared>> -> memref<40x128xf32, #tpu.memory_space<vmem_shared>>
        %dma_wait3A_135 = arith.constant 0 : i32
        %dma_wait3A_136 = tpu.memref_slice %arg17[%add3A_109, %dma_wait3A_135] : memref<10000x128xf32, #tpu.memory_space<vmem_shared>> -> memref<40x128xf32, #tpu.memory_space<vmem_shared>>
        %dma_wait3A_137 = arith.constant 0 : i32
        %dma_wait3A_138 = arith.constant 0 : i32
        %dma_wait3A_139 = tpu.memref_slice %arg15[%dma_wait3A_137, %dma_wait3A_138] : memref<80x128xf32, #tpu.memory_space<vmem>> -> memref<40x128xf32, #tpu.memory_space<vmem>>
        tpu.wait_dma2 semaphore(%run_scoped3A : memref<!tpu.dma_semaphore, #tpu.memory_space<semaphore_mem>>) src(%dma_wait3A_139 : memref<40x128xf32, #tpu.memory_space<vmem>>) dst(%dma_wait3A_136 : memref<40x128xf32, #tpu.memory_space<vmem_shared>>)
        tpu.yield
      }) : () -> ()
      %mul3A_110 = arith.constant 1000 : i32
      %mul3A_111 = arith.muli %arg1, %mul3A_110 : i32
      %add3A_112 = arith.constant 880 : i32
      %add3A_113 = arith.addi %mul3A_111, %add3A_112 : i32
      "tpu.region"() ({
        %run_scoped3A = tpu.sem_alloc : memref<!tpu.dma_semaphore, #tpu.memory_space<semaphore_mem>>
        %dma_start3A = arith.constant 0 : i32
        %dma_start3A_122 = arith.constant 0 : i32
        %dma_start3A_123 = tpu.memref_slice %arg15[%dma_start3A, %dma_start3A_122] : memref<80x128xf32, #tpu.memory_space<vmem>> -> memref<40x128xf32, #tpu.memory_space<vmem>>
        %dma_start3A_124 = arith.constant 0 : i32
        %dma_start3A_125 = tpu.memref_slice %arg17[%add3A_113, %dma_start3A_124] : memref<10000x128xf32, #tpu.memory_space<vmem_shared>> -> memref<40x128xf32, #tpu.memory_space<vmem_shared>>
        %dma_start3A_126 = arith.constant 0 : i32
        %dma_start3A_127 = tpu.memref_slice %arg17[%add3A_113, %dma_start3A_126] : memref<10000x128xf32, #tpu.memory_space<vmem_shared>> -> memref<40x128xf32, #tpu.memory_space<vmem_shared>>
        %dma_start3A_128 = arith.constant 0 : i32
        %dma_start3A_129 = arith.constant 0 : i32
        %dma_start3A_130 = tpu.memref_slice %arg15[%dma_start3A_128, %dma_start3A_129] : memref<80x128xf32, #tpu.memory_space<vmem>> -> memref<40x128xf32, #tpu.memory_space<vmem>>
        tpu.enqueue_dma source(%dma_start3A_130 : memref<40x128xf32, #tpu.memory_space<vmem>>) target(%dma_start3A_127 : memref<40x128xf32, #tpu.memory_space<vmem_shared>>) target_semaphore(%run_scoped3A : memref<!tpu.dma_semaphore, #tpu.memory_space<semaphore_mem>>)
        %dma_wait3A = arith.constant 0 : i32
        %dma_wait3A_131 = arith.constant 0 : i32
        %dma_wait3A_132 = tpu.memref_slice %arg15[%dma_wait3A, %dma_wait3A_131] : memref<80x128xf32, #tpu.memory_space<vmem>> -> memref<40x128xf32, #tpu.memory_space<vmem>>
        %dma_wait3A_133 = arith.constant 0 : i32
        %dma_wait3A_134 = tpu.memref_slice %arg17[%add3A_113, %dma_wait3A_133] : memref<10000x128xf32, #tpu.memory_space<vmem_shared>> -> memref<40x128xf32, #tpu.memory_space<vmem_shared>>
        %dma_wait3A_135 = arith.constant 0 : i32
        %dma_wait3A_136 = tpu.memref_slice %arg17[%add3A_113, %dma_wait3A_135] : memref<10000x128xf32, #tpu.memory_space<vmem_shared>> -> memref<40x128xf32, #tpu.memory_space<vmem_shared>>
        %dma_wait3A_137 = arith.constant 0 : i32
        %dma_wait3A_138 = arith.constant 0 : i32
        %dma_wait3A_139 = tpu.memref_slice %arg15[%dma_wait3A_137, %dma_wait3A_138] : memref<80x128xf32, #tpu.memory_space<vmem>> -> memref<40x128xf32, #tpu.memory_space<vmem>>
        tpu.wait_dma2 semaphore(%run_scoped3A : memref<!tpu.dma_semaphore, #tpu.memory_space<semaphore_mem>>) src(%dma_wait3A_139 : memref<40x128xf32, #tpu.memory_space<vmem>>) dst(%dma_wait3A_136 : memref<40x128xf32, #tpu.memory_space<vmem_shared>>)
        tpu.yield
      }) : () -> ()
      %mul3A_114 = arith.constant 1000 : i32
      %mul3A_115 = arith.muli %arg1, %mul3A_114 : i32
      %add3A_116 = arith.constant 920 : i32
      %add3A_117 = arith.addi %mul3A_115, %add3A_116 : i32
      "tpu.region"() ({
        %run_scoped3A = tpu.sem_alloc : memref<!tpu.dma_semaphore, #tpu.memory_space<semaphore_mem>>
        %dma_start3A = arith.constant 0 : i32
        %dma_start3A_122 = arith.constant 0 : i32
        %dma_start3A_123 = tpu.memref_slice %arg15[%dma_start3A, %dma_start3A_122] : memref<80x128xf32, #tpu.memory_space<vmem>> -> memref<40x128xf32, #tpu.memory_space<vmem>>
        %dma_start3A_124 = arith.constant 0 : i32
        %dma_start3A_125 = tpu.memref_slice %arg17[%add3A_117, %dma_start3A_124] : memref<10000x128xf32, #tpu.memory_space<vmem_shared>> -> memref<40x128xf32, #tpu.memory_space<vmem_shared>>
        %dma_start3A_126 = arith.constant 0 : i32
        %dma_start3A_127 = tpu.memref_slice %arg17[%add3A_117, %dma_start3A_126] : memref<10000x128xf32, #tpu.memory_space<vmem_shared>> -> memref<40x128xf32, #tpu.memory_space<vmem_shared>>
        %dma_start3A_128 = arith.constant 0 : i32
        %dma_start3A_129 = arith.constant 0 : i32
        %dma_start3A_130 = tpu.memref_slice %arg15[%dma_start3A_128, %dma_start3A_129] : memref<80x128xf32, #tpu.memory_space<vmem>> -> memref<40x128xf32, #tpu.memory_space<vmem>>
        tpu.enqueue_dma source(%dma_start3A_130 : memref<40x128xf32, #tpu.memory_space<vmem>>) target(%dma_start3A_127 : memref<40x128xf32, #tpu.memory_space<vmem_shared>>) target_semaphore(%run_scoped3A : memref<!tpu.dma_semaphore, #tpu.memory_space<semaphore_mem>>)
        %dma_wait3A = arith.constant 0 : i32
        %dma_wait3A_131 = arith.constant 0 : i32
        %dma_wait3A_132 = tpu.memref_slice %arg15[%dma_wait3A, %dma_wait3A_131] : memref<80x128xf32, #tpu.memory_space<vmem>> -> memref<40x128xf32, #tpu.memory_space<vmem>>
        %dma_wait3A_133 = arith.constant 0 : i32
        %dma_wait3A_134 = tpu.memref_slice %arg17[%add3A_117, %dma_wait3A_133] : memref<10000x128xf32, #tpu.memory_space<vmem_shared>> -> memref<40x128xf32, #tpu.memory_space<vmem_shared>>
        %dma_wait3A_135 = arith.constant 0 : i32
        %dma_wait3A_136 = tpu.memref_slice %arg17[%add3A_117, %dma_wait3A_135] : memref<10000x128xf32, #tpu.memory_space<vmem_shared>> -> memref<40x128xf32, #tpu.memory_space<vmem_shared>>
        %dma_wait3A_137 = arith.constant 0 : i32
        %dma_wait3A_138 = arith.constant 0 : i32
        %dma_wait3A_139 = tpu.memref_slice %arg15[%dma_wait3A_137, %dma_wait3A_138] : memref<80x128xf32, #tpu.memory_space<vmem>> -> memref<40x128xf32, #tpu.memory_space<vmem>>
        tpu.wait_dma2 semaphore(%run_scoped3A : memref<!tpu.dma_semaphore, #tpu.memory_space<semaphore_mem>>) src(%dma_wait3A_139 : memref<40x128xf32, #tpu.memory_space<vmem>>) dst(%dma_wait3A_136 : memref<40x128xf32, #tpu.memory_space<vmem_shared>>)
        tpu.yield
      }) : () -> ()
      %mul3A_118 = arith.constant 1000 : i32
      %mul3A_119 = arith.muli %arg1, %mul3A_118 : i32
      %add3A_120 = arith.constant 960 : i32
      %add3A_121 = arith.addi %mul3A_119, %add3A_120 : i32
      "tpu.region"() ({
        %run_scoped3A = tpu.sem_alloc : memref<!tpu.dma_semaphore, #tpu.memory_space<semaphore_mem>>
        %dma_start3A = arith.constant 0 : i32
        %dma_start3A_122 = arith.constant 0 : i32
        %dma_start3A_123 = tpu.memref_slice %arg15[%dma_start3A, %dma_start3A_122] : memref<80x128xf32, #tpu.memory_space<vmem>> -> memref<40x128xf32, #tpu.memory_space<vmem>>
        %dma_start3A_124 = arith.constant 0 : i32
        %dma_start3A_125 = tpu.memref_slice %arg17[%add3A_121, %dma_start3A_124] : memref<10000x128xf32, #tpu.memory_space<vmem_shared>> -> memref<40x128xf32, #tpu.memory_space<vmem_shared>>
        %dma_start3A_126 = arith.constant 0 : i32
        %dma_start3A_127 = tpu.memref_slice %arg17[%add3A_121, %dma_start3A_126] : memref<10000x128xf32, #tpu.memory_space<vmem_shared>> -> memref<40x128xf32, #tpu.memory_space<vmem_shared>>
        %dma_start3A_128 = arith.constant 0 : i32
        %dma_start3A_129 = arith.constant 0 : i32
        %dma_start3A_130 = tpu.memref_slice %arg15[%dma_start3A_128, %dma_start3A_129] : memref<80x128xf32, #tpu.memory_space<vmem>> -> memref<40x128xf32, #tpu.memory_space<vmem>>
        tpu.enqueue_dma source(%dma_start3A_130 : memref<40x128xf32, #tpu.memory_space<vmem>>) target(%dma_start3A_127 : memref<40x128xf32, #tpu.memory_space<vmem_shared>>) target_semaphore(%run_scoped3A : memref<!tpu.dma_semaphore, #tpu.memory_space<semaphore_mem>>)
        %dma_wait3A = arith.constant 0 : i32
        %dma_wait3A_131 = arith.constant 0 : i32
        %dma_wait3A_132 = tpu.memref_slice %arg15[%dma_wait3A, %dma_wait3A_131] : memref<80x128xf32, #tpu.memory_space<vmem>> -> memref<40x128xf32, #tpu.memory_space<vmem>>
        %dma_wait3A_133 = arith.constant 0 : i32
        %dma_wait3A_134 = tpu.memref_slice %arg17[%add3A_121, %dma_wait3A_133] : memref<10000x128xf32, #tpu.memory_space<vmem_shared>> -> memref<40x128xf32, #tpu.memory_space<vmem_shared>>
        %dma_wait3A_135 = arith.constant 0 : i32
        %dma_wait3A_136 = tpu.memref_slice %arg17[%add3A_121, %dma_wait3A_135] : memref<10000x128xf32, #tpu.memory_space<vmem_shared>> -> memref<40x128xf32, #tpu.memory_space<vmem_shared>>
        %dma_wait3A_137 = arith.constant 0 : i32
        %dma_wait3A_138 = arith.constant 0 : i32
        %dma_wait3A_139 = tpu.memref_slice %arg15[%dma_wait3A_137, %dma_wait3A_138] : memref<80x128xf32, #tpu.memory_space<vmem>> -> memref<40x128xf32, #tpu.memory_space<vmem>>
        tpu.wait_dma2 semaphore(%run_scoped3A : memref<!tpu.dma_semaphore, #tpu.memory_space<semaphore_mem>>) src(%dma_wait3A_139 : memref<40x128xf32, #tpu.memory_space<vmem>>) dst(%dma_wait3A_136 : memref<40x128xf32, #tpu.memory_space<vmem_shared>>)
        tpu.yield
      }) : () -> ()
    } else {
    }
    %barrier3A = arith.constant 0 : index
    tpu.barrier barrier_id(%barrier3A)
    %scan3A_10 = arith.constant 0 : i32
    %scan3A_11 = arith.constant 0 : i32
    %scan3A_12 = arith.constant 5 : i32
    %scan3A_13 = arith.addi %scan3A_11, %scan3A_12 : i32
    %scan3A_14 = arith.constant 1 : i32
    scf.for %scan3A_22 = %scan3A_11 to %scan3A_13 step %scan3A_14  : i32 {
      %mul3A_23 = arith.constant 25 : i32
      %mul3A_24 = arith.muli %scan3A_22, %mul3A_23 : i32
      "tpu.region"() ({
        %run_scoped3A = tpu.sem_alloc : memref<!tpu.dma_semaphore, #tpu.memory_space<semaphore_mem>>
        %dma_start3A_142 = arith.constant 0 : i32
        %dma_start3A_143 = arith.constant 0 : i32
        %dma_start3A_144 = tpu.memref_slice %arg4[%add3A, %scan3A_22, %dma_start3A_142, %dma_start3A_143] : memref<32x5x25x80xi32, #tpu.memory_space<hbm>> -> memref<1x1x25x80xi32, #tpu.memory_space<hbm>>
        %dma_start3A_145 = tpu.memref_squeeze %dma_start3A_144 : memref<1x1x25x80xi32, #tpu.memory_space<hbm>> -> memref<25x80xi32, #tpu.memory_space<hbm>>
        %dma_start3A_146 = arith.constant 0 : i32
        %dma_start3A_147 = arith.constant 0 : i32
        %dma_start3A_148 = tpu.memref_slice %arg4[%add3A, %scan3A_22, %dma_start3A_146, %dma_start3A_147] : memref<32x5x25x80xi32, #tpu.memory_space<hbm>> -> memref<1x1x25x80xi32, #tpu.memory_space<hbm>>
        %dma_start3A_149 = tpu.memref_squeeze %dma_start3A_148 : memref<1x1x25x80xi32, #tpu.memory_space<hbm>> -> memref<25x80xi32, #tpu.memory_space<hbm>>
        tpu.enqueue_dma source(%dma_start3A_149 : memref<25x80xi32, #tpu.memory_space<hbm>>) target(%arg7 : memref<25x80xi32, #tpu.memory_space<vmem>>) target_semaphore(%run_scoped3A : memref<!tpu.dma_semaphore, #tpu.memory_space<semaphore_mem>>)
        %dma_wait3A_150 = arith.constant 0 : i32
        %dma_wait3A_151 = arith.constant 0 : i32
        %dma_wait3A_152 = tpu.memref_slice %arg4[%add3A, %scan3A_22, %dma_wait3A_150, %dma_wait3A_151] : memref<32x5x25x80xi32, #tpu.memory_space<hbm>> -> memref<1x1x25x80xi32, #tpu.memory_space<hbm>>
        %dma_wait3A_153 = tpu.memref_squeeze %dma_wait3A_152 : memref<1x1x25x80xi32, #tpu.memory_space<hbm>> -> memref<25x80xi32, #tpu.memory_space<hbm>>
        %dma_wait3A_154 = arith.constant 0 : i32
        %dma_wait3A_155 = arith.constant 0 : i32
        %dma_wait3A_156 = tpu.memref_slice %arg4[%add3A, %scan3A_22, %dma_wait3A_154, %dma_wait3A_155] : memref<32x5x25x80xi32, #tpu.memory_space<hbm>> -> memref<1x1x25x80xi32, #tpu.memory_space<hbm>>
        %dma_wait3A_157 = tpu.memref_squeeze %dma_wait3A_156 : memref<1x1x25x80xi32, #tpu.memory_space<hbm>> -> memref<25x80xi32, #tpu.memory_space<hbm>>
        tpu.wait_dma2 semaphore(%run_scoped3A : memref<!tpu.dma_semaphore, #tpu.memory_space<semaphore_mem>>) src(%dma_wait3A_157 : memref<25x80xi32, #tpu.memory_space<hbm>>) dst(%arg7 : memref<25x80xi32, #tpu.memory_space<vmem>>)
        tpu.yield
      }) : () -> ()
      "tpu.region"() ({
        %run_scoped3A = tpu.sem_alloc : memref<!tpu.dma_semaphore, #tpu.memory_space<semaphore_mem>>
        %dma_start3A_142 = arith.constant 0 : i32
        %dma_start3A_143 = arith.constant 0 : i32
        %dma_start3A_144 = tpu.memref_slice %arg5[%add3A, %scan3A_22, %dma_start3A_142, %dma_start3A_143] : memref<32x5x25x80xi32, #tpu.memory_space<hbm>> -> memref<1x1x25x80xi32, #tpu.memory_space<hbm>>
        %dma_start3A_145 = tpu.memref_squeeze %dma_start3A_144 : memref<1x1x25x80xi32, #tpu.memory_space<hbm>> -> memref<25x80xi32, #tpu.memory_space<hbm>>
        %dma_start3A_146 = arith.constant 0 : i32
        %dma_start3A_147 = arith.constant 0 : i32
        %dma_start3A_148 = tpu.memref_slice %arg5[%add3A, %scan3A_22, %dma_start3A_146, %dma_start3A_147] : memref<32x5x25x80xi32, #tpu.memory_space<hbm>> -> memref<1x1x25x80xi32, #tpu.memory_space<hbm>>
        %dma_start3A_149 = tpu.memref_squeeze %dma_start3A_148 : memref<1x1x25x80xi32, #tpu.memory_space<hbm>> -> memref<25x80xi32, #tpu.memory_space<hbm>>
        tpu.enqueue_dma source(%dma_start3A_149 : memref<25x80xi32, #tpu.memory_space<hbm>>) target(%arg8 : memref<25x80xi32, #tpu.memory_space<vmem>>) target_semaphore(%run_scoped3A : memref<!tpu.dma_semaphore, #tpu.memory_space<semaphore_mem>>)
        %dma_wait3A_150 = arith.constant 0 : i32
        %dma_wait3A_151 = arith.constant 0 : i32
        %dma_wait3A_152 = tpu.memref_slice %arg5[%add3A, %scan3A_22, %dma_wait3A_150, %dma_wait3A_151] : memref<32x5x25x80xi32, #tpu.memory_space<hbm>> -> memref<1x1x25x80xi32, #tpu.memory_space<hbm>>
        %dma_wait3A_153 = tpu.memref_squeeze %dma_wait3A_152 : memref<1x1x25x80xi32, #tpu.memory_space<hbm>> -> memref<25x80xi32, #tpu.memory_space<hbm>>
        %dma_wait3A_154 = arith.constant 0 : i32
        %dma_wait3A_155 = arith.constant 0 : i32
        %dma_wait3A_156 = tpu.memref_slice %arg5[%add3A, %scan3A_22, %dma_wait3A_154, %dma_wait3A_155] : memref<32x5x25x80xi32, #tpu.memory_space<hbm>> -> memref<1x1x25x80xi32, #tpu.memory_space<hbm>>
        %dma_wait3A_157 = tpu.memref_squeeze %dma_wait3A_156 : memref<1x1x25x80xi32, #tpu.memory_space<hbm>> -> memref<25x80xi32, #tpu.memory_space<hbm>>
        tpu.wait_dma2 semaphore(%run_scoped3A : memref<!tpu.dma_semaphore, #tpu.memory_space<semaphore_mem>>) src(%dma_wait3A_157 : memref<25x80xi32, #tpu.memory_space<hbm>>) dst(%arg8 : memref<25x80xi32, #tpu.memory_space<vmem>>)
        tpu.yield
      }) : () -> ()
      %get3A = arith.constant 0 : i32
      %get3A_25 = arith.index_cast %get3A : i32 to index
      %get3A_26 = arith.constant 0 : index
      %get3A_27 = tpu.vector_load %arg7[%get3A_25, %get3A_26] {strides = array<i32>} : memref<25x80xi32, #tpu.memory_space<vmem>>, vector<16xi32>,
      %swap3A = arith.constant 0 : index
      %swap3A_28 = tpu.vector_load %arg9[%swap3A] {strides = array<i32>} : memref<80xi32, #tpu.memory_space<vmem>>, vector<16xi32>,
      tpu.vector_store %arg9[%swap3A], %get3A_27 {strides = array<i32>} : memref<80xi32, #tpu.memory_space<vmem>>, vector<16xi32>,
      %get3A_29 = arith.constant 0 : i32
      %get3A_30 = arith.index_cast %get3A_29 : i32 to index
      %get3A_31 = arith.constant 0 : index
      %get3A_32 = tpu.vector_load %arg8[%get3A_30, %get3A_31] {strides = array<i32>} : memref<25x80xi32, #tpu.memory_space<vmem>>, vector<16xi32>,
      %swap3A_33 = arith.constant 0 : index
      %swap3A_34 = tpu.vector_load %arg11[%swap3A_33] {strides = array<i32>} : memref<80xi32, #tpu.memory_space<vmem>>, vector<16xi32>,
      tpu.vector_store %arg11[%swap3A_33], %get3A_32 {strides = array<i32>} : memref<80xi32, #tpu.memory_space<vmem>>, vector<16xi32>,
      %get3A_35 = arith.constant 0 : i32
      %get3A_36 = arith.index_cast %get3A_35 : i32 to index
      %get3A_37 = arith.constant 16 : index
      %get3A_38 = tpu.vector_load %arg7[%get3A_36, %get3A_37] {strides = array<i32>} : memref<25x80xi32, #tpu.memory_space<vmem>>, vector<16xi32>,
      %swap3A_39 = arith.constant 16 : index
      %swap3A_40 = tpu.vector_load %arg9[%swap3A_39] {strides = array<i32>} : memref<80xi32, #tpu.memory_space<vmem>>, vector<16xi32>,
      tpu.vector_store %arg9[%swap3A_39], %get3A_38 {strides = array<i32>} : memref<80xi32, #tpu.memory_space<vmem>>, vector<16xi32>,
      %get3A_41 = arith.constant 0 : i32
      %get3A_42 = arith.index_cast %get3A_41 : i32 to index
      %get3A_43 = arith.constant 16 : index
      %get3A_44 = tpu.vector_load %arg8[%get3A_42, %get3A_43] {strides = array<i32>} : memref<25x80xi32, #tpu.memory_space<vmem>>, vector<16xi32>,
      %swap3A_45 = arith.constant 16 : index
      %swap3A_46 = tpu.vector_load %arg11[%swap3A_45] {strides = array<i32>} : memref<80xi32, #tpu.memory_space<vmem>>, vector<16xi32>,
      tpu.vector_store %arg11[%swap3A_45], %get3A_44 {strides = array<i32>} : memref<80xi32, #tpu.memory_space<vmem>>, vector<16xi32>,
      %get3A_47 = arith.constant 0 : i32
      %get3A_48 = arith.index_cast %get3A_47 : i32 to index
      %get3A_49 = arith.constant 32 : index
      %get3A_50 = tpu.vector_load %arg7[%get3A_48, %get3A_49] {strides = array<i32>} : memref<25x80xi32, #tpu.memory_space<vmem>>, vector<16xi32>,
      %swap3A_51 = arith.constant 32 : index
      %swap3A_52 = tpu.vector_load %arg9[%swap3A_51] {strides = array<i32>} : memref<80xi32, #tpu.memory_space<vmem>>, vector<16xi32>,
      tpu.vector_store %arg9[%swap3A_51], %get3A_50 {strides = array<i32>} : memref<80xi32, #tpu.memory_space<vmem>>, vector<16xi32>,
      %get3A_53 = arith.constant 0 : i32
      %get3A_54 = arith.index_cast %get3A_53 : i32 to index
      %get3A_55 = arith.constant 32 : index
      %get3A_56 = tpu.vector_load %arg8[%get3A_54, %get3A_55] {strides = array<i32>} : memref<25x80xi32, #tpu.memory_space<vmem>>, vector<16xi32>,
      %swap3A_57 = arith.constant 32 : index
      %swap3A_58 = tpu.vector_load %arg11[%swap3A_57] {strides = array<i32>} : memref<80xi32, #tpu.memory_space<vmem>>, vector<16xi32>,
      tpu.vector_store %arg11[%swap3A_57], %get3A_56 {strides = array<i32>} : memref<80xi32, #tpu.memory_space<vmem>>, vector<16xi32>,
      %get3A_59 = arith.constant 0 : i32
      %get3A_60 = arith.index_cast %get3A_59 : i32 to index
      %get3A_61 = arith.constant 48 : index
      %get3A_62 = tpu.vector_load %arg7[%get3A_60, %get3A_61] {strides = array<i32>} : memref<25x80xi32, #tpu.memory_space<vmem>>, vector<16xi32>,
      %swap3A_63 = arith.constant 48 : index
      %swap3A_64 = tpu.vector_load %arg9[%swap3A_63] {strides = array<i32>} : memref<80xi32, #tpu.memory_space<vmem>>, vector<16xi32>,
      tpu.vector_store %arg9[%swap3A_63], %get3A_62 {strides = array<i32>} : memref<80xi32, #tpu.memory_space<vmem>>, vector<16xi32>,
      %get3A_65 = arith.constant 0 : i32
      %get3A_66 = arith.index_cast %get3A_65 : i32 to index
      %get3A_67 = arith.constant 48 : index
      %get3A_68 = tpu.vector_load %arg8[%get3A_66, %get3A_67] {strides = array<i32>} : memref<25x80xi32, #tpu.memory_space<vmem>>, vector<16xi32>,
      %swap3A_69 = arith.constant 48 : index
      %swap3A_70 = tpu.vector_load %arg11[%swap3A_69] {strides = array<i32>} : memref<80xi32, #tpu.memory_space<vmem>>, vector<16xi32>,
      tpu.vector_store %arg11[%swap3A_69], %get3A_68 {strides = array<i32>} : memref<80xi32, #tpu.memory_space<vmem>>, vector<16xi32>,
      %get3A_71 = arith.constant 0 : i32
      %get3A_72 = arith.index_cast %get3A_71 : i32 to index
      %get3A_73 = arith.constant 64 : index
      %get3A_74 = tpu.vector_load %arg7[%get3A_72, %get3A_73] {strides = array<i32>} : memref<25x80xi32, #tpu.memory_space<vmem>>, vector<16xi32>,
      %swap3A_75 = arith.constant 64 : index
      %swap3A_76 = tpu.vector_load %arg9[%swap3A_75] {strides = array<i32>} : memref<80xi32, #tpu.memory_space<vmem>>, vector<16xi32>,
      tpu.vector_store %arg9[%swap3A_75], %get3A_74 {strides = array<i32>} : memref<80xi32, #tpu.memory_space<vmem>>, vector<16xi32>,
      %get3A_77 = arith.constant 0 : i32
      %get3A_78 = arith.index_cast %get3A_77 : i32 to index
      %get3A_79 = arith.constant 64 : index
      %get3A_80 = tpu.vector_load %arg8[%get3A_78, %get3A_79] {strides = array<i32>} : memref<25x80xi32, #tpu.memory_space<vmem>>, vector<16xi32>,
      %swap3A_81 = arith.constant 64 : index
      %swap3A_82 = tpu.vector_load %arg11[%swap3A_81] {strides = array<i32>} : memref<80xi32, #tpu.memory_space<vmem>>, vector<16xi32>,
      tpu.vector_store %arg11[%swap3A_81], %get3A_80 {strides = array<i32>} : memref<80xi32, #tpu.memory_space<vmem>>, vector<16xi32>,
      %dma_start3A = arith.constant 0 : i32
      %dma_start3A_83 = arith.constant 0 : i32
      %dma_start3A_84 = arith.constant 0 : i32
      %dma_start3A_85 = tpu.memref_slice %arg3[%dma_start3A_83, %dma_start3A_84] : memref<10000x128xf32, #tpu.memory_space<hbm>> -> memref<10000x128xf32, #tpu.memory_space<hbm>>
      %dma_start3A_86 = tpu.memref_slice %arg18[%dma_start3A] : memref<2x!tpu.dma_semaphore, #tpu.memory_space<semaphore_mem>> -> memref<1x!tpu.dma_semaphore, #tpu.memory_space<semaphore_mem>>
      %dma_start3A_87 = tpu.memref_squeeze %dma_start3A_86 : memref<1x!tpu.dma_semaphore, #tpu.memory_space<semaphore_mem>> -> memref<!tpu.dma_semaphore, #tpu.memory_space<semaphore_mem>>
      tpu.enqueue_indirect_dma source(%dma_start3A_85 : memref<10000x128xf32, #tpu.memory_space<hbm>>) target(%arg13 : memref<80x128xf32, #tpu.memory_space<vmem>>) offsets(%arg9 : memref<80xi32, #tpu.memory_space<vmem>>) semaphore(%dma_start3A_87 : memref<!tpu.dma_semaphore, #tpu.memory_space<semaphore_mem>>)
      %mul3A_88 = arith.constant 80 : i32
      %mul3A_89 = arith.muli %mul3A_24, %mul3A_88 : i32
      %add3A_90 = arith.addi %mul3A_2, %mul3A_89 : i32
      %dma_start3A_91 = arith.constant 0 : i32
      %dma_start3A_92 = arith.constant 0 : i32
      %dma_start3A_93 = tpu.memref_slice %arg2[%add3A_90, %dma_start3A_92] : memref<320000x128xf32, #tpu.memory_space<hbm>> -> memref<80x128xf32, #tpu.memory_space<hbm>>
      %dma_start3A_94 = tpu.memref_slice %arg19[%dma_start3A_91] : memref<2x!tpu.dma_semaphore, #tpu.memory_space<semaphore_mem>> -> memref<1x!tpu.dma_semaphore, #tpu.memory_space<semaphore_mem>>
      %dma_start3A_95 = tpu.memref_squeeze %dma_start3A_94 : memref<1x!tpu.dma_semaphore, #tpu.memory_space<semaphore_mem>> -> memref<!tpu.dma_semaphore, #tpu.memory_space<semaphore_mem>>
      %dma_start3A_96 = arith.constant 0 : i32
      %dma_start3A_97 = tpu.memref_slice %arg2[%add3A_90, %dma_start3A_96] : memref<320000x128xf32, #tpu.memory_space<hbm>> -> memref<80x128xf32, #tpu.memory_space<hbm>>
      tpu.enqueue_dma source(%dma_start3A_97 : memref<80x128xf32, #tpu.memory_space<hbm>>) target(%arg15 : memref<80x128xf32, #tpu.memory_space<vmem>>) target_semaphore(%dma_start3A_95 : memref<!tpu.dma_semaphore, #tpu.memory_space<semaphore_mem>>)
      %scan3A_98 = arith.constant 0 : i32
      %scan3A_99 = arith.constant 0 : i32
      %scan3A_100 = arith.constant 12 : i32
      %scan3A_101 = arith.addi %scan3A_99, %scan3A_100 : i32
      %scan3A_102 = arith.constant 1 : i32
      scf.for %scan3A_142 = %scan3A_99 to %scan3A_101 step %scan3A_102  : i32 {
        %mul3A_143 = arith.constant 2 : i32
        %mul3A_144 = arith.muli %mul3A_143, %scan3A_142 : i32
        %add3A_145 = arith.constant 1 : i32
        %add3A_146 = arith.addi %mul3A_144, %add3A_145 : i32
        %gt3A = arith.constant 0 : i32
        %gt3A_147 = arith.cmpi sgt, %scan3A_142, %gt3A : i32
        %convert_element_type3A_148 = arith.extui %gt3A_147 : i1 to i32
        %cond3A_149 = arith.constant 0 : i32
        %cond3A_150 = arith.cmpi ne, %convert_element_type3A_148, %cond3A_149 : i32
        scf.if %cond3A_150 {
          %dma_wait3A_349 = arith.constant 1 : i32
          %dma_wait3A_350 = arith.constant 0 : i32
          %dma_wait3A_351 = arith.constant 0 : i32
          %dma_wait3A_352 = tpu.memref_slice %arg17[%dma_wait3A_350, %dma_wait3A_351] : memref<10000x128xf32, #tpu.memory_space<vmem_shared>> -> memref<10000x128xf32, #tpu.memory_space<vmem_shared>>
          %dma_wait3A_353 = tpu.memref_slice %arg20[%dma_wait3A_349] : memref<2x!tpu.dma_semaphore, #tpu.memory_space<semaphore_mem>> -> memref<1x!tpu.dma_semaphore, #tpu.memory_space<semaphore_mem>>
          %dma_wait3A_354 = tpu.memref_squeeze %dma_wait3A_353 : memref<1x!tpu.dma_semaphore, #tpu.memory_space<semaphore_mem>> -> memref<!tpu.dma_semaphore, #tpu.memory_space<semaphore_mem>>
          tpu.wait_indirect_dma semaphore(%dma_wait3A_354 : memref<!tpu.dma_semaphore, #tpu.memory_space<semaphore_mem>>) src(%arg16 : memref<80x128xf32, #tpu.memory_space<vmem>>) dst(%dma_wait3A_352 : memref<10000x128xf32, #tpu.memory_space<vmem_shared>>)
        } else {
        }
        %add3A_151 = arith.addi %mul3A_24, %add3A_146 : i32
        %get3A_152 = arith.index_cast %add3A_146 : i32 to index
        %get3A_153 = arith.constant 0 : index
        %get3A_154 = tpu.vector_load %arg7[%get3A_152, %get3A_153] {strides = array<i32>} : memref<25x80xi32, #tpu.memory_space<vmem>>, vector<16xi32>,
        %swap3A_155 = arith.constant 0 : index
        %swap3A_156 = tpu.vector_load %arg10[%swap3A_155] {strides = array<i32>} : memref<80xi32, #tpu.memory_space<vmem>>, vector<16xi32>,
        tpu.vector_store %arg10[%swap3A_155], %get3A_154 {strides = array<i32>} : memref<80xi32, #tpu.memory_space<vmem>>, vector<16xi32>,
        %get3A_157 = arith.index_cast %add3A_146 : i32 to index
        %get3A_158 = arith.constant 0 : index
        %get3A_159 = tpu.vector_load %arg8[%get3A_157, %get3A_158] {strides = array<i32>} : memref<25x80xi32, #tpu.memory_space<vmem>>, vector<16xi32>,
        %swap3A_160 = arith.constant 0 : index
        %swap3A_161 = tpu.vector_load %arg12[%swap3A_160] {strides = array<i32>} : memref<80xi32, #tpu.memory_space<vmem>>, vector<16xi32>,
        tpu.vector_store %arg12[%swap3A_160], %get3A_159 {strides = array<i32>} : memref<80xi32, #tpu.memory_space<vmem>>, vector<16xi32>,
        %get3A_162 = arith.index_cast %add3A_146 : i32 to index
        %get3A_163 = arith.constant 16 : index
        %get3A_164 = tpu.vector_load %arg7[%get3A_162, %get3A_163] {strides = array<i32>} : memref<25x80xi32, #tpu.memory_space<vmem>>, vector<16xi32>,
        %swap3A_165 = arith.constant 16 : index
        %swap3A_166 = tpu.vector_load %arg10[%swap3A_165] {strides = array<i32>} : memref<80xi32, #tpu.memory_space<vmem>>, vector<16xi32>,
        tpu.vector_store %arg10[%swap3A_165], %get3A_164 {strides = array<i32>} : memref<80xi32, #tpu.memory_space<vmem>>, vector<16xi32>,
        %get3A_167 = arith.index_cast %add3A_146 : i32 to index
        %get3A_168 = arith.constant 16 : index
        %get3A_169 = tpu.vector_load %arg8[%get3A_167, %get3A_168] {strides = array<i32>} : memref<25x80xi32, #tpu.memory_space<vmem>>, vector<16xi32>,
        %swap3A_170 = arith.constant 16 : index
        %swap3A_171 = tpu.vector_load %arg12[%swap3A_170] {strides = array<i32>} : memref<80xi32, #tpu.memory_space<vmem>>, vector<16xi32>,
        tpu.vector_store %arg12[%swap3A_170], %get3A_169 {strides = array<i32>} : memref<80xi32, #tpu.memory_space<vmem>>, vector<16xi32>,
        %get3A_172 = arith.index_cast %add3A_146 : i32 to index
        %get3A_173 = arith.constant 32 : index
        %get3A_174 = tpu.vector_load %arg7[%get3A_172, %get3A_173] {strides = array<i32>} : memref<25x80xi32, #tpu.memory_space<vmem>>, vector<16xi32>,
        %swap3A_175 = arith.constant 32 : index
        %swap3A_176 = tpu.vector_load %arg10[%swap3A_175] {strides = array<i32>} : memref<80xi32, #tpu.memory_space<vmem>>, vector<16xi32>,
        tpu.vector_store %arg10[%swap3A_175], %get3A_174 {strides = array<i32>} : memref<80xi32, #tpu.memory_space<vmem>>, vector<16xi32>,
        %get3A_177 = arith.index_cast %add3A_146 : i32 to index
        %get3A_178 = arith.constant 32 : index
        %get3A_179 = tpu.vector_load %arg8[%get3A_177, %get3A_178] {strides = array<i32>} : memref<25x80xi32, #tpu.memory_space<vmem>>, vector<16xi32>,
        %swap3A_180 = arith.constant 32 : index
        %swap3A_181 = tpu.vector_load %arg12[%swap3A_180] {strides = array<i32>} : memref<80xi32, #tpu.memory_space<vmem>>, vector<16xi32>,
        tpu.vector_store %arg12[%swap3A_180], %get3A_179 {strides = array<i32>} : memref<80xi32, #tpu.memory_space<vmem>>, vector<16xi32>,
        %get3A_182 = arith.index_cast %add3A_146 : i32 to index
        %get3A_183 = arith.constant 48 : index
        %get3A_184 = tpu.vector_load %arg7[%get3A_182, %get3A_183] {strides = array<i32>} : memref<25x80xi32, #tpu.memory_space<vmem>>, vector<16xi32>,
        %swap3A_185 = arith.constant 48 : index
        %swap3A_186 = tpu.vector_load %arg10[%swap3A_185] {strides = array<i32>} : memref<80xi32, #tpu.memory_space<vmem>>, vector<16xi32>,
        tpu.vector_store %arg10[%swap3A_185], %get3A_184 {strides = array<i32>} : memref<80xi32, #tpu.memory_space<vmem>>, vector<16xi32>,
        %get3A_187 = arith.index_cast %add3A_146 : i32 to index
        %get3A_188 = arith.constant 48 : index
        %get3A_189 = tpu.vector_load %arg8[%get3A_187, %get3A_188] {strides = array<i32>} : memref<25x80xi32, #tpu.memory_space<vmem>>, vector<16xi32>,
        %swap3A_190 = arith.constant 48 : index
        %swap3A_191 = tpu.vector_load %arg12[%swap3A_190] {strides = array<i32>} : memref<80xi32, #tpu.memory_space<vmem>>, vector<16xi32>,
        tpu.vector_store %arg12[%swap3A_190], %get3A_189 {strides = array<i32>} : memref<80xi32, #tpu.memory_space<vmem>>, vector<16xi32>,
        %get3A_192 = arith.index_cast %add3A_146 : i32 to index
        %get3A_193 = arith.constant 64 : index
        %get3A_194 = tpu.vector_load %arg7[%get3A_192, %get3A_193] {strides = array<i32>} : memref<25x80xi32, #tpu.memory_space<vmem>>, vector<16xi32>,
        %swap3A_195 = arith.constant 64 : index
        %swap3A_196 = tpu.vector_load %arg10[%swap3A_195] {strides = array<i32>} : memref<80xi32, #tpu.memory_space<vmem>>, vector<16xi32>,
        tpu.vector_store %arg10[%swap3A_195], %get3A_194 {strides = array<i32>} : memref<80xi32, #tpu.memory_space<vmem>>, vector<16xi32>,
        %get3A_197 = arith.index_cast %add3A_146 : i32 to index
        %get3A_198 = arith.constant 64 : index
        %get3A_199 = tpu.vector_load %arg8[%get3A_197, %get3A_198] {strides = array<i32>} : memref<25x80xi32, #tpu.memory_space<vmem>>, vector<16xi32>,
        %swap3A_200 = arith.constant 64 : index
        %swap3A_201 = tpu.vector_load %arg12[%swap3A_200] {strides = array<i32>} : memref<80xi32, #tpu.memory_space<vmem>>, vector<16xi32>,
        tpu.vector_store %arg12[%swap3A_200], %get3A_199 {strides = array<i32>} : memref<80xi32, #tpu.memory_space<vmem>>, vector<16xi32>,
        %dma_start3A_202 = arith.constant 1 : i32
        %dma_start3A_203 = arith.constant 0 : i32
        %dma_start3A_204 = arith.constant 0 : i32
        %dma_start3A_205 = tpu.memref_slice %arg3[%dma_start3A_203, %dma_start3A_204] : memref<10000x128xf32, #tpu.memory_space<hbm>> -> memref<10000x128xf32, #tpu.memory_space<hbm>>
        %dma_start3A_206 = tpu.memref_slice %arg18[%dma_start3A_202] : memref<2x!tpu.dma_semaphore, #tpu.memory_space<semaphore_mem>> -> memref<1x!tpu.dma_semaphore, #tpu.memory_space<semaphore_mem>>
        %dma_start3A_207 = tpu.memref_squeeze %dma_start3A_206 : memref<1x!tpu.dma_semaphore, #tpu.memory_space<semaphore_mem>> -> memref<!tpu.dma_semaphore, #tpu.memory_space<semaphore_mem>>
        tpu.enqueue_indirect_dma source(%dma_start3A_205 : memref<10000x128xf32, #tpu.memory_space<hbm>>) target(%arg14 : memref<80x128xf32, #tpu.memory_space<vmem>>) offsets(%arg10 : memref<80xi32, #tpu.memory_space<vmem>>) semaphore(%dma_start3A_207 : memref<!tpu.dma_semaphore, #tpu.memory_space<semaphore_mem>>)
        %mul3A_208 = arith.constant 80 : i32
        %mul3A_209 = arith.muli %add3A_151, %mul3A_208 : i32
        %add3A_210 = arith.addi %mul3A_2, %mul3A_209 : i32
        %dma_start3A_211 = arith.constant 1 : i32
        %dma_start3A_212 = arith.constant 0 : i32
        %dma_start3A_213 = tpu.memref_slice %arg2[%add3A_210, %dma_start3A_212] : memref<320000x128xf32, #tpu.memory_space<hbm>> -> memref<80x128xf32, #tpu.memory_space<hbm>>
        %dma_start3A_214 = tpu.memref_slice %arg19[%dma_start3A_211] : memref<2x!tpu.dma_semaphore, #tpu.memory_space<semaphore_mem>> -> memref<1x!tpu.dma_semaphore, #tpu.memory_space<semaphore_mem>>
        %dma_start3A_215 = tpu.memref_squeeze %dma_start3A_214 : memref<1x!tpu.dma_semaphore, #tpu.memory_space<semaphore_mem>> -> memref<!tpu.dma_semaphore, #tpu.memory_space<semaphore_mem>>
        %dma_start3A_216 = arith.constant 0 : i32
        %dma_start3A_217 = tpu.memref_slice %arg2[%add3A_210, %dma_start3A_216] : memref<320000x128xf32, #tpu.memory_space<hbm>> -> memref<80x128xf32, #tpu.memory_space<hbm>>
        tpu.enqueue_dma source(%dma_start3A_217 : memref<80x128xf32, #tpu.memory_space<hbm>>) target(%arg16 : memref<80x128xf32, #tpu.memory_space<vmem>>) target_semaphore(%dma_start3A_215 : memref<!tpu.dma_semaphore, #tpu.memory_space<semaphore_mem>>)
        %dma_wait3A_218 = arith.constant 0 : i32
        %dma_wait3A_219 = arith.constant 0 : i32
        %dma_wait3A_220 = arith.constant 0 : i32
        %dma_wait3A_221 = tpu.memref_slice %arg3[%dma_wait3A_219, %dma_wait3A_220] : memref<10000x128xf32, #tpu.memory_space<hbm>> -> memref<10000x128xf32, #tpu.memory_space<hbm>>
        %dma_wait3A_222 = tpu.memref_slice %arg18[%dma_wait3A_218] : memref<2x!tpu.dma_semaphore, #tpu.memory_space<semaphore_mem>> -> memref<1x!tpu.dma_semaphore, #tpu.memory_space<semaphore_mem>>
        %dma_wait3A_223 = tpu.memref_squeeze %dma_wait3A_222 : memref<1x!tpu.dma_semaphore, #tpu.memory_space<semaphore_mem>> -> memref<!tpu.dma_semaphore, #tpu.memory_space<semaphore_mem>>
        tpu.wait_indirect_dma semaphore(%dma_wait3A_223 : memref<!tpu.dma_semaphore, #tpu.memory_space<semaphore_mem>>) src(%dma_wait3A_221 : memref<10000x128xf32, #tpu.memory_space<hbm>>) dst(%arg13 : memref<80x128xf32, #tpu.memory_space<vmem>>)
        %add3A_224 = arith.constant 0 : i32
        %add3A_225 = arith.addi %mul3A_2, %add3A_224 : i32
        %dma_wait3A_226 = arith.constant 0 : i32
        %dma_wait3A_227 = arith.constant 0 : i32
        %dma_wait3A_228 = tpu.memref_slice %arg2[%add3A_225, %dma_wait3A_227] : memref<320000x128xf32, #tpu.memory_space<hbm>> -> memref<80x128xf32, #tpu.memory_space<hbm>>
        %dma_wait3A_229 = tpu.memref_slice %arg19[%dma_wait3A_226] : memref<2x!tpu.dma_semaphore, #tpu.memory_space<semaphore_mem>> -> memref<1x!tpu.dma_semaphore, #tpu.memory_space<semaphore_mem>>
        %dma_wait3A_230 = tpu.memref_squeeze %dma_wait3A_229 : memref<1x!tpu.dma_semaphore, #tpu.memory_space<semaphore_mem>> -> memref<!tpu.dma_semaphore, #tpu.memory_space<semaphore_mem>>
        %dma_wait3A_231 = arith.constant 0 : i32
        %dma_wait3A_232 = tpu.memref_slice %arg2[%add3A_225, %dma_wait3A_231] : memref<320000x128xf32, #tpu.memory_space<hbm>> -> memref<80x128xf32, #tpu.memory_space<hbm>>
        tpu.wait_dma2 semaphore(%dma_wait3A_230 : memref<!tpu.dma_semaphore, #tpu.memory_space<semaphore_mem>>) src(%dma_wait3A_232 : memref<80x128xf32, #tpu.memory_space<hbm>>) dst(%arg15 : memref<80x128xf32, #tpu.memory_space<vmem>>)
        %scan3A_233 = arith.constant 0 : i32
        %scan3A_234 = arith.constant 0 : i32
        %scan3A_235 = arith.constant 80 : i32
        %scan3A_236 = arith.addi %scan3A_234, %scan3A_235 : i32
        %scan3A_237 = arith.constant 1 : i32
        scf.for %scan3A_349 = %scan3A_234 to %scan3A_236 step %scan3A_237  : i32 {
          %get3A_350 = arith.index_cast %scan3A_349 : i32 to index
          %get3A_351 = arith.constant 0 : index
          %get3A_352 = tpu.vector_load %arg15[%get3A_350, %get3A_351] {strides = array<i32>} : memref<80x128xf32, #tpu.memory_space<vmem>>, vector<16xf32>,
          %get3A_353 = arith.index_cast %scan3A_349 : i32 to index
          %get3A_354 = arith.constant 0 : index
          %get3A_355 = tpu.vector_load %arg13[%get3A_353, %get3A_354] {strides = array<i32>} : memref<80x128xf32, #tpu.memory_space<vmem>>, vector<16xf32>,
          %mul3A_356 = arith.mulf %get3A_352, %get3A_355 : vector<16xf32>
          %swap3A_357 = arith.index_cast %scan3A_349 : i32 to index
          %swap3A_358 = arith.constant 0 : index
          %swap3A_359 = tpu.vector_load %arg15[%swap3A_357, %swap3A_358] {strides = array<i32>} : memref<80x128xf32, #tpu.memory_space<vmem>>, vector<16xf32>,
          tpu.vector_store %arg15[%swap3A_357, %swap3A_358], %mul3A_356 {strides = array<i32>} : memref<80x128xf32, #tpu.memory_space<vmem>>, vector<16xf32>,
          %get3A_360 = arith.index_cast %scan3A_349 : i32 to index
          %get3A_361 = arith.constant 16 : index
          %get3A_362 = tpu.vector_load %arg15[%get3A_360, %get3A_361] {strides = array<i32>} : memref<80x128xf32, #tpu.memory_space<vmem>>, vector<16xf32>,
          %get3A_363 = arith.index_cast %scan3A_349 : i32 to index
          %get3A_364 = arith.constant 16 : index
          %get3A_365 = tpu.vector_load %arg13[%get3A_363, %get3A_364] {strides = array<i32>} : memref<80x128xf32, #tpu.memory_space<vmem>>, vector<16xf32>,
          %mul3A_366 = arith.mulf %get3A_362, %get3A_365 : vector<16xf32>
          %swap3A_367 = arith.index_cast %scan3A_349 : i32 to index
          %swap3A_368 = arith.constant 16 : index
          %swap3A_369 = tpu.vector_load %arg15[%swap3A_367, %swap3A_368] {strides = array<i32>} : memref<80x128xf32, #tpu.memory_space<vmem>>, vector<16xf32>,
          tpu.vector_store %arg15[%swap3A_367, %swap3A_368], %mul3A_366 {strides = array<i32>} : memref<80x128xf32, #tpu.memory_space<vmem>>, vector<16xf32>,
          %get3A_370 = arith.index_cast %scan3A_349 : i32 to index
          %get3A_371 = arith.constant 32 : index
          %get3A_372 = tpu.vector_load %arg15[%get3A_370, %get3A_371] {strides = array<i32>} : memref<80x128xf32, #tpu.memory_space<vmem>>, vector<16xf32>,
          %get3A_373 = arith.index_cast %scan3A_349 : i32 to index
          %get3A_374 = arith.constant 32 : index
          %get3A_375 = tpu.vector_load %arg13[%get3A_373, %get3A_374] {strides = array<i32>} : memref<80x128xf32, #tpu.memory_space<vmem>>, vector<16xf32>,
          %mul3A_376 = arith.mulf %get3A_372, %get3A_375 : vector<16xf32>
          %swap3A_377 = arith.index_cast %scan3A_349 : i32 to index
          %swap3A_378 = arith.constant 32 : index
          %swap3A_379 = tpu.vector_load %arg15[%swap3A_377, %swap3A_378] {strides = array<i32>} : memref<80x128xf32, #tpu.memory_space<vmem>>, vector<16xf32>,
          tpu.vector_store %arg15[%swap3A_377, %swap3A_378], %mul3A_376 {strides = array<i32>} : memref<80x128xf32, #tpu.memory_space<vmem>>, vector<16xf32>,
          %get3A_380 = arith.index_cast %scan3A_349 : i32 to index
          %get3A_381 = arith.constant 48 : index
          %get3A_382 = tpu.vector_load %arg15[%get3A_380, %get3A_381] {strides = array<i32>} : memref<80x128xf32, #tpu.memory_space<vmem>>, vector<16xf32>,
          %get3A_383 = arith.index_cast %scan3A_349 : i32 to index
          %get3A_384 = arith.constant 48 : index
          %get3A_385 = tpu.vector_load %arg13[%get3A_383, %get3A_384] {strides = array<i32>} : memref<80x128xf32, #tpu.memory_space<vmem>>, vector<16xf32>,
          %mul3A_386 = arith.mulf %get3A_382, %get3A_385 : vector<16xf32>
          %swap3A_387 = arith.index_cast %scan3A_349 : i32 to index
          %swap3A_388 = arith.constant 48 : index
          %swap3A_389 = tpu.vector_load %arg15[%swap3A_387, %swap3A_388] {strides = array<i32>} : memref<80x128xf32, #tpu.memory_space<vmem>>, vector<16xf32>,
          tpu.vector_store %arg15[%swap3A_387, %swap3A_388], %mul3A_386 {strides = array<i32>} : memref<80x128xf32, #tpu.memory_space<vmem>>, vector<16xf32>,
          %get3A_390 = arith.index_cast %scan3A_349 : i32 to index
          %get3A_391 = arith.constant 64 : index
          %get3A_392 = tpu.vector_load %arg15[%get3A_390, %get3A_391] {strides = array<i32>} : memref<80x128xf32, #tpu.memory_space<vmem>>, vector<16xf32>,
          %get3A_393 = arith.index_cast %scan3A_349 : i32 to index
          %get3A_394 = arith.constant 64 : index
          %get3A_395 = tpu.vector_load %arg13[%get3A_393, %get3A_394] {strides = array<i32>} : memref<80x128xf32, #tpu.memory_space<vmem>>, vector<16xf32>,
          %mul3A_396 = arith.mulf %get3A_392, %get3A_395 : vector<16xf32>
          %swap3A_397 = arith.index_cast %scan3A_349 : i32 to index
          %swap3A_398 = arith.constant 64 : index
          %swap3A_399 = tpu.vector_load %arg15[%swap3A_397, %swap3A_398] {strides = array<i32>} : memref<80x128xf32, #tpu.memory_space<vmem>>, vector<16xf32>,
          tpu.vector_store %arg15[%swap3A_397, %swap3A_398], %mul3A_396 {strides = array<i32>} : memref<80x128xf32, #tpu.memory_space<vmem>>, vector<16xf32>,
          %get3A_400 = arith.index_cast %scan3A_349 : i32 to index
          %get3A_401 = arith.constant 80 : index
          %get3A_402 = tpu.vector_load %arg15[%get3A_400, %get3A_401] {strides = array<i32>} : memref<80x128xf32, #tpu.memory_space<vmem>>, vector<16xf32>,
          %get3A_403 = arith.index_cast %scan3A_349 : i32 to index
          %get3A_404 = arith.constant 80 : index
          %get3A_405 = tpu.vector_load %arg13[%get3A_403, %get3A_404] {strides = array<i32>} : memref<80x128xf32, #tpu.memory_space<vmem>>, vector<16xf32>,
          %mul3A_406 = arith.mulf %get3A_402, %get3A_405 : vector<16xf32>
          %swap3A_407 = arith.index_cast %scan3A_349 : i32 to index
          %swap3A_408 = arith.constant 80 : index
          %swap3A_409 = tpu.vector_load %arg15[%swap3A_407, %swap3A_408] {strides = array<i32>} : memref<80x128xf32, #tpu.memory_space<vmem>>, vector<16xf32>,
          tpu.vector_store %arg15[%swap3A_407, %swap3A_408], %mul3A_406 {strides = array<i32>} : memref<80x128xf32, #tpu.memory_space<vmem>>, vector<16xf32>,
          %get3A_410 = arith.index_cast %scan3A_349 : i32 to index
          %get3A_411 = arith.constant 96 : index
          %get3A_412 = tpu.vector_load %arg15[%get3A_410, %get3A_411] {strides = array<i32>} : memref<80x128xf32, #tpu.memory_space<vmem>>, vector<16xf32>,
          %get3A_413 = arith.index_cast %scan3A_349 : i32 to index
          %get3A_414 = arith.constant 96 : index
          %get3A_415 = tpu.vector_load %arg13[%get3A_413, %get3A_414] {strides = array<i32>} : memref<80x128xf32, #tpu.memory_space<vmem>>, vector<16xf32>,
          %mul3A_416 = arith.mulf %get3A_412, %get3A_415 : vector<16xf32>
          %swap3A_417 = arith.index_cast %scan3A_349 : i32 to index
          %swap3A_418 = arith.constant 96 : index
          %swap3A_419 = tpu.vector_load %arg15[%swap3A_417, %swap3A_418] {strides = array<i32>} : memref<80x128xf32, #tpu.memory_space<vmem>>, vector<16xf32>,
          tpu.vector_store %arg15[%swap3A_417, %swap3A_418], %mul3A_416 {strides = array<i32>} : memref<80x128xf32, #tpu.memory_space<vmem>>, vector<16xf32>,
          %get3A_420 = arith.index_cast %scan3A_349 : i32 to index
          %get3A_421 = arith.constant 112 : index
          %get3A_422 = tpu.vector_load %arg15[%get3A_420, %get3A_421] {strides = array<i32>} : memref<80x128xf32, #tpu.memory_space<vmem>>, vector<16xf32>,
          %get3A_423 = arith.index_cast %scan3A_349 : i32 to index
          %get3A_424 = arith.constant 112 : index
          %get3A_425 = tpu.vector_load %arg13[%get3A_423, %get3A_424] {strides = array<i32>} : memref<80x128xf32, #tpu.memory_space<vmem>>, vector<16xf32>,
          %mul3A_426 = arith.mulf %get3A_422, %get3A_425 : vector<16xf32>
          %swap3A_427 = arith.index_cast %scan3A_349 : i32 to index
          %swap3A_428 = arith.constant 112 : index
          %swap3A_429 = tpu.vector_load %arg15[%swap3A_427, %swap3A_428] {strides = array<i32>} : memref<80x128xf32, #tpu.memory_space<vmem>>, vector<16xf32>,
          tpu.vector_store %arg15[%swap3A_427, %swap3A_428], %mul3A_426 {strides = array<i32>} : memref<80x128xf32, #tpu.memory_space<vmem>>, vector<16xf32>,
        }
        %scan3A_238 = arith.constant 80 : i32
        %dma_start3A_239 = arith.constant 0 : i32
        %dma_start3A_240 = arith.constant 0 : i32
        %dma_start3A_241 = arith.constant 0 : i32
        %dma_start3A_242 = tpu.memref_slice %arg17[%dma_start3A_240, %dma_start3A_241] : memref<10000x128xf32, #tpu.memory_space<vmem_shared>> -> memref<10000x128xf32, #tpu.memory_space<vmem_shared>>
        %dma_start3A_243 = tpu.memref_slice %arg20[%dma_start3A_239] : memref<2x!tpu.dma_semaphore, #tpu.memory_space<semaphore_mem>> -> memref<1x!tpu.dma_semaphore, #tpu.memory_space<semaphore_mem>>
        %dma_start3A_244 = tpu.memref_squeeze %dma_start3A_243 : memref<1x!tpu.dma_semaphore, #tpu.memory_space<semaphore_mem>> -> memref<!tpu.dma_semaphore, #tpu.memory_space<semaphore_mem>>
        tpu.enqueue_indirect_dma source(%arg15 : memref<80x128xf32, #tpu.memory_space<vmem>>) target(%dma_start3A_242 : memref<10000x128xf32, #tpu.memory_space<vmem_shared>>) offsets(%arg11 : memref<80xi32, #tpu.memory_space<vmem>>) semaphore(%dma_start3A_244 : memref<!tpu.dma_semaphore, #tpu.memory_space<semaphore_mem>>) {add = true}
        %dma_wait3A_245 = arith.constant 0 : i32
        %dma_wait3A_246 = arith.constant 0 : i32
        %dma_wait3A_247 = arith.constant 0 : i32
        %dma_wait3A_248 = tpu.memref_slice %arg17[%dma_wait3A_246, %dma_wait3A_247] : memref<10000x128xf32, #tpu.memory_space<vmem_shared>> -> memref<10000x128xf32, #tpu.memory_space<vmem_shared>>
        %dma_wait3A_249 = tpu.memref_slice %arg20[%dma_wait3A_245] : memref<2x!tpu.dma_semaphore, #tpu.memory_space<semaphore_mem>> -> memref<1x!tpu.dma_semaphore, #tpu.memory_space<semaphore_mem>>
        %dma_wait3A_250 = tpu.memref_squeeze %dma_wait3A_249 : memref<1x!tpu.dma_semaphore, #tpu.memory_space<semaphore_mem>> -> memref<!tpu.dma_semaphore, #tpu.memory_space<semaphore_mem>>
        tpu.wait_indirect_dma semaphore(%dma_wait3A_250 : memref<!tpu.dma_semaphore, #tpu.memory_space<semaphore_mem>>) src(%arg15 : memref<80x128xf32, #tpu.memory_space<vmem>>) dst(%dma_wait3A_248 : memref<10000x128xf32, #tpu.memory_space<vmem_shared>>)
        %add3A_251 = arith.constant 2 : i32
        %add3A_252 = arith.addi %mul3A_144, %add3A_251 : i32
        %add3A_253 = arith.addi %mul3A_24, %mul3A_144 : i32
        %add3A_254 = arith.constant 2 : i32
        %add3A_255 = arith.addi %add3A_253, %add3A_254 : i32
        %get3A_256 = arith.index_cast %add3A_252 : i32 to index
        %get3A_257 = arith.constant 0 : index
        %get3A_258 = tpu.vector_load %arg7[%get3A_256, %get3A_257] {strides = array<i32>} : memref<25x80xi32, #tpu.memory_space<vmem>>, vector<16xi32>,
        %swap3A_259 = arith.constant 0 : index
        %swap3A_260 = tpu.vector_load %arg9[%swap3A_259] {strides = array<i32>} : memref<80xi32, #tpu.memory_space<vmem>>, vector<16xi32>,
        tpu.vector_store %arg9[%swap3A_259], %get3A_258 {strides = array<i32>} : memref<80xi32, #tpu.memory_space<vmem>>, vector<16xi32>,
        %get3A_261 = arith.index_cast %add3A_252 : i32 to index
        %get3A_262 = arith.constant 0 : index
        %get3A_263 = tpu.vector_load %arg8[%get3A_261, %get3A_262] {strides = array<i32>} : memref<25x80xi32, #tpu.memory_space<vmem>>, vector<16xi32>,
        %swap3A_264 = arith.constant 0 : index
        %swap3A_265 = tpu.vector_load %arg11[%swap3A_264] {strides = array<i32>} : memref<80xi32, #tpu.memory_space<vmem>>, vector<16xi32>,
        tpu.vector_store %arg11[%swap3A_264], %get3A_263 {strides = array<i32>} : memref<80xi32, #tpu.memory_space<vmem>>, vector<16xi32>,
        %get3A_266 = arith.index_cast %add3A_252 : i32 to index
        %get3A_267 = arith.constant 16 : index
        %get3A_268 = tpu.vector_load %arg7[%get3A_266, %get3A_267] {strides = array<i32>} : memref<25x80xi32, #tpu.memory_space<vmem>>, vector<16xi32>,
        %swap3A_269 = arith.constant 16 : index
        %swap3A_270 = tpu.vector_load %arg9[%swap3A_269] {strides = array<i32>} : memref<80xi32, #tpu.memory_space<vmem>>, vector<16xi32>,
        tpu.vector_store %arg9[%swap3A_269], %get3A_268 {strides = array<i32>} : memref<80xi32, #tpu.memory_space<vmem>>, vector<16xi32>,
        %get3A_271 = arith.index_cast %add3A_252 : i32 to index
        %get3A_272 = arith.constant 16 : index
        %get3A_273 = tpu.vector_load %arg8[%get3A_271, %get3A_272] {strides = array<i32>} : memref<25x80xi32, #tpu.memory_space<vmem>>, vector<16xi32>,
        %swap3A_274 = arith.constant 16 : index
        %swap3A_275 = tpu.vector_load %arg11[%swap3A_274] {strides = array<i32>} : memref<80xi32, #tpu.memory_space<vmem>>, vector<16xi32>,
        tpu.vector_store %arg11[%swap3A_274], %get3A_273 {strides = array<i32>} : memref<80xi32, #tpu.memory_space<vmem>>, vector<16xi32>,
        %get3A_276 = arith.index_cast %add3A_252 : i32 to index
        %get3A_277 = arith.constant 32 : index
        %get3A_278 = tpu.vector_load %arg7[%get3A_276, %get3A_277] {strides = array<i32>} : memref<25x80xi32, #tpu.memory_space<vmem>>, vector<16xi32>,
        %swap3A_279 = arith.constant 32 : index
        %swap3A_280 = tpu.vector_load %arg9[%swap3A_279] {strides = array<i32>} : memref<80xi32, #tpu.memory_space<vmem>>, vector<16xi32>,
        tpu.vector_store %arg9[%swap3A_279], %get3A_278 {strides = array<i32>} : memref<80xi32, #tpu.memory_space<vmem>>, vector<16xi32>,
        %get3A_281 = arith.index_cast %add3A_252 : i32 to index
        %get3A_282 = arith.constant 32 : index
        %get3A_283 = tpu.vector_load %arg8[%get3A_281, %get3A_282] {strides = array<i32>} : memref<25x80xi32, #tpu.memory_space<vmem>>, vector<16xi32>,
        %swap3A_284 = arith.constant 32 : index
        %swap3A_285 = tpu.vector_load %arg11[%swap3A_284] {strides = array<i32>} : memref<80xi32, #tpu.memory_space<vmem>>, vector<16xi32>,
        tpu.vector_store %arg11[%swap3A_284], %get3A_283 {strides = array<i32>} : memref<80xi32, #tpu.memory_space<vmem>>, vector<16xi32>,
        %get3A_286 = arith.index_cast %add3A_252 : i32 to index
        %get3A_287 = arith.constant 48 : index
        %get3A_288 = tpu.vector_load %arg7[%get3A_286, %get3A_287] {strides = array<i32>} : memref<25x80xi32, #tpu.memory_space<vmem>>, vector<16xi32>,
        %swap3A_289 = arith.constant 48 : index
        %swap3A_290 = tpu.vector_load %arg9[%swap3A_289] {strides = array<i32>} : memref<80xi32, #tpu.memory_space<vmem>>, vector<16xi32>,
        tpu.vector_store %arg9[%swap3A_289], %get3A_288 {strides = array<i32>} : memref<80xi32, #tpu.memory_space<vmem>>, vector<16xi32>,
        %get3A_291 = arith.index_cast %add3A_252 : i32 to index
        %get3A_292 = arith.constant 48 : index
        %get3A_293 = tpu.vector_load %arg8[%get3A_291, %get3A_292] {strides = array<i32>} : memref<25x80xi32, #tpu.memory_space<vmem>>, vector<16xi32>,
        %swap3A_294 = arith.constant 48 : index
        %swap3A_295 = tpu.vector_load %arg11[%swap3A_294] {strides = array<i32>} : memref<80xi32, #tpu.memory_space<vmem>>, vector<16xi32>,
        tpu.vector_store %arg11[%swap3A_294], %get3A_293 {strides = array<i32>} : memref<80xi32, #tpu.memory_space<vmem>>, vector<16xi32>,
        %get3A_296 = arith.index_cast %add3A_252 : i32 to index
        %get3A_297 = arith.constant 64 : index
        %get3A_298 = tpu.vector_load %arg7[%get3A_296, %get3A_297] {strides = array<i32>} : memref<25x80xi32, #tpu.memory_space<vmem>>, vector<16xi32>,
        %swap3A_299 = arith.constant 64 : index
        %swap3A_300 = tpu.vector_load %arg9[%swap3A_299] {strides = array<i32>} : memref<80xi32, #tpu.memory_space<vmem>>, vector<16xi32>,
        tpu.vector_store %arg9[%swap3A_299], %get3A_298 {strides = array<i32>} : memref<80xi32, #tpu.memory_space<vmem>>, vector<16xi32>,
        %get3A_301 = arith.index_cast %add3A_252 : i32 to index
        %get3A_302 = arith.constant 64 : index
        %get3A_303 = tpu.vector_load %arg8[%get3A_301, %get3A_302] {strides = array<i32>} : memref<25x80xi32, #tpu.memory_space<vmem>>, vector<16xi32>,
        %swap3A_304 = arith.constant 64 : index
        %swap3A_305 = tpu.vector_load %arg11[%swap3A_304] {strides = array<i32>} : memref<80xi32, #tpu.memory_space<vmem>>, vector<16xi32>,
        tpu.vector_store %arg11[%swap3A_304], %get3A_303 {strides = array<i32>} : memref<80xi32, #tpu.memory_space<vmem>>, vector<16xi32>,
        %dma_start3A_306 = arith.constant 0 : i32
        %dma_start3A_307 = arith.constant 0 : i32
        %dma_start3A_308 = arith.constant 0 : i32
        %dma_start3A_309 = tpu.memref_slice %arg3[%dma_start3A_307, %dma_start3A_308] : memref<10000x128xf32, #tpu.memory_space<hbm>> -> memref<10000x128xf32, #tpu.memory_space<hbm>>
        %dma_start3A_310 = tpu.memref_slice %arg18[%dma_start3A_306] : memref<2x!tpu.dma_semaphore, #tpu.memory_space<semaphore_mem>> -> memref<1x!tpu.dma_semaphore, #tpu.memory_space<semaphore_mem>>
        %dma_start3A_311 = tpu.memref_squeeze %dma_start3A_310 : memref<1x!tpu.dma_semaphore, #tpu.memory_space<semaphore_mem>> -> memref<!tpu.dma_semaphore, #tpu.memory_space<semaphore_mem>>
        tpu.enqueue_indirect_dma source(%dma_start3A_309 : memref<10000x128xf32, #tpu.memory_space<hbm>>) target(%arg13 : memref<80x128xf32, #tpu.memory_space<vmem>>) offsets(%arg9 : memref<80xi32, #tpu.memory_space<vmem>>) semaphore(%dma_start3A_311 : memref<!tpu.dma_semaphore, #tpu.memory_space<semaphore_mem>>)
        %mul3A_312 = arith.constant 80 : i32
        %mul3A_313 = arith.muli %add3A_255, %mul3A_312 : i32
        %add3A_314 = arith.addi %mul3A_2, %mul3A_313 : i32
        %dma_start3A_315 = arith.constant 0 : i32
        %dma_start3A_316 = arith.constant 0 : i32
        %dma_start3A_317 = tpu.memref_slice %arg2[%add3A_314, %dma_start3A_316] : memref<320000x128xf32, #tpu.memory_space<hbm>> -> memref<80x128xf32, #tpu.memory_space<hbm>>
        %dma_start3A_318 = tpu.memref_slice %arg19[%dma_start3A_315] : memref<2x!tpu.dma_semaphore, #tpu.memory_space<semaphore_mem>> -> memref<1x!tpu.dma_semaphore, #tpu.memory_space<semaphore_mem>>
        %dma_start3A_319 = tpu.memref_squeeze %dma_start3A_318 : memref<1x!tpu.dma_semaphore, #tpu.memory_space<semaphore_mem>> -> memref<!tpu.dma_semaphore, #tpu.memory_space<semaphore_mem>>
        %dma_start3A_320 = arith.constant 0 : i32
        %dma_start3A_321 = tpu.memref_slice %arg2[%add3A_314, %dma_start3A_320] : memref<320000x128xf32, #tpu.memory_space<hbm>> -> memref<80x128xf32, #tpu.memory_space<hbm>>
        tpu.enqueue_dma source(%dma_start3A_321 : memref<80x128xf32, #tpu.memory_space<hbm>>) target(%arg15 : memref<80x128xf32, #tpu.memory_space<vmem>>) target_semaphore(%dma_start3A_319 : memref<!tpu.dma_semaphore, #tpu.memory_space<semaphore_mem>>)
        %dma_wait3A_322 = arith.constant 1 : i32
        %dma_wait3A_323 = arith.constant 0 : i32
        %dma_wait3A_324 = arith.constant 0 : i32
        %dma_wait3A_325 = tpu.memref_slice %arg3[%dma_wait3A_323, %dma_wait3A_324] : memref<10000x128xf32, #tpu.memory_space<hbm>> -> memref<10000x128xf32, #tpu.memory_space<hbm>>
        %dma_wait3A_326 = tpu.memref_slice %arg18[%dma_wait3A_322] : memref<2x!tpu.dma_semaphore, #tpu.memory_space<semaphore_mem>> -> memref<1x!tpu.dma_semaphore, #tpu.memory_space<semaphore_mem>>
        %dma_wait3A_327 = tpu.memref_squeeze %dma_wait3A_326 : memref<1x!tpu.dma_semaphore, #tpu.memory_space<semaphore_mem>> -> memref<!tpu.dma_semaphore, #tpu.memory_space<semaphore_mem>>
        tpu.wait_indirect_dma semaphore(%dma_wait3A_327 : memref<!tpu.dma_semaphore, #tpu.memory_space<semaphore_mem>>) src(%dma_wait3A_325 : memref<10000x128xf32, #tpu.memory_space<hbm>>) dst(%arg14 : memref<80x128xf32, #tpu.memory_space<vmem>>)
        %add3A_328 = arith.constant 0 : i32
        %add3A_329 = arith.addi %mul3A_2, %add3A_328 : i32
        %dma_wait3A_330 = arith.constant 1 : i32
        %dma_wait3A_331 = arith.constant 0 : i32
        %dma_wait3A_332 = tpu.memref_slice %arg2[%add3A_329, %dma_wait3A_331] : memref<320000x128xf32, #tpu.memory_space<hbm>> -> memref<80x128xf32, #tpu.memory_space<hbm>>
        %dma_wait3A_333 = tpu.memref_slice %arg19[%dma_wait3A_330] : memref<2x!tpu.dma_semaphore, #tpu.memory_space<semaphore_mem>> -> memref<1x!tpu.dma_semaphore, #tpu.memory_space<semaphore_mem>>
        %dma_wait3A_334 = tpu.memref_squeeze %dma_wait3A_333 : memref<1x!tpu.dma_semaphore, #tpu.memory_space<semaphore_mem>> -> memref<!tpu.dma_semaphore, #tpu.memory_space<semaphore_mem>>
        %dma_wait3A_335 = arith.constant 0 : i32
        %dma_wait3A_336 = tpu.memref_slice %arg2[%add3A_329, %dma_wait3A_335] : memref<320000x128xf32, #tpu.memory_space<hbm>> -> memref<80x128xf32, #tpu.memory_space<hbm>>
        tpu.wait_dma2 semaphore(%dma_wait3A_334 : memref<!tpu.dma_semaphore, #tpu.memory_space<semaphore_mem>>) src(%dma_wait3A_336 : memref<80x128xf32, #tpu.memory_space<hbm>>) dst(%arg16 : memref<80x128xf32, #tpu.memory_space<vmem>>)
        %scan3A_337 = arith.constant 0 : i32
        %scan3A_338 = arith.constant 0 : i32
        %scan3A_339 = arith.constant 80 : i32
        %scan3A_340 = arith.addi %scan3A_338, %scan3A_339 : i32
        %scan3A_341 = arith.constant 1 : i32
        scf.for %scan3A_349 = %scan3A_338 to %scan3A_340 step %scan3A_341  : i32 {
          %get3A_350 = arith.index_cast %scan3A_349 : i32 to index
          %get3A_351 = arith.constant 0 : index
          %get3A_352 = tpu.vector_load %arg16[%get3A_350, %get3A_351] {strides = array<i32>} : memref<80x128xf32, #tpu.memory_space<vmem>>, vector<16xf32>,
          %get3A_353 = arith.index_cast %scan3A_349 : i32 to index
          %get3A_354 = arith.constant 0 : index
          %get3A_355 = tpu.vector_load %arg14[%get3A_353, %get3A_354] {strides = array<i32>} : memref<80x128xf32, #tpu.memory_space<vmem>>, vector<16xf32>,
          %mul3A_356 = arith.mulf %get3A_352, %get3A_355 : vector<16xf32>
          %swap3A_357 = arith.index_cast %scan3A_349 : i32 to index
          %swap3A_358 = arith.constant 0 : index
          %swap3A_359 = tpu.vector_load %arg16[%swap3A_357, %swap3A_358] {strides = array<i32>} : memref<80x128xf32, #tpu.memory_space<vmem>>, vector<16xf32>,
          tpu.vector_store %arg16[%swap3A_357, %swap3A_358], %mul3A_356 {strides = array<i32>} : memref<80x128xf32, #tpu.memory_space<vmem>>, vector<16xf32>,
          %get3A_360 = arith.index_cast %scan3A_349 : i32 to index
          %get3A_361 = arith.constant 16 : index
          %get3A_362 = tpu.vector_load %arg16[%get3A_360, %get3A_361] {strides = array<i32>} : memref<80x128xf32, #tpu.memory_space<vmem>>, vector<16xf32>,
          %get3A_363 = arith.index_cast %scan3A_349 : i32 to index
          %get3A_364 = arith.constant 16 : index
          %get3A_365 = tpu.vector_load %arg14[%get3A_363, %get3A_364] {strides = array<i32>} : memref<80x128xf32, #tpu.memory_space<vmem>>, vector<16xf32>,
          %mul3A_366 = arith.mulf %get3A_362, %get3A_365 : vector<16xf32>
          %swap3A_367 = arith.index_cast %scan3A_349 : i32 to index
          %swap3A_368 = arith.constant 16 : index
          %swap3A_369 = tpu.vector_load %arg16[%swap3A_367, %swap3A_368] {strides = array<i32>} : memref<80x128xf32, #tpu.memory_space<vmem>>, vector<16xf32>,
          tpu.vector_store %arg16[%swap3A_367, %swap3A_368], %mul3A_366 {strides = array<i32>} : memref<80x128xf32, #tpu.memory_space<vmem>>, vector<16xf32>,
          %get3A_370 = arith.index_cast %scan3A_349 : i32 to index
          %get3A_371 = arith.constant 32 : index
          %get3A_372 = tpu.vector_load %arg16[%get3A_370, %get3A_371] {strides = array<i32>} : memref<80x128xf32, #tpu.memory_space<vmem>>, vector<16xf32>,
          %get3A_373 = arith.index_cast %scan3A_349 : i32 to index
          %get3A_374 = arith.constant 32 : index
          %get3A_375 = tpu.vector_load %arg14[%get3A_373, %get3A_374] {strides = array<i32>} : memref<80x128xf32, #tpu.memory_space<vmem>>, vector<16xf32>,
          %mul3A_376 = arith.mulf %get3A_372, %get3A_375 : vector<16xf32>
          %swap3A_377 = arith.index_cast %scan3A_349 : i32 to index
          %swap3A_378 = arith.constant 32 : index
          %swap3A_379 = tpu.vector_load %arg16[%swap3A_377, %swap3A_378] {strides = array<i32>} : memref<80x128xf32, #tpu.memory_space<vmem>>, vector<16xf32>,
          tpu.vector_store %arg16[%swap3A_377, %swap3A_378], %mul3A_376 {strides = array<i32>} : memref<80x128xf32, #tpu.memory_space<vmem>>, vector<16xf32>,
          %get3A_380 = arith.index_cast %scan3A_349 : i32 to index
          %get3A_381 = arith.constant 48 : index
          %get3A_382 = tpu.vector_load %arg16[%get3A_380, %get3A_381] {strides = array<i32>} : memref<80x128xf32, #tpu.memory_space<vmem>>, vector<16xf32>,
          %get3A_383 = arith.index_cast %scan3A_349 : i32 to index
          %get3A_384 = arith.constant 48 : index
          %get3A_385 = tpu.vector_load %arg14[%get3A_383, %get3A_384] {strides = array<i32>} : memref<80x128xf32, #tpu.memory_space<vmem>>, vector<16xf32>,
          %mul3A_386 = arith.mulf %get3A_382, %get3A_385 : vector<16xf32>
          %swap3A_387 = arith.index_cast %scan3A_349 : i32 to index
          %swap3A_388 = arith.constant 48 : index
          %swap3A_389 = tpu.vector_load %arg16[%swap3A_387, %swap3A_388] {strides = array<i32>} : memref<80x128xf32, #tpu.memory_space<vmem>>, vector<16xf32>,
          tpu.vector_store %arg16[%swap3A_387, %swap3A_388], %mul3A_386 {strides = array<i32>} : memref<80x128xf32, #tpu.memory_space<vmem>>, vector<16xf32>,
          %get3A_390 = arith.index_cast %scan3A_349 : i32 to index
          %get3A_391 = arith.constant 64 : index
          %get3A_392 = tpu.vector_load %arg16[%get3A_390, %get3A_391] {strides = array<i32>} : memref<80x128xf32, #tpu.memory_space<vmem>>, vector<16xf32>,
          %get3A_393 = arith.index_cast %scan3A_349 : i32 to index
          %get3A_394 = arith.constant 64 : index
          %get3A_395 = tpu.vector_load %arg14[%get3A_393, %get3A_394] {strides = array<i32>} : memref<80x128xf32, #tpu.memory_space<vmem>>, vector<16xf32>,
          %mul3A_396 = arith.mulf %get3A_392, %get3A_395 : vector<16xf32>
          %swap3A_397 = arith.index_cast %scan3A_349 : i32 to index
          %swap3A_398 = arith.constant 64 : index
          %swap3A_399 = tpu.vector_load %arg16[%swap3A_397, %swap3A_398] {strides = array<i32>} : memref<80x128xf32, #tpu.memory_space<vmem>>, vector<16xf32>,
          tpu.vector_store %arg16[%swap3A_397, %swap3A_398], %mul3A_396 {strides = array<i32>} : memref<80x128xf32, #tpu.memory_space<vmem>>, vector<16xf32>,
          %get3A_400 = arith.index_cast %scan3A_349 : i32 to index
          %get3A_401 = arith.constant 80 : index
          %get3A_402 = tpu.vector_load %arg16[%get3A_400, %get3A_401] {strides = array<i32>} : memref<80x128xf32, #tpu.memory_space<vmem>>, vector<16xf32>,
          %get3A_403 = arith.index_cast %scan3A_349 : i32 to index
          %get3A_404 = arith.constant 80 : index
          %get3A_405 = tpu.vector_load %arg14[%get3A_403, %get3A_404] {strides = array<i32>} : memref<80x128xf32, #tpu.memory_space<vmem>>, vector<16xf32>,
          %mul3A_406 = arith.mulf %get3A_402, %get3A_405 : vector<16xf32>
          %swap3A_407 = arith.index_cast %scan3A_349 : i32 to index
          %swap3A_408 = arith.constant 80 : index
          %swap3A_409 = tpu.vector_load %arg16[%swap3A_407, %swap3A_408] {strides = array<i32>} : memref<80x128xf32, #tpu.memory_space<vmem>>, vector<16xf32>,
          tpu.vector_store %arg16[%swap3A_407, %swap3A_408], %mul3A_406 {strides = array<i32>} : memref<80x128xf32, #tpu.memory_space<vmem>>, vector<16xf32>,
          %get3A_410 = arith.index_cast %scan3A_349 : i32 to index
          %get3A_411 = arith.constant 96 : index
          %get3A_412 = tpu.vector_load %arg16[%get3A_410, %get3A_411] {strides = array<i32>} : memref<80x128xf32, #tpu.memory_space<vmem>>, vector<16xf32>,
          %get3A_413 = arith.index_cast %scan3A_349 : i32 to index
          %get3A_414 = arith.constant 96 : index
          %get3A_415 = tpu.vector_load %arg14[%get3A_413, %get3A_414] {strides = array<i32>} : memref<80x128xf32, #tpu.memory_space<vmem>>, vector<16xf32>,
          %mul3A_416 = arith.mulf %get3A_412, %get3A_415 : vector<16xf32>
          %swap3A_417 = arith.index_cast %scan3A_349 : i32 to index
          %swap3A_418 = arith.constant 96 : index
          %swap3A_419 = tpu.vector_load %arg16[%swap3A_417, %swap3A_418] {strides = array<i32>} : memref<80x128xf32, #tpu.memory_space<vmem>>, vector<16xf32>,
          tpu.vector_store %arg16[%swap3A_417, %swap3A_418], %mul3A_416 {strides = array<i32>} : memref<80x128xf32, #tpu.memory_space<vmem>>, vector<16xf32>,
          %get3A_420 = arith.index_cast %scan3A_349 : i32 to index
          %get3A_421 = arith.constant 112 : index
          %get3A_422 = tpu.vector_load %arg16[%get3A_420, %get3A_421] {strides = array<i32>} : memref<80x128xf32, #tpu.memory_space<vmem>>, vector<16xf32>,
          %get3A_423 = arith.index_cast %scan3A_349 : i32 to index
          %get3A_424 = arith.constant 112 : index
          %get3A_425 = tpu.vector_load %arg14[%get3A_423, %get3A_424] {strides = array<i32>} : memref<80x128xf32, #tpu.memory_space<vmem>>, vector<16xf32>,
          %mul3A_426 = arith.mulf %get3A_422, %get3A_425 : vector<16xf32>
          %swap3A_427 = arith.index_cast %scan3A_349 : i32 to index
          %swap3A_428 = arith.constant 112 : index
          %swap3A_429 = tpu.vector_load %arg16[%swap3A_427, %swap3A_428] {strides = array<i32>} : memref<80x128xf32, #tpu.memory_space<vmem>>, vector<16xf32>,
          tpu.vector_store %arg16[%swap3A_427, %swap3A_428], %mul3A_426 {strides = array<i32>} : memref<80x128xf32, #tpu.memory_space<vmem>>, vector<16xf32>,
        }
        %scan3A_342 = arith.constant 80 : i32
        %dma_start3A_343 = arith.constant 1 : i32
        %dma_start3A_344 = arith.constant 0 : i32
        %dma_start3A_345 = arith.constant 0 : i32
        %dma_start3A_346 = tpu.memref_slice %arg17[%dma_start3A_344, %dma_start3A_345] : memref<10000x128xf32, #tpu.memory_space<vmem_shared>> -> memref<10000x128xf32, #tpu.memory_space<vmem_shared>>
        %dma_start3A_347 = tpu.memref_slice %arg20[%dma_start3A_343] : memref<2x!tpu.dma_semaphore, #tpu.memory_space<semaphore_mem>> -> memref<1x!tpu.dma_semaphore, #tpu.memory_space<semaphore_mem>>
        %dma_start3A_348 = tpu.memref_squeeze %dma_start3A_347 : memref<1x!tpu.dma_semaphore, #tpu.memory_space<semaphore_mem>> -> memref<!tpu.dma_semaphore, #tpu.memory_space<semaphore_mem>>
        tpu.enqueue_indirect_dma source(%arg16 : memref<80x128xf32, #tpu.memory_space<vmem>>) target(%dma_start3A_346 : memref<10000x128xf32, #tpu.memory_space<vmem_shared>>) offsets(%arg12 : memref<80xi32, #tpu.memory_space<vmem>>) semaphore(%dma_start3A_348 : memref<!tpu.dma_semaphore, #tpu.memory_space<semaphore_mem>>) {add = true}
      }
      %scan3A_103 = arith.constant 12 : i32
      %dma_wait3A = arith.constant 0 : i32
      %dma_wait3A_104 = arith.constant 0 : i32
      %dma_wait3A_105 = arith.constant 0 : i32
      %dma_wait3A_106 = tpu.memref_slice %arg3[%dma_wait3A_104, %dma_wait3A_105] : memref<10000x128xf32, #tpu.memory_space<hbm>> -> memref<10000x128xf32, #tpu.memory_space<hbm>>
      %dma_wait3A_107 = tpu.memref_slice %arg18[%dma_wait3A] : memref<2x!tpu.dma_semaphore, #tpu.memory_space<semaphore_mem>> -> memref<1x!tpu.dma_semaphore, #tpu.memory_space<semaphore_mem>>
      %dma_wait3A_108 = tpu.memref_squeeze %dma_wait3A_107 : memref<1x!tpu.dma_semaphore, #tpu.memory_space<semaphore_mem>> -> memref<!tpu.dma_semaphore, #tpu.memory_space<semaphore_mem>>
      tpu.wait_indirect_dma semaphore(%dma_wait3A_108 : memref<!tpu.dma_semaphore, #tpu.memory_space<semaphore_mem>>) src(%dma_wait3A_106 : memref<10000x128xf32, #tpu.memory_space<hbm>>) dst(%arg13 : memref<80x128xf32, #tpu.memory_space<vmem>>)
      %add3A_109 = arith.constant 0 : i32
      %add3A_110 = arith.addi %mul3A_2, %add3A_109 : i32
      %dma_wait3A_111 = arith.constant 0 : i32
      %dma_wait3A_112 = arith.constant 0 : i32
      %dma_wait3A_113 = tpu.memref_slice %arg2[%add3A_110, %dma_wait3A_112] : memref<320000x128xf32, #tpu.memory_space<hbm>> -> memref<80x128xf32, #tpu.memory_space<hbm>>
      %dma_wait3A_114 = tpu.memref_slice %arg19[%dma_wait3A_111] : memref<2x!tpu.dma_semaphore, #tpu.memory_space<semaphore_mem>> -> memref<1x!tpu.dma_semaphore, #tpu.memory_space<semaphore_mem>>
      %dma_wait3A_115 = tpu.memref_squeeze %dma_wait3A_114 : memref<1x!tpu.dma_semaphore, #tpu.memory_space<semaphore_mem>> -> memref<!tpu.dma_semaphore, #tpu.memory_space<semaphore_mem>>
      %dma_wait3A_116 = arith.constant 0 : i32
      %dma_wait3A_117 = tpu.memref_slice %arg2[%add3A_110, %dma_wait3A_116] : memref<320000x128xf32, #tpu.memory_space<hbm>> -> memref<80x128xf32, #tpu.memory_space<hbm>>
      tpu.wait_dma2 semaphore(%dma_wait3A_115 : memref<!tpu.dma_semaphore, #tpu.memory_space<semaphore_mem>>) src(%dma_wait3A_117 : memref<80x128xf32, #tpu.memory_space<hbm>>) dst(%arg15 : memref<80x128xf32, #tpu.memory_space<vmem>>)
      %scan3A_118 = arith.constant 0 : i32
      %scan3A_119 = arith.constant 0 : i32
      %scan3A_120 = arith.constant 80 : i32
      %scan3A_121 = arith.addi %scan3A_119, %scan3A_120 : i32
      %scan3A_122 = arith.constant 1 : i32
      scf.for %scan3A_142 = %scan3A_119 to %scan3A_121 step %scan3A_122  : i32 {
        %get3A_143 = arith.index_cast %scan3A_142 : i32 to index
        %get3A_144 = arith.constant 0 : index
        %get3A_145 = tpu.vector_load %arg15[%get3A_143, %get3A_144] {strides = array<i32>} : memref<80x128xf32, #tpu.memory_space<vmem>>, vector<16xf32>,
        %get3A_146 = arith.index_cast %scan3A_142 : i32 to index
        %get3A_147 = arith.constant 0 : index
        %get3A_148 = tpu.vector_load %arg13[%get3A_146, %get3A_147] {strides = array<i32>} : memref<80x128xf32, #tpu.memory_space<vmem>>, vector<16xf32>,
        %mul3A_149 = arith.mulf %get3A_145, %get3A_148 : vector<16xf32>
        %swap3A_150 = arith.index_cast %scan3A_142 : i32 to index
        %swap3A_151 = arith.constant 0 : index
        %swap3A_152 = tpu.vector_load %arg15[%swap3A_150, %swap3A_151] {strides = array<i32>} : memref<80x128xf32, #tpu.memory_space<vmem>>, vector<16xf32>,
        tpu.vector_store %arg15[%swap3A_150, %swap3A_151], %mul3A_149 {strides = array<i32>} : memref<80x128xf32, #tpu.memory_space<vmem>>, vector<16xf32>,
        %get3A_153 = arith.index_cast %scan3A_142 : i32 to index
        %get3A_154 = arith.constant 16 : index
        %get3A_155 = tpu.vector_load %arg15[%get3A_153, %get3A_154] {strides = array<i32>} : memref<80x128xf32, #tpu.memory_space<vmem>>, vector<16xf32>,
        %get3A_156 = arith.index_cast %scan3A_142 : i32 to index
        %get3A_157 = arith.constant 16 : index
        %get3A_158 = tpu.vector_load %arg13[%get3A_156, %get3A_157] {strides = array<i32>} : memref<80x128xf32, #tpu.memory_space<vmem>>, vector<16xf32>,
        %mul3A_159 = arith.mulf %get3A_155, %get3A_158 : vector<16xf32>
        %swap3A_160 = arith.index_cast %scan3A_142 : i32 to index
        %swap3A_161 = arith.constant 16 : index
        %swap3A_162 = tpu.vector_load %arg15[%swap3A_160, %swap3A_161] {strides = array<i32>} : memref<80x128xf32, #tpu.memory_space<vmem>>, vector<16xf32>,
        tpu.vector_store %arg15[%swap3A_160, %swap3A_161], %mul3A_159 {strides = array<i32>} : memref<80x128xf32, #tpu.memory_space<vmem>>, vector<16xf32>,
        %get3A_163 = arith.index_cast %scan3A_142 : i32 to index
        %get3A_164 = arith.constant 32 : index
        %get3A_165 = tpu.vector_load %arg15[%get3A_163, %get3A_164] {strides = array<i32>} : memref<80x128xf32, #tpu.memory_space<vmem>>, vector<16xf32>,
        %get3A_166 = arith.index_cast %scan3A_142 : i32 to index
        %get3A_167 = arith.constant 32 : index
        %get3A_168 = tpu.vector_load %arg13[%get3A_166, %get3A_167] {strides = array<i32>} : memref<80x128xf32, #tpu.memory_space<vmem>>, vector<16xf32>,
        %mul3A_169 = arith.mulf %get3A_165, %get3A_168 : vector<16xf32>
        %swap3A_170 = arith.index_cast %scan3A_142 : i32 to index
        %swap3A_171 = arith.constant 32 : index
        %swap3A_172 = tpu.vector_load %arg15[%swap3A_170, %swap3A_171] {strides = array<i32>} : memref<80x128xf32, #tpu.memory_space<vmem>>, vector<16xf32>,
        tpu.vector_store %arg15[%swap3A_170, %swap3A_171], %mul3A_169 {strides = array<i32>} : memref<80x128xf32, #tpu.memory_space<vmem>>, vector<16xf32>,
        %get3A_173 = arith.index_cast %scan3A_142 : i32 to index
        %get3A_174 = arith.constant 48 : index
        %get3A_175 = tpu.vector_load %arg15[%get3A_173, %get3A_174] {strides = array<i32>} : memref<80x128xf32, #tpu.memory_space<vmem>>, vector<16xf32>,
        %get3A_176 = arith.index_cast %scan3A_142 : i32 to index
        %get3A_177 = arith.constant 48 : index
        %get3A_178 = tpu.vector_load %arg13[%get3A_176, %get3A_177] {strides = array<i32>} : memref<80x128xf32, #tpu.memory_space<vmem>>, vector<16xf32>,
        %mul3A_179 = arith.mulf %get3A_175, %get3A_178 : vector<16xf32>
        %swap3A_180 = arith.index_cast %scan3A_142 : i32 to index
        %swap3A_181 = arith.constant 48 : index
        %swap3A_182 = tpu.vector_load %arg15[%swap3A_180, %swap3A_181] {strides = array<i32>} : memref<80x128xf32, #tpu.memory_space<vmem>>, vector<16xf32>,
        tpu.vector_store %arg15[%swap3A_180, %swap3A_181], %mul3A_179 {strides = array<i32>} : memref<80x128xf32, #tpu.memory_space<vmem>>, vector<16xf32>,
        %get3A_183 = arith.index_cast %scan3A_142 : i32 to index
        %get3A_184 = arith.constant 64 : index
        %get3A_185 = tpu.vector_load %arg15[%get3A_183, %get3A_184] {strides = array<i32>} : memref<80x128xf32, #tpu.memory_space<vmem>>, vector<16xf32>,
        %get3A_186 = arith.index_cast %scan3A_142 : i32 to index
        %get3A_187 = arith.constant 64 : index
        %get3A_188 = tpu.vector_load %arg13[%get3A_186, %get3A_187] {strides = array<i32>} : memref<80x128xf32, #tpu.memory_space<vmem>>, vector<16xf32>,
        %mul3A_189 = arith.mulf %get3A_185, %get3A_188 : vector<16xf32>
        %swap3A_190 = arith.index_cast %scan3A_142 : i32 to index
        %swap3A_191 = arith.constant 64 : index
        %swap3A_192 = tpu.vector_load %arg15[%swap3A_190, %swap3A_191] {strides = array<i32>} : memref<80x128xf32, #tpu.memory_space<vmem>>, vector<16xf32>,
        tpu.vector_store %arg15[%swap3A_190, %swap3A_191], %mul3A_189 {strides = array<i32>} : memref<80x128xf32, #tpu.memory_space<vmem>>, vector<16xf32>,
        %get3A_193 = arith.index_cast %scan3A_142 : i32 to index
        %get3A_194 = arith.constant 80 : index
        %get3A_195 = tpu.vector_load %arg15[%get3A_193, %get3A_194] {strides = array<i32>} : memref<80x128xf32, #tpu.memory_space<vmem>>, vector<16xf32>,
        %get3A_196 = arith.index_cast %scan3A_142 : i32 to index
        %get3A_197 = arith.constant 80 : index
        %get3A_198 = tpu.vector_load %arg13[%get3A_196, %get3A_197] {strides = array<i32>} : memref<80x128xf32, #tpu.memory_space<vmem>>, vector<16xf32>,
        %mul3A_199 = arith.mulf %get3A_195, %get3A_198 : vector<16xf32>
        %swap3A_200 = arith.index_cast %scan3A_142 : i32 to index
        %swap3A_201 = arith.constant 80 : index
        %swap3A_202 = tpu.vector_load %arg15[%swap3A_200, %swap3A_201] {strides = array<i32>} : memref<80x128xf32, #tpu.memory_space<vmem>>, vector<16xf32>,
        tpu.vector_store %arg15[%swap3A_200, %swap3A_201], %mul3A_199 {strides = array<i32>} : memref<80x128xf32, #tpu.memory_space<vmem>>, vector<16xf32>,
        %get3A_203 = arith.index_cast %scan3A_142 : i32 to index
        %get3A_204 = arith.constant 96 : index
        %get3A_205 = tpu.vector_load %arg15[%get3A_203, %get3A_204] {strides = array<i32>} : memref<80x128xf32, #tpu.memory_space<vmem>>, vector<16xf32>,
        %get3A_206 = arith.index_cast %scan3A_142 : i32 to index
        %get3A_207 = arith.constant 96 : index
        %get3A_208 = tpu.vector_load %arg13[%get3A_206, %get3A_207] {strides = array<i32>} : memref<80x128xf32, #tpu.memory_space<vmem>>, vector<16xf32>,
        %mul3A_209 = arith.mulf %get3A_205, %get3A_208 : vector<16xf32>
        %swap3A_210 = arith.index_cast %scan3A_142 : i32 to index
        %swap3A_211 = arith.constant 96 : index
        %swap3A_212 = tpu.vector_load %arg15[%swap3A_210, %swap3A_211] {strides = array<i32>} : memref<80x128xf32, #tpu.memory_space<vmem>>, vector<16xf32>,
        tpu.vector_store %arg15[%swap3A_210, %swap3A_211], %mul3A_209 {strides = array<i32>} : memref<80x128xf32, #tpu.memory_space<vmem>>, vector<16xf32>,
        %get3A_213 = arith.index_cast %scan3A_142 : i32 to index
        %get3A_214 = arith.constant 112 : index
        %get3A_215 = tpu.vector_load %arg15[%get3A_213, %get3A_214] {strides = array<i32>} : memref<80x128xf32, #tpu.memory_space<vmem>>, vector<16xf32>,
        %get3A_216 = arith.index_cast %scan3A_142 : i32 to index
        %get3A_217 = arith.constant 112 : index
        %get3A_218 = tpu.vector_load %arg13[%get3A_216, %get3A_217] {strides = array<i32>} : memref<80x128xf32, #tpu.memory_space<vmem>>, vector<16xf32>,
        %mul3A_219 = arith.mulf %get3A_215, %get3A_218 : vector<16xf32>
        %swap3A_220 = arith.index_cast %scan3A_142 : i32 to index
        %swap3A_221 = arith.constant 112 : index
        %swap3A_222 = tpu.vector_load %arg15[%swap3A_220, %swap3A_221] {strides = array<i32>} : memref<80x128xf32, #tpu.memory_space<vmem>>, vector<16xf32>,
        tpu.vector_store %arg15[%swap3A_220, %swap3A_221], %mul3A_219 {strides = array<i32>} : memref<80x128xf32, #tpu.memory_space<vmem>>, vector<16xf32>,
      }
      %scan3A_123 = arith.constant 80 : i32
      %dma_start3A_124 = arith.constant 0 : i32
      %dma_start3A_125 = arith.constant 0 : i32
      %dma_start3A_126 = arith.constant 0 : i32
      %dma_start3A_127 = tpu.memref_slice %arg17[%dma_start3A_125, %dma_start3A_126] : memref<10000x128xf32, #tpu.memory_space<vmem_shared>> -> memref<10000x128xf32, #tpu.memory_space<vmem_shared>>
      %dma_start3A_128 = tpu.memref_slice %arg20[%dma_start3A_124] : memref<2x!tpu.dma_semaphore, #tpu.memory_space<semaphore_mem>> -> memref<1x!tpu.dma_semaphore, #tpu.memory_space<semaphore_mem>>
      %dma_start3A_129 = tpu.memref_squeeze %dma_start3A_128 : memref<1x!tpu.dma_semaphore, #tpu.memory_space<semaphore_mem>> -> memref<!tpu.dma_semaphore, #tpu.memory_space<semaphore_mem>>
      tpu.enqueue_indirect_dma source(%arg15 : memref<80x128xf32, #tpu.memory_space<vmem>>) target(%dma_start3A_127 : memref<10000x128xf32, #tpu.memory_space<vmem_shared>>) offsets(%arg11 : memref<80xi32, #tpu.memory_space<vmem>>) semaphore(%dma_start3A_129 : memref<!tpu.dma_semaphore, #tpu.memory_space<semaphore_mem>>) {add = true}
      %dma_wait3A_130 = arith.constant 0 : i32
      %dma_wait3A_131 = arith.constant 0 : i32
      %dma_wait3A_132 = arith.constant 0 : i32
      %dma_wait3A_133 = tpu.memref_slice %arg17[%dma_wait3A_131, %dma_wait3A_132] : memref<10000x128xf32, #tpu.memory_space<vmem_shared>> -> memref<10000x128xf32, #tpu.memory_space<vmem_shared>>
      %dma_wait3A_134 = tpu.memref_slice %arg20[%dma_wait3A_130] : memref<2x!tpu.dma_semaphore, #tpu.memory_space<semaphore_mem>> -> memref<1x!tpu.dma_semaphore, #tpu.memory_space<semaphore_mem>>
      %dma_wait3A_135 = tpu.memref_squeeze %dma_wait3A_134 : memref<1x!tpu.dma_semaphore, #tpu.memory_space<semaphore_mem>> -> memref<!tpu.dma_semaphore, #tpu.memory_space<semaphore_mem>>
      tpu.wait_indirect_dma semaphore(%dma_wait3A_135 : memref<!tpu.dma_semaphore, #tpu.memory_space<semaphore_mem>>) src(%arg15 : memref<80x128xf32, #tpu.memory_space<vmem>>) dst(%dma_wait3A_133 : memref<10000x128xf32, #tpu.memory_space<vmem_shared>>)
      %dma_wait3A_136 = arith.constant 1 : i32
      %dma_wait3A_137 = arith.constant 0 : i32
      %dma_wait3A_138 = arith.constant 0 : i32
      %dma_wait3A_139 = tpu.memref_slice %arg17[%dma_wait3A_137, %dma_wait3A_138] : memref<10000x128xf32, #tpu.memory_space<vmem_shared>> -> memref<10000x128xf32, #tpu.memory_space<vmem_shared>>
      %dma_wait3A_140 = tpu.memref_slice %arg20[%dma_wait3A_136] : memref<2x!tpu.dma_semaphore, #tpu.memory_space<semaphore_mem>> -> memref<1x!tpu.dma_semaphore, #tpu.memory_space<semaphore_mem>>
      %dma_wait3A_141 = tpu.memref_squeeze %dma_wait3A_140 : memref<1x!tpu.dma_semaphore, #tpu.memory_space<semaphore_mem>> -> memref<!tpu.dma_semaphore, #tpu.memory_space<semaphore_mem>>
      tpu.wait_indirect_dma semaphore(%dma_wait3A_141 : memref<!tpu.dma_semaphore, #tpu.memory_space<semaphore_mem>>) src(%arg16 : memref<80x128xf32, #tpu.memory_space<vmem>>) dst(%dma_wait3A_139 : memref<10000x128xf32, #tpu.memory_space<vmem_shared>>)
    }
    %scan3A_15 = arith.constant 5 : i32
    %barrier3A_16 = arith.constant 0 : index
    tpu.barrier barrier_id(%barrier3A_16)
    %lt3A_17 = arith.constant 10 : i32
    %lt3A_18 = arith.cmpi slt, %arg1, %lt3A_17 : i32
    %convert_element_type3A_19 = arith.extui %lt3A_18 : i1 to i32
    %cond3A_20 = arith.constant 0 : i32
    %cond3A_21 = arith.cmpi ne, %convert_element_type3A_19, %cond3A_20 : i32
    scf.if %cond3A_21 {
      %mul3A_22 = arith.constant 1000 : i32
      %mul3A_23 = arith.muli %arg1, %mul3A_22 : i32
      %add3A_24 = arith.constant 0 : i32
      %add3A_25 = arith.addi %mul3A_23, %add3A_24 : i32
      "tpu.region"() ({
        %run_scoped3A = tpu.sem_alloc : memref<!tpu.dma_semaphore, #tpu.memory_space<semaphore_mem>>
        %dma_start3A = arith.constant 0 : i32
        %dma_start3A_42 = tpu.memref_slice %arg6[%arg0, %add3A_25, %dma_start3A] : memref<2x10000x128xf32, #tpu.memory_space<hbm>> -> memref<1x200x128xf32, #tpu.memory_space<hbm>>
        %dma_start3A_43 = tpu.memref_squeeze %dma_start3A_42 : memref<1x200x128xf32, #tpu.memory_space<hbm>> -> memref<200x128xf32, #tpu.memory_space<hbm>>
        %dma_start3A_44 = arith.constant 0 : i32
        %dma_start3A_45 = tpu.memref_slice %arg17[%add3A_25, %dma_start3A_44] : memref<10000x128xf32, #tpu.memory_space<vmem_shared>> -> memref<200x128xf32, #tpu.memory_space<vmem_shared>>
        tpu.enqueue_dma source(%dma_start3A_45 : memref<200x128xf32, #tpu.memory_space<vmem_shared>>) target(%dma_start3A_43 : memref<200x128xf32, #tpu.memory_space<hbm>>) target_semaphore(%run_scoped3A : memref<!tpu.dma_semaphore, #tpu.memory_space<semaphore_mem>>)
        %dma_wait3A = arith.constant 0 : i32
        %dma_wait3A_46 = tpu.memref_slice %arg6[%arg0, %add3A_25, %dma_wait3A] : memref<2x10000x128xf32, #tpu.memory_space<hbm>> -> memref<1x200x128xf32, #tpu.memory_space<hbm>>
        %dma_wait3A_47 = tpu.memref_squeeze %dma_wait3A_46 : memref<1x200x128xf32, #tpu.memory_space<hbm>> -> memref<200x128xf32, #tpu.memory_space<hbm>>
        %dma_wait3A_48 = arith.constant 0 : i32
        %dma_wait3A_49 = tpu.memref_slice %arg17[%add3A_25, %dma_wait3A_48] : memref<10000x128xf32, #tpu.memory_space<vmem_shared>> -> memref<200x128xf32, #tpu.memory_space<vmem_shared>>
        tpu.wait_dma2 semaphore(%run_scoped3A : memref<!tpu.dma_semaphore, #tpu.memory_space<semaphore_mem>>) src(%dma_wait3A_49 : memref<200x128xf32, #tpu.memory_space<vmem_shared>>) dst(%dma_wait3A_47 : memref<200x128xf32, #tpu.memory_space<hbm>>)
        tpu.yield
      }) : () -> ()
      %mul3A_26 = arith.constant 1000 : i32
      %mul3A_27 = arith.muli %arg1, %mul3A_26 : i32
      %add3A_28 = arith.constant 200 : i32
      %add3A_29 = arith.addi %mul3A_27, %add3A_28 : i32
      "tpu.region"() ({
        %run_scoped3A = tpu.sem_alloc : memref<!tpu.dma_semaphore, #tpu.memory_space<semaphore_mem>>
        %dma_start3A = arith.constant 0 : i32
        %dma_start3A_42 = tpu.memref_slice %arg6[%arg0, %add3A_29, %dma_start3A] : memref<2x10000x128xf32, #tpu.memory_space<hbm>> -> memref<1x200x128xf32, #tpu.memory_space<hbm>>
        %dma_start3A_43 = tpu.memref_squeeze %dma_start3A_42 : memref<1x200x128xf32, #tpu.memory_space<hbm>> -> memref<200x128xf32, #tpu.memory_space<hbm>>
        %dma_start3A_44 = arith.constant 0 : i32
        %dma_start3A_45 = tpu.memref_slice %arg17[%add3A_29, %dma_start3A_44] : memref<10000x128xf32, #tpu.memory_space<vmem_shared>> -> memref<200x128xf32, #tpu.memory_space<vmem_shared>>
        tpu.enqueue_dma source(%dma_start3A_45 : memref<200x128xf32, #tpu.memory_space<vmem_shared>>) target(%dma_start3A_43 : memref<200x128xf32, #tpu.memory_space<hbm>>) target_semaphore(%run_scoped3A : memref<!tpu.dma_semaphore, #tpu.memory_space<semaphore_mem>>)
        %dma_wait3A = arith.constant 0 : i32
        %dma_wait3A_46 = tpu.memref_slice %arg6[%arg0, %add3A_29, %dma_wait3A] : memref<2x10000x128xf32, #tpu.memory_space<hbm>> -> memref<1x200x128xf32, #tpu.memory_space<hbm>>
        %dma_wait3A_47 = tpu.memref_squeeze %dma_wait3A_46 : memref<1x200x128xf32, #tpu.memory_space<hbm>> -> memref<200x128xf32, #tpu.memory_space<hbm>>
        %dma_wait3A_48 = arith.constant 0 : i32
        %dma_wait3A_49 = tpu.memref_slice %arg17[%add3A_29, %dma_wait3A_48] : memref<10000x128xf32, #tpu.memory_space<vmem_shared>> -> memref<200x128xf32, #tpu.memory_space<vmem_shared>>
        tpu.wait_dma2 semaphore(%run_scoped3A : memref<!tpu.dma_semaphore, #tpu.memory_space<semaphore_mem>>) src(%dma_wait3A_49 : memref<200x128xf32, #tpu.memory_space<vmem_shared>>) dst(%dma_wait3A_47 : memref<200x128xf32, #tpu.memory_space<hbm>>)
        tpu.yield
      }) : () -> ()
      %mul3A_30 = arith.constant 1000 : i32
      %mul3A_31 = arith.muli %arg1, %mul3A_30 : i32
      %add3A_32 = arith.constant 400 : i32
      %add3A_33 = arith.addi %mul3A_31, %add3A_32 : i32
      "tpu.region"() ({
        %run_scoped3A = tpu.sem_alloc : memref<!tpu.dma_semaphore, #tpu.memory_space<semaphore_mem>>
        %dma_start3A = arith.constant 0 : i32
        %dma_start3A_42 = tpu.memref_slice %arg6[%arg0, %add3A_33, %dma_start3A] : memref<2x10000x128xf32, #tpu.memory_space<hbm>> -> memref<1x200x128xf32, #tpu.memory_space<hbm>>
        %dma_start3A_43 = tpu.memref_squeeze %dma_start3A_42 : memref<1x200x128xf32, #tpu.memory_space<hbm>> -> memref<200x128xf32, #tpu.memory_space<hbm>>
        %dma_start3A_44 = arith.constant 0 : i32
        %dma_start3A_45 = tpu.memref_slice %arg17[%add3A_33, %dma_start3A_44] : memref<10000x128xf32, #tpu.memory_space<vmem_shared>> -> memref<200x128xf32, #tpu.memory_space<vmem_shared>>
        tpu.enqueue_dma source(%dma_start3A_45 : memref<200x128xf32, #tpu.memory_space<vmem_shared>>) target(%dma_start3A_43 : memref<200x128xf32, #tpu.memory_space<hbm>>) target_semaphore(%run_scoped3A : memref<!tpu.dma_semaphore, #tpu.memory_space<semaphore_mem>>)
        %dma_wait3A = arith.constant 0 : i32
        %dma_wait3A_46 = tpu.memref_slice %arg6[%arg0, %add3A_33, %dma_wait3A] : memref<2x10000x128xf32, #tpu.memory_space<hbm>> -> memref<1x200x128xf32, #tpu.memory_space<hbm>>
        %dma_wait3A_47 = tpu.memref_squeeze %dma_wait3A_46 : memref<1x200x128xf32, #tpu.memory_space<hbm>> -> memref<200x128xf32, #tpu.memory_space<hbm>>
        %dma_wait3A_48 = arith.constant 0 : i32
        %dma_wait3A_49 = tpu.memref_slice %arg17[%add3A_33, %dma_wait3A_48] : memref<10000x128xf32, #tpu.memory_space<vmem_shared>> -> memref<200x128xf32, #tpu.memory_space<vmem_shared>>
        tpu.wait_dma2 semaphore(%run_scoped3A : memref<!tpu.dma_semaphore, #tpu.memory_space<semaphore_mem>>) src(%dma_wait3A_49 : memref<200x128xf32, #tpu.memory_space<vmem_shared>>) dst(%dma_wait3A_47 : memref<200x128xf32, #tpu.memory_space<hbm>>)
        tpu.yield
      }) : () -> ()
      %mul3A_34 = arith.constant 1000 : i32
      %mul3A_35 = arith.muli %arg1, %mul3A_34 : i32
      %add3A_36 = arith.constant 600 : i32
      %add3A_37 = arith.addi %mul3A_35, %add3A_36 : i32
      "tpu.region"() ({
        %run_scoped3A = tpu.sem_alloc : memref<!tpu.dma_semaphore, #tpu.memory_space<semaphore_mem>>
        %dma_start3A = arith.constant 0 : i32
        %dma_start3A_42 = tpu.memref_slice %arg6[%arg0, %add3A_37, %dma_start3A] : memref<2x10000x128xf32, #tpu.memory_space<hbm>> -> memref<1x200x128xf32, #tpu.memory_space<hbm>>
        %dma_start3A_43 = tpu.memref_squeeze %dma_start3A_42 : memref<1x200x128xf32, #tpu.memory_space<hbm>> -> memref<200x128xf32, #tpu.memory_space<hbm>>
        %dma_start3A_44 = arith.constant 0 : i32
        %dma_start3A_45 = tpu.memref_slice %arg17[%add3A_37, %dma_start3A_44] : memref<10000x128xf32, #tpu.memory_space<vmem_shared>> -> memref<200x128xf32, #tpu.memory_space<vmem_shared>>
        tpu.enqueue_dma source(%dma_start3A_45 : memref<200x128xf32, #tpu.memory_space<vmem_shared>>) target(%dma_start3A_43 : memref<200x128xf32, #tpu.memory_space<hbm>>) target_semaphore(%run_scoped3A : memref<!tpu.dma_semaphore, #tpu.memory_space<semaphore_mem>>)
        %dma_wait3A = arith.constant 0 : i32
        %dma_wait3A_46 = tpu.memref_slice %arg6[%arg0, %add3A_37, %dma_wait3A] : memref<2x10000x128xf32, #tpu.memory_space<hbm>> -> memref<1x200x128xf32, #tpu.memory_space<hbm>>
        %dma_wait3A_47 = tpu.memref_squeeze %dma_wait3A_46 : memref<1x200x128xf32, #tpu.memory_space<hbm>> -> memref<200x128xf32, #tpu.memory_space<hbm>>
        %dma_wait3A_48 = arith.constant 0 : i32
        %dma_wait3A_49 = tpu.memref_slice %arg17[%add3A_37, %dma_wait3A_48] : memref<10000x128xf32, #tpu.memory_space<vmem_shared>> -> memref<200x128xf32, #tpu.memory_space<vmem_shared>>
        tpu.wait_dma2 semaphore(%run_scoped3A : memref<!tpu.dma_semaphore, #tpu.memory_space<semaphore_mem>>) src(%dma_wait3A_49 : memref<200x128xf32, #tpu.memory_space<vmem_shared>>) dst(%dma_wait3A_47 : memref<200x128xf32, #tpu.memory_space<hbm>>)
        tpu.yield
      }) : () -> ()
      %mul3A_38 = arith.constant 1000 : i32
      %mul3A_39 = arith.muli %arg1, %mul3A_38 : i32
      %add3A_40 = arith.constant 800 : i32
      %add3A_41 = arith.addi %mul3A_39, %add3A_40 : i32
      "tpu.region"() ({
        %run_scoped3A = tpu.sem_alloc : memref<!tpu.dma_semaphore, #tpu.memory_space<semaphore_mem>>
        %dma_start3A = arith.constant 0 : i32
        %dma_start3A_42 = tpu.memref_slice %arg6[%arg0, %add3A_41, %dma_start3A] : memref<2x10000x128xf32, #tpu.memory_space<hbm>> -> memref<1x200x128xf32, #tpu.memory_space<hbm>>
        %dma_start3A_43 = tpu.memref_squeeze %dma_start3A_42 : memref<1x200x128xf32, #tpu.memory_space<hbm>> -> memref<200x128xf32, #tpu.memory_space<hbm>>
        %dma_start3A_44 = arith.constant 0 : i32
        %dma_start3A_45 = tpu.memref_slice %arg17[%add3A_41, %dma_start3A_44] : memref<10000x128xf32, #tpu.memory_space<vmem_shared>> -> memref<200x128xf32, #tpu.memory_space<vmem_shared>>
        tpu.enqueue_dma source(%dma_start3A_45 : memref<200x128xf32, #tpu.memory_space<vmem_shared>>) target(%dma_start3A_43 : memref<200x128xf32, #tpu.memory_space<hbm>>) target_semaphore(%run_scoped3A : memref<!tpu.dma_semaphore, #tpu.memory_space<semaphore_mem>>)
        %dma_wait3A = arith.constant 0 : i32
        %dma_wait3A_46 = tpu.memref_slice %arg6[%arg0, %add3A_41, %dma_wait3A] : memref<2x10000x128xf32, #tpu.memory_space<hbm>> -> memref<1x200x128xf32, #tpu.memory_space<hbm>>
        %dma_wait3A_47 = tpu.memref_squeeze %dma_wait3A_46 : memref<1x200x128xf32, #tpu.memory_space<hbm>> -> memref<200x128xf32, #tpu.memory_space<hbm>>
        %dma_wait3A_48 = arith.constant 0 : i32
        %dma_wait3A_49 = tpu.memref_slice %arg17[%add3A_41, %dma_wait3A_48] : memref<10000x128xf32, #tpu.memory_space<vmem_shared>> -> memref<200x128xf32, #tpu.memory_space<vmem_shared>>
        tpu.wait_dma2 semaphore(%run_scoped3A : memref<!tpu.dma_semaphore, #tpu.memory_space<semaphore_mem>>) src(%dma_wait3A_49 : memref<200x128xf32, #tpu.memory_space<vmem_shared>>) dst(%dma_wait3A_47 : memref<200x128xf32, #tpu.memory_space<hbm>>)
        tpu.yield
      }) : () -> ()
    } else {
    }
    return
  }
}

module attributes {stable_mosaic.version = 14 : i64} {
  func.func @_mlp_body(%arg0: i32, %arg1: memref<1280x8xf32, #tpu.memory_space<vmem>>, %arg2: memref<8x256xf32, #tpu.memory_space<vmem>>, %arg3: memref<1x256xf32, #tpu.memory_space<vmem>>, %arg4: memref<256x256xbf16, #tpu.memory_space<vmem>>, %arg5: memref<1x256xf32, #tpu.memory_space<vmem>>, %arg6: memref<256x128xbf16, #tpu.memory_space<vmem>>, %arg7: memref<1x128xf32, #tpu.memory_space<vmem>>, %arg8: memref<1280x128xf32, #tpu.memory_space<vmem>>) attributes {dimension_semantics = [#tpu.dimension_semantics<arbitrary>], iteration_bounds = array<i64: 250>, scalar_prefetch = 0 : i64, scratch_operands = 0 : i64, tpu.core_type = #tpu.core_type<tc>, window_params = [{transform_indices = @transform_0, window_bounds = array<i64: 1280, 8>}, {pipeline_mode = #tpu.pipeline_mode<synchronous>, transform_indices = @transform_1, window_bounds = array<i64: 8, 256>}, {pipeline_mode = #tpu.pipeline_mode<synchronous>, transform_indices = @transform_2, window_bounds = array<i64: 1, 256>}, {pipeline_mode = #tpu.pipeline_mode<synchronous>, transform_indices = @transform_3, window_bounds = array<i64: 256, 256>}, {pipeline_mode = #tpu.pipeline_mode<synchronous>, transform_indices = @transform_4, window_bounds = array<i64: 1, 256>}, {pipeline_mode = #tpu.pipeline_mode<synchronous>, transform_indices = @transform_5, window_bounds = array<i64: 256, 128>}, {pipeline_mode = #tpu.pipeline_mode<synchronous>, transform_indices = @transform_6, window_bounds = array<i64: 1, 128>}, {transform_indices = @transform_7, window_bounds = array<i64: 1280, 128>}]} {
    %get3A = arith.constant 0 : index
    %get3A_0 = arith.constant 0 : index
    %get3A_1 = vector.load %arg1[%get3A, %get3A_0] : memref<1280x8xf32, #tpu.memory_space<vmem>>, vector<1280x8xf32>
    %get3A_2 = arith.constant 0 : index
    %get3A_3 = arith.constant 0 : index
    %get3A_4 = vector.load %arg2[%get3A_2, %get3A_3] : memref<8x256xf32, #tpu.memory_space<vmem>>, vector<8x256xf32>
    %dot_general3A = arith.constant dense<0.000000e+00> : vector<1280x256xf32>
    %dot_general3A_5 = tpu.matmul %get3A_1, %get3A_4, %dot_general3A {dimension_numbers = #tpu.dot_dimension_numbers<[1], [0], [0], [1], [0, 0, 1, 1], [], []>, transpose_lhs_hint = false} : vector<1280x8xf32>, vector<8x256xf32>, vector<1280x256xf32> -> vector<1280x256xf32>
    %get3A_6 = arith.constant 0 : index
    %get3A_7 = arith.constant 0 : index
    %get3A_8 = vector.load %arg3[%get3A_6, %get3A_7] : memref<1x256xf32, #tpu.memory_space<vmem>>, vector<1x256xf32>
    %add3A = vector.broadcast %get3A_8 : vector<1x256xf32> to vector<1280x256xf32>
    %add3A_9 = arith.addf %dot_general3A_5, %add3A : vector<1280x256xf32>
    %mul3A = arith.constant 0.707106769 : f32
    %mul3A_10 = vector.broadcast %mul3A : f32 to vector<1280x256xf32>
    %mul3A_11 = arith.mulf %add3A_9, %mul3A_10 : vector<1280x256xf32>
    %erf3A = math.erf %mul3A_11 : vector<1280x256xf32>
    %add3A_12 = arith.constant 1.000000e+00 : f32
    %add3A_13 = vector.broadcast %add3A_12 : f32 to vector<1280x256xf32>
    %add3A_14 = arith.addf %add3A_13, %erf3A : vector<1280x256xf32>
    %mul3A_15 = arith.mulf %add3A_9, %add3A_14 : vector<1280x256xf32>
    %convert_element_type3A = arith.truncf %mul3A_15 : vector<1280x256xf32> to vector<1280x256xbf16>
    %get3A_16 = arith.constant 0 : index
    %get3A_17 = arith.constant 0 : index
    %get3A_18 = vector.load %arg4[%get3A_16, %get3A_17] : memref<256x256xbf16, #tpu.memory_space<vmem>>, vector<256x256xbf16>
    %dot_general3A_19 = arith.constant dense<0.000000e+00> : vector<1280x256xf32>
    %dot_general3A_20 = tpu.matmul %convert_element_type3A, %get3A_18, %dot_general3A_19 {dimension_numbers = #tpu.dot_dimension_numbers<[1], [0], [0], [1], [0, 0, 1, 1], [], []>, transpose_lhs_hint = false} : vector<1280x256xbf16>, vector<256x256xbf16>, vector<1280x256xf32> -> vector<1280x256xf32>
    %get3A_21 = arith.constant 0 : index
    %get3A_22 = arith.constant 0 : index
    %get3A_23 = vector.load %arg5[%get3A_21, %get3A_22] : memref<1x256xf32, #tpu.memory_space<vmem>>, vector<1x256xf32>
    %add3A_24 = vector.broadcast %get3A_23 : vector<1x256xf32> to vector<1280x256xf32>
    %add3A_25 = arith.addf %dot_general3A_20, %add3A_24 : vector<1280x256xf32>
    %mul3A_26 = arith.constant 0.707106769 : f32
    %mul3A_27 = vector.broadcast %mul3A_26 : f32 to vector<1280x256xf32>
    %mul3A_28 = arith.mulf %add3A_25, %mul3A_27 : vector<1280x256xf32>
    %erf3A_29 = math.erf %mul3A_28 : vector<1280x256xf32>
    %add3A_30 = arith.constant 1.000000e+00 : f32
    %add3A_31 = vector.broadcast %add3A_30 : f32 to vector<1280x256xf32>
    %add3A_32 = arith.addf %add3A_31, %erf3A_29 : vector<1280x256xf32>
    %mul3A_33 = arith.mulf %add3A_25, %add3A_32 : vector<1280x256xf32>
    %convert_element_type3A_34 = arith.truncf %mul3A_33 : vector<1280x256xf32> to vector<1280x256xbf16>
    %get3A_35 = arith.constant 0 : index
    %get3A_36 = arith.constant 0 : index
    %get3A_37 = vector.load %arg6[%get3A_35, %get3A_36] : memref<256x128xbf16, #tpu.memory_space<vmem>>, vector<256x128xbf16>
    %dot_general3A_38 = arith.constant dense<0.000000e+00> : vector<1280x128xf32>
    %dot_general3A_39 = tpu.matmul %convert_element_type3A_34, %get3A_37, %dot_general3A_38 {dimension_numbers = #tpu.dot_dimension_numbers<[1], [0], [0], [1], [0, 0, 1, 1], [], []>, transpose_lhs_hint = false} : vector<1280x256xbf16>, vector<256x128xbf16>, vector<1280x128xf32> -> vector<1280x128xf32>
    %get3A_40 = arith.constant 0 : index
    %get3A_41 = arith.constant 0 : index
    %get3A_42 = vector.load %arg7[%get3A_40, %get3A_41] : memref<1x128xf32, #tpu.memory_space<vmem>>, vector<1x128xf32>
    %add3A_43 = vector.broadcast %get3A_42 : vector<1x128xf32> to vector<1280x128xf32>
    %add3A_44 = arith.addf %dot_general3A_39, %add3A_43 : vector<1280x128xf32>
    %swap3A = arith.constant 0 : index
    %swap3A_45 = arith.constant 0 : index
    %swap3A_46 = vector.load %arg8[%swap3A, %swap3A_45] : memref<1280x128xf32, #tpu.memory_space<vmem>>, vector<1280x128xf32>
    tpu.vector_store %arg8[%swap3A, %swap3A_45], %add3A_44 {strides = array<i32>} : memref<1280x128xf32, #tpu.memory_space<vmem>>, vector<1280x128xf32>,
    return
  }
  func.func @transform_0(%arg0: i32) -> (i32, i32) {
    %c0_i32 = arith.constant 0 : i32
    %c0_i32_0 = arith.constant 0 : i32
    return %arg0, %c0_i32 : i32, i32
  }
  func.func @transform_1(%arg0: i32) -> (i32, i32) {
    %c0_i32 = arith.constant 0 : i32
    %c0_i32_0 = arith.constant 0 : i32
    %c0_i32_1 = arith.constant 0 : i32
    return %c0_i32, %c0_i32_0 : i32, i32
  }
  func.func @transform_2(%arg0: i32) -> (i32, i32) {
    %c0_i32 = arith.constant 0 : i32
    %c0_i32_0 = arith.constant 0 : i32
    %c0_i32_1 = arith.constant 0 : i32
    return %c0_i32, %c0_i32_0 : i32, i32
  }
  func.func @transform_3(%arg0: i32) -> (i32, i32) {
    %c0_i32 = arith.constant 0 : i32
    %c0_i32_0 = arith.constant 0 : i32
    %c0_i32_1 = arith.constant 0 : i32
    return %c0_i32, %c0_i32_0 : i32, i32
  }
  func.func @transform_4(%arg0: i32) -> (i32, i32) {
    %c0_i32 = arith.constant 0 : i32
    %c0_i32_0 = arith.constant 0 : i32
    %c0_i32_1 = arith.constant 0 : i32
    return %c0_i32, %c0_i32_0 : i32, i32
  }
  func.func @transform_5(%arg0: i32) -> (i32, i32) {
    %c0_i32 = arith.constant 0 : i32
    %c0_i32_0 = arith.constant 0 : i32
    %c0_i32_1 = arith.constant 0 : i32
    return %c0_i32, %c0_i32_0 : i32, i32
  }
  func.func @transform_6(%arg0: i32) -> (i32, i32) {
    %c0_i32 = arith.constant 0 : i32
    %c0_i32_0 = arith.constant 0 : i32
    %c0_i32_1 = arith.constant 0 : i32
    return %c0_i32, %c0_i32_0 : i32, i32
  }
  func.func @transform_7(%arg0: i32) -> (i32, i32) {
    %c0_i32 = arith.constant 0 : i32
    %c0_i32_0 = arith.constant 0 : i32
    return %arg0, %c0_i32 : i32, i32
  }
}

module attributes {stable_mosaic.version = 14 : i64} {
  func.func @_comb_body(%arg0: memref<2x10000x128xf32, #tpu.memory_space<vmem>>, %arg1: memref<32x10000xf32, #tpu.memory_space<vmem>>, %arg2: memref<10000x128xf32, #tpu.memory_space<vmem>>) attributes {dimension_semantics = [], scalar_prefetch = 0 : i64, scratch_operands = 0 : i64, tpu.core_type = #tpu.core_type<tc>} {
    %get3A = arith.constant 0 : index
    %get3A_0 = arith.constant 0 : index
    %get3A_1 = vector.load %arg1[%get3A, %get3A_0] : memref<32x10000xf32, #tpu.memory_space<vmem>>, vector<32x10000xf32>
    %reduce_sum3A = arith.constant dense<0.000000e+00> : vector<10000xf32>
    %reduce_sum3A_2 = vector.multi_reduction <add>, %get3A_1, %reduce_sum3A [0] : vector<32x10000xf32> to vector<10000xf32>
    %jit3A = arith.constant 1.000000e+00 : f32
    %max3A = vector.broadcast %jit3A : f32 to vector<10000xf32>
    %max3A_3 = arith.maximumf %max3A, %reduce_sum3A_2 : vector<10000xf32>
    %broadcast_in_dim3A = vector.shape_cast %max3A_3 : vector<10000xf32> to vector<10000x1xf32>
    %get3A_4 = arith.constant 0 : index
    %get3A_5 = arith.constant 0 : index
    %get3A_6 = arith.constant 0 : index
    %get3A_7 = vector.load %arg0[%get3A_4, %get3A_5, %get3A_6] : memref<2x10000x128xf32, #tpu.memory_space<vmem>>, vector<1x10000x128xf32>
    %get3A_8 = vector.shape_cast %get3A_7 : vector<1x10000x128xf32> to vector<10000x128xf32>
    %get3A_9 = arith.constant 1 : index
    %get3A_10 = arith.constant 0 : index
    %get3A_11 = arith.constant 0 : index
    %get3A_12 = vector.load %arg0[%get3A_9, %get3A_10, %get3A_11] : memref<2x10000x128xf32, #tpu.memory_space<vmem>>, vector<1x10000x128xf32>
    %get3A_13 = vector.shape_cast %get3A_12 : vector<1x10000x128xf32> to vector<10000x128xf32>
    %add3A = arith.addf %get3A_8, %get3A_13 : vector<10000x128xf32>
    %div3A = vector.broadcast %broadcast_in_dim3A : vector<10000x1xf32> to vector<10000x128xf32>
    %div3A_14 = arith.divf %add3A, %div3A : vector<10000x128xf32>
    %swap3A = arith.constant 0 : index
    %swap3A_15 = arith.constant 0 : index
    %swap3A_16 = vector.load %arg2[%swap3A, %swap3A_15] : memref<10000x128xf32, #tpu.memory_space<vmem>>, vector<10000x128xf32>
    tpu.vector_store %arg2[%swap3A, %swap3A_15], %div3A_14 {strides = array<i32>} : memref<10000x128xf32, #tpu.memory_space<vmem>>, vector<10000x128xf32>,
    return
  }
}

</mosaic_0001>

<sc_bundles>
// kernel: kernel.6.cloned.1.call-start
scs
__scs_entry_jumppad:
0x0: {  	(pc) =	sbr.rel $0x88, $3  }
0x1: {  	(tag) =	ssettag $0x0;
	lr =	simm.s32 $0x1  }
0x2: {  	[smem:$0x3F97] =	sst lr;
	_ =	strace $0xD0000000  }
0x3: {  	_ = 	snop  }
0x4: {  	_ = 	snop  }
0x5: {  	_ = 	snop  }
0x6: {  	_ = 	snop  }
0x7: {  	_ = 	snop  }
__scs_overlays_trampoline_lowered:
0x8: {  	[smem:$0x3FA6] =	sst s0  }
0x9: {  	[smem:$0x3FA7] =	sst s1  }
0xa: {  	[smem:$0x3FA8] =	sst s2  }
0xb: {  	[smem:$0x3FA9] =	sst s3  }
0xc: {  	[smem:$0x3FAA] =	sst s4  }
0xd: {  	[smem:$0x3FAB] =	sst s5  }
0xe: {  	[smem:$0x3FAC] =	sst s6  }
0xf: {  	[smem:$0x3FAD] =	sst s7  }
0x10: {  	[smem:$0x3FAE] =	sst s8  }
0x11: {  	[smem:$0x3FAF] =	sst s9;
	s0 =	simm.s32 @!p0 $0x0  }
0x12: {  	s1 =	sld [smem:$0x3F95];
	s0 =	simm.s32 @p0 $0x1  }
0x13: {  	[smem:$0x3FB0] =	sst s0;
	s0 =	simm.s32 @!p1 $0x0  }
0x14: {  	s2 =	sld [smem:$0x3F94];
	s0 =	simm.s32 @p1 $0x1  }
0x15: {  	[smem:$0x3FB1] =	sst s0;
	s0 =	simm.s32 @!p2 $0x0  }
0x16: {  	s3 =	sld [smem:$0x3FDB];
	s0 =	simm.s32 @p2 $0x1  }
0x17: {  	s4 =	simm.s32 $0x1BF5;
	[smem:$0x3FB3] =	sst s0  }
0x18: {  	s0 =	sld [smem:$0x3F96];
	_ =	swait.ge [sflag:s4], $0x0  }
0x19: {  	s7 =	sld [smem:$0x3F97]  }
0x1a: {  	s8 =	sadd.s32 $0xFFFFE003, lr  }
0x1b: {  	s9 =	sadd.s32 $0xFFFFFEF7, lr;
	s5 =	simm.s32 $0xFFFFFFFF;
	p2 =	slt.u32 s8, $0xFFFFF086  }
0x1c: {  	p1 =	slt.u32 s9, $0xF7A;
	s5 =	simm.s32 @!p2 $0x0  }
0x1d: {  	s5 =	simm.s32 @p1 $0x1;
	p0 =	seq.s32 s7, s2  }
0x1e: {  	s7 =	smul.u32 @!p0 $0xF7A, s2;
	p2 =	seq.s32 @!p0 s5, $0x0  }
0x1f: {  	s9 =	smul.u32 $0xF7A, s1;
	s8 =	simm.s32 @!p0 $0x1BF5;
	p2 =	por !p2, p0  }
0x20: {  	[sflag:s8] =	ssyncset.s32 @!p0 $0xFFFFF086;
	s6 =	sadd.s32 @!p0 s3, s7;
	s7 =	simm.s32 @!p0 $0x108  }
0x21: {  	s3 =	sadd.s32 s3, s9;
	s6 =	sadd.s32 @!p0 $0x88, s6;
	s7 =	simm.s32 @p2 $0x1082  }
0x22: {  	[simem:s7], [sflag:s8] =	dma.local @!p0 [hbm:s6], $0xF7A  }
0x23: {  	s9 =	sor.u32 $0xD0000000, s2;
	s6 =	simm.s32 $0x108;
	_ =	swait.ge @!p0 [sflag:s8], $0x0  }
0x24: {  	s3 =	sadd.s32 $0x88, s3;
	s6 =	simm.s32 @!p1 $0x1082;
	[sflag:s4] =	ssyncset.s32 $0xFFFFF086  }
0x25: {  	[simem:s6], [sflag:s4] =	dma.local [hbm:s3], $0xF7A  }
0x26: {  	[smem:$0x3F97] =	sst s1;
	(tag) =	ssettag s2;
	_ =	strace s9  }
0x27: {  	s1 =	sld [smem:$0x3FA7]  }
0x28: {  	s2 =	sld [smem:$0x3FA8]  }
0x29: {  	s4 =	sld [smem:$0x3FAA]  }
0x2a: {  	p0 =	seq.s32 s5, $0x0;
	s5 =	sld [smem:$0x3FAB]  }
0x2b: {  	s6 =	sld [smem:$0x3FAC]  }
0x2c: {  	s7 =	sld [smem:$0x3FAD]  }
0x2d: {  	s3 =	simm.s32 $0x108;
	s8 =	sld [smem:$0x3FAE]  }
0x2e: {  	s3 =	simm.s32 @!p0 $0x1082;
	s9 =	sld [smem:$0x3FAF]  }
0x2f: {  	lr =	sadd.s32 s0, s3;
	s0 =	sld [smem:$0x3FA6]  }
0x30: {  	s3 =	sld [smem:$0x3FA9]  }
0x31: {  	[smem:$0x3FB2] =	sst s10  }
0x32: {  	s10 =	sld [smem:$0x3FB0];
	_ =	sdelay $0x3  }
0x33: {  	p0 =	seq.s32 s10, $0x1;
	s10 =	sld [smem:$0x3FB2];
	_ =	sdelay $0x3  }
0x34: {  	[smem:$0x3FB2] =	sst s10  }
0x35: {  	s10 =	sld [smem:$0x3FB1];
	_ =	sdelay $0x3  }
0x36: {  	p1 =	seq.s32 s10, $0x1;
	s10 =	sld [smem:$0x3FB2];
	_ =	sdelay $0x3  }
0x37: {  	[smem:$0x3FB2] =	sst s10  }
0x38: {  	s10 =	sld [smem:$0x3FB3]  }
0x39: {  	_ = 	snop;
	(pc) =	sbr.ind lr, $3  }
0x3a: {  	_ = 	snop  }
0x3b: {  	_ = 	snop  }
0x3c: {  	p2 =	seq.s32 s10, $0x1;
	s10 =	sld [smem:$0x3FB2]  }
0x3d: {  	_ =	shalt  }
0x3e: {  	_ =	shalt  }
0x3f: {  	_ =	shalt  }
0x40: {  	_ =	shalt  }
0x41: {  	_ =	shalt  }
0x42: {  	_ =	shalt  }
0x43: {  	_ =	shalt  }
0x44: {  	_ =	shalt  }
0x45: {  	_ =	shalt  }
0x46: {  	_ =	shalt  }
0x47: {  	_ =	shalt  }
0x48: {  	_ =	shalt  }
0x49: {  	_ =	shalt  }
0x4a: {  	_ =	shalt  }
0x4b: {  	_ =	shalt  }
0x4c: {  	_ =	shalt  }
0x4d: {  	_ =	shalt  }
0x4e: {  	_ =	shalt  }
0x4f: {  	_ =	shalt  }
0x50: {  	_ =	shalt  }
0x51: {  	_ =	shalt  }
0x52: {  	_ =	shalt  }
0x53: {  	_ =	shalt  }
0x54: {  	_ =	shalt  }
0x55: {  	_ =	shalt  }
0x56: {  	_ =	shalt  }
0x57: {  	_ =	shalt  }
0x58: {  	_ =	shalt  }
0x59: {  	_ =	shalt  }
0x5a: {  	_ =	shalt  }
0x5b: {  	_ =	shalt  }
0x5c: {  	_ =	shalt  }
0x5d: {  	_ =	shalt  }
0x5e: {  	_ =	shalt  }
0x5f: {  	_ =	shalt  }
0x60: {  	_ =	shalt  }
0x61: {  	_ =	shalt  }
0x62: {  	_ =	shalt  }
0x63: {  	_ =	shalt  }
0x64: {  	_ =	shalt  }
0x65: {  	_ =	shalt  }
0x66: {  	_ =	shalt  }
0x67: {  	_ =	shalt  }
0x68: {  	_ =	shalt  }
0x69: {  	_ =	shalt  }
0x6a: {  	_ =	shalt  }
0x6b: {  	_ =	shalt  }
0x6c: {  	_ =	shalt  }
0x6d: {  	_ =	shalt  }
0x6e: {  	_ =	shalt  }
0x6f: {  	_ =	shalt  }
0x70: {  	_ =	shalt  }
0x71: {  	_ =	shalt  }
0x72: {  	_ =	shalt  }
0x73: {  	_ =	shalt  }
0x74: {  	_ =	shalt  }
0x75: {  	_ =	shalt  }
0x76: {  	_ =	shalt  }
0x77: {  	_ =	shalt  }
0x78: {  	_ =	shalt  }
0x79: {  	_ =	shalt  }
0x7a: {  	_ =	shalt  }
0x7b: {  	_ =	shalt  }
0x7c: {  	_ =	shalt  }
0x7d: {  	_ =	shalt  }
0x7e: {  	_ =	shalt  }
0x7f: {  	_ =	shalt  }
0x80: {  	_ =	shalt  }
0x81: {  	_ =	shalt  }
0x82: {  	_ =	shalt  }
0x83: {  	_ =	shalt  }
0x84: {  	_ =	shalt  }
0x85: {  	_ =	shalt  }
0x86: {  	_ =	shalt  }
0x87: {  	_ =	shalt  }
.Lfunc_end0:
.L_simem_size_0:
called_computation_lowered:
.L_overlay_start_0:
0x88: {  	s2 =	sld [smem:$0x3FD9]  }
0x89: {  	s3 =	sld [smem:$0x3FFE];
	_ =	sdelay $0x1  }
0x8a: {  	s1 =	srdreg.scid  }
0x8b: {  	s0 =	sand.u32 $0x1, s1  }
0x8c: {  	s16 =	sshll.u32 s0, $0xA;
	s2 =	sadd.s32 s3, s2  }
0x8d: {  	s2 =	sadd.s32 s2, s16  }
0x8e: {  	[smem:$0x3FBE] =	sst s2  }
0x8f: {  	_ = 	snop  }
0x90: {  	(tm) =	ssettm $0x1  }
0x91: {  	s17 =	sld [smem:$0x3FFB];
	_ =	sdelay $0x3  }
0x92: {  	_ =	strace s17  }
0x93: {  	s2 =	sld [smem:$0x3FFC];
	_ =	sdelay $0x3  }
0x94: {  	_ =	strace s2  }
0x95: {  	s2 =	sld [smem:$0x3FFD];
	_ =	sdelay $0x3  }
0x96: {  	_ =	strace s2  }
0x97: {  	_ =	strace $0x8FFFFFFF  }
0x98: {  	s18 =	sld [smem:$0x3FDB];
	_ =	sdelay $0x1  }
0x99: {  	s19 =	simm.s32 $_scs_section_size  }
0x9a: {  	s4 =	simm.s32 $_size__tile_overlayer_lowered;
	s5 =	simm.s32 $_tile_overlayer_lowered  }
0x9b: {  	s22 =	simm.s32 $0x1BFF;
	s21 =	sshll.u32 s5, $0x1;
	s2 =	sadd.s32 s19, s18  }
0x9c: {  	s6 =	simm.s32 $0x0;
	s20 =	sshll.u32 s4, $0x1;
	s4 =	sadd.s32 s21, s2  }
0x9d: {  	[timem:s6], [sflag:s22] =	dma.local [hbm:s4], s20  }
0x9e: {  	_ =	swait.ge [sflag:s22], s20  }
0x9f: {  	s3 =	ssub.s32 $0x0, s20;
	[sflag:s22] =	ssyncset.done $0x0  }
0xa0: {  	[sflag:s22] =	ssyncadd.s32 s3;
	_ =	sdelay $0x1  }
0xa1: {  	s23 =	simm.s32 $0x1B8B  }
0xa2: {  	_ =	swait.ge [sflag:s23], $0x1  }
0xa3: {  	[sflag:s23] =	ssyncset.done $0x0  }
0xa4: {  	s25 =	simm.s32 $0x1B8E;
	s24 =	sld [smem:$0x3FFE];
	[sflag:s23] =	ssyncadd.s32 $0xFFFFFFFF  }
0xa5: {  	s26 =	simm.s32 $execute0_lowered;
	[smem:$0x3FD2] =	sst s25  }
0xa6: {  	s4 =	sshll.u32 s26, $0x1;
	_ =	strace $0x80000046;
	[dreg:$0x1] =	wrdreg $0xFFFFFFFF  }
0xa7: {  	s28 =	simm.s32 $_size_execute0_lowered;
	s2 =	sadd.s32 s2, s4;
	[dreg:$0x0] =	wrdreg $0x0  }
0xa8: {  	s4 =	sshll.u32 s28, $0x1;
	[dreg:$0x2] =	wrdreg s2  }
0xa9: {  	[dreg:$0x3] =	wrdreg s4  }
0xaa: {  	[dreg:$0x4] =	wrdreg $0xC0  }
0xab: {  	_ =	task [dreg:s6], $0x5FFFF  }
0xac: {  	[dreg:$0x1] =	wrdreg $0xFFFFFFFF  }
0xad: {  	[dreg:$0x0] =	wrdreg $0x60  }
0xae: {  	[dreg:$0x2] =	wrdreg s24  }
0xaf: {  	[dreg:$0x3] =	wrdreg $0x9  }
0xb0: {  	_ =	task.clear_ibuf [dreg:s6], $0x4FFFF;
	_ =	strace $0x90000046  }
0xb1: {  	s29 =	simm.s32 $0x9;
	_ =	strace $0x80000048  }
0xb2: {  	_ =	swait.ge [sflag:s29], $0x1  }
0xb3: {  	[sflag:s29] =	ssyncadd.s32 $0xFFFFFFFF  }
0xb4: {  	_ =	strace $0x90000048  }
0xb5: {  	_ =	sfence  }
0xb6: {  	s30 =	sld [smem:$0x0];
	_ =	sdelay $0x2  }
0xb7: {  	s31 =	sshll.u32 s1, $0xD;
	s1 =	sshrl.u32 s1, $0x2  }
0xb8: {  	s3 =	sand.u32 $0x4000, s31;
	s1 =	sadd.s32 s1, s30  }
0xb9: {  	s0 =	sor.u32 s3, s0;
	s1 =	sshll.u32 s1, $0x11  }
0xba: {  	s0 =	sor.u32 s1, s0  }
0xbb: {  	s0 =	sadd.s32 $0x8F2B, s0  }
0xbc: {  	[sflag:s0] =	ssyncadd.remote.s32 $0x1  }
0xbd: {  	_ =	sfence.sel $0xFFFF  }
0xbe: {  	[dreg:$0x0] =	wrdreg $0xFFFFFFFF;
	(pc) =	sbr.abs _section_cstart, $3  }
0xbf: {  	[dreg:$0x1] =	wrdreg $0xFFFFFFFF  }
0xc0: {  	_ =	task.clear_ibuf [dreg:s6], $0x2FFFF;
	_ =	strace $0x9FFFFFFF  }
0xc1: {  	(tm) =	ssettm $0x7FFFFFFF  }
tec
execute0_lowered:
.L_overlay_start_1:
0x0: {  	(tag) =	ssettag $0x1  }
0x1: {  	s5 =	rddreg [dreg:$0x0]  }
0x2: {  	s0 =	rddreg [dreg:$0x1];
	s2 =	simm.s32 $0x0;
	s3 =	srdreg.scid  }
0x3: {  	s1 =	stileid.u32;
	v0 =	vlaneseq.u32;
	s14 =	simm.s32 $0x12B00;
	s15 =	simm.s32 $0x16B00  }
0x4: {  	s16 =	simm.s32 $0x17000;
	s17 =	simm.s32 $0x16D80;
	s18 =	simm.s32 $0x1;
	v0 =	vmul.u32 $0x8, v0  }
0x5: {  	v1 =	vimm.f32 $0.0e+00;
	s19 =	simm.s32 $0x2;
	s20 =	simm.s32 $0x0;
	[smem:$0x7FF] =	sst s2  }
0x6: {  	v7 =	vimm.f32 $1.000000000e+00;
	s7 =	sand.u32 $0x1, s3;
	s28 =	sshll.u32 s1, $0x1;
	s3 =	sadd.s32 $0x21800, s5;
	v2 =	vor.u32 $0x3, v0;
	v3 =	vor.u32 $0x1, v0  }
0x7: {  	s4 =	sadd.s32 $0x22800, s5;
	s12 =	sadd.s32 $0x23800, s5;
	s13 =	smul.u32 $0x4E20, s1;
	v4 =	vor.u32 $0x4, v0;
	v5 =	vor.u32 $0x2, v0;
	v6 =	vor.u32 $0x5, v0  }
0x8: {  	_ =	strace $0x80000047;
	s6 =	sor.u32 s7, s28;
	s31 =	smul.u32 $0x2710, s7;
	v8 =	vor.u32 $0x80, v0;
	v9 =	vor.u32 $0x83, v0;
	v10 =	vor.u32 $0x81, v0  }
0x9: {  	s10 =	ssub.s32 $0x2, s7;
	s8 =	sshll.u32 s6, $0xB;
	s9 =	smul.u32 $0x2710, s6;
	v11 =	vor.u32 $0x84, v0;
	v12 =	vor.u32 $0x82, v0;
	v13 =	vor.u32 $0x85, v0  }
0xa: {  	s11 =	sshrl.u32 s10, $0x1;
	s6 =	smul.u32 $0x13880, s6;
	v14 =	vor.u32 $0x100, v0;
	v15 =	vor.u32 $0x103, v0;
	v16 =	vor.u32 $0x101, v0;
	s8 =	sadd.s32 s8, s5  }
0xb: {  	v17 =	vor.u32 $0x104, v0;
	v18 =	vor.u32 $0x102, v0;
	v19 =	vor.u32 $0x105, v0;
	s10 =	ssub.s32 s10, s11;
	s11 =	simm.s32 $0x3;
	s9 =	sshrl.u32 s9, $0x3  }
0xc: {  	v20 =	vor.u32 $0x180, v0;
	v21 =	vor.u32 $0x183, v0;
	v22 =	vor.u32 $0x181, v0;
	s29 =	sshrl.u32 s6, $0x3;
	s6 =	sadd.s32 $0x11800, s8;
	s9 =	sadd.s32 s9, s5  }
0xd: {  	v23 =	vor.u32 $0x184, v0;
	v24 =	vor.u32 $0x182, v0;
	v25 =	vor.u32 $0x185, v0;
	s5 =	sadd.s32 $0x1800, s8;
	s30 =	sadd.s32 s12, s29;
	s12 =	sadd.s32 s13, s12  }
0xe: {  	v26 =	vor.u32 $0x200, v0;
	v27 =	vor.u32 $0x203, v0;
	v28 =	vor.u32 $0x201, v0;
	s13 =	simm.s32 $0xEB00;
	s7 =	sadd.s32 $0x26C0, s30;
	s8 =	sadd.s32 $0x71A00, s9  }
0xf: {  	v29 =	vor.u32 $0x204, v0;
	v30 =	vor.u32 $0x202, v0;
	v31 =	vor.u32 $0x205, v0;
	s9 =	smax.u32 s10, $0x1;
	s10 =	sadd.s32 s31, s12;
	s12 =	simm.s32 $0x7580  }
.LBB2_1:
0x10: {  	[tilespmem:s2], [sflag:$0x3] =	stream.linear.gather [hbm4b:s3+s2], $0x7580, $0x38;
	[tilespmem:$0x19780] =	vst v63  }
0x11: {  	_ =	swait.ge [sflag:s11], $0x7580  }
0x12: {  	[sflag:s11] =	ssyncset.done $0x0  }
0x13: {  	[sflag:s11] =	ssyncadd.s32 $0xFFFF8A80  }
0x14: {  	[tilespmem:s12], [sflag:$0x3] =	stream.linear.gather [hbm4b:s4+s2], $0x7580, $0x38;
	[tilespmem:$0x19780] =	vst v63  }
0x15: {  	_ =	swait.ge [sflag:s11], $0x7580  }
0x16: {  	[sflag:s11] =	ssyncset.done $0x0  }
0x17: {  	[sflag:s11] =	ssyncadd.s32 $0xFFFF8A80  }
0x18: {  	[tilespmem:s13], [sflag:$0x3] =	stream.linear.gather [hbm4b:s5+s2], $0x3E80, $0x38;
	[tilespmem:$0x19780] =	vst v63  }
0x19: {  	_ =	swait.ge [sflag:s11], $0x3E80  }
0x1a: {  	[sflag:s11] =	ssyncset.done $0x0  }
0x1b: {  	[sflag:s11] =	ssyncadd.s32 $0xFFFFC180  }
0x1c: {  	[tilespmem:s14], [sflag:$0x3] =	stream.linear.gather [hbm4b:s6+s2], $0x3E80, $0x38;
	[tilespmem:$0x19780] =	vst v63  }
0x1d: {  	_ =	swait.ge [sflag:s11], $0x3E80  }
0x1e: {  	[sflag:s11] =	ssyncset.done $0x0  }
0x1f: {  	s21 =	simm.s32 $0x40;
	s22 =	simm.s32 $0x0;
	[sflag:s11] =	ssyncadd.s32 $0xFFFFC180  }
.LBB2_2:
0x20: {  	p0 =	sne.s32 s21, $0x9C0;
	[tilespmem:s22+$0x16B00] =	vst v1;
	s23 =	smov.u32 s21;
	s21 =	sadd.s32 $0x40, s21  }
.Ltmp0:
0x21: {  	[tilespmem:s22+$0x16D80] =	vst v1;
	(pc) =	sbr.rel @p0 .LBB2_2-.Ltmp0, $2  }
0x22: {  	_ =	sdelay $0x2  }
0x23: {  	s22 =	sshra.s32 s23, $0x2  }
0x24: {  	[tilespmem:s22+$0x16B00] =	vst v1  }
0x25: {  	s21 =	simm.s32 $0x0;
	[tilespmem:s22+$0x16D80] =	vst v1;
	s22 =	simm.s32 $0x0  }
.LBB2_4:
0x26: {  	p0 =	sne.s32 s22, $0x9C00  }
.Ltmp1:
0x27: {  	_ = 	snop;
	(pc) =	sbr.rel @p0 .LBB2_4-.Ltmp1, $3  }
0x28: {  	_ =	sdelay $0x1  }
0x29: {  	s23 =	sshra.s32 s22, $0x2  }
0x2a: {  	s22 =	sadd.s32 $0x40, s22;
	[tilespmem:s23+$0x17000] =	vst v1  }
0x2b: {  	s22 =	simm.s32 $0xEB80;
	s23 =	simm.s32 $0x12B80  }
.LBB2_6:
0x2c: {  	p0 =	seq.s32 s21, $0x0  }
0x2d: {  	s24 =	simm.s32 @!p0 $0x1  }
0x2e: {  	_ =	swait.ge @!p0 [sflag:s24], $0x280  }
0x2f: {  	[sflag:s24] =	ssyncset.done @!p0 $0x0  }
0x30: {  	[sflag:s24] =	ssyncadd.s32 @!p0 $0xFFFFFD80  }
0x31: {  	v32 =	vld [tilespmem:s22+$0xFFFFFF80];
	_ =	sdelay $0x4  }
0x32: {  	v32 =	vmul.u32 $0x3, v32  }
0x33: {  	v33 =	vld [tilespmem:s23+$0xFFFFFF80];
	_ =	sdelay $0x4  }
0x34: {  	v35 =	vmul.u32 $0x3, v33;
	v34 =	vld.idx.msk [tilespmem:v32+s2+$0x0], $0xffff;
	_ =	sdelay $0x4  }
0x35: {  	[tilespmem:v0+s15+$0x0] =	vst.idx.msk $0xffff, v34  }
0x36: {  	v34 =	vld.idx.msk [tilespmem:v35+s12+$0x0], $0xffff  }
0x37: {  	v36 =	vadd.s32 $0x1, v32;
	_ =	sdelay $0x3  }
0x38: {  	[tilespmem:v2+s15+$0x0] =	vst.idx.msk $0xffff, v34  }
0x39: {  	v34 =	vld.idx.msk [tilespmem:v36+s2+$0x0], $0xffff  }
0x3a: {  	v40 =	vadd.s32 $0x1, v35;
	_ =	sdelay $0x3  }
0x3b: {  	[tilespmem:v3+s15+$0x0] =	vst.idx.msk $0xffff, v34  }
0x3c: {  	v34 =	vld.idx.msk [tilespmem:v40+s12+$0x0], $0xffff  }
0x3d: {  	v32 =	vadd.s32 $0x2, v32;
	_ =	sdelay $0x3  }
0x3e: {  	[tilespmem:v4+s15+$0x0] =	vst.idx.msk $0xffff, v34  }
0x3f: {  	v32 =	vld.idx.msk [tilespmem:v32+s2+$0x0], $0xffff  }
0x40: {  	v41 =	vadd.s32 $0x2, v35;
	_ =	sdelay $0x3  }
0x41: {  	[tilespmem:v5+s15+$0x0] =	vst.idx.msk $0xffff, v32  }
0x42: {  	v32 =	vld.idx.msk [tilespmem:v41+s12+$0x0], $0xffff;
	_ =	sdelay $0x4  }
0x43: {  	[tilespmem:v6+s15+$0x0] =	vst.idx.msk $0xffff, v32  }
0x44: {  	[tilespmem:v33+s16+$0x0] =	vst.idx.add.f32.msk $0xffff, v7  }
0x45: {  	v32 =	vld [tilespmem:s22+$0xFFFFFF90];
	_ =	sdelay $0x4  }
0x46: {  	v32 =	vmul.u32 $0x3, v32  }
0x47: {  	v33 =	vld [tilespmem:s23+$0xFFFFFF90];
	_ =	sdelay $0x4  }
0x48: {  	v43 =	vmul.u32 $0x3, v33;
	v42 =	vld.idx.msk [tilespmem:v32+s2+$0x0], $0xffff;
	_ =	sdelay $0x4  }
0x49: {  	[tilespmem:v8+s15+$0x0] =	vst.idx.msk $0xffff, v42  }
0x4a: {  	v34 =	vld.idx.msk [tilespmem:v43+s12+$0x0], $0xffff  }
0x4b: {  	v44 =	vadd.s32 $0x1, v32;
	_ =	sdelay $0x3  }
0x4c: {  	[tilespmem:v9+s15+$0x0] =	vst.idx.msk $0xffff, v34  }
0x4d: {  	v34 =	vld.idx.msk [tilespmem:v44+s2+$0x0], $0xffff  }
0x4e: {  	v45 =	vadd.s32 $0x1, v43;
	_ =	sdelay $0x3  }
0x4f: {  	[tilespmem:v10+s15+$0x0] =	vst.idx.msk $0xffff, v34  }
0x50: {  	v34 =	vld.idx.msk [tilespmem:v45+s12+$0x0], $0xffff  }
0x51: {  	v32 =	vadd.s32 $0x2, v32;
	_ =	sdelay $0x3  }
0x52: {  	[tilespmem:v11+s15+$0x0] =	vst.idx.msk $0xffff, v34  }
0x53: {  	v32 =	vld.idx.msk [tilespmem:v32+s2+$0x0], $0xffff  }
0x54: {  	v46 =	vadd.s32 $0x2, v43;
	_ =	sdelay $0x3  }
0x55: {  	[tilespmem:v12+s15+$0x0] =	vst.idx.msk $0xffff, v32  }
0x56: {  	v32 =	vld.idx.msk [tilespmem:v46+s12+$0x0], $0xffff;
	_ =	sdelay $0x4  }
0x57: {  	[tilespmem:v13+s15+$0x0] =	vst.idx.msk $0xffff, v32  }
0x58: {  	[tilespmem:v33+s16+$0x0] =	vst.idx.add.f32.msk $0xffff, v7  }
0x59: {  	v32 =	vld [tilespmem:s22+$0xFFFFFFA0];
	_ =	sdelay $0x4  }
0x5a: {  	v32 =	vmul.u32 $0x3, v32  }
0x5b: {  	v33 =	vld [tilespmem:s23+$0xFFFFFFA0];
	_ =	sdelay $0x4  }
0x5c: {  	v48 =	vmul.u32 $0x3, v33;
	v47 =	vld.idx.msk [tilespmem:v32+s2+$0x0], $0xffff;
	_ =	sdelay $0x4  }
0x5d: {  	[tilespmem:v14+s15+$0x0] =	vst.idx.msk $0xffff, v47  }
0x5e: {  	v34 =	vld.idx.msk [tilespmem:v48+s12+$0x0], $0xffff  }
0x5f: {  	v49 =	vadd.s32 $0x1, v32;
	_ =	sdelay $0x3  }
0x60: {  	[tilespmem:v15+s15+$0x0] =	vst.idx.msk $0xffff, v34  }
0x61: {  	v34 =	vld.idx.msk [tilespmem:v49+s2+$0x0], $0xffff  }
0x62: {  	v50 =	vadd.s32 $0x1, v48;
	_ =	sdelay $0x3  }
0x63: {  	[tilespmem:v16+s15+$0x0] =	vst.idx.msk $0xffff, v34  }
0x64: {  	v34 =	vld.idx.msk [tilespmem:v50+s12+$0x0], $0xffff  }
0x65: {  	v32 =	vadd.s32 $0x2, v32;
	_ =	sdelay $0x3  }
0x66: {  	[tilespmem:v17+s15+$0x0] =	vst.idx.msk $0xffff, v34  }
0x67: {  	v32 =	vld.idx.msk [tilespmem:v32+s2+$0x0], $0xffff  }
0x68: {  	v51 =	vadd.s32 $0x2, v48;
	_ =	sdelay $0x3  }
0x69: {  	[tilespmem:v18+s15+$0x0] =	vst.idx.msk $0xffff, v32  }
0x6a: {  	v32 =	vld.idx.msk [tilespmem:v51+s12+$0x0], $0xffff;
	_ =	sdelay $0x4  }
0x6b: {  	[tilespmem:v19+s15+$0x0] =	vst.idx.msk $0xffff, v32  }
0x6c: {  	[tilespmem:v33+s16+$0x0] =	vst.idx.add.f32.msk $0xffff, v7  }
0x6d: {  	v32 =	vld [tilespmem:s22+$0xFFFFFFB0];
	_ =	sdelay $0x4  }
0x6e: {  	v32 =	vmul.u32 $0x3, v32  }
0x6f: {  	v33 =	vld [tilespmem:s23+$0xFFFFFFB0];
	_ =	sdelay $0x4  }
0x70: {  	v53 =	vmul.u32 $0x3, v33;
	v52 =	vld.idx.msk [tilespmem:v32+s2+$0x0], $0xffff;
	_ =	sdelay $0x4  }
0x71: {  	[tilespmem:v20+s15+$0x0] =	vst.idx.msk $0xffff, v52  }
0x72: {  	v34 =	vld.idx.msk [tilespmem:v53+s12+$0x0], $0xffff  }
0x73: {  	v54 =	vadd.s32 $0x1, v32;
	_ =	sdelay $0x3  }
0x74: {  	[tilespmem:v21+s15+$0x0] =	vst.idx.msk $0xffff, v34  }
0x75: {  	v34 =	vld.idx.msk [tilespmem:v54+s2+$0x0], $0xffff  }
0x76: {  	v55 =	vadd.s32 $0x1, v53;
	_ =	sdelay $0x3  }
0x77: {  	[tilespmem:v22+s15+$0x0] =	vst.idx.msk $0xffff, v34  }
0x78: {  	v34 =	vld.idx.msk [tilespmem:v55+s12+$0x0], $0xffff  }
0x79: {  	v32 =	vadd.s32 $0x2, v32;
	_ =	sdelay $0x3  }
0x7a: {  	[tilespmem:v23+s15+$0x0] =	vst.idx.msk $0xffff, v34  }
0x7b: {  	v32 =	vld.idx.msk [tilespmem:v32+s2+$0x0], $0xffff  }
0x7c: {  	v56 =	vadd.s32 $0x2, v53;
	_ =	sdelay $0x3  }
0x7d: {  	[tilespmem:v24+s15+$0x0] =	vst.idx.msk $0xffff, v32  }
0x7e: {  	v32 =	vld.idx.msk [tilespmem:v56+s12+$0x0], $0xffff;
	_ =	sdelay $0x4  }
0x7f: {  	[tilespmem:v25+s15+$0x0] =	vst.idx.msk $0xffff, v32  }
0x80: {  	[tilespmem:v33+s16+$0x0] =	vst.idx.add.f32.msk $0xffff, v7  }
0x81: {  	v32 =	vld [tilespmem:s22+$0xFFFFFFC0];
	_ =	sdelay $0x4  }
0x82: {  	v32 =	vmul.u32 $0x3, v32  }
0x83: {  	v33 =	vld [tilespmem:s23+$0xFFFFFFC0];
	_ =	sdelay $0x4  }
0x84: {  	v58 =	vmul.u32 $0x3, v33;
	v57 =	vld.idx.msk [tilespmem:v32+s2+$0x0], $0xffff;
	_ =	sdelay $0x4  }
0x85: {  	[tilespmem:v26+s15+$0x0] =	vst.idx.msk $0xffff, v57  }
0x86: {  	v34 =	vld.idx.msk [tilespmem:v58+s12+$0x0], $0xffff  }
0x87: {  	v59 =	vadd.s32 $0x1, v32;
	_ =	sdelay $0x3  }
0x88: {  	[tilespmem:v27+s15+$0x0] =	vst.idx.msk $0xffff, v34  }
0x89: {  	v34 =	vld.idx.msk [tilespmem:v59+s2+$0x0], $0xffff  }
0x8a: {  	v60 =	vadd.s32 $0x1, v58;
	_ =	sdelay $0x3  }
0x8b: {  	[tilespmem:v28+s15+$0x0] =	vst.idx.msk $0xffff, v34  }
0x8c: {  	v34 =	vld.idx.msk [tilespmem:v60+s12+$0x0], $0xffff  }
0x8d: {  	v32 =	vadd.s32 $0x2, v32;
	_ =	sdelay $0x3  }
0x8e: {  	[tilespmem:v29+s15+$0x0] =	vst.idx.msk $0xffff, v34  }
0x8f: {  	v32 =	vld.idx.msk [tilespmem:v32+s2+$0x0], $0xffff  }
0x90: {  	v61 =	vadd.s32 $0x2, v58;
	_ =	sdelay $0x3  }
0x91: {  	[tilespmem:v30+s15+$0x0] =	vst.idx.msk $0xffff, v32  }
0x92: {  	v32 =	vld.idx.msk [tilespmem:v61+s12+$0x0], $0xffff;
	_ =	sdelay $0x4  }
0x93: {  	[tilespmem:v31+s15+$0x0] =	vst.idx.msk $0xffff, v32  }
0x94: {  	s31 =	sadd.s32 s21, s10;
	s25 =	simm.s32 @!p0 $0x2;
	[tilespmem:v33+s16+$0x0] =	vst.idx.add.f32.msk $0xffff, v7  }
0x95: {  	[hbm4b:s31+s2] =	stream.linear.scatter [tilespmem:s15], [sflag:$0x1], $0x280, $0x38;
	[tilespmem:$0x19780] =	vst v63  }
0x96: {  	_ =	swait.ge @!p0 [sflag:s25], $0x280  }
0x97: {  	[sflag:s25] =	ssyncset.done @!p0 $0x0  }
0x98: {  	[sflag:s25] =	ssyncadd.s32 @!p0 $0xFFFFFD80  }
0x99: {  	v62 =	vld [tilespmem:s22+$0x0];
	_ =	sdelay $0x4  }
0x9a: {  	v32 =	vmul.u32 $0x3, v62  }
0x9b: {  	v63 =	vld [tilespmem:s23+$0x0];
	_ =	sdelay $0x4  }
0x9c: {  	v40 =	vmul.u32 $0x3, v63;
	v39 =	vld.idx.msk [tilespmem:v32+s2+$0x0], $0xffff;
	_ =	sdelay $0x4  }
0x9d: {  	[tilespmem:v0+s17+$0x0] =	vst.idx.msk $0xffff, v39  }
0x9e: {  	v34 =	vld.idx.msk [tilespmem:v40+s12+$0x0], $0xffff  }
0x9f: {  	v41 =	vadd.s32 $0x1, v32;
	_ =	sdelay $0x3  }
0xa0: {  	[tilespmem:v2+s17+$0x0] =	vst.idx.msk $0xffff, v34  }
0xa1: {  	v34 =	vld.idx.msk [tilespmem:v41+s2+$0x0], $0xffff  }
0xa2: {  	v42 =	vadd.s32 $0x1, v40;
	_ =	sdelay $0x3  }
0xa3: {  	[tilespmem:v3+s17+$0x0] =	vst.idx.msk $0xffff, v34  }
0xa4: {  	v34 =	vld.idx.msk [tilespmem:v42+s12+$0x0], $0xffff  }
0xa5: {  	v32 =	vadd.s32 $0x2, v32;
	_ =	sdelay $0x3  }
0xa6: {  	[tilespmem:v4+s17+$0x0] =	vst.idx.msk $0xffff, v34  }
0xa7: {  	v32 =	vld.idx.msk [tilespmem:v32+s2+$0x0], $0xffff  }
0xa8: {  	v43 =	vadd.s32 $0x2, v40;
	_ =	sdelay $0x3  }
0xa9: {  	[tilespmem:v5+s17+$0x0] =	vst.idx.msk $0xffff, v32  }
0xaa: {  	v32 =	vld.idx.msk [tilespmem:v43+s12+$0x0], $0xffff;
	_ =	sdelay $0x4  }
0xab: {  	[tilespmem:v6+s17+$0x0] =	vst.idx.msk $0xffff, v32  }
0xac: {  	[tilespmem:v63+s16+$0x0] =	vst.idx.add.f32.msk $0xffff, v7  }
0xad: {  	v32 =	vld [tilespmem:s22+$0x10];
	_ =	sdelay $0x4  }
0xae: {  	v32 =	vmul.u32 $0x3, v32  }
0xaf: {  	v33 =	vld [tilespmem:s23+$0x10];
	_ =	sdelay $0x4  }
0xb0: {  	v45 =	vmul.u32 $0x3, v33;
	v44 =	vld.idx.msk [tilespmem:v32+s2+$0x0], $0xffff;
	_ =	sdelay $0x4  }
0xb1: {  	[tilespmem:v8+s17+$0x0] =	vst.idx.msk $0xffff, v44  }
0xb2: {  	v34 =	vld.idx.msk [tilespmem:v45+s12+$0x0], $0xffff  }
0xb3: {  	v46 =	vadd.s32 $0x1, v32;
	_ =	sdelay $0x3  }
0xb4: {  	[tilespmem:v9+s17+$0x0] =	vst.idx.msk $0xffff, v34  }
0xb5: {  	v34 =	vld.idx.msk [tilespmem:v46+s2+$0x0], $0xffff  }
0xb6: {  	v47 =	vadd.s32 $0x1, v45;
	_ =	sdelay $0x3  }
0xb7: {  	[tilespmem:v10+s17+$0x0] =	vst.idx.msk $0xffff, v34  }
0xb8: {  	v34 =	vld.idx.msk [tilespmem:v47+s12+$0x0], $0xffff  }
0xb9: {  	v32 =	vadd.s32 $0x2, v32;
	_ =	sdelay $0x3  }
0xba: {  	[tilespmem:v11+s17+$0x0] =	vst.idx.msk $0xffff, v34  }
0xbb: {  	v32 =	vld.idx.msk [tilespmem:v32+s2+$0x0], $0xffff  }
0xbc: {  	v48 =	vadd.s32 $0x2, v45;
	_ =	sdelay $0x3  }
0xbd: {  	[tilespmem:v12+s17+$0x0] =	vst.idx.msk $0xffff, v32  }
0xbe: {  	v32 =	vld.idx.msk [tilespmem:v48+s12+$0x0], $0xffff;
	_ =	sdelay $0x4  }
0xbf: {  	[tilespmem:v13+s17+$0x0] =	vst.idx.msk $0xffff, v32  }
0xc0: {  	[tilespmem:v33+s16+$0x0] =	vst.idx.add.f32.msk $0xffff, v7  }
0xc1: {  	v32 =	vld [tilespmem:s22+$0x20];
	_ =	sdelay $0x4  }
0xc2: {  	v32 =	vmul.u32 $0x3, v32  }
0xc3: {  	v33 =	vld [tilespmem:s23+$0x20];
	_ =	sdelay $0x4  }
0xc4: {  	v50 =	vmul.u32 $0x3, v33;
	v49 =	vld.idx.msk [tilespmem:v32+s2+$0x0], $0xffff;
	_ =	sdelay $0x4  }
0xc5: {  	[tilespmem:v14+s17+$0x0] =	vst.idx.msk $0xffff, v49  }
0xc6: {  	v34 =	vld.idx.msk [tilespmem:v50+s12+$0x0], $0xffff  }
0xc7: {  	v51 =	vadd.s32 $0x1, v32;
	_ =	sdelay $0x3  }
0xc8: {  	[tilespmem:v15+s17+$0x0] =	vst.idx.msk $0xffff, v34  }
0xc9: {  	v34 =	vld.idx.msk [tilespmem:v51+s2+$0x0], $0xffff  }
0xca: {  	v52 =	vadd.s32 $0x1, v50;
	_ =	sdelay $0x3  }
0xcb: {  	[tilespmem:v16+s17+$0x0] =	vst.idx.msk $0xffff, v34  }
0xcc: {  	v34 =	vld.idx.msk [tilespmem:v52+s12+$0x0], $0xffff  }
0xcd: {  	v32 =	vadd.s32 $0x2, v32;
	_ =	sdelay $0x3  }
0xce: {  	[tilespmem:v17+s17+$0x0] =	vst.idx.msk $0xffff, v34  }
0xcf: {  	v32 =	vld.idx.msk [tilespmem:v32+s2+$0x0], $0xffff  }
0xd0: {  	v53 =	vadd.s32 $0x2, v50;
	_ =	sdelay $0x3  }
0xd1: {  	[tilespmem:v18+s17+$0x0] =	vst.idx.msk $0xffff, v32  }
0xd2: {  	v32 =	vld.idx.msk [tilespmem:v53+s12+$0x0], $0xffff;
	_ =	sdelay $0x4  }
0xd3: {  	[tilespmem:v19+s17+$0x0] =	vst.idx.msk $0xffff, v32  }
0xd4: {  	[tilespmem:v33+s16+$0x0] =	vst.idx.add.f32.msk $0xffff, v7  }
0xd5: {  	v32 =	vld [tilespmem:s22+$0x30];
	_ =	sdelay $0x4  }
0xd6: {  	v32 =	vmul.u32 $0x3, v32  }
0xd7: {  	v33 =	vld [tilespmem:s23+$0x30];
	_ =	sdelay $0x4  }
0xd8: {  	v55 =	vmul.u32 $0x3, v33;
	v54 =	vld.idx.msk [tilespmem:v32+s2+$0x0], $0xffff;
	_ =	sdelay $0x4  }
0xd9: {  	[tilespmem:v20+s17+$0x0] =	vst.idx.msk $0xffff, v54  }
0xda: {  	v34 =	vld.idx.msk [tilespmem:v55+s12+$0x0], $0xffff  }
0xdb: {  	v56 =	vadd.s32 $0x1, v32;
	_ =	sdelay $0x3  }
0xdc: {  	[tilespmem:v21+s17+$0x0] =	vst.idx.msk $0xffff, v34  }
0xdd: {  	v34 =	vld.idx.msk [tilespmem:v56+s2+$0x0], $0xffff  }
0xde: {  	v57 =	vadd.s32 $0x1, v55;
	_ =	sdelay $0x3  }
0xdf: {  	[tilespmem:v22+s17+$0x0] =	vst.idx.msk $0xffff, v34  }
0xe0: {  	v34 =	vld.idx.msk [tilespmem:v57+s12+$0x0], $0xffff  }
0xe1: {  	v32 =	vadd.s32 $0x2, v32;
	_ =	sdelay $0x3  }
0xe2: {  	[tilespmem:v23+s17+$0x0] =	vst.idx.msk $0xffff, v34  }
0xe3: {  	v32 =	vld.idx.msk [tilespmem:v32+s2+$0x0], $0xffff  }
0xe4: {  	v58 =	vadd.s32 $0x2, v55;
	_ =	sdelay $0x3  }
0xe5: {  	[tilespmem:v24+s17+$0x0] =	vst.idx.msk $0xffff, v32  }
0xe6: {  	v32 =	vld.idx.msk [tilespmem:v58+s12+$0x0], $0xffff;
	_ =	sdelay $0x4  }
0xe7: {  	[tilespmem:v25+s17+$0x0] =	vst.idx.msk $0xffff, v32  }
0xe8: {  	[tilespmem:v33+s16+$0x0] =	vst.idx.add.f32.msk $0xffff, v7  }
0xe9: {  	v32 =	vld [tilespmem:s22+$0x40];
	_ =	sdelay $0x4  }
0xea: {  	v32 =	vmul.u32 $0x3, v32  }
0xeb: {  	v33 =	vld [tilespmem:s23+$0x40];
	_ =	sdelay $0x4  }
0xec: {  	v60 =	vmul.u32 $0x3, v33;
	v59 =	vld.idx.msk [tilespmem:v32+s2+$0x0], $0xffff;
	_ =	sdelay $0x4  }
0xed: {  	[tilespmem:v26+s17+$0x0] =	vst.idx.msk $0xffff, v59  }
0xee: {  	v34 =	vld.idx.msk [tilespmem:v60+s12+$0x0], $0xffff  }
0xef: {  	v61 =	vadd.s32 $0x1, v32;
	_ =	sdelay $0x3  }
0xf0: {  	[tilespmem:v27+s17+$0x0] =	vst.idx.msk $0xffff, v34  }
0xf1: {  	v34 =	vld.idx.msk [tilespmem:v61+s2+$0x0], $0xffff  }
0xf2: {  	v62 =	vadd.s32 $0x1, v60;
	_ =	sdelay $0x3  }
0xf3: {  	[tilespmem:v28+s17+$0x0] =	vst.idx.msk $0xffff, v34  }
0xf4: {  	v34 =	vld.idx.msk [tilespmem:v62+s12+$0x0], $0xffff  }
0xf5: {  	v32 =	vadd.s32 $0x2, v32;
	_ =	sdelay $0x3  }
0xf6: {  	[tilespmem:v29+s17+$0x0] =	vst.idx.msk $0xffff, v34  }
0xf7: {  	v32 =	vld.idx.msk [tilespmem:v32+s2+$0x0], $0xffff  }
0xf8: {  	v63 =	vadd.s32 $0x2, v60;
	_ =	sdelay $0x3  }
0xf9: {  	[tilespmem:v30+s17+$0x0] =	vst.idx.msk $0xffff, v32  }
0xfa: {  	v32 =	vld.idx.msk [tilespmem:v63+s12+$0x0], $0xffff  }
0xfb: {  	s21 =	sadd.s32 $0xA0, s21  }
0xfc: {  	p0 =	sne.s32 s21, $0x26C0  }
.Ltmp2:
0xfd: {  	_ = 	snop;
	(pc) =	sbr.rel @p0 .LBB2_6-.Ltmp2, $4  }
0xfe: {  	_ = 	snop  }
0xff: {  	[tilespmem:v31+s17+$0x0] =	vst.idx.msk $0xffff, v32  }
0x100: {  	s24 =	sadd.s32 $0x50, s31;
	s22 =	sadd.s32 $0x100, s22;
	s23 =	sadd.s32 $0x100, s23;
	[tilespmem:v33+s16+$0x0] =	vst.idx.add.f32.msk $0xffff, v7  }
0x101: {  	[hbm4b:s24+s2] =	stream.linear.scatter [tilespmem:s17], [sflag:$0x2], $0x280, $0x38;
	[tilespmem:$0x19780] =	vst v63  }
0x102: {  	_ =	swait.ge [sflag:s18], $0x280  }
0x103: {  	[sflag:s18] =	ssyncset.done $0x0  }
0x104: {  	[sflag:s18] =	ssyncadd.s32 $0xFFFFFD80  }
0x105: {  	v32 =	vld [tilespmem:$0x12900];
	_ =	sdelay $0x4  }
0x106: {  	v32 =	vmul.u32 $0x3, v32  }
0x107: {  	v33 =	vld [tilespmem:$0x16900];
	_ =	sdelay $0x4  }
0x108: {  	v35 =	vmul.u32 $0x3, v33;
	v34 =	vld.idx.msk [tilespmem:v32+s2+$0x0], $0xffff;
	_ =	sdelay $0x4  }
0x109: {  	[tilespmem:v0+s15+$0x0] =	vst.idx.msk $0xffff, v34  }
0x10a: {  	v34 =	vld.idx.msk [tilespmem:v35+s12+$0x0], $0xffff  }
0x10b: {  	v36 =	vadd.s32 $0x1, v32;
	_ =	sdelay $0x3  }
0x10c: {  	[tilespmem:v2+s15+$0x0] =	vst.idx.msk $0xffff, v34  }
0x10d: {  	v34 =	vld.idx.msk [tilespmem:v36+s2+$0x0], $0xffff  }
0x10e: {  	v42 =	vadd.s32 $0x1, v35;
	_ =	sdelay $0x3  }
0x10f: {  	[tilespmem:v3+s15+$0x0] =	vst.idx.msk $0xffff, v34  }
0x110: {  	v34 =	vld.idx.msk [tilespmem:v42+s12+$0x0], $0xffff  }
0x111: {  	v32 =	vadd.s32 $0x2, v32;
	_ =	sdelay $0x3  }
0x112: {  	[tilespmem:v4+s15+$0x0] =	vst.idx.msk $0xffff, v34  }
0x113: {  	v32 =	vld.idx.msk [tilespmem:v32+s2+$0x0], $0xffff  }
0x114: {  	v43 =	vadd.s32 $0x2, v35;
	_ =	sdelay $0x3  }
0x115: {  	[tilespmem:v5+s15+$0x0] =	vst.idx.msk $0xffff, v32  }
0x116: {  	v32 =	vld.idx.msk [tilespmem:v43+s12+$0x0], $0xffff;
	_ =	sdelay $0x4  }
0x117: {  	[tilespmem:v6+s15+$0x0] =	vst.idx.msk $0xffff, v32  }
0x118: {  	[tilespmem:v33+s16+$0x0] =	vst.idx.add.f32.msk $0xffff, v7  }
0x119: {  	v32 =	vld [tilespmem:$0x12910];
	_ =	sdelay $0x4  }
0x11a: {  	v32 =	vmul.u32 $0x3, v32  }
0x11b: {  	v33 =	vld [tilespmem:$0x16910];
	_ =	sdelay $0x4  }
0x11c: {  	v45 =	vmul.u32 $0x3, v33;
	v44 =	vld.idx.msk [tilespmem:v32+s2+$0x0], $0xffff;
	_ =	sdelay $0x4  }
0x11d: {  	[tilespmem:v8+s15+$0x0] =	vst.idx.msk $0xffff, v44  }
0x11e: {  	v34 =	vld.idx.msk [tilespmem:v45+s12+$0x0], $0xffff  }
0x11f: {  	v46 =	vadd.s32 $0x1, v32;
	_ =	sdelay $0x3  }
0x120: {  	[tilespmem:v9+s15+$0x0] =	vst.idx.msk $0xffff, v34  }
0x121: {  	v34 =	vld.idx.msk [tilespmem:v46+s2+$0x0], $0xffff  }
0x122: {  	v47 =	vadd.s32 $0x1, v45;
	_ =	sdelay $0x3  }
0x123: {  	[tilespmem:v10+s15+$0x0] =	vst.idx.msk $0xffff, v34  }
0x124: {  	v34 =	vld.idx.msk [tilespmem:v47+s12+$0x0], $0xffff  }
0x125: {  	v32 =	vadd.s32 $0x2, v32;
	_ =	sdelay $0x3  }
0x126: {  	[tilespmem:v11+s15+$0x0] =	vst.idx.msk $0xffff, v34  }
0x127: {  	v32 =	vld.idx.msk [tilespmem:v32+s2+$0x0], $0xffff  }
0x128: {  	v48 =	vadd.s32 $0x2, v45;
	_ =	sdelay $0x3  }
0x129: {  	[tilespmem:v12+s15+$0x0] =	vst.idx.msk $0xffff, v32  }
0x12a: {  	v32 =	vld.idx.msk [tilespmem:v48+s12+$0x0], $0xffff;
	_ =	sdelay $0x4  }
0x12b: {  	[tilespmem:v13+s15+$0x0] =	vst.idx.msk $0xffff, v32  }
0x12c: {  	[tilespmem:v33+s16+$0x0] =	vst.idx.add.f32.msk $0xffff, v7  }
0x12d: {  	v32 =	vld [tilespmem:$0x12920];
	_ =	sdelay $0x4  }
0x12e: {  	v32 =	vmul.u32 $0x3, v32  }
0x12f: {  	v33 =	vld [tilespmem:$0x16920];
	_ =	sdelay $0x4  }
0x130: {  	v50 =	vmul.u32 $0x3, v33;
	v49 =	vld.idx.msk [tilespmem:v32+s2+$0x0], $0xffff;
	_ =	sdelay $0x4  }
0x131: {  	[tilespmem:v14+s15+$0x0] =	vst.idx.msk $0xffff, v49  }
0x132: {  	v34 =	vld.idx.msk [tilespmem:v50+s12+$0x0], $0xffff  }
0x133: {  	v51 =	vadd.s32 $0x1, v32;
	_ =	sdelay $0x3  }
0x134: {  	[tilespmem:v15+s15+$0x0] =	vst.idx.msk $0xffff, v34  }
0x135: {  	v34 =	vld.idx.msk [tilespmem:v51+s2+$0x0], $0xffff  }
0x136: {  	v52 =	vadd.s32 $0x1, v50;
	_ =	sdelay $0x3  }
0x137: {  	[tilespmem:v16+s15+$0x0] =	vst.idx.msk $0xffff, v34  }
0x138: {  	v34 =	vld.idx.msk [tilespmem:v52+s12+$0x0], $0xffff  }
0x139: {  	v32 =	vadd.s32 $0x2, v32;
	_ =	sdelay $0x3  }
0x13a: {  	[tilespmem:v17+s15+$0x0] =	vst.idx.msk $0xffff, v34  }
0x13b: {  	v32 =	vld.idx.msk [tilespmem:v32+s2+$0x0], $0xffff  }
0x13c: {  	v53 =	vadd.s32 $0x2, v50;
	_ =	sdelay $0x3  }
0x13d: {  	[tilespmem:v18+s15+$0x0] =	vst.idx.msk $0xffff, v32  }
0x13e: {  	v32 =	vld.idx.msk [tilespmem:v53+s12+$0x0], $0xffff;
	_ =	sdelay $0x4  }
0x13f: {  	[tilespmem:v19+s15+$0x0] =	vst.idx.msk $0xffff, v32  }
0x140: {  	[tilespmem:v33+s16+$0x0] =	vst.idx.add.f32.msk $0xffff, v7  }
0x141: {  	v32 =	vld [tilespmem:$0x12930];
	_ =	sdelay $0x4  }
0x142: {  	v32 =	vmul.u32 $0x3, v32  }
0x143: {  	v33 =	vld [tilespmem:$0x16930];
	_ =	sdelay $0x4  }
0x144: {  	v55 =	vmul.u32 $0x3, v33;
	v54 =	vld.idx.msk [tilespmem:v32+s2+$0x0], $0xffff;
	_ =	sdelay $0x4  }
0x145: {  	[tilespmem:v20+s15+$0x0] =	vst.idx.msk $0xffff, v54  }
0x146: {  	v34 =	vld.idx.msk [tilespmem:v55+s12+$0x0], $0xffff  }
0x147: {  	v56 =	vadd.s32 $0x1, v32;
	_ =	sdelay $0x3  }
0x148: {  	[tilespmem:v21+s15+$0x0] =	vst.idx.msk $0xffff, v34  }
0x149: {  	v34 =	vld.idx.msk [tilespmem:v56+s2+$0x0], $0xffff  }
0x14a: {  	v57 =	vadd.s32 $0x1, v55;
	_ =	sdelay $0x3  }
0x14b: {  	[tilespmem:v22+s15+$0x0] =	vst.idx.msk $0xffff, v34  }
0x14c: {  	v34 =	vld.idx.msk [tilespmem:v57+s12+$0x0], $0xffff  }
0x14d: {  	v32 =	vadd.s32 $0x2, v32;
	_ =	sdelay $0x3  }
0x14e: {  	[tilespmem:v23+s15+$0x0] =	vst.idx.msk $0xffff, v34  }
0x14f: {  	v32 =	vld.idx.msk [tilespmem:v32+s2+$0x0], $0xffff  }
0x150: {  	v58 =	vadd.s32 $0x2, v55;
	_ =	sdelay $0x3  }
0x151: {  	[tilespmem:v24+s15+$0x0] =	vst.idx.msk $0xffff, v32  }
0x152: {  	v32 =	vld.idx.msk [tilespmem:v58+s12+$0x0], $0xffff;
	_ =	sdelay $0x4  }
0x153: {  	[tilespmem:v25+s15+$0x0] =	vst.idx.msk $0xffff, v32  }
0x154: {  	[tilespmem:v33+s16+$0x0] =	vst.idx.add.f32.msk $0xffff, v7  }
0x155: {  	v32 =	vld [tilespmem:$0x12940];
	_ =	sdelay $0x4  }
0x156: {  	v32 =	vmul.u32 $0x3, v32  }
0x157: {  	v33 =	vld [tilespmem:$0x16940];
	_ =	sdelay $0x4  }
0x158: {  	v60 =	vmul.u32 $0x3, v33;
	v59 =	vld.idx.msk [tilespmem:v32+s2+$0x0], $0xffff;
	_ =	sdelay $0x4  }
0x159: {  	[tilespmem:v26+s15+$0x0] =	vst.idx.msk $0xffff, v59  }
0x15a: {  	v34 =	vld.idx.msk [tilespmem:v60+s12+$0x0], $0xffff  }
0x15b: {  	v61 =	vadd.s32 $0x1, v32;
	_ =	sdelay $0x3  }
0x15c: {  	[tilespmem:v27+s15+$0x0] =	vst.idx.msk $0xffff, v34  }
0x15d: {  	v34 =	vld.idx.msk [tilespmem:v61+s2+$0x0], $0xffff  }
0x15e: {  	v62 =	vadd.s32 $0x1, v60;
	_ =	sdelay $0x3  }
0x15f: {  	[tilespmem:v28+s15+$0x0] =	vst.idx.msk $0xffff, v34  }
0x160: {  	v34 =	vld.idx.msk [tilespmem:v62+s12+$0x0], $0xffff  }
0x161: {  	v32 =	vadd.s32 $0x2, v32;
	_ =	sdelay $0x3  }
0x162: {  	[tilespmem:v29+s15+$0x0] =	vst.idx.msk $0xffff, v34  }
0x163: {  	v32 =	vld.idx.msk [tilespmem:v32+s2+$0x0], $0xffff  }
0x164: {  	v63 =	vadd.s32 $0x2, v60;
	_ =	sdelay $0x3  }
0x165: {  	[tilespmem:v30+s15+$0x0] =	vst.idx.msk $0xffff, v32  }
0x166: {  	v32 =	vld.idx.msk [tilespmem:v63+s12+$0x0], $0xffff;
	_ =	sdelay $0x4  }
0x167: {  	[tilespmem:v31+s15+$0x0] =	vst.idx.msk $0xffff, v32  }
0x168: {  	[tilespmem:v33+s16+$0x0] =	vst.idx.add.f32.msk $0xffff, v7  }
0x169: {  	[hbm4b:s7+s2] =	stream.linear.scatter [tilespmem:s15], [sflag:$0x1], $0x280, $0x38;
	[tilespmem:$0x19780] =	vst v63  }
0x16a: {  	_ =	swait.ge [sflag:s18], $0x280  }
0x16b: {  	[sflag:s18] =	ssyncset.done $0x0  }
0x16c: {  	[sflag:s18] =	ssyncadd.s32 $0xFFFFFD80  }
0x16d: {  	s20 =	sadd.s32 $0x1, s20;
	_ =	swait.ge [sflag:s19], $0x280  }
0x16e: {  	p0 =	sne.s32 s20, s9;
	[sflag:s19] =	ssyncset.done $0x0  }
.Ltmp3:
0x16f: {  	[sflag:s19] =	ssyncadd.s32 $0xFFFFFD80;
	(pc) =	sbr.rel @p0 .LBB2_1-.Ltmp3, $4  }
0x170: {  	[hbm4b:s8+s2] =	stream.linear.scatter [tilespmem:s16], [sflag:$0x3], $0x2710, $0x38;
	[tilespmem:$0x19780] =	vst v63  }
0x171: {  	_ =	swait.ge [sflag:s11], $0x2710  }
0x172: {  	[sflag:s11] =	ssyncset.done $0x0  }
0x173: {  	[sflag:s11] =	ssyncadd.s32 $0xFFFFD8F0  }
0x174: {  	_ =	sfence.sel $0x180000  }
0x175: {  	[bflag:$0x0] =	sbarrier.arrive $0xFFFF  }
0x176: {  	p0 =	sne.s32 s1, $0x0;
	_ =	strace $0x90000047  }
0x177: {  	s0 =	sadd.s32 @!p0 $0x100000, s0;
	[bflag:$0x2] =	sbarrier.arrive $0xFFFF  }
0x178: {  	[sflag:s0] =	ssyncadd.tile.s32 @!p0 $0x1;
	_ =	shalt  }
.Lfunc_end2:
_tile_overlayer_lowered:
.L_overlay_start_2:
0x179: {  	(tag) =	ssettag $0x2  }
0x17a: {  	s0 =	rddreg [dreg:$0x0];
	s2 =	stileid.u32  }
0x17b: {  	s1 =	rddreg [dreg:$0x1];
	p0 =	sne.s32 s2, $0x0  }
0x17c: {  	s3 =	rddreg [dreg:$0x2];
	[bflag:$0x3] =	sbarrier.arrive $0xFFFF;
	s2 =	simm.s32 @!p0 $0x1C03  }
0x17d: {  	[timem:s3], [sflag:s2] =	dma.local @!p0 [hbm:s0], s1  }
0x17e: {  	s0 =	simm.s32 @!p0 $0x3  }
0x17f: {  	_ =	swait.ge @!p0 [sflag:s0], s1  }
0x180: {  	s1 =	ssub.s32 @!p0 $0x0, s1;
	[sflag:s0] =	ssyncset.done @!p0 $0x0  }
0x181: {  	[sflag:s0] =	ssyncadd.s32 @!p0 s1  }
0x182: {  	[bflag:$0x3] =	sbarrier.arrive $0xFFFF  }
0x183: {  	_ =	shalt  }

// kernel: kernel.9.cloned.1.call-start
scs
__scs_entry_jumppad:
0x0: {  	(pc) =	sbr.rel $0x88, $3  }
0x1: {  	(tag) =	ssettag $0x0;
	lr =	simm.s32 $0x1  }
0x2: {  	[smem:$0x3F97] =	sst lr;
	_ =	strace $0xD0000000  }
0x3: {  	_ = 	snop  }
0x4: {  	_ = 	snop  }
0x5: {  	_ = 	snop  }
0x6: {  	_ = 	snop  }
0x7: {  	_ = 	snop  }
__scs_overlays_trampoline_lowered:
0x8: {  	[smem:$0x3FA6] =	sst s0  }
0x9: {  	[smem:$0x3FA7] =	sst s1  }
0xa: {  	[smem:$0x3FA8] =	sst s2  }
0xb: {  	[smem:$0x3FA9] =	sst s3  }
0xc: {  	[smem:$0x3FAA] =	sst s4  }
0xd: {  	[smem:$0x3FAB] =	sst s5  }
0xe: {  	[smem:$0x3FAC] =	sst s6  }
0xf: {  	[smem:$0x3FAD] =	sst s7  }
0x10: {  	[smem:$0x3FAE] =	sst s8  }
0x11: {  	[smem:$0x3FAF] =	sst s9;
	s0 =	simm.s32 @!p0 $0x0  }
0x12: {  	s1 =	sld [smem:$0x3F95];
	s0 =	simm.s32 @p0 $0x1  }
0x13: {  	[smem:$0x3FB0] =	sst s0;
	s0 =	simm.s32 @!p1 $0x0  }
0x14: {  	s2 =	sld [smem:$0x3F94];
	s0 =	simm.s32 @p1 $0x1  }
0x15: {  	[smem:$0x3FB1] =	sst s0;
	s0 =	simm.s32 @!p2 $0x0  }
0x16: {  	s3 =	sld [smem:$0x3FDB];
	s0 =	simm.s32 @p2 $0x1  }
0x17: {  	s4 =	simm.s32 $0x1BF5;
	[smem:$0x3FB3] =	sst s0  }
0x18: {  	s0 =	sld [smem:$0x3F96];
	_ =	swait.ge [sflag:s4], $0x0  }
0x19: {  	s7 =	sld [smem:$0x3F97]  }
0x1a: {  	s8 =	sadd.s32 $0xFFFFE003, lr  }
0x1b: {  	s9 =	sadd.s32 $0xFFFFFEF7, lr;
	s5 =	simm.s32 $0xFFFFFFFF;
	p2 =	slt.u32 s8, $0xFFFFF086  }
0x1c: {  	p1 =	slt.u32 s9, $0xF7A;
	s5 =	simm.s32 @!p2 $0x0  }
0x1d: {  	s5 =	simm.s32 @p1 $0x1;
	p0 =	seq.s32 s7, s2  }
0x1e: {  	s7 =	smul.u32 @!p0 $0xF7A, s2;
	p2 =	seq.s32 @!p0 s5, $0x0  }
0x1f: {  	s9 =	smul.u32 $0xF7A, s1;
	s8 =	simm.s32 @!p0 $0x1BF5;
	p2 =	por !p2, p0  }
0x20: {  	[sflag:s8] =	ssyncset.s32 @!p0 $0xFFFFF086;
	s6 =	sadd.s32 @!p0 s3, s7;
	s7 =	simm.s32 @!p0 $0x108  }
0x21: {  	s3 =	sadd.s32 s3, s9;
	s6 =	sadd.s32 @!p0 $0x88, s6;
	s7 =	simm.s32 @p2 $0x1082  }
0x22: {  	[simem:s7], [sflag:s8] =	dma.local @!p0 [hbm:s6], $0xF7A  }
0x23: {  	s9 =	sor.u32 $0xD0000000, s2;
	s6 =	simm.s32 $0x108;
	_ =	swait.ge @!p0 [sflag:s8], $0x0  }
0x24: {  	s3 =	sadd.s32 $0x88, s3;
	s6 =	simm.s32 @!p1 $0x1082;
	[sflag:s4] =	ssyncset.s32 $0xFFFFF086  }
0x25: {  	[simem:s6], [sflag:s4] =	dma.local [hbm:s3], $0xF7A  }
0x26: {  	[smem:$0x3F97] =	sst s1;
	(tag) =	ssettag s2;
	_ =	strace s9  }
0x27: {  	s1 =	sld [smem:$0x3FA7]  }
0x28: {  	s2 =	sld [smem:$0x3FA8]  }
0x29: {  	s4 =	sld [smem:$0x3FAA]  }
0x2a: {  	p0 =	seq.s32 s5, $0x0;
	s5 =	sld [smem:$0x3FAB]  }
0x2b: {  	s6 =	sld [smem:$0x3FAC]  }
0x2c: {  	s7 =	sld [smem:$0x3FAD]  }
0x2d: {  	s3 =	simm.s32 $0x108;
	s8 =	sld [smem:$0x3FAE]  }
0x2e: {  	s3 =	simm.s32 @!p0 $0x1082;
	s9 =	sld [smem:$0x3FAF]  }
0x2f: {  	lr =	sadd.s32 s0, s3;
	s0 =	sld [smem:$0x3FA6]  }
0x30: {  	s3 =	sld [smem:$0x3FA9]  }
0x31: {  	[smem:$0x3FB2] =	sst s10  }
0x32: {  	s10 =	sld [smem:$0x3FB0];
	_ =	sdelay $0x3  }
0x33: {  	p0 =	seq.s32 s10, $0x1;
	s10 =	sld [smem:$0x3FB2];
	_ =	sdelay $0x3  }
0x34: {  	[smem:$0x3FB2] =	sst s10  }
0x35: {  	s10 =	sld [smem:$0x3FB1];
	_ =	sdelay $0x3  }
0x36: {  	p1 =	seq.s32 s10, $0x1;
	s10 =	sld [smem:$0x3FB2];
	_ =	sdelay $0x3  }
0x37: {  	[smem:$0x3FB2] =	sst s10  }
0x38: {  	s10 =	sld [smem:$0x3FB3]  }
0x39: {  	_ = 	snop;
	(pc) =	sbr.ind lr, $3  }
0x3a: {  	_ = 	snop  }
0x3b: {  	_ = 	snop  }
0x3c: {  	p2 =	seq.s32 s10, $0x1;
	s10 =	sld [smem:$0x3FB2]  }
0x3d: {  	_ =	shalt  }
0x3e: {  	_ =	shalt  }
0x3f: {  	_ =	shalt  }
0x40: {  	_ =	shalt  }
0x41: {  	_ =	shalt  }
0x42: {  	_ =	shalt  }
0x43: {  	_ =	shalt  }
0x44: {  	_ =	shalt  }
0x45: {  	_ =	shalt  }
0x46: {  	_ =	shalt  }
0x47: {  	_ =	shalt  }
0x48: {  	_ =	shalt  }
0x49: {  	_ =	shalt  }
0x4a: {  	_ =	shalt  }
0x4b: {  	_ =	shalt  }
0x4c: {  	_ =	shalt  }
0x4d: {  	_ =	shalt  }
0x4e: {  	_ =	shalt  }
0x4f: {  	_ =	shalt  }
0x50: {  	_ =	shalt  }
0x51: {  	_ =	shalt  }
0x52: {  	_ =	shalt  }
0x53: {  	_ =	shalt  }
0x54: {  	_ =	shalt  }
0x55: {  	_ =	shalt  }
0x56: {  	_ =	shalt  }
0x57: {  	_ =	shalt  }
0x58: {  	_ =	shalt  }
0x59: {  	_ =	shalt  }
0x5a: {  	_ =	shalt  }
0x5b: {  	_ =	shalt  }
0x5c: {  	_ =	shalt  }
0x5d: {  	_ =	shalt  }
0x5e: {  	_ =	shalt  }
0x5f: {  	_ =	shalt  }
0x60: {  	_ =	shalt  }
0x61: {  	_ =	shalt  }
0x62: {  	_ =	shalt  }
0x63: {  	_ =	shalt  }
0x64: {  	_ =	shalt  }
0x65: {  	_ =	shalt  }
0x66: {  	_ =	shalt  }
0x67: {  	_ =	shalt  }
0x68: {  	_ =	shalt  }
0x69: {  	_ =	shalt  }
0x6a: {  	_ =	shalt  }
0x6b: {  	_ =	shalt  }
0x6c: {  	_ =	shalt  }
0x6d: {  	_ =	shalt  }
0x6e: {  	_ =	shalt  }
0x6f: {  	_ =	shalt  }
0x70: {  	_ =	shalt  }
0x71: {  	_ =	shalt  }
0x72: {  	_ =	shalt  }
0x73: {  	_ =	shalt  }
0x74: {  	_ =	shalt  }
0x75: {  	_ =	shalt  }
0x76: {  	_ =	shalt  }
0x77: {  	_ =	shalt  }
0x78: {  	_ =	shalt  }
0x79: {  	_ =	shalt  }
0x7a: {  	_ =	shalt  }
0x7b: {  	_ =	shalt  }
0x7c: {  	_ =	shalt  }
0x7d: {  	_ =	shalt  }
0x7e: {  	_ =	shalt  }
0x7f: {  	_ =	shalt  }
0x80: {  	_ =	shalt  }
0x81: {  	_ =	shalt  }
0x82: {  	_ =	shalt  }
0x83: {  	_ =	shalt  }
0x84: {  	_ =	shalt  }
0x85: {  	_ =	shalt  }
0x86: {  	_ =	shalt  }
0x87: {  	_ =	shalt  }
.Lfunc_end0:
.L_simem_size_0:
called_computation.1_lowered:
.L_overlay_start_0:
0x88: {  	s2 =	sld [smem:$0x3FD9]  }
0x89: {  	s3 =	sld [smem:$0x3FFE];
	_ =	sdelay $0x1  }
0x8a: {  	s1 =	srdreg.scid  }
0x8b: {  	s0 =	sand.u32 $0x1, s1  }
0x8c: {  	s17 =	sshll.u32 s0, $0xA;
	s2 =	sadd.s32 s3, s2  }
0x8d: {  	s2 =	sadd.s32 s2, s17  }
0x8e: {  	[smem:$0x3FBE] =	sst s2  }
0x8f: {  	_ = 	snop  }
0x90: {  	s2 =	sld [smem:$0x3FC6]  }
0x91: {  	s18 =	sld [smem:$0x3FD0];
	(tm) =	ssettm $0x1  }
0x92: {  	s4 =	sld [smem:$0x3FFB];
	_ =	sdelay $0x3  }
0x93: {  	_ =	strace s4  }
0x94: {  	s4 =	sld [smem:$0x3FFC];
	_ =	sdelay $0x3  }
0x95: {  	_ =	strace s4  }
0x96: {  	s4 =	sld [smem:$0x3FFD];
	_ =	sdelay $0x3  }
0x97: {  	_ =	strace s4  }
0x98: {  	_ =	strace $0x8FFFFFFF  }
0x99: {  	s19 =	sld [smem:$0x3FDB];
	_ =	sdelay $0x1  }
0x9a: {  	s5 =	simm.s32 $_scs_section_size  }
0x9b: {  	s6 =	simm.s32 $_size__tile_overlayer_lowered;
	s7 =	simm.s32 $_tile_overlayer_lowered  }
0x9c: {  	s22 =	simm.s32 $0x1BFF;
	s21 =	sshll.u32 s7, $0x1;
	s4 =	sadd.s32 s5, s19  }
0x9d: {  	s8 =	simm.s32 $0x0;
	s20 =	sshll.u32 s6, $0x1;
	s6 =	sadd.s32 s21, s4  }
0x9e: {  	[timem:s8], [sflag:s22] =	dma.local [hbm:s6], s20  }
0x9f: {  	_ =	swait.ge [sflag:s22], s20  }
0xa0: {  	s5 =	ssub.s32 $0x0, s20;
	[sflag:s22] =	ssyncset.done $0x0  }
0xa1: {  	[sflag:s22] =	ssyncadd.s32 s5;
	_ =	sdelay $0x1  }
0xa2: {  	s23 =	simm.s32 $0x1B8B  }
0xa3: {  	_ =	swait.ge [sflag:s23], $0x1  }
0xa4: {  	[sflag:s23] =	ssyncset.done $0x0  }
0xa5: {  	s25 =	simm.s32 $0x1B8E;
	s24 =	sld [smem:$0x3FFE];
	[sflag:s23] =	ssyncadd.s32 $0xFFFFFFFF  }
0xa6: {  	s26 =	simm.s32 $execute0_lowered;
	[smem:$0x3FD2] =	sst s25  }
0xa7: {  	s6 =	sshll.u32 s26, $0x1;
	_ =	strace $0x80000049;
	[dreg:$0x1] =	wrdreg $0xFFFFFFFF  }
0xa8: {  	s28 =	simm.s32 $_size_execute0_lowered;
	s4 =	sadd.s32 s4, s6;
	[dreg:$0x0] =	wrdreg $0x0  }
0xa9: {  	s6 =	sshll.u32 s28, $0x1;
	[dreg:$0x2] =	wrdreg s4  }
0xaa: {  	[dreg:$0x3] =	wrdreg s6  }
0xab: {  	[dreg:$0x4] =	wrdreg $0xC0  }
0xac: {  	_ =	task [dreg:s8], $0x5FFFF  }
0xad: {  	[dreg:$0x1] =	wrdreg $0xFFFFFFFF  }
0xae: {  	[dreg:$0x0] =	wrdreg $0x60  }
0xaf: {  	[dreg:$0x2] =	wrdreg s24  }
0xb0: {  	[dreg:$0x3] =	wrdreg s2  }
0xb1: {  	[dreg:$0x4] =	wrdreg s18  }
0xb2: {  	[dreg:$0x5] =	wrdreg $0xC2000  }
0xb3: {  	[dreg:$0x6] =	wrdreg $0x9  }
0xb4: {  	_ =	task.clear_ibuf [dreg:s8], $0x7FFFF;
	_ =	strace $0x90000049  }
0xb5: {  	s29 =	simm.s32 $0x9;
	_ =	strace $0x8000004B  }
0xb6: {  	_ =	swait.ge [sflag:s29], $0x1  }
0xb7: {  	[sflag:s29] =	ssyncadd.s32 $0xFFFFFFFF  }
0xb8: {  	_ =	strace $0x9000004B  }
0xb9: {  	_ =	sfence  }
0xba: {  	s30 =	sld [smem:$0x0];
	_ =	sdelay $0x2  }
0xbb: {  	s31 =	sshll.u32 s1, $0xD;
	s1 =	sshrl.u32 s1, $0x2  }
0xbc: {  	s3 =	sand.u32 $0x4000, s31;
	s1 =	sadd.s32 s1, s30  }
0xbd: {  	s0 =	sor.u32 s3, s0;
	s1 =	sshll.u32 s1, $0x11  }
0xbe: {  	s0 =	sor.u32 s1, s0  }
0xbf: {  	s0 =	sadd.s32 $0x8F2B, s0  }
0xc0: {  	[sflag:s0] =	ssyncadd.remote.s32 $0x1  }
0xc1: {  	_ =	sfence.sel $0xFFFF  }
0xc2: {  	[dreg:$0x0] =	wrdreg $0xFFFFFFFF;
	(pc) =	sbr.abs _section_cstart, $3  }
0xc3: {  	[dreg:$0x1] =	wrdreg $0xFFFFFFFF  }
0xc4: {  	_ =	task.clear_ibuf [dreg:s8], $0x2FFFF;
	_ =	strace $0x9FFFFFFF  }
0xc5: {  	(tm) =	ssettm $0x7FFFFFFF  }
tec
execute0_lowered:
.L_overlay_start_1:
0x0: {  	(tag) =	ssettag $0x1  }
0x1: {  	s0 =	rddreg [dreg:$0x0]  }
0x2: {  	s1 =	rddreg [dreg:$0x1]  }
0x3: {  	s3 =	rddreg [dreg:$0x3]  }
0x4: {  	s22 =	simm.s32 $0x0;
	s2 =	srdreg.scid;
	s15 =	stileid.u32  }
0x5: {  	[smem:$0x7FF] =	sst s22;
	s6 =	sadd.s32 $0x571800, s0;
	s2 =	sand.u32 $0x1, s2  }
0x6: {  	s4 =	sshll.u32 s15, $0x1;
	s7 =	sadd.s32 $0x7B800, s0;
	s5 =	smul.u32 $0x7D000, s15  }
0x7: {  	s0 =	sadd.s32 $0x1800, s0;
	s11 =	smul.u32 $0x1F400, s15;
	p0 =	sgt.u32 s15, $0x9  }
0x8: {  	s4 =	sor.u32 s2, s4;
	s9 =	ssub.s32 $0x2, s2;
	s2 =	smul.u32 $0x138800, s2  }
0x9: {  	_ =	strace $0x8000004A;
	s8 =	smul.u32 $0x2710, s4;
	s5 =	sshrl.u32 s5, $0x2  }
0xa: {  	s10 =	sshrl.u32 s9, $0x1;
	s26 =	sadd.s32 $0x6400, s11;
	s16 =	sadd.s32 s5, s3  }
0xb: {  	s19 =	sadd.s32 $0xC800, s11;
	s5 =	sadd.s32 $0x1400, s16;
	[dreg:$0x6] =	wrdreg s16  }
0xc: {  	s23 =	sadd.s32 $0x12C00, s11;
	s25 =	sadd.s32 $0x2800, s16;
	[dreg:$0x7] =	wrdreg s5  }
0xd: {  	s9 =	ssub.s32 s9, s10;
	s14 =	sadd.s32 $0x3C00, s16;
	[dreg:$0x8] =	wrdreg s25  }
0xe: {  	s17 =	sadd.s32 s11, s2;
	s13 =	sadd.s32 $0x5000, s16;
	[dreg:$0x9] =	wrdreg s14  }
0xf: {  	s12 =	sadd.s32 s2, s26;
	s9 =	smax.u32 s9, $0x1;
	[dreg:$0xa] =	wrdreg s13  }
0x10: {  	s21 =	sadd.s32 s2, s19;
	s15 =	sadd.s32 $0x14000, s16;
	[dreg:$0x11] =	wrdreg s9  }
0x11: {  	s10 =	sshrl.u32 s17, $0x3;
	s17 =	sadd.s32 $0x15400, s16;
	[smem:$0x7F5] =	sst s15  }
0x12: {  	s12 =	sshrl.u32 s12, $0x3;
	s10 =	sadd.s32 s0, s10;
	[smem:$0x7F6] =	sst s17  }
0x13: {  	s11 =	sadd.s32 $0x19000, s11;
	s18 =	sadd.s32 s0, s12;
	[dreg:$0xb] =	wrdreg s10  }
0x14: {  	s14 =	sadd.s32 s2, s23;
	s25 =	sadd.s32 $0x6400, s16;
	[dreg:$0xc] =	wrdreg s18  }
0x15: {  	s2 =	sadd.s32 s2, s11;
	s9 =	sadd.s32 $0xC800, s16;
	[dreg:$0x10] =	wrdreg s25  }
0x16: {  	s5 =	sadd.s32 s11, s3;
	s11 =	sadd.s32 $0xF000, s16;
	[dreg:$0x1a] =	wrdreg s9  }
0x17: {  	s20 =	smul.u32 $0x5000, s4;
	s13 =	sadd.s32 $0x11800, s16;
	[dreg:$0x1c] =	wrdreg s11  }
0x18: {  	s12 =	sshrl.u32 s21, $0x3;
	s21 =	sadd.s32 $0x19000, s16;
	[dreg:$0x1e] =	wrdreg s13  }
0x19: {  	s4 =	sadd.s32 s23, s3;
	s23 =	sadd.s32 $0x1A400, s16;
	[smem:$0x7F9] =	sst s21  }
0x1a: {  	s28 =	simm.s32 $0x50;
	s12 =	sadd.s32 s0, s12;
	[smem:$0x7FA] =	sst s23  }
0x1b: {  	s29 =	simm.s32 $0x2000;
	s10 =	sadd.s32 $0xDC00, s16;
	[dreg:$0xd] =	wrdreg s12  }
0x1c: {  	s24 =	sshrl.u32 s14, $0x3;
	s14 =	sadd.s32 $0x12C00, s16;
	[dreg:$0x1b] =	wrdreg s10  }
0x1d: {  	s30 =	simm.s32 $0x2200;
	s18 =	sadd.s32 $0x16800, s16;
	[dreg:$0x1f] =	wrdreg s14  }
0x1e: {  	s31 =	simm.s32 $0x2080;
	s25 =	sadd.s32 $0x1CC00, s16;
	[smem:$0x7F7] =	sst s18  }
0x1f: {  	s2 =	sshrl.u32 s2, $0x3;
	s12 =	sadd.s32 s0, s24;
	[smem:$0x7FC] =	sst s25  }
0x20: {  	s15 =	simm.s32 $0x5;
	s0 =	sadd.s32 s0, s2;
	[dreg:$0xe] =	wrdreg s12  }
0x21: {  	s2 =	sadd.s32 s19, s3;
	s19 =	sadd.s32 $0x17C00, s16;
	[dreg:$0xf] =	wrdreg s0  }
0x22: {  	s17 =	simm.s32 $0x4;
	s24 =	sadd.s32 $0x1B800, s16;
	[smem:$0x7F8] =	sst s19  }
0x23: {  	s0 =	sadd.s32 s26, s3;
	s26 =	sadd.s32 $0x7800, s16;
	[smem:$0x7FB] =	sst s24  }
0x24: {  	s13 =	simm.s32 $0x7200;
	s12 =	sadd.s32 $0x10400, s16;
	[dreg:$0x16] =	wrdreg s26  }
0x25: {  	s11 =	simm.s32 $0x1;
	s0 =	sshrl.u32 @!p0 s0, $0x3;
	[dreg:$0x1d] =	wrdreg s12  }
0x26: {  	s21 =	simm.s32 $0x6;
	s26 =	sadd.s32 $0x1E000, s16;
	[dreg:$0x12] =	wrdreg s0  }
0x27: {  	s10 =	simm.s32 $0x9A00;
	s0 =	sshrl.u32 @!p0 s2, $0x3;
	[smem:$0x7FD] =	sst s26  }
0x28: {  	s14 =	simm.s32 $0x2100;
	s2 =	sadd.s32 $0x8C00, s16;
	[dreg:$0x13] =	wrdreg s0  }
0x29: {  	s18 =	simm.s32 $0x2180;
	s0 =	sshrl.u32 @!p0 s4, $0x3;
	[dreg:$0x17] =	wrdreg s2  }
0x2a: {  	s19 =	simm.s32 $0x7;
	s4 =	sadd.s32 $0xA000, s16;
	[dreg:$0x14] =	wrdreg s0  }
0x2b: {  	s12 =	sadd.s32 $0xA0, s8;
	s0 =	sshrl.u32 @!p0 s5, $0x3;
	[dreg:$0x18] =	wrdreg s4  }
0x2c: {  	s5 =	sadd.s32 $0xB400, s16;
	s4 =	simm.s32 $0x3;
	[dreg:$0x15] =	wrdreg s0  }
0x2d: {  	v0 =	vimm.f32 $0.0e+00;
	s16 =	simm.s32 $0x2;
	[dreg:$0x19] =	wrdreg s5;
	s0 =	simm.s32 $0x4A00  }
.LBB2_1:
0x2e: {  	s2 =	simm.s32 $0x0;
	s5 =	simm.s32 $0x200  }
.LBB2_2:
0x2f: {  	p1 =	sne.s32 s5, $0x4E00;
	[tilespmem:s2+$0x7270] =	vst v0  }
0x30: {  	[tilespmem:s2+$0x7200] =	vst v0  }
0x31: {  	[tilespmem:s2+$0x7210] =	vst v0  }
.Ltmp0:
0x32: {  	[tilespmem:s2+$0x7220] =	vst v0;
	(pc) =	sbr.rel @p1 .LBB2_2-.Ltmp0, $4  }
0x33: {  	[tilespmem:s2+$0x7230] =	vst v0  }
0x34: {  	[tilespmem:s2+$0x7240] =	vst v0  }
0x35: {  	[tilespmem:s2+$0x7250] =	vst v0  }
0x36: {  	[tilespmem:s2+$0x7260] =	vst v0;
	s2 =	sshra.s32 s5, $0x2;
	s5 =	sadd.s32 $0x200, s5  }
0x37: {  	[tilespmem:s2+$0x7270] =	vst v0  }
0x38: {  	[tilespmem:s2+$0x7200] =	vst v0  }
0x39: {  	[tilespmem:s2+$0x7210] =	vst v0  }
.Ltmp1:
0x3a: {  	[tilespmem:s2+$0x7220] =	vst v0;
	(pc) =	sbr.rel @p0 .LBB2_5-.Ltmp1, $4  }
0x3b: {  	[tilespmem:s2+$0x7230] =	vst v0  }
0x3c: {  	[tilespmem:s2+$0x7240] =	vst v0  }
0x3d: {  	[tilespmem:s2+$0x7250] =	vst v0  }
0x3e: {  	[dreg:$0x5] =	wrdreg s22;
	[tilespmem:s2+$0x7260] =	vst v0  }
0x3f: {  	s2 =	rddreg [dreg:$0x6]  }
0x40: {  	[spmem:s2] =	stream.linear.scatter [tilespmem:s13], [sflag:$0x7], $0x1400, $0x38;
	[tilespmem:$0x1FA80] =	vst v63  }
0x41: {  	_ =	swait.ge [sflag:s19], $0x1400  }
0x42: {  	[sflag:s19] =	ssyncset.done $0x0  }
0x43: {  	s24 =	rddreg [dreg:$0x7];
	[sflag:s19] =	ssyncadd.s32 $0xFFFFEC00  }
0x44: {  	[spmem:s24] =	stream.linear.scatter [tilespmem:s13], [sflag:$0x7], $0x1400, $0x38;
	[tilespmem:$0x1FA80] =	vst v63  }
0x45: {  	_ =	swait.ge [sflag:s19], $0x1400  }
0x46: {  	[sflag:s19] =	ssyncset.done $0x0  }
0x47: {  	s25 =	rddreg [dreg:$0x8];
	[sflag:s19] =	ssyncadd.s32 $0xFFFFEC00  }
0x48: {  	[spmem:s25] =	stream.linear.scatter [tilespmem:s13], [sflag:$0x7], $0x1400, $0x38;
	[tilespmem:$0x1FA80] =	vst v63  }
0x49: {  	_ =	swait.ge [sflag:s19], $0x1400  }
0x4a: {  	[sflag:s19] =	ssyncset.done $0x0  }
0x4b: {  	s26 =	rddreg [dreg:$0x9];
	[sflag:s19] =	ssyncadd.s32 $0xFFFFEC00  }
0x4c: {  	[spmem:s26] =	stream.linear.scatter [tilespmem:s13], [sflag:$0x7], $0x1400, $0x38;
	[tilespmem:$0x1FA80] =	vst v63  }
0x4d: {  	_ =	swait.ge [sflag:s19], $0x1400  }
0x4e: {  	[sflag:s19] =	ssyncset.done $0x0  }
0x4f: {  	s5 =	rddreg [dreg:$0xa];
	[sflag:s19] =	ssyncadd.s32 $0xFFFFEC00  }
0x50: {  	[spmem:s5] =	stream.linear.scatter [tilespmem:s13], [sflag:$0x7], $0x1400, $0x38;
	[tilespmem:$0x1FA80] =	vst v63  }
0x51: {  	_ =	swait.ge [sflag:s19], $0x1400  }
0x52: {  	[sflag:s19] =	ssyncset.done $0x0  }
0x53: {  	s9 =	rddreg [dreg:$0x10];
	[sflag:s19] =	ssyncadd.s32 $0xFFFFEC00  }
0x54: {  	[spmem:s9] =	stream.linear.scatter [tilespmem:s13], [sflag:$0x7], $0x1400, $0x38;
	[tilespmem:$0x1FA80] =	vst v63  }
0x55: {  	_ =	swait.ge [sflag:s19], $0x1400  }
0x56: {  	[sflag:s19] =	ssyncset.done $0x0  }
0x57: {  	s22 =	rddreg [dreg:$0x16];
	[sflag:s19] =	ssyncadd.s32 $0xFFFFEC00  }
0x58: {  	[spmem:s22] =	stream.linear.scatter [tilespmem:s13], [sflag:$0x7], $0x1400, $0x38;
	[tilespmem:$0x1FA80] =	vst v63  }
0x59: {  	_ =	swait.ge [sflag:s19], $0x1400  }
0x5a: {  	[sflag:s19] =	ssyncset.done $0x0  }
0x5b: {  	s23 =	rddreg [dreg:$0x17];
	[sflag:s19] =	ssyncadd.s32 $0xFFFFEC00  }
0x5c: {  	[spmem:s23] =	stream.linear.scatter [tilespmem:s13], [sflag:$0x7], $0x1400, $0x38;
	[tilespmem:$0x1FA80] =	vst v63  }
0x5d: {  	_ =	swait.ge [sflag:s19], $0x1400  }
0x5e: {  	[sflag:s19] =	ssyncset.done $0x0  }
0x5f: {  	s24 =	rddreg [dreg:$0x18];
	[sflag:s19] =	ssyncadd.s32 $0xFFFFEC00  }
0x60: {  	[spmem:s24] =	stream.linear.scatter [tilespmem:s13], [sflag:$0x7], $0x1400, $0x38;
	[tilespmem:$0x1FA80] =	vst v63  }
0x61: {  	_ =	swait.ge [sflag:s19], $0x1400  }
0x62: {  	[sflag:s19] =	ssyncset.done $0x0  }
0x63: {  	s25 =	rddreg [dreg:$0x19];
	[sflag:s19] =	ssyncadd.s32 $0xFFFFEC00  }
0x64: {  	[spmem:s25] =	stream.linear.scatter [tilespmem:s13], [sflag:$0x7], $0x1400, $0x38;
	[tilespmem:$0x1FA80] =	vst v63  }
0x65: {  	_ =	swait.ge [sflag:s19], $0x1400  }
0x66: {  	[sflag:s19] =	ssyncset.done $0x0  }
0x67: {  	s26 =	rddreg [dreg:$0x1a];
	[sflag:s19] =	ssyncadd.s32 $0xFFFFEC00  }
0x68: {  	[spmem:s26] =	stream.linear.scatter [tilespmem:s13], [sflag:$0x7], $0x1400, $0x38;
	[tilespmem:$0x1FA80] =	vst v63  }
0x69: {  	_ =	swait.ge [sflag:s19], $0x1400  }
0x6a: {  	[sflag:s19] =	ssyncset.done $0x0  }
0x6b: {  	s5 =	rddreg [dreg:$0x1b];
	[sflag:s19] =	ssyncadd.s32 $0xFFFFEC00  }
0x6c: {  	[spmem:s5] =	stream.linear.scatter [tilespmem:s13], [sflag:$0x7], $0x1400, $0x38;
	[tilespmem:$0x1FA80] =	vst v63  }
0x6d: {  	_ =	swait.ge [sflag:s19], $0x1400  }
0x6e: {  	[sflag:s19] =	ssyncset.done $0x0  }
0x6f: {  	s9 =	rddreg [dreg:$0x1c];
	[sflag:s19] =	ssyncadd.s32 $0xFFFFEC00  }
0x70: {  	[spmem:s9] =	stream.linear.scatter [tilespmem:s13], [sflag:$0x7], $0x1400, $0x38;
	[tilespmem:$0x1FA80] =	vst v63  }
0x71: {  	_ =	swait.ge [sflag:s19], $0x1400  }
0x72: {  	[sflag:s19] =	ssyncset.done $0x0  }
0x73: {  	s22 =	rddreg [dreg:$0x1d];
	[sflag:s19] =	ssyncadd.s32 $0xFFFFEC00  }
0x74: {  	[spmem:s22] =	stream.linear.scatter [tilespmem:s13], [sflag:$0x7], $0x1400, $0x38;
	[tilespmem:$0x1FA80] =	vst v63  }
0x75: {  	_ =	swait.ge [sflag:s19], $0x1400  }
0x76: {  	[sflag:s19] =	ssyncset.done $0x0  }
0x77: {  	s23 =	rddreg [dreg:$0x1e];
	[sflag:s19] =	ssyncadd.s32 $0xFFFFEC00  }
0x78: {  	[spmem:s23] =	stream.linear.scatter [tilespmem:s13], [sflag:$0x7], $0x1400, $0x38;
	[tilespmem:$0x1FA80] =	vst v63  }
0x79: {  	_ =	swait.ge [sflag:s19], $0x1400  }
0x7a: {  	[sflag:s19] =	ssyncset.done $0x0  }
0x7b: {  	s24 =	rddreg [dreg:$0x1f];
	[sflag:s19] =	ssyncadd.s32 $0xFFFFEC00  }
0x7c: {  	[spmem:s24] =	stream.linear.scatter [tilespmem:s13], [sflag:$0x7], $0x1400, $0x38;
	[tilespmem:$0x1FA80] =	vst v63  }
0x7d: {  	_ =	swait.ge [sflag:s19], $0x1400  }
0x7e: {  	s25 =	sld [smem:$0x7F5]  }
0x7f: {  	[sflag:s19] =	ssyncset.done $0x0  }
0x80: {  	[sflag:s19] =	ssyncadd.s32 $0xFFFFEC00  }
0x81: {  	[spmem:s25] =	stream.linear.scatter [tilespmem:s13], [sflag:$0x7], $0x1400, $0x38;
	[tilespmem:$0x1FA80] =	vst v63  }
0x82: {  	_ =	swait.ge [sflag:s19], $0x1400  }
0x83: {  	s26 =	sld [smem:$0x7F6]  }
0x84: {  	[sflag:s19] =	ssyncset.done $0x0  }
0x85: {  	[sflag:s19] =	ssyncadd.s32 $0xFFFFEC00  }
0x86: {  	[spmem:s26] =	stream.linear.scatter [tilespmem:s13], [sflag:$0x7], $0x1400, $0x38;
	[tilespmem:$0x1FA80] =	vst v63  }
0x87: {  	_ =	swait.ge [sflag:s19], $0x1400  }
0x88: {  	s5 =	sld [smem:$0x7F7]  }
0x89: {  	[sflag:s19] =	ssyncset.done $0x0  }
0x8a: {  	[sflag:s19] =	ssyncadd.s32 $0xFFFFEC00  }
0x8b: {  	[spmem:s5] =	stream.linear.scatter [tilespmem:s13], [sflag:$0x7], $0x1400, $0x38;
	[tilespmem:$0x1FA80] =	vst v63  }
0x8c: {  	_ =	swait.ge [sflag:s19], $0x1400  }
0x8d: {  	s9 =	sld [smem:$0x7F8]  }
0x8e: {  	[sflag:s19] =	ssyncset.done $0x0  }
0x8f: {  	[sflag:s19] =	ssyncadd.s32 $0xFFFFEC00  }
0x90: {  	[spmem:s9] =	stream.linear.scatter [tilespmem:s13], [sflag:$0x7], $0x1400, $0x38;
	[tilespmem:$0x1FA80] =	vst v63  }
0x91: {  	_ =	swait.ge [sflag:s19], $0x1400  }
0x92: {  	s22 =	sld [smem:$0x7F9]  }
0x93: {  	[sflag:s19] =	ssyncset.done $0x0  }
0x94: {  	[sflag:s19] =	ssyncadd.s32 $0xFFFFEC00  }
0x95: {  	[spmem:s22] =	stream.linear.scatter [tilespmem:s13], [sflag:$0x7], $0x1400, $0x38;
	[tilespmem:$0x1FA80] =	vst v63  }
0x96: {  	_ =	swait.ge [sflag:s19], $0x1400  }
0x97: {  	s23 =	sld [smem:$0x7FA]  }
0x98: {  	[sflag:s19] =	ssyncset.done $0x0  }
0x99: {  	[sflag:s19] =	ssyncadd.s32 $0xFFFFEC00  }
0x9a: {  	[spmem:s23] =	stream.linear.scatter [tilespmem:s13], [sflag:$0x7], $0x1400, $0x38;
	[tilespmem:$0x1FA80] =	vst v63  }
0x9b: {  	_ =	swait.ge [sflag:s19], $0x1400  }
0x9c: {  	s24 =	sld [smem:$0x7FB]  }
0x9d: {  	[sflag:s19] =	ssyncset.done $0x0  }
0x9e: {  	[sflag:s19] =	ssyncadd.s32 $0xFFFFEC00  }
0x9f: {  	[spmem:s24] =	stream.linear.scatter [tilespmem:s13], [sflag:$0x7], $0x1400, $0x38;
	[tilespmem:$0x1FA80] =	vst v63  }
0xa0: {  	_ =	swait.ge [sflag:s19], $0x1400  }
0xa1: {  	s25 =	sld [smem:$0x7FC]  }
0xa2: {  	[sflag:s19] =	ssyncset.done $0x0  }
0xa3: {  	[sflag:s19] =	ssyncadd.s32 $0xFFFFEC00  }
0xa4: {  	[spmem:s25] =	stream.linear.scatter [tilespmem:s13], [sflag:$0x7], $0x1400, $0x38;
	[tilespmem:$0x1FA80] =	vst v63  }
0xa5: {  	_ =	swait.ge [sflag:s19], $0x1400  }
0xa6: {  	s26 =	sld [smem:$0x7FD]  }
0xa7: {  	[sflag:s19] =	ssyncset.done $0x0  }
0xa8: {  	[sflag:s19] =	ssyncadd.s32 $0xFFFFEC00  }
0xa9: {  	[spmem:s26] =	stream.linear.scatter [tilespmem:s13], [sflag:$0x7], $0x1400, $0x38;
	[tilespmem:$0x1FA80] =	vst v63  }
0xaa: {  	_ =	swait.ge [sflag:s19], $0x1400  }
0xab: {  	[sflag:s19] =	ssyncset.done $0x0  }
0xac: {  	[sflag:s19] =	ssyncadd.s32 $0xFFFFEC00  }
.LBB2_5:
0xad: {  	[bflag:$0x0] =	sbarrier.arrive $0xFFFF;
	s22 =	simm.s32 $0x0;
	s23 =	simm.s32 $0x0  }
.LBB2_6:
0xae: {  	s2 =	sshll.u32 s23, $0xC  }
0xaf: {  	s2 =	sadd.s32 s20, s2  }
0xb0: {  	s5 =	rddreg [dreg:$0x2];
	s2 =	sshrl.u32 s2, $0x3  }
0xb1: {  	s5 =	sadd.s32 s5, s2  }
0xb2: {  	[tilespmem:s22], [sflag:$0x7] =	stream.linear.gather [hbm4b:s5+s22], $0xC80, $0x38;
	[tilespmem:$0x1FA80] =	vst v63  }
0xb3: {  	_ =	swait.ge [sflag:s19], $0xC80  }
0xb4: {  	[sflag:s19] =	ssyncset.done $0x0  }
0xb5: {  	s25 =	simm.s32 $0x1000;
	s2 =	sadd.s32 s7, s2;
	[sflag:s19] =	ssyncadd.s32 $0xFFFFF380  }
0xb6: {  	[tilespmem:s25], [sflag:$0x7] =	stream.linear.gather [hbm4b:s2+s22], $0xC80, $0x38;
	[tilespmem:$0x1FA80] =	vst v63  }
0xb7: {  	_ =	swait.ge [sflag:s19], $0xC80  }
0xb8: {  	[sflag:s19] =	ssyncset.done $0x0  }
0xb9: {  	[sflag:s19] =	ssyncadd.s32 $0xFFFFF380  }
0xba: {  	v1 =	vld [tilespmem:$0x0]  }
0xbb: {  	v2 =	vld [tilespmem:$0x1000]  }
0xbc: {  	v3 =	vld [tilespmem:$0x10]  }
0xbd: {  	v4 =	vld [tilespmem:$0x1010]  }
0xbe: {  	v5 =	vld [tilespmem:$0x20]  }
0xbf: {  	v62 =	vld [tilespmem:$0x40];
	[tilespmem:$0x2000] =	vst v1  }
0xc0: {  	v63 =	vld [tilespmem:$0x1040];
	[tilespmem:$0x2100] =	vst v2  }
0xc1: {  	v1 =	vld [tilespmem:$0x1020];
	[tilespmem:$0x2010] =	vst v3  }
0xc2: {  	v2 =	vld [tilespmem:$0x30];
	[tilespmem:$0x2110] =	vst v4  }
0xc3: {  	v3 =	vld [tilespmem:$0x1030];
	[tilespmem:$0x2020] =	vst v5  }
0xc4: {  	[tilespmem:$0x2040] =	vst v62  }
0xc5: {  	s26 =	smul.u32 $0x7D0, s23;
	[tilespmem:$0x2140] =	vst v63  }
0xc6: {  	[tilespmem:$0x2120] =	vst v1  }
0xc7: {  	s2 =	sadd.s32 s8, s26;
	[tilespmem:$0x2030] =	vst v2  }
0xc8: {  	s2 =	sshll.u32 s2, $0x4;
	[tilespmem:$0x2130] =	vst v3  }
0xc9: {  	[tilespmem:s30], [sflag:$0x1] =	stream.indirect.gather [hbm4b:s1+s28], $0x80, s29, s28, $0xb8;
	[tilespmem:$0x1FA80] =	vst v63  }
0xca: {  	s24 =	smul.u32 $0x19, s23;
	s25 =	simm.s32 $0x0;
	s2 =	sadd.s32 s6, s2  }
0xcb: {  	[tilespmem:s13], [sflag:$0x3] =	stream.linear.gather [hbm4b:s2+s22], $0x2800, $0x38;
	[tilespmem:$0x1FA80] =	vst v63  }
.LBB2_7:
0xcc: {  	p1 =	seq.s32 s25, $0x0  }
0xcd: {  	s2 =	simm.s32 @!p1 $0x6  }
0xce: {  	_ =	swait.ge @!p1 [sflag:s2], $0x2800  }
0xcf: {  	s5 =	sshllo.u32 s25, $0x1;
	[sflag:s2] =	ssyncset.done @!p1 $0x0  }
0xd0: {  	s26 =	sshll.u32 s5, $0x7;
	[sflag:s2] =	ssyncadd.s32 @!p1 $0xFFFFD800  }
0xd1: {  	v1 =	vld [tilespmem:s26+$0x0];
	_ =	sdelay $0x4  }
0xd2: {  	[tilespmem:$0x2080] =	vst v1  }
0xd3: {  	v1 =	vld [tilespmem:s26+$0x1000];
	_ =	sdelay $0x4  }
0xd4: {  	[tilespmem:$0x2180] =	vst v1  }
0xd5: {  	v1 =	vld [tilespmem:s26+$0x10];
	_ =	sdelay $0x4  }
0xd6: {  	[tilespmem:$0x2090] =	vst v1  }
0xd7: {  	v1 =	vld [tilespmem:s26+$0x1010];
	_ =	sdelay $0x4  }
0xd8: {  	[tilespmem:$0x2190] =	vst v1  }
0xd9: {  	v1 =	vld [tilespmem:s26+$0x20];
	_ =	sdelay $0x4  }
0xda: {  	[tilespmem:$0x20A0] =	vst v1  }
0xdb: {  	v1 =	vld [tilespmem:s26+$0x1020];
	_ =	sdelay $0x4  }
0xdc: {  	[tilespmem:$0x21A0] =	vst v1  }
0xdd: {  	v1 =	vld [tilespmem:s26+$0x30];
	_ =	sdelay $0x4  }
0xde: {  	[tilespmem:$0x20B0] =	vst v1  }
0xdf: {  	v1 =	vld [tilespmem:s26+$0x1030];
	_ =	sdelay $0x4  }
0xe0: {  	[tilespmem:$0x21B0] =	vst v1  }
0xe1: {  	v1 =	vld [tilespmem:s26+$0x40];
	_ =	sdelay $0x4  }
0xe2: {  	[tilespmem:$0x20C0] =	vst v1  }
0xe3: {  	v1 =	vld [tilespmem:s26+$0x1040]  }
0xe4: {  	s9 =	sadd.s32 s24, s5  }
0xe5: {  	s2 =	smul.u32 $0x50, s9;
	_ =	sdelay $0x1  }
0xe6: {  	s2 =	sadd.s32 s8, s2  }
0xe7: {  	s2 =	sshll.u32 s2, $0x4;
	[tilespmem:$0x21C0] =	vst v1  }
0xe8: {  	[tilespmem:s0], [sflag:$0x2] =	stream.indirect.gather [hbm4b:s1+s28], $0x80, s31, s28, $0xb8;
	[tilespmem:$0x1FA80] =	vst v63  }
0xe9: {  	s2 =	sadd.s32 s6, s2;
	s26 =	simm.s32 $0x0  }
0xea: {  	[tilespmem:s10], [sflag:$0x4] =	stream.linear.gather [hbm4b:s2+s26], $0x2800, $0x38;
	[tilespmem:$0x1FA80] =	vst v63  }
0xeb: {  	_ =	swait.ge [sflag:s11], $0x2800  }
0xec: {  	[sflag:s11] =	ssyncset.done $0x0  }
0xed: {  	[sflag:s11] =	ssyncadd.s32 $0xFFFFD800  }
0xee: {  	_ =	swait.ge [sflag:s4], $0x2800  }
0xef: {  	[sflag:s4] =	ssyncset.done $0x0  }
0xf0: {  	s5 =	simm.s32 $0x0;
	[sflag:s4] =	ssyncadd.s32 $0xFFFFD800  }
0xf1: {  	v8 =	vld [tilespmem:s5+$0x2200]  }
0xf2: {  	v12 =	vld [tilespmem:s5+$0x2210]  }
0xf3: {  	v6 =	vld [tilespmem:s5+$0x2220]  }
0xf4: {  	v5 =	vld [tilespmem:s5+$0x2230]  }
0xf5: {  	v4 =	vld [tilespmem:s5+$0x2240]  }
0xf6: {  	v3 =	vld [tilespmem:s5+$0x2250]  }
0xf7: {  	v2 =	vld [tilespmem:s5+$0x2260]  }
0xf8: {  	v1 =	vld [tilespmem:s5+$0x2270]  }
0xf9: {  	v13 =	vld [tilespmem:s5+$0x7200]  }
0xfa: {  	v14 =	vld [tilespmem:s5+$0x7210]  }
0xfb: {  	v11 =	vld [tilespmem:s5+$0x7220]  }
0xfc: {  	v10 =	vld [tilespmem:s5+$0x7230]  }
0xfd: {  	v9 =	vld [tilespmem:s5+$0x7240]  }
0xfe: {  	v7 =	vld [tilespmem:s5+$0x7250];
	v13 =	vmul.f32 v8, v13  }
0xff: {  	s9 =	sshll.u32 s25, $0x1;
	s2 =	simm.s32 $0x200;
	v12 =	vmul.f32 v12, v14;
	v8 =	vld [tilespmem:s5+$0x7260]  }
.LBB2_8:
0x100: {  	s26 =	sshra.s32 s2, $0x2;
	p1 =	sne.s32 s2, $0x9E00;
	[tilespmem:s5+$0x7200] =	vst v13;
	v6 =	vmul.f32 v6, v11;
	v11 =	vld [tilespmem:s5+$0x7270]  }
0x101: {  	v13 =	vld [tilespmem:s26+$0x2200];
	[tilespmem:s5+$0x7210] =	vst v12;
	v5 =	vmul.f32 v5, v10  }
0x102: {  	v12 =	vld [tilespmem:s26+$0x2210];
	[tilespmem:s5+$0x7220] =	vst v6;
	v4 =	vmul.f32 v4, v9  }
0x103: {  	v6 =	vld [tilespmem:s26+$0x2220];
	[tilespmem:s5+$0x7230] =	vst v5;
	v3 =	vmul.f32 v3, v7  }
0x104: {  	v5 =	vld [tilespmem:s26+$0x2230];
	[tilespmem:s5+$0x7240] =	vst v4;
	v2 =	vmul.f32 v2, v8  }
0x105: {  	v4 =	vld [tilespmem:s26+$0x2240];
	[tilespmem:s5+$0x7250] =	vst v3;
	v1 =	vmul.f32 v1, v11  }
0x106: {  	v3 =	vld [tilespmem:s26+$0x2250];
	[tilespmem:s5+$0x7260] =	vst v2  }
0x107: {  	v2 =	vld [tilespmem:s26+$0x2260];
	[tilespmem:s5+$0x7270] =	vst v1;
	s5 =	smov.u32 s26  }
0x108: {  	v1 =	vld [tilespmem:s5+$0x2270]  }
0x109: {  	v7 =	vld [tilespmem:s5+$0x7200]  }
0x10a: {  	v8 =	vld [tilespmem:s5+$0x7210]  }
.Ltmp2:
0x10b: {  	v11 =	vld [tilespmem:s5+$0x7220];
	(pc) =	sbr.rel @p1 .LBB2_8-.Ltmp2, $4  }
0x10c: {  	v10 =	vld [tilespmem:s5+$0x7230]  }
0x10d: {  	v9 =	vld [tilespmem:s5+$0x7240]  }
0x10e: {  	v13 =	vmul.f32 v13, v7;
	v7 =	vld [tilespmem:s5+$0x7250]  }
0x10f: {  	s2 =	sadd.s32 $0x200, s2;
	v12 =	vmul.f32 v12, v8;
	v8 =	vld [tilespmem:s5+$0x7260]  }
0x110: {  	[tilespmem:s5+$0x7200] =	vst v13;
	v6 =	vmul.f32 v6, v11;
	v11 =	vld [tilespmem:s5+$0x7270]  }
0x111: {  	[tilespmem:s5+$0x7210] =	vst v12;
	v5 =	vmul.f32 v5, v10  }
0x112: {  	[tilespmem:s5+$0x7220] =	vst v6;
	v4 =	vmul.f32 v4, v9  }
0x113: {  	[tilespmem:s5+$0x7230] =	vst v5;
	v3 =	vmul.f32 v3, v7  }
0x114: {  	[tilespmem:s5+$0x7240] =	vst v4;
	v2 =	vmul.f32 v2, v8  }
0x115: {  	[tilespmem:s5+$0x7250] =	vst v3;
	v1 =	vmul.f32 v1, v11  }
0x116: {  	[tilespmem:s5+$0x7260] =	vst v2  }
0x117: {  	[tilespmem:s5+$0x7270] =	vst v1  }
0x118: {  	[spmem:s3] =	stream.indirect.scatter.add.f32 [tilespmem:s13], [sflag:$0x5], $0x80, s14, s28, $0xb8;
	[tilespmem:$0x1FA80] =	vst v63  }
0x119: {  	_ =	swait.ge [sflag:s15], $0x2800  }
0x11a: {  	[sflag:s15] =	ssyncset.done $0x0  }
0x11b: {  	s2 =	sshll.u32 s25, $0x8;
	[sflag:s15] =	ssyncadd.s32 $0xFFFFD800  }
0x11c: {  	v1 =	vld [tilespmem:s2+$0x100];
	_ =	sdelay $0x4  }
0x11d: {  	[tilespmem:$0x2000] =	vst v1  }
0x11e: {  	v1 =	vld [tilespmem:s2+$0x1100];
	_ =	sdelay $0x4  }
0x11f: {  	[tilespmem:$0x2100] =	vst v1  }
0x120: {  	v1 =	vld [tilespmem:s2+$0x110];
	_ =	sdelay $0x4  }
0x121: {  	[tilespmem:$0x2010] =	vst v1  }
0x122: {  	v1 =	vld [tilespmem:s2+$0x1110];
	_ =	sdelay $0x4  }
0x123: {  	[tilespmem:$0x2110] =	vst v1  }
0x124: {  	v1 =	vld [tilespmem:s2+$0x120];
	_ =	sdelay $0x4  }
0x125: {  	[tilespmem:$0x2020] =	vst v1  }
0x126: {  	v1 =	vld [tilespmem:s2+$0x1120];
	_ =	sdelay $0x4  }
0x127: {  	[tilespmem:$0x2120] =	vst v1  }
0x128: {  	v1 =	vld [tilespmem:s2+$0x130];
	_ =	sdelay $0x4  }
0x129: {  	[tilespmem:$0x2030] =	vst v1  }
0x12a: {  	v1 =	vld [tilespmem:s2+$0x1130];
	_ =	sdelay $0x4  }
0x12b: {  	[tilespmem:$0x2130] =	vst v1  }
0x12c: {  	v1 =	vld [tilespmem:s2+$0x140];
	_ =	sdelay $0x4  }
0x12d: {  	[tilespmem:$0x2040] =	vst v1  }
0x12e: {  	v1 =	vld [tilespmem:s2+$0x1140]  }
0x12f: {  	s9 =	sadd.s32 s24, s9  }
0x130: {  	s2 =	smul.u32 $0x50, s9;
	_ =	sdelay $0x1  }
0x131: {  	s2 =	sadd.s32 s2, s12  }
0x132: {  	s2 =	sshll.u32 s2, $0x4;
	[tilespmem:$0x2140] =	vst v1  }
0x133: {  	[tilespmem:s30], [sflag:$0x1] =	stream.indirect.gather [hbm4b:s1+s28], $0x80, s29, s28, $0xb8;
	[tilespmem:$0x1FA80] =	vst v63  }
0x134: {  	s26 =	simm.s32 $0x0;
	s2 =	sadd.s32 s6, s2  }
0x135: {  	[tilespmem:s13], [sflag:$0x3] =	stream.linear.gather [hbm4b:s2+s26], $0x2800, $0x38;
	[tilespmem:$0x1FA80] =	vst v63  }
0x136: {  	_ =	swait.ge [sflag:s16], $0x2800  }
0x137: {  	[sflag:s16] =	ssyncset.done $0x0  }
0x138: {  	[sflag:s16] =	ssyncadd.s32 $0xFFFFD800  }
0x139: {  	_ =	swait.ge [sflag:s17], $0x2800  }
0x13a: {  	[sflag:s17] =	ssyncset.done $0x0  }
0x13b: {  	s5 =	simm.s32 $0x0;
	[sflag:s17] =	ssyncadd.s32 $0xFFFFD800  }
0x13c: {  	v8 =	vld [tilespmem:s5+$0x4A00]  }
0x13d: {  	v12 =	vld [tilespmem:s5+$0x4A10]  }
0x13e: {  	v6 =	vld [tilespmem:s5+$0x4A20]  }
0x13f: {  	v5 =	vld [tilespmem:s5+$0x4A30]  }
0x140: {  	v4 =	vld [tilespmem:s5+$0x4A40]  }
0x141: {  	v3 =	vld [tilespmem:s5+$0x4A50]  }
0x142: {  	v2 =	vld [tilespmem:s5+$0x4A60]  }
0x143: {  	v1 =	vld [tilespmem:s5+$0x4A70]  }
0x144: {  	v13 =	vld [tilespmem:s5+$0x9A00]  }
0x145: {  	v14 =	vld [tilespmem:s5+$0x9A10]  }
0x146: {  	v11 =	vld [tilespmem:s5+$0x9A20]  }
0x147: {  	v10 =	vld [tilespmem:s5+$0x9A30]  }
0x148: {  	v9 =	vld [tilespmem:s5+$0x9A40]  }
0x149: {  	v7 =	vld [tilespmem:s5+$0x9A50];
	v13 =	vmul.f32 v8, v13  }
0x14a: {  	s2 =	simm.s32 $0x200;
	v12 =	vmul.f32 v12, v14;
	v8 =	vld [tilespmem:s5+$0x9A60]  }
.LBB2_10:
0x14b: {  	s9 =	sshra.s32 s2, $0x2;
	p1 =	sne.s32 s2, $0x9E00;
	[tilespmem:s5+$0x9A00] =	vst v13;
	v6 =	vmul.f32 v6, v11;
	v11 =	vld [tilespmem:s5+$0x9A70]  }
0x14c: {  	v13 =	vld [tilespmem:s9+$0x4A00];
	[tilespmem:s5+$0x9A10] =	vst v12;
	v5 =	vmul.f32 v5, v10  }
0x14d: {  	v12 =	vld [tilespmem:s9+$0x4A10];
	[tilespmem:s5+$0x9A20] =	vst v6;
	v4 =	vmul.f32 v4, v9  }
0x14e: {  	v6 =	vld [tilespmem:s9+$0x4A20];
	[tilespmem:s5+$0x9A30] =	vst v5;
	v3 =	vmul.f32 v3, v7  }
0x14f: {  	v5 =	vld [tilespmem:s9+$0x4A30];
	[tilespmem:s5+$0x9A40] =	vst v4;
	v2 =	vmul.f32 v2, v8  }
0x150: {  	v4 =	vld [tilespmem:s9+$0x4A40];
	[tilespmem:s5+$0x9A50] =	vst v3;
	v1 =	vmul.f32 v1, v11  }
0x151: {  	v3 =	vld [tilespmem:s9+$0x4A50];
	[tilespmem:s5+$0x9A60] =	vst v2  }
0x152: {  	v2 =	vld [tilespmem:s9+$0x4A60];
	[tilespmem:s5+$0x9A70] =	vst v1;
	s5 =	smov.u32 s9  }
0x153: {  	v1 =	vld [tilespmem:s5+$0x4A70]  }
0x154: {  	v7 =	vld [tilespmem:s5+$0x9A00]  }
0x155: {  	v8 =	vld [tilespmem:s5+$0x9A10]  }
.Ltmp3:
0x156: {  	v11 =	vld [tilespmem:s5+$0x9A20];
	(pc) =	sbr.rel @p1 .LBB2_10-.Ltmp3, $4  }
0x157: {  	v10 =	vld [tilespmem:s5+$0x9A30]  }
0x158: {  	v9 =	vld [tilespmem:s5+$0x9A40]  }
0x159: {  	v13 =	vmul.f32 v13, v7;
	v7 =	vld [tilespmem:s5+$0x9A50]  }
0x15a: {  	s2 =	sadd.s32 $0x200, s2;
	v12 =	vmul.f32 v12, v8;
	v8 =	vld [tilespmem:s5+$0x9A60]  }
0x15b: {  	[tilespmem:s5+$0x9A00] =	vst v13;
	v6 =	vmul.f32 v6, v11;
	v63 =	vld [tilespmem:s5+$0x9A70]  }
0x15c: {  	[tilespmem:s5+$0x9A10] =	vst v12;
	v5 =	vmul.f32 v5, v10  }
0x15d: {  	s25 =	sadd.s32 $0x1, s25;
	[tilespmem:s5+$0x9A20] =	vst v6;
	v4 =	vmul.f32 v4, v9  }
0x15e: {  	p1 =	sne.s32 s25, $0xC;
	[tilespmem:s5+$0x9A30] =	vst v5;
	v3 =	vmul.f32 v3, v7  }
.Ltmp4:
0x15f: {  	[tilespmem:s5+$0x9A40] =	vst v4;
	v2 =	vmul.f32 v2, v8;
	(pc) =	sbr.rel @p1 .LBB2_7-.Ltmp4, $4  }
0x160: {  	[tilespmem:s5+$0x9A50] =	vst v3;
	v1 =	vmul.f32 v1, v63  }
0x161: {  	[tilespmem:s5+$0x9A60] =	vst v2  }
0x162: {  	[tilespmem:s5+$0x9A70] =	vst v1  }
0x163: {  	[spmem:s3] =	stream.indirect.scatter.add.f32 [tilespmem:s10], [sflag:$0x6], $0x80, s18, s28, $0xb8;
	[tilespmem:$0x1FA80] =	vst v63  }
0x164: {  	_ =	swait.ge [sflag:s11], $0x2800  }
0x165: {  	[sflag:s11] =	ssyncset.done $0x0  }
0x166: {  	[sflag:s11] =	ssyncadd.s32 $0xFFFFD800  }
0x167: {  	_ =	swait.ge [sflag:s4], $0x2800  }
0x168: {  	[sflag:s4] =	ssyncset.done $0x0  }
0x169: {  	s5 =	simm.s32 $0x0;
	[sflag:s4] =	ssyncadd.s32 $0xFFFFD800  }
0x16a: {  	v8 =	vld [tilespmem:s5+$0x2200]  }
0x16b: {  	v12 =	vld [tilespmem:s5+$0x2210]  }
0x16c: {  	v6 =	vld [tilespmem:s5+$0x2220]  }
0x16d: {  	v5 =	vld [tilespmem:s5+$0x2230]  }
0x16e: {  	v4 =	vld [tilespmem:s5+$0x2240]  }
0x16f: {  	v3 =	vld [tilespmem:s5+$0x2250]  }
0x170: {  	v2 =	vld [tilespmem:s5+$0x2260]  }
0x171: {  	v1 =	vld [tilespmem:s5+$0x2270]  }
0x172: {  	v13 =	vld [tilespmem:s5+$0x7200]  }
0x173: {  	v14 =	vld [tilespmem:s5+$0x7210]  }
0x174: {  	v11 =	vld [tilespmem:s5+$0x7220]  }
0x175: {  	v10 =	vld [tilespmem:s5+$0x7230]  }
0x176: {  	v9 =	vld [tilespmem:s5+$0x7240]  }
0x177: {  	v7 =	vld [tilespmem:s5+$0x7250];
	v13 =	vmul.f32 v8, v13  }
0x178: {  	s2 =	simm.s32 $0x200;
	v12 =	vmul.f32 v12, v14;
	v8 =	vld [tilespmem:s5+$0x7260]  }
.LBB2_13:
0x179: {  	s9 =	sshra.s32 s2, $0x2;
	p1 =	sne.s32 s2, $0x9E00;
	[tilespmem:s5+$0x7200] =	vst v13;
	v6 =	vmul.f32 v6, v11;
	v11 =	vld [tilespmem:s5+$0x7270]  }
0x17a: {  	v13 =	vld [tilespmem:s9+$0x2200];
	[tilespmem:s5+$0x7210] =	vst v12;
	v5 =	vmul.f32 v5, v10  }
0x17b: {  	v12 =	vld [tilespmem:s9+$0x2210];
	[tilespmem:s5+$0x7220] =	vst v6;
	v4 =	vmul.f32 v4, v9  }
0x17c: {  	v6 =	vld [tilespmem:s9+$0x2220];
	[tilespmem:s5+$0x7230] =	vst v5;
	v3 =	vmul.f32 v3, v7  }
0x17d: {  	v5 =	vld [tilespmem:s9+$0x2230];
	[tilespmem:s5+$0x7240] =	vst v4;
	v2 =	vmul.f32 v2, v8  }
0x17e: {  	v4 =	vld [tilespmem:s9+$0x2240];
	[tilespmem:s5+$0x7250] =	vst v3;
	v1 =	vmul.f32 v1, v11  }
0x17f: {  	v3 =	vld [tilespmem:s9+$0x2250];
	[tilespmem:s5+$0x7260] =	vst v2  }
0x180: {  	v2 =	vld [tilespmem:s9+$0x2260];
	[tilespmem:s5+$0x7270] =	vst v1;
	s5 =	smov.u32 s9  }
0x181: {  	v1 =	vld [tilespmem:s5+$0x2270]  }
0x182: {  	v7 =	vld [tilespmem:s5+$0x7200]  }
0x183: {  	v8 =	vld [tilespmem:s5+$0x7210]  }
.Ltmp5:
0x184: {  	v11 =	vld [tilespmem:s5+$0x7220];
	(pc) =	sbr.rel @p1 .LBB2_13-.Ltmp5, $4  }
0x185: {  	v10 =	vld [tilespmem:s5+$0x7230]  }
0x186: {  	v9 =	vld [tilespmem:s5+$0x7240]  }
0x187: {  	v13 =	vmul.f32 v13, v7;
	v7 =	vld [tilespmem:s5+$0x7250]  }
0x188: {  	s2 =	sadd.s32 $0x200, s2;
	v12 =	vmul.f32 v12, v8;
	v8 =	vld [tilespmem:s5+$0x7260]  }
0x189: {  	[tilespmem:s5+$0x7200] =	vst v13;
	v6 =	vmul.f32 v6, v11;
	v63 =	vld [tilespmem:s5+$0x7270]  }
0x18a: {  	[tilespmem:s5+$0x7210] =	vst v12;
	v5 =	vmul.f32 v5, v10  }
0x18b: {  	[tilespmem:s5+$0x7220] =	vst v6;
	v4 =	vmul.f32 v4, v9  }
0x18c: {  	[tilespmem:s5+$0x7230] =	vst v5;
	v3 =	vmul.f32 v3, v7  }
0x18d: {  	[tilespmem:s5+$0x7240] =	vst v4;
	v2 =	vmul.f32 v2, v8  }
0x18e: {  	[tilespmem:s5+$0x7250] =	vst v3;
	v1 =	vmul.f32 v1, v63  }
0x18f: {  	[tilespmem:s5+$0x7260] =	vst v2  }
0x190: {  	s23 =	sadd.s32 $0x1, s23;
	[tilespmem:s5+$0x7270] =	vst v1  }
0x191: {  	[spmem:s3] =	stream.indirect.scatter.add.f32 [tilespmem:s13], [sflag:$0x5], $0x80, s14, s28, $0xb8;
	[tilespmem:$0x1FA80] =	vst v63  }
0x192: {  	p1 =	sne.s32 s23, $0x5;
	_ =	swait.ge [sflag:s15], $0x2800  }
.Ltmp6:
0x193: {  	[sflag:s15] =	ssyncset.done $0x0;
	(pc) =	sbr.rel @p1 .LBB2_6-.Ltmp6, $4  }
0x194: {  	[sflag:s15] =	ssyncadd.s32 $0xFFFFD800  }
0x195: {  	_ =	swait.ge [sflag:s21], $0x2800  }
0x196: {  	[sflag:s21] =	ssyncset.done $0x0  }
0x197: {  	[sflag:s21] =	ssyncadd.s32 $0xFFFFD800  }
0x198: {  	s2 =	stileid.u32;
	[bflag:$0x0] =	sbarrier.arrive $0xFFFF  }
0x199: {  	s2 =	sshll.u32 @!p0 s2, $0x6;
	s5 =	rddreg [dreg:$0x6]  }
0x19a: {  	s9 =	rddreg [dreg:$0xb];
	s2 =	sor.u32 @!p0 $0x1C07, s2;
	s5 =	sshrl.u32 @!p0 s5, $0x3  }
0x19b: {  	[hbm:s9], [sflag:s2] =	dma.local @!p0 [spmem:s5], $0xC80  }
0x19c: {  	s5 =	simm.s32 @!p0 $0x7  }
0x19d: {  	_ =	swait.ge @!p0 [sflag:s5], $0xC80  }
0x19e: {  	[sflag:s5] =	ssyncset.done @!p0 $0x0;
	s9 =	rddreg [dreg:$0xc]  }
0x19f: {  	s22 =	rddreg [dreg:$0x12];
	[sflag:s5] =	ssyncadd.s32 @!p0 $0xFFFFF380  }
0x1a0: {  	[hbm:s9], [sflag:s2] =	dma.local @!p0 [spmem:s22], $0xC80  }
0x1a1: {  	_ =	swait.ge @!p0 [sflag:s5], $0xC80  }
0x1a2: {  	[sflag:s5] =	ssyncset.done @!p0 $0x0;
	s9 =	rddreg [dreg:$0xd]  }
0x1a3: {  	s22 =	rddreg [dreg:$0x13];
	[sflag:s5] =	ssyncadd.s32 @!p0 $0xFFFFF380  }
0x1a4: {  	[hbm:s9], [sflag:s2] =	dma.local @!p0 [spmem:s22], $0xC80  }
0x1a5: {  	_ =	swait.ge @!p0 [sflag:s5], $0xC80  }
0x1a6: {  	[sflag:s5] =	ssyncset.done @!p0 $0x0;
	s9 =	rddreg [dreg:$0xe]  }
0x1a7: {  	s22 =	rddreg [dreg:$0x14];
	[sflag:s5] =	ssyncadd.s32 @!p0 $0xFFFFF380  }
0x1a8: {  	[hbm:s9], [sflag:s2] =	dma.local @!p0 [spmem:s22], $0xC80  }
0x1a9: {  	_ =	swait.ge @!p0 [sflag:s5], $0xC80  }
0x1aa: {  	[sflag:s5] =	ssyncset.done @!p0 $0x0;
	s9 =	rddreg [dreg:$0xf]  }
0x1ab: {  	s22 =	rddreg [dreg:$0x15];
	[sflag:s5] =	ssyncadd.s32 @!p0 $0xFFFFF380  }
0x1ac: {  	[hbm:s9], [sflag:s2] =	dma.local @!p0 [spmem:s22], $0xC80  }
0x1ad: {  	_ =	swait.ge @!p0 [sflag:s5], $0xC80  }
0x1ae: {  	s25 =	rddreg [dreg:$0x5]  }
0x1af: {  	s26 =	rddreg [dreg:$0x11];
	s22 =	sadd.s32 $0x1, s25  }
0x1b0: {  	p1 =	sne.s32 s22, s26  }
.Ltmp7:
0x1b1: {  	_ = 	snop;
	(pc) =	sbr.rel @p1 .LBB2_1-.Ltmp7, $3  }
0x1b2: {  	_ =	sdelay $0x1  }
0x1b3: {  	[sflag:s5] =	ssyncset.done @!p0 $0x0  }
0x1b4: {  	[sflag:s5] =	ssyncadd.s32 @!p0 $0xFFFFF380  }
0x1b5: {  	_ =	sfence.sel $0x180000  }
0x1b6: {  	[bflag:$0x0] =	sbarrier.arrive $0xFFFF  }
0x1b7: {  	_ =	strace $0x9000004A  }
0x1b8: {  	s0 =	stileid.u32;
	[bflag:$0x2] =	sbarrier.arrive $0xFFFF  }
0x1b9: {  	p0 =	sne.s32 s0, $0x0;
	s0 =	rddreg [dreg:$0x4]  }
0x1ba: {  	s0 =	sadd.s32 @!p0 $0x100000, s0  }
0x1bb: {  	[sflag:s0] =	ssyncadd.tile.s32 @!p0 $0x1;
	_ =	shalt  }
.Lfunc_end2:
_tile_overlayer_lowered:
.L_overlay_start_2:
0x1bc: {  	(tag) =	ssettag $0x2  }
0x1bd: {  	s0 =	rddreg [dreg:$0x0];
	s2 =	stileid.u32  }
0x1be: {  	s1 =	rddreg [dreg:$0x1];
	p0 =	sne.s32 s2, $0x0  }
0x1bf: {  	s3 =	rddreg [dreg:$0x2];
	[bflag:$0x3] =	sbarrier.arrive $0xFFFF;
	s2 =	simm.s32 @!p0 $0x1C07  }
0x1c0: {  	[timem:s3], [sflag:s2] =	dma.local @!p0 [hbm:s0], s1  }
0x1c1: {  	s0 =	simm.s32 @!p0 $0x7  }
0x1c2: {  	_ =	swait.ge @!p0 [sflag:s0], s1  }
0x1c3: {  	s1 =	ssub.s32 @!p0 $0x0, s1;
	[sflag:s0] =	ssyncset.done @!p0 $0x0  }
0x1c4: {  	[sflag:s0] =	ssyncadd.s32 @!p0 s1  }
0x1c5: {  	[bflag:$0x3] =	sbarrier.arrive $0xFFFF  }
0x1c6: {  	_ =	shalt  }

</sc_bundles>
